<compile_context>
chip_gen: v7x
topology: tpu7x:2x2x1
jax: 0.10.2.dev20260603
libtpu: 0.0.44.dev20260713+nightly
codegen_flags: <defaults>
</compile_context>

<pallas_src>
import functools

import jax
import jax.numpy as jnp
from jax import lax
from jax.experimental import pallas as pl
from jax.experimental.pallas import tpu as pltpu
from jax.experimental.pallas import tpu_sc as plsc

N = 10000
E = 320000
D = 128
NC = 2
NS = 16
NW = NC * NS
EPW = E // NW
CHUNK = 128
FULL_CHUNKS = EPW // CHUNK
TAIL = EPW - FULL_CHUNKS * CHUNK
RPS = 624
ZROWS = 16
LAST = NS * RPS
LREM = N - LAST
DEGW = 128
BR = 1000


def _vmesh():
    return plsc.VectorSubcoreMesh(core_axis_name="c", subcore_axis_name="s")


def _sc_degree(dst):
    DCH = 64
    DFC = (EPW - TAIL) // DCH
    DNIT = (DFC - 4) // 4

    @functools.partial(
        pl.kernel,
        out_type=jax.ShapeDtypeStruct((NC, N, DEGW), jnp.float32),
        mesh=_vmesh(),
        scratch_types=(
            [pltpu.VMEM((DCH,), jnp.int32)] * 4
            + [pltpu.VMEM((TAIL,), jnp.int32)]
            + [pltpu.VMEM((DCH, DEGW), jnp.float32)]
            + [pltpu.VMEM((ZROWS, DEGW), jnp.float32)]
            + [pltpu.VMEM_SHARED((N, DEGW), jnp.float32)]
            + [pltpu.SemaphoreType.DMA] * 8
        ),
    )
    def deg_kernel(dst_hbm, out_hbm, idx0, idx1, idx2, idx3, idxt_v, ones_v,
                   z_v, deg_sh, si0, si1, si2, si3, ss0, ss1, ss2, ss3):
        cid = lax.axis_index("c")
        sid = lax.axis_index("s")
        wid = cid * NS + sid
        one16 = jnp.ones((16,), jnp.float32)
        zero16 = jnp.zeros((16,), jnp.float32)
        base = wid * EPW

        bufs = [(idx0, si0, ss0), (idx1, si1, ss1),
                (idx2, si2, ss2), (idx3, si3, ss3)]

        def idx_start(c, b):
            pltpu.async_copy(dst_hbm.at[pl.ds(base + c * DCH, DCH)], b[0], b[1])

        def idx_wait(b):
            pltpu.make_async_copy(dst_hbm.at[pl.ds(base, DCH)], b[0], b[1]).wait()

        def scat_start(b):
            pltpu.async_copy(ones_v, deg_sh.at[b[0]], b[2], add=True)

        def scat_wait(b):
            pltpu.make_async_copy(ones_v, deg_sh.at[b[0]], b[2]).wait()

        idx_start(0, bufs[0])
        idx_start(1, bufs[1])

        @pl.loop(0, DCH)
        def _(i):
            @pl.loop(0, DEGW // 16)
            def _(j):
                ones_v[i, pl.ds(j * 16, 16)] = one16

        @pl.loop(0, ZROWS)
        def _(i):
            @pl.loop(0, DEGW // 16)
            def _(j):
                z_v[i, pl.ds(j * 16, 16)] = zero16

        @pl.loop(0, RPS // ZROWS)
        def _(k):
            pltpu.sync_copy(z_v, deg_sh.at[pl.ds(sid * RPS + k * ZROWS, ZROWS)])

        @pl.when(sid == NS - 1)
        def _():
            pltpu.sync_copy(z_v.at[pl.ds(0, LREM)], deg_sh.at[pl.ds(LAST, LREM)])

        plsc.subcore_barrier()

        idx_wait(bufs[0])
        scat_start(bufs[0])
        idx_start(2, bufs[2])
        idx_wait(bufs[1])
        scat_start(bufs[1])
        idx_start(3, bufs[3])
        idx_wait(bufs[2])
        scat_start(bufs[2])
        scat_wait(bufs[0])
        idx_start(4, bufs[0])
        idx_wait(bufs[3])
        scat_start(bufs[3])
        scat_wait(bufs[1])
        idx_start(5, bufs[1])

        @pl.loop(0, DNIT)
        def _(k):
            for p in range(4):
                c = 4 * k + 4 + p
                X = bufs[p]
                P = bufs[(p + 2) % 4]
                idx_wait(X)
                scat_start(X)
                scat_wait(P)
                if p <= 1:
                    idx_start(c + 2, P)
                else:
                    @pl.when(k < DNIT - 1)
                    def _(c=c, P=P):
                        idx_start(c + 2, P)

        scat_wait(bufs[(DFC - 2) % 4])
        scat_wait(bufs[(DFC - 1) % 4])

        pltpu.sync_copy(dst_hbm.at[pl.ds(base + DFC * DCH, TAIL)], idxt_v)
        pltpu.sync_copy(ones_v.at[pl.ds(0, TAIL)], deg_sh.at[idxt_v], add=True)

        plsc.subcore_barrier()
        pltpu.sync_copy(deg_sh.at[pl.ds(sid * RPS, RPS)],
                        out_hbm.at[cid].at[pl.ds(sid * RPS, RPS)])

        @pl.when(sid == NS - 1)
        def _():
            pltpu.sync_copy(deg_sh.at[pl.ds(LAST, LREM)],
                            out_hbm.at[cid].at[pl.ds(LAST, LREM)])

    return deg_kernel(dst)


def _sc_aggregate(g, src, dst):
    ACH = 64
    AFC = (EPW - TAIL) // ACH
    NB = 5
    NPEEL = 6
    NIT = (AFC - NPEEL) // NB

    @functools.partial(
        pl.kernel,
        out_type=jax.ShapeDtypeStruct((NC, N, D), jnp.float32),
        mesh=_vmesh(),
        scratch_types=(
            [pltpu.VMEM((ACH,), jnp.int32)] * (2 * NB)
            + [pltpu.VMEM((TAIL,), jnp.int32)] * 2
            + [pltpu.VMEM((ACH, D), jnp.float32)] * NB
            + [pltpu.VMEM((TAIL, D), jnp.float32)]
            + [pltpu.VMEM((ZROWS, D), jnp.float32)]
            + [pltpu.VMEM_SHARED((N, D), jnp.float32)]
            + [pltpu.SemaphoreType.DMA] * (3 * NB)
        ),
    )
    def agg_kernel(g_hbm, src_hbm, dst_hbm, out_hbm,
                   si0, di0, si1, di1, si2, di2, si3, di3, si4, di4,
                   sit_v, dit_v,
                   rows0, rows1, rows2, rows3, rows4, rowst_v, z_v, s_sh,
                   ssi0, sdi0, sg0, ssi1, sdi1, sg1, ssi2, sdi2, sg2,
                   ssi3, sdi3, sg3, ssi4, sdi4, sg4):
        cid = lax.axis_index("c")
        sid = lax.axis_index("s")
        wid = cid * NS + sid
        zero16 = jnp.zeros((16,), jnp.float32)
        base = wid * EPW

        bufs = [(si0, di0, rows0, ssi0, sdi0, sg0),
                (si1, di1, rows1, ssi1, sdi1, sg1),
                (si2, di2, rows2, ssi2, sdi2, sg2),
                (si3, di3, rows3, ssi3, sdi3, sg3),
                (si4, di4, rows4, ssi4, sdi4, sg4)]

        def idx_load(c, b):
            off = base + c * ACH
            pltpu.async_copy(src_hbm.at[pl.ds(off, ACH)], b[0], b[3])
            pltpu.async_copy(dst_hbm.at[pl.ds(off, ACH)], b[1], b[4])
            pltpu.make_async_copy(src_hbm.at[pl.ds(base, ACH)], b[0], b[3]).wait()
            pltpu.make_async_copy(dst_hbm.at[pl.ds(base, ACH)], b[1], b[4]).wait()

        def gath_start(b):
            pltpu.async_copy(g_hbm.at[b[0]], b[2], b[5])

        def gath_wait(b):
            pltpu.make_async_copy(g_hbm.at[b[0]], b[2], b[5]).wait()

        def scat_start(b):
            pltpu.async_copy(b[2], s_sh.at[b[1]], b[5], add=True)

        def scat_wait(b):
            pltpu.make_async_copy(b[2], s_sh.at[b[1]], b[5]).wait()

        idx_load(0, bufs[0])
        gath_start(bufs[0])
        idx_load(1, bufs[1])
        gath_start(bufs[1])
        idx_load(2, bufs[2])
        gath_start(bufs[2])

        @pl.loop(0, ZROWS)
        def _(i):
            @pl.loop(0, D // 16)
            def _(j):
                z_v[i, pl.ds(j * 16, 16)] = zero16

        @pl.loop(0, RPS // ZROWS)
        def _(k):
            pltpu.sync_copy(z_v, s_sh.at[pl.ds(sid * RPS + k * ZROWS, ZROWS)])

        @pl.when(sid == NS - 1)
        def _():
            pltpu.sync_copy(z_v.at[pl.ds(0, LREM)], s_sh.at[pl.ds(LAST, LREM)])

        plsc.subcore_barrier()

        def step(c, X, W, retire=True, start_next=True):
            gath_wait(X)
            scat_start(X)
            if retire:
                scat_wait(W)
            if start_next:
                idx_load(c + 3, W)
                gath_start(W)

        step(0, bufs[0], bufs[3], retire=False)
        step(1, bufs[1], bufs[4], retire=False)
        step(2, bufs[2], bufs[0])
        step(3, bufs[3], bufs[1])
        step(4, bufs[4], bufs[2])
        step(5, bufs[0], bufs[3])

        @pl.loop(0, NIT)
        def _(k):
            for p in range(NB):
                c = NB * k + NPEEL + p
                X = bufs[(1 + p) % NB]
                W = bufs[(4 + p) % NB]
                if p <= 1:
                    step(c, X, W)
                else:
                    @pl.when(k < NIT - 1)
                    def _(c=c, X=X, W=W):
                        step(c, X, W)

                    @pl.when(k == NIT - 1)
                    def _(c=c, X=X, W=W):
                        step(c, X, W, start_next=False)

        scat_wait(bufs[(AFC - 2) % NB])
        scat_wait(bufs[(AFC - 1) % NB])

        tbase = base + AFC * ACH
        pltpu.sync_copy(src_hbm.at[pl.ds(tbase, TAIL)], sit_v)
        pltpu.sync_copy(dst_hbm.at[pl.ds(tbase, TAIL)], dit_v)
        pltpu.sync_copy(g_hbm.at[sit_v], rowst_v)
        pltpu.sync_copy(rowst_v, s_sh.at[dit_v], add=True)

        plsc.subcore_barrier()
        pltpu.sync_copy(s_sh.at[pl.ds(sid * RPS, RPS)],
                        out_hbm.at[cid].at[pl.ds(sid * RPS, RPS)])

        @pl.when(sid == NS - 1)
        def _():
            pltpu.sync_copy(s_sh.at[pl.ds(LAST, LREM)],
                            out_hbm.at[cid].at[pl.ds(LAST, LREM)])

    return agg_kernel(g, src, dst)


def _dot(a, b):
    return lax.dot_general(a, b, (((1,), (0,)), ((), ())),
                           preferred_element_type=jnp.float32,
                           precision=lax.Precision.HIGHEST)


def _tc_matmul(x, w):
    def body(x_ref, w_ref, o_ref):
        o_ref[...] = _dot(x_ref[...], w_ref[...])

    return pl.pallas_call(
        body,
        grid=(N // BR,),
        in_specs=[pl.BlockSpec((BR, D), lambda i: (i, 0)),
                  pl.BlockSpec((D, D), lambda i: (0, 0))],
        out_specs=pl.BlockSpec((BR, D), lambda i: (i, 0)),
        out_shape=jax.ShapeDtypeStruct((N, D), jnp.float32),
    )(x, w)


def _tc_scale(deg_parts, h):
    def body(dp_ref, h_ref, g_ref, dis_ref):
        deg = dp_ref[0, :, 0:1] + dp_ref[1, :, 0:1] + 1.0
        dis = lax.rsqrt(deg)
        g_ref[...] = h_ref[...] * dis
        dis_ref[...] = dis

    return pl.pallas_call(
        body,
        grid=(N // BR,),
        in_specs=[pl.BlockSpec((NC, BR, DEGW), lambda i: (0, i, 0)),
                  pl.BlockSpec((BR, D), lambda i: (i, 0))],
        out_specs=[pl.BlockSpec((BR, D), lambda i: (i, 0)),
                   pl.BlockSpec((BR, 1), lambda i: (i, 0))],
        out_shape=[jax.ShapeDtypeStruct((N, D), jnp.float32),
                   jax.ShapeDtypeStruct((N, 1), jnp.float32)],
    )(deg_parts, h)


def _tc_z_stats(s_parts, g, dis, b):
    def body(sp_ref, g_ref, dis_ref, b_ref, z_ref, st_ref):
        i = pl.program_id(0)
        z = dis_ref[...] * (sp_ref[0] + sp_ref[1] + g_ref[...]) + b_ref[...]
        z_ref[...] = z

        @pl.when(i == 0)
        def _():
            st_ref[...] = jnp.zeros_like(st_ref)

        st_ref[0:1, :] += jnp.sum(z, axis=0, keepdims=True)
        st_ref[1:2, :] += jnp.sum(z * z, axis=0, keepdims=True)

    return pl.pallas_call(
        body,
        grid=(N // BR,),
        in_specs=[pl.BlockSpec((NC, BR, D), lambda i: (0, i, 0)),
                  pl.BlockSpec((BR, D), lambda i: (i, 0)),
                  pl.BlockSpec((BR, 1), lambda i: (i, 0)),
                  pl.BlockSpec((1, D), lambda i: (0, 0))],
        out_specs=[pl.BlockSpec((BR, D), lambda i: (i, 0)),
                   pl.BlockSpec((2, D), lambda i: (0, 0))],
        out_shape=[jax.ShapeDtypeStruct((N, D), jnp.float32),
                   jax.ShapeDtypeStruct((2, D), jnp.float32)],
    )(s_parts, g, dis, b)


def _tc_bn_mm(z, st, dis, gamma, beta, w2):
    def body(z_ref, st_ref, dis_ref, ga_ref, be_ref, w_ref, o_ref):
        mean = st_ref[0:1, :] * (1.0 / N)
        var = st_ref[1:2, :] * (1.0 / N) - mean * mean
        inv = lax.rsqrt(var + 1e-5)
        r = (z_ref[...] - mean) * (inv * ga_ref[...]) + be_ref[...]
        r = jnp.maximum(r, 0.0)
        o_ref[...] = _dot(r, w_ref[...]) * dis_ref[...]

    return pl.pallas_call(
        body,
        grid=(N // BR,),
        in_specs=[pl.BlockSpec((BR, D), lambda i: (i, 0)),
                  pl.BlockSpec((2, D), lambda i: (0, 0)),
                  pl.BlockSpec((BR, 1), lambda i: (i, 0)),
                  pl.BlockSpec((1, D), lambda i: (0, 0)),
                  pl.BlockSpec((1, D), lambda i: (0, 0)),
                  pl.BlockSpec((D, D), lambda i: (0, 0))],
        out_specs=pl.BlockSpec((BR, D), lambda i: (i, 0)),
        out_shape=jax.ShapeDtypeStruct((N, D), jnp.float32),
    )(z, st, dis, gamma, beta, w2)


def _tc_combine(s_parts, g, dis, b):
    def body(sp_ref, g_ref, dis_ref, b_ref, o_ref):
        o_ref[...] = (dis_ref[...] * (sp_ref[0] + sp_ref[1] + g_ref[...])
                      + b_ref[...])

    return pl.pallas_call(
        body,
        grid=(N // BR,),
        in_specs=[pl.BlockSpec((NC, BR, D), lambda i: (0, i, 0)),
                  pl.BlockSpec((BR, D), lambda i: (i, 0)),
                  pl.BlockSpec((BR, 1), lambda i: (i, 0)),
                  pl.BlockSpec((1, D), lambda i: (0, 0))],
        out_specs=pl.BlockSpec((BR, D), lambda i: (i, 0)),
        out_shape=jax.ShapeDtypeStruct((N, D), jnp.float32),
    )(s_parts, g, dis, b)


def kernel(x, edge_index, W1, b1, gamma, beta, W2, b2):
    ei = edge_index.astype(jnp.int32)
    src = ei[0]
    dst = ei[1]

    deg_parts = _sc_degree(dst)
    h1 = _tc_matmul(x, W1)
    g1, dis = _tc_scale(deg_parts, h1)
    s1 = _sc_aggregate(g1, src, dst)
    z, st = _tc_z_stats(s1, g1, dis, b1.reshape(1, D))
    g2 = _tc_bn_mm(z, st, dis, gamma.reshape(1, D), beta.reshape(1, D), W2)
    s2 = _sc_aggregate(g2, src, dst)
    return _tc_combine(s2, g2, dis, b2.reshape(1, D))

# --- scband reference (transcript-rebuilt; emitter-appended) ---
"""Pipeline reference for scband-gcn-90795608637581 (READ-ONLY COPY).

The authoritative reference and input builder live on the scoring server;
editing this copy changes nothing except your own understanding.
"""

import jax, jax.numpy as jnp
import numpy as np

N_NODES = 10000
N_EDGES = 320000
D_IN = 128
D_HID = 128
D_OUT = 128


def gcn_conv(x, edge_index, W, b, n_nodes):
    # PyG GCNConv with add_self_loops=True, normalize=True
    src = edge_index[0]
    dst = edge_index[1]
    loop = jnp.arange(n_nodes, dtype=edge_index.dtype)
    src_f = jnp.concatenate([src, loop])
    dst_f = jnp.concatenate([dst, loop])
    deg = jnp.zeros((n_nodes,), dtype=x.dtype).at[dst_f].add(1.0)
    deg_inv_sqrt = jnp.where(deg > 0, 1.0 / jnp.sqrt(deg), 0.0)
    norm = deg_inv_sqrt[src_f] * deg_inv_sqrt[dst_f]
    h = x @ W
    msg = jnp.take(h, src_f, axis=0) * norm[:, None]
    out = jnp.zeros_like(h).at[dst_f].add(msg)
    return out + b


def batch_norm(h, gamma, beta, eps=1e-5):
    # training-mode BatchNorm1d (batch statistics) - deterministic
    mean = jnp.mean(h, axis=0)
    var = jnp.var(h, axis=0)
    return (h - mean) / jnp.sqrt(var + eps) * gamma + beta


def setup_inputs(seed: int = 0) -> dict:
    key = jax.random.key(seed)
    k_x, k_e, k_w1, k_b1, k_w2, k_b2 = jax.random.split(key, 6)
    x = jax.random.normal(k_x, (N_NODES, D_IN), dtype=jnp.float32)
    edge_index = jax.random.randint(k_e, (2, N_EDGES), 0, N_NODES, dtype=jnp.int64)
    # Glorot-style init for conv weights
    W1 = jax.random.normal(k_w1, (D_IN, D_HID), dtype=jnp.float32) * (1.0 / np.sqrt(D_IN))
    b1 = jnp.zeros((D_HID,), dtype=jnp.float32)
    gamma = jnp.ones((D_HID,), dtype=jnp.float32)
    beta = jnp.zeros((D_HID,), dtype=jnp.float32)
    W2 = jax.random.normal(k_w2, (D_HID, D_OUT), dtype=jnp.float32) * (1.0 / np.sqrt(D_HID))
    b2 = jnp.zeros((D_OUT,), dtype=jnp.float32)
    return {"x": x, "edge_index": edge_index, "W1": W1, "b1": b1,
            "gamma": gamma, "beta": beta, "W2": W2, "b2": b2}


def reference(x, edge_index, W1, b1, gamma, beta, W2, b2):
    n = x.shape[0]
    h = gcn_conv(x, edge_index, W1, b1, n)
    h = batch_norm(h, gamma, beta)
    h = jax.nn.relu(h)
    # dropout: identity (eval mode / deterministic reference)
    out = gcn_conv(h, edge_index, W2, b2, n)
    return out

if __name__ == "__main__":
    import jax
    _d = setup_inputs()
    print(jax.jit(kernel)(*tuple(_d.values())))

</pallas_src>

<mosaic_0001>
#map = affine_map<(d0, d1) -> (0)>
#map1 = affine_map<(d0, d1) -> (0, 0, 0)>
module attributes {stable_mosaic.version = 14 : i64} {
  func.func @deg_kernel(%arg0: i32, %arg1: i32, %arg2: memref<320000xi32, #tpu.memory_space<hbm>>, %arg3: memref<2x10000x128xf32, #tpu.memory_space<hbm>>, %arg4: memref<64xi32, #tpu.memory_space<vmem>>, %arg5: memref<64xi32, #tpu.memory_space<vmem>>, %arg6: memref<64xi32, #tpu.memory_space<vmem>>, %arg7: memref<64xi32, #tpu.memory_space<vmem>>, %arg8: memref<16xi32, #tpu.memory_space<vmem>>, %arg9: memref<64x128xf32, #tpu.memory_space<vmem>>, %arg10: memref<16x128xf32, #tpu.memory_space<vmem>>, %arg11: memref<10000x128xf32, #tpu.memory_space<vmem_shared>>, %arg12: memref<!tpu.dma_semaphore, #tpu.memory_space<semaphore_mem>>, %arg13: memref<!tpu.dma_semaphore, #tpu.memory_space<semaphore_mem>>, %arg14: memref<!tpu.dma_semaphore, #tpu.memory_space<semaphore_mem>>, %arg15: memref<!tpu.dma_semaphore, #tpu.memory_space<semaphore_mem>>, %arg16: memref<!tpu.dma_semaphore, #tpu.memory_space<semaphore_mem>>, %arg17: memref<!tpu.dma_semaphore, #tpu.memory_space<semaphore_mem>>, %arg18: memref<!tpu.dma_semaphore, #tpu.memory_space<semaphore_mem>>, %arg19: memref<!tpu.dma_semaphore, #tpu.memory_space<semaphore_mem>>) attributes {dimension_semantics = [#tpu.dimension_semantics<core_parallel>, #tpu.dimension_semantics<subcore_parallel>], iteration_bounds = array<i64: 2, 16>, scalar_prefetch = 0 : i64, scratch_operands = 16 : i64, tpu.core_type = #tpu.core_type<sc_vector_subcore>, window_params = [{transform_indices = #map}, {transform_indices = #map1}]} {
    %mul3A = arith.constant 16 : i32
    %mul3A_0 = arith.muli %arg0, %mul3A : i32
    %add3A = arith.addi %mul3A_0, %arg1 : i32
    %broadcast_in_dim3A = arith.constant 1.000000e+00 : f32
    %broadcast_in_dim3A_1 = vector.broadcast %broadcast_in_dim3A : f32 to vector<16xf32>
    %broadcast_in_dim3A_2 = arith.constant 0.000000e+00 : f32
    %broadcast_in_dim3A_3 = vector.broadcast %broadcast_in_dim3A_2 : f32 to vector<16xf32>
    %mul3A_4 = arith.constant 10000 : i32
    %mul3A_5 = arith.muli %add3A, %mul3A_4 : i32
    %add3A_6 = arith.constant 0 : i32
    %add3A_7 = arith.addi %mul3A_5, %add3A_6 : i32
    %dma_start3A = tpu.memref_slice %arg2[%add3A_7] : memref<320000xi32, #tpu.memory_space<hbm>> -> memref<64xi32, #tpu.memory_space<hbm>>
    %dma_start3A_8 = tpu.memref_slice %arg2[%add3A_7] : memref<320000xi32, #tpu.memory_space<hbm>> -> memref<64xi32, #tpu.memory_space<hbm>>
    tpu.enqueue_dma source(%dma_start3A_8 : memref<64xi32, #tpu.memory_space<hbm>>) target(%arg4 : memref<64xi32, #tpu.memory_space<vmem>>) target_semaphore(%arg12 : memref<!tpu.dma_semaphore, #tpu.memory_space<semaphore_mem>>)
    %add3A_9 = arith.constant 64 : i32
    %add3A_10 = arith.addi %mul3A_5, %add3A_9 : i32
    %dma_start3A_11 = tpu.memref_slice %arg2[%add3A_10] : memref<320000xi32, #tpu.memory_space<hbm>> -> memref<64xi32, #tpu.memory_space<hbm>>
    %dma_start3A_12 = tpu.memref_slice %arg2[%add3A_10] : memref<320000xi32, #tpu.memory_space<hbm>> -> memref<64xi32, #tpu.memory_space<hbm>>
    tpu.enqueue_dma source(%dma_start3A_12 : memref<64xi32, #tpu.memory_space<hbm>>) target(%arg5 : memref<64xi32, #tpu.memory_space<vmem>>) target_semaphore(%arg13 : memref<!tpu.dma_semaphore, #tpu.memory_space<semaphore_mem>>)
    %scan3A = arith.constant 0 : i32
    %scan3A_13 = arith.constant 64 : i32
    %scan3A_14 = arith.addi %scan3A, %scan3A_13 : i32
    %scan3A_15 = arith.constant 1 : i32
    scf.for %scan3A_93 = %scan3A to %scan3A_14 step %scan3A_15  : i32 {
      %mul3A_94 = arith.constant 1 : i32
      %mul3A_95 = arith.muli %scan3A_93, %mul3A_94 : i32
      %add3A_96 = arith.constant 0 : i32
      %add3A_97 = arith.addi %add3A_96, %mul3A_95 : i32
      %scan3A_98 = arith.constant 0 : i32
      %scan3A_99 = arith.constant 8 : i32
      %scan3A_100 = arith.addi %scan3A_98, %scan3A_99 : i32
      %scan3A_101 = arith.constant 1 : i32
      scf.for %scan3A_103 = %scan3A_98 to %scan3A_100 step %scan3A_101  : i32 {
        %mul3A_104 = arith.constant 1 : i32
        %mul3A_105 = arith.muli %scan3A_103, %mul3A_104 : i32
        %add3A_106 = arith.constant 0 : i32
        %add3A_107 = arith.addi %add3A_106, %mul3A_105 : i32
        %mul3A_108 = arith.constant 16 : i32
        %mul3A_109 = arith.muli %add3A_107, %mul3A_108 : i32
        %swap3A = arith.index_cast %add3A_97 : i32 to index
        %swap3A_110 = arith.index_cast %mul3A_109 : i32 to index
        %swap3A_111 = tpu.vector_load %arg9[%swap3A, %swap3A_110] {strides = array<i32>} : memref<64x128xf32, #tpu.memory_space<vmem>>, vector<1x16xf32>,
        %swap3A_112 = vector.shape_cast %swap3A_111 : vector<1x16xf32> to vector<16xf32>
        %swap3A_113 = vector.shape_cast %broadcast_in_dim3A_1 : vector<16xf32> to vector<1x16xf32>
        tpu.vector_store %arg9[%swap3A, %swap3A_110], %swap3A_113 {strides = array<i32>} : memref<64x128xf32, #tpu.memory_space<vmem>>, vector<1x16xf32>,
      }
      %scan3A_102 = arith.constant 8 : i32
    }
    %scan3A_16 = arith.constant 64 : i32
    %scan3A_17 = arith.constant 0 : i32
    %scan3A_18 = arith.constant 16 : i32
    %scan3A_19 = arith.addi %scan3A_17, %scan3A_18 : i32
    %scan3A_20 = arith.constant 1 : i32
    scf.for %scan3A_93 = %scan3A_17 to %scan3A_19 step %scan3A_20  : i32 {
      %mul3A_94 = arith.constant 1 : i32
      %mul3A_95 = arith.muli %scan3A_93, %mul3A_94 : i32
      %add3A_96 = arith.constant 0 : i32
      %add3A_97 = arith.addi %add3A_96, %mul3A_95 : i32
      %scan3A_98 = arith.constant 0 : i32
      %scan3A_99 = arith.constant 8 : i32
      %scan3A_100 = arith.addi %scan3A_98, %scan3A_99 : i32
      %scan3A_101 = arith.constant 1 : i32
      scf.for %scan3A_103 = %scan3A_98 to %scan3A_100 step %scan3A_101  : i32 {
        %mul3A_104 = arith.constant 1 : i32
        %mul3A_105 = arith.muli %scan3A_103, %mul3A_104 : i32
        %add3A_106 = arith.constant 0 : i32
        %add3A_107 = arith.addi %add3A_106, %mul3A_105 : i32
        %mul3A_108 = arith.constant 16 : i32
        %mul3A_109 = arith.muli %add3A_107, %mul3A_108 : i32
        %swap3A = arith.index_cast %add3A_97 : i32 to index
        %swap3A_110 = arith.index_cast %mul3A_109 : i32 to index
        %swap3A_111 = tpu.vector_load %arg10[%swap3A, %swap3A_110] {strides = array<i32>} : memref<16x128xf32, #tpu.memory_space<vmem>>, vector<1x16xf32>,
        %swap3A_112 = vector.shape_cast %swap3A_111 : vector<1x16xf32> to vector<16xf32>
        %swap3A_113 = vector.shape_cast %broadcast_in_dim3A_3 : vector<16xf32> to vector<1x16xf32>
        tpu.vector_store %arg10[%swap3A, %swap3A_110], %swap3A_113 {strides = array<i32>} : memref<16x128xf32, #tpu.memory_space<vmem>>, vector<1x16xf32>,
      }
      %scan3A_102 = arith.constant 8 : i32
    }
    %scan3A_21 = arith.constant 16 : i32
    %scan3A_22 = arith.constant 0 : i32
    %scan3A_23 = arith.constant 39 : i32
    %scan3A_24 = arith.addi %scan3A_22, %scan3A_23 : i32
    %scan3A_25 = arith.constant 1 : i32
    scf.for %scan3A_93 = %scan3A_22 to %scan3A_24 step %scan3A_25  : i32 {
      %mul3A_94 = arith.constant 1 : i32
      %mul3A_95 = arith.muli %scan3A_93, %mul3A_94 : i32
      %add3A_96 = arith.constant 0 : i32
      %add3A_97 = arith.addi %add3A_96, %mul3A_95 : i32
      %mul3A_98 = arith.constant 624 : i32
      %mul3A_99 = arith.muli %arg1, %mul3A_98 : i32
      %mul3A_100 = arith.constant 16 : i32
      %mul3A_101 = arith.muli %add3A_97, %mul3A_100 : i32
      %add3A_102 = arith.addi %mul3A_99, %mul3A_101 : i32
      "tpu.region"() ({
        %run_scoped3A = tpu.sem_alloc : memref<!tpu.dma_semaphore, #tpu.memory_space<semaphore_mem>>
        %dma_start3A_103 = arith.constant 0 : i32
        %dma_start3A_104 = tpu.memref_slice %arg11[%add3A_102, %dma_start3A_103] : memref<10000x128xf32, #tpu.memory_space<vmem_shared>> -> memref<16x128xf32, #tpu.memory_space<vmem_shared>>
        %dma_start3A_105 = arith.constant 0 : i32
        %dma_start3A_106 = tpu.memref_slice %arg11[%add3A_102, %dma_start3A_105] : memref<10000x128xf32, #tpu.memory_space<vmem_shared>> -> memref<16x128xf32, #tpu.memory_space<vmem_shared>>
        tpu.enqueue_dma source(%arg10 : memref<16x128xf32, #tpu.memory_space<vmem>>) target(%dma_start3A_106 : memref<16x128xf32, #tpu.memory_space<vmem_shared>>) target_semaphore(%run_scoped3A : memref<!tpu.dma_semaphore, #tpu.memory_space<semaphore_mem>>)
        %dma_wait3A_107 = arith.constant 0 : i32
        %dma_wait3A_108 = tpu.memref_slice %arg11[%add3A_102, %dma_wait3A_107] : memref<10000x128xf32, #tpu.memory_space<vmem_shared>> -> memref<16x128xf32, #tpu.memory_space<vmem_shared>>
        %dma_wait3A_109 = arith.constant 0 : i32
        %dma_wait3A_110 = tpu.memref_slice %arg11[%add3A_102, %dma_wait3A_109] : memref<10000x128xf32, #tpu.memory_space<vmem_shared>> -> memref<16x128xf32, #tpu.memory_space<vmem_shared>>
        tpu.wait_dma2 semaphore(%run_scoped3A : memref<!tpu.dma_semaphore, #tpu.memory_space<semaphore_mem>>) src(%arg10 : memref<16x128xf32, #tpu.memory_space<vmem>>) dst(%dma_wait3A_110 : memref<16x128xf32, #tpu.memory_space<vmem_shared>>)
        tpu.yield
      }) : () -> ()
    }
    %scan3A_26 = arith.constant 39 : i32
    %eq3A = arith.constant 15 : i32
    %eq3A_27 = arith.cmpi eq, %arg1, %eq3A : i32
    %convert_element_type3A = arith.extui %eq3A_27 : i1 to i32
    %cond3A = arith.constant 0 : i32
    %cond3A_28 = arith.cmpi ne, %convert_element_type3A, %cond3A : i32
    scf.if %cond3A_28 {
      "tpu.region"() ({
        %run_scoped3A = tpu.sem_alloc : memref<!tpu.dma_semaphore, #tpu.memory_space<semaphore_mem>>
        %dma_start3A_93 = arith.constant 0 : i32
        %dma_start3A_94 = arith.constant 0 : i32
        %dma_start3A_95 = tpu.memref_slice %arg10[%dma_start3A_93, %dma_start3A_94] : memref<16x128xf32, #tpu.memory_space<vmem>> -> memref<16x128xf32, #tpu.memory_space<vmem>>
        %dma_start3A_96 = arith.constant 9984 : i32
        %dma_start3A_97 = arith.constant 0 : i32
        %dma_start3A_98 = tpu.memref_slice %arg11[%dma_start3A_96, %dma_start3A_97] : memref<10000x128xf32, #tpu.memory_space<vmem_shared>> -> memref<16x128xf32, #tpu.memory_space<vmem_shared>>
        %dma_start3A_99 = arith.constant 9984 : i32
        %dma_start3A_100 = arith.constant 0 : i32
        %dma_start3A_101 = tpu.memref_slice %arg11[%dma_start3A_99, %dma_start3A_100] : memref<10000x128xf32, #tpu.memory_space<vmem_shared>> -> memref<16x128xf32, #tpu.memory_space<vmem_shared>>
        %dma_start3A_102 = arith.constant 0 : i32
        %dma_start3A_103 = arith.constant 0 : i32
        %dma_start3A_104 = tpu.memref_slice %arg10[%dma_start3A_102, %dma_start3A_103] : memref<16x128xf32, #tpu.memory_space<vmem>> -> memref<16x128xf32, #tpu.memory_space<vmem>>
        tpu.enqueue_dma source(%dma_start3A_104 : memref<16x128xf32, #tpu.memory_space<vmem>>) target(%dma_start3A_101 : memref<16x128xf32, #tpu.memory_space<vmem_shared>>) target_semaphore(%run_scoped3A : memref<!tpu.dma_semaphore, #tpu.memory_space<semaphore_mem>>)
        %dma_wait3A_105 = arith.constant 0 : i32
        %dma_wait3A_106 = arith.constant 0 : i32
        %dma_wait3A_107 = tpu.memref_slice %arg10[%dma_wait3A_105, %dma_wait3A_106] : memref<16x128xf32, #tpu.memory_space<vmem>> -> memref<16x128xf32, #tpu.memory_space<vmem>>
        %dma_wait3A_108 = arith.constant 9984 : i32
        %dma_wait3A_109 = arith.constant 0 : i32
        %dma_wait3A_110 = tpu.memref_slice %arg11[%dma_wait3A_108, %dma_wait3A_109] : memref<10000x128xf32, #tpu.memory_space<vmem_shared>> -> memref<16x128xf32, #tpu.memory_space<vmem_shared>>
        %dma_wait3A_111 = arith.constant 9984 : i32
        %dma_wait3A_112 = arith.constant 0 : i32
        %dma_wait3A_113 = tpu.memref_slice %arg11[%dma_wait3A_111, %dma_wait3A_112] : memref<10000x128xf32, #tpu.memory_space<vmem_shared>> -> memref<16x128xf32, #tpu.memory_space<vmem_shared>>
        %dma_wait3A_114 = arith.constant 0 : i32
        %dma_wait3A_115 = arith.constant 0 : i32
        %dma_wait3A_116 = tpu.memref_slice %arg10[%dma_wait3A_114, %dma_wait3A_115] : memref<16x128xf32, #tpu.memory_space<vmem>> -> memref<16x128xf32, #tpu.memory_space<vmem>>
        tpu.wait_dma2 semaphore(%run_scoped3A : memref<!tpu.dma_semaphore, #tpu.memory_space<semaphore_mem>>) src(%dma_wait3A_116 : memref<16x128xf32, #tpu.memory_space<vmem>>) dst(%dma_wait3A_113 : memref<16x128xf32, #tpu.memory_space<vmem_shared>>)
        tpu.yield
      }) : () -> ()
    } else {
    }
    %barrier3A = arith.constant 0 : index
    tpu.barrier barrier_id(%barrier3A)
    %dma_wait3A = tpu.memref_slice %arg2[%mul3A_5] : memref<320000xi32, #tpu.memory_space<hbm>> -> memref<64xi32, #tpu.memory_space<hbm>>
    %dma_wait3A_29 = tpu.memref_slice %arg2[%mul3A_5] : memref<320000xi32, #tpu.memory_space<hbm>> -> memref<64xi32, #tpu.memory_space<hbm>>
    tpu.wait_dma2 semaphore(%arg12 : memref<!tpu.dma_semaphore, #tpu.memory_space<semaphore_mem>>) src(%dma_wait3A_29 : memref<64xi32, #tpu.memory_space<hbm>>) dst(%arg4 : memref<64xi32, #tpu.memory_space<vmem>>)
    %dma_start3A_30 = arith.constant 0 : i32
    %dma_start3A_31 = arith.constant 0 : i32
    %dma_start3A_32 = tpu.memref_slice %arg11[%dma_start3A_30, %dma_start3A_31] : memref<10000x128xf32, #tpu.memory_space<vmem_shared>> -> memref<10000x128xf32, #tpu.memory_space<vmem_shared>>
    tpu.enqueue_indirect_dma source(%arg9 : memref<64x128xf32, #tpu.memory_space<vmem>>) target(%dma_start3A_32 : memref<10000x128xf32, #tpu.memory_space<vmem_shared>>) offsets(%arg4 : memref<64xi32, #tpu.memory_space<vmem>>) semaphore(%arg16 : memref<!tpu.dma_semaphore, #tpu.memory_space<semaphore_mem>>) {add = true}
    %add3A_33 = arith.constant 128 : i32
    %add3A_34 = arith.addi %mul3A_5, %add3A_33 : i32
    %dma_start3A_35 = tpu.memref_slice %arg2[%add3A_34] : memref<320000xi32, #tpu.memory_space<hbm>> -> memref<64xi32, #tpu.memory_space<hbm>>
    %dma_start3A_36 = tpu.memref_slice %arg2[%add3A_34] : memref<320000xi32, #tpu.memory_space<hbm>> -> memref<64xi32, #tpu.memory_space<hbm>>
    tpu.enqueue_dma source(%dma_start3A_36 : memref<64xi32, #tpu.memory_space<hbm>>) target(%arg6 : memref<64xi32, #tpu.memory_space<vmem>>) target_semaphore(%arg14 : memref<!tpu.dma_semaphore, #tpu.memory_space<semaphore_mem>>)
    %dma_wait3A_37 = tpu.memref_slice %arg2[%mul3A_5] : memref<320000xi32, #tpu.memory_space<hbm>> -> memref<64xi32, #tpu.memory_space<hbm>>
    %dma_wait3A_38 = tpu.memref_slice %arg2[%mul3A_5] : memref<320000xi32, #tpu.memory_space<hbm>> -> memref<64xi32, #tpu.memory_space<hbm>>
    tpu.wait_dma2 semaphore(%arg13 : memref<!tpu.dma_semaphore, #tpu.memory_space<semaphore_mem>>) src(%dma_wait3A_38 : memref<64xi32, #tpu.memory_space<hbm>>) dst(%arg5 : memref<64xi32, #tpu.memory_space<vmem>>)
    %dma_start3A_39 = arith.constant 0 : i32
    %dma_start3A_40 = arith.constant 0 : i32
    %dma_start3A_41 = tpu.memref_slice %arg11[%dma_start3A_39, %dma_start3A_40] : memref<10000x128xf32, #tpu.memory_space<vmem_shared>> -> memref<10000x128xf32, #tpu.memory_space<vmem_shared>>
    tpu.enqueue_indirect_dma source(%arg9 : memref<64x128xf32, #tpu.memory_space<vmem>>) target(%dma_start3A_41 : memref<10000x128xf32, #tpu.memory_space<vmem_shared>>) offsets(%arg5 : memref<64xi32, #tpu.memory_space<vmem>>) semaphore(%arg17 : memref<!tpu.dma_semaphore, #tpu.memory_space<semaphore_mem>>) {add = true}
    %add3A_42 = arith.constant 192 : i32
    %add3A_43 = arith.addi %mul3A_5, %add3A_42 : i32
    %dma_start3A_44 = tpu.memref_slice %arg2[%add3A_43] : memref<320000xi32, #tpu.memory_space<hbm>> -> memref<64xi32, #tpu.memory_space<hbm>>
    %dma_start3A_45 = tpu.memref_slice %arg2[%add3A_43] : memref<320000xi32, #tpu.memory_space<hbm>> -> memref<64xi32, #tpu.memory_space<hbm>>
    tpu.enqueue_dma source(%dma_start3A_45 : memref<64xi32, #tpu.memory_space<hbm>>) target(%arg7 : memref<64xi32, #tpu.memory_space<vmem>>) target_semaphore(%arg15 : memref<!tpu.dma_semaphore, #tpu.memory_space<semaphore_mem>>)
    %dma_wait3A_46 = tpu.memref_slice %arg2[%mul3A_5] : memref<320000xi32, #tpu.memory_space<hbm>> -> memref<64xi32, #tpu.memory_space<hbm>>
    %dma_wait3A_47 = tpu.memref_slice %arg2[%mul3A_5] : memref<320000xi32, #tpu.memory_space<hbm>> -> memref<64xi32, #tpu.memory_space<hbm>>
    tpu.wait_dma2 semaphore(%arg14 : memref<!tpu.dma_semaphore, #tpu.memory_space<semaphore_mem>>) src(%dma_wait3A_47 : memref<64xi32, #tpu.memory_space<hbm>>) dst(%arg6 : memref<64xi32, #tpu.memory_space<vmem>>)
    %dma_start3A_48 = arith.constant 0 : i32
    %dma_start3A_49 = arith.constant 0 : i32
    %dma_start3A_50 = tpu.memref_slice %arg11[%dma_start3A_48, %dma_start3A_49] : memref<10000x128xf32, #tpu.memory_space<vmem_shared>> -> memref<10000x128xf32, #tpu.memory_space<vmem_shared>>
    tpu.enqueue_indirect_dma source(%arg9 : memref<64x128xf32, #tpu.memory_space<vmem>>) target(%dma_start3A_50 : memref<10000x128xf32, #tpu.memory_space<vmem_shared>>) offsets(%arg6 : memref<64xi32, #tpu.memory_space<vmem>>) semaphore(%arg18 : memref<!tpu.dma_semaphore, #tpu.memory_space<semaphore_mem>>) {add = true}
    %dma_wait3A_51 = arith.constant 0 : i32
    %dma_wait3A_52 = arith.constant 0 : i32
    %dma_wait3A_53 = tpu.memref_slice %arg11[%dma_wait3A_51, %dma_wait3A_52] : memref<10000x128xf32, #tpu.memory_space<vmem_shared>> -> memref<10000x128xf32, #tpu.memory_space<vmem_shared>>
    tpu.wait_indirect_dma semaphore(%arg16 : memref<!tpu.dma_semaphore, #tpu.memory_space<semaphore_mem>>) src(%arg9 : memref<64x128xf32, #tpu.memory_space<vmem>>) dst(%dma_wait3A_53 : memref<10000x128xf32, #tpu.memory_space<vmem_shared>>)
    %add3A_54 = arith.constant 256 : i32
    %add3A_55 = arith.addi %mul3A_5, %add3A_54 : i32
    %dma_start3A_56 = tpu.memref_slice %arg2[%add3A_55] : memref<320000xi32, #tpu.memory_space<hbm>> -> memref<64xi32, #tpu.memory_space<hbm>>
    %dma_start3A_57 = tpu.memref_slice %arg2[%add3A_55] : memref<320000xi32, #tpu.memory_space<hbm>> -> memref<64xi32, #tpu.memory_space<hbm>>
    tpu.enqueue_dma source(%dma_start3A_57 : memref<64xi32, #tpu.memory_space<hbm>>) target(%arg4 : memref<64xi32, #tpu.memory_space<vmem>>) target_semaphore(%arg12 : memref<!tpu.dma_semaphore, #tpu.memory_space<semaphore_mem>>)
    %dma_wait3A_58 = tpu.memref_slice %arg2[%mul3A_5] : memref<320000xi32, #tpu.memory_space<hbm>> -> memref<64xi32, #tpu.memory_space<hbm>>
    %dma_wait3A_59 = tpu.memref_slice %arg2[%mul3A_5] : memref<320000xi32, #tpu.memory_space<hbm>> -> memref<64xi32, #tpu.memory_space<hbm>>
    tpu.wait_dma2 semaphore(%arg15 : memref<!tpu.dma_semaphore, #tpu.memory_space<semaphore_mem>>) src(%dma_wait3A_59 : memref<64xi32, #tpu.memory_space<hbm>>) dst(%arg7 : memref<64xi32, #tpu.memory_space<vmem>>)
    %dma_start3A_60 = arith.constant 0 : i32
    %dma_start3A_61 = arith.constant 0 : i32
    %dma_start3A_62 = tpu.memref_slice %arg11[%dma_start3A_60, %dma_start3A_61] : memref<10000x128xf32, #tpu.memory_space<vmem_shared>> -> memref<10000x128xf32, #tpu.memory_space<vmem_shared>>
    tpu.enqueue_indirect_dma source(%arg9 : memref<64x128xf32, #tpu.memory_space<vmem>>) target(%dma_start3A_62 : memref<10000x128xf32, #tpu.memory_space<vmem_shared>>) offsets(%arg7 : memref<64xi32, #tpu.memory_space<vmem>>) semaphore(%arg19 : memref<!tpu.dma_semaphore, #tpu.memory_space<semaphore_mem>>) {add = true}
    %dma_wait3A_63 = arith.constant 0 : i32
    %dma_wait3A_64 = arith.constant 0 : i32
    %dma_wait3A_65 = tpu.memref_slice %arg11[%dma_wait3A_63, %dma_wait3A_64] : memref<10000x128xf32, #tpu.memory_space<vmem_shared>> -> memref<10000x128xf32, #tpu.memory_space<vmem_shared>>
    tpu.wait_indirect_dma semaphore(%arg17 : memref<!tpu.dma_semaphore, #tpu.memory_space<semaphore_mem>>) src(%arg9 : memref<64x128xf32, #tpu.memory_space<vmem>>) dst(%dma_wait3A_65 : memref<10000x128xf32, #tpu.memory_space<vmem_shared>>)
    %add3A_66 = arith.constant 320 : i32
    %add3A_67 = arith.addi %mul3A_5, %add3A_66 : i32
    %dma_start3A_68 = tpu.memref_slice %arg2[%add3A_67] : memref<320000xi32, #tpu.memory_space<hbm>> -> memref<64xi32, #tpu.memory_space<hbm>>
    %dma_start3A_69 = tpu.memref_slice %arg2[%add3A_67] : memref<320000xi32, #tpu.memory_space<hbm>> -> memref<64xi32, #tpu.memory_space<hbm>>
    tpu.enqueue_dma source(%dma_start3A_69 : memref<64xi32, #tpu.memory_space<hbm>>) target(%arg5 : memref<64xi32, #tpu.memory_space<vmem>>) target_semaphore(%arg13 : memref<!tpu.dma_semaphore, #tpu.memory_space<semaphore_mem>>)
    %scan3A_70 = arith.constant 0 : i32
    %scan3A_71 = arith.constant 38 : i32
    %scan3A_72 = arith.addi %scan3A_70, %scan3A_71 : i32
    %scan3A_73 = arith.constant 1 : i32
    scf.for %scan3A_93 = %scan3A_70 to %scan3A_72 step %scan3A_73  : i32 {
      %mul3A_94 = arith.constant 1 : i32
      %mul3A_95 = arith.muli %scan3A_93, %mul3A_94 : i32
      %add3A_96 = arith.constant 0 : i32
      %add3A_97 = arith.addi %add3A_96, %mul3A_95 : i32
      %mul3A_98 = arith.constant 4 : i32
      %mul3A_99 = arith.muli %mul3A_98, %add3A_97 : i32
      %add3A_100 = arith.constant 4 : i32
      %add3A_101 = arith.addi %mul3A_99, %add3A_100 : i32
      %add3A_102 = arith.constant 0 : i32
      %add3A_103 = arith.addi %add3A_101, %add3A_102 : i32
      %dma_wait3A_104 = tpu.memref_slice %arg2[%mul3A_5] : memref<320000xi32, #tpu.memory_space<hbm>> -> memref<64xi32, #tpu.memory_space<hbm>>
      %dma_wait3A_105 = tpu.memref_slice %arg2[%mul3A_5] : memref<320000xi32, #tpu.memory_space<hbm>> -> memref<64xi32, #tpu.memory_space<hbm>>
      tpu.wait_dma2 semaphore(%arg12 : memref<!tpu.dma_semaphore, #tpu.memory_space<semaphore_mem>>) src(%dma_wait3A_105 : memref<64xi32, #tpu.memory_space<hbm>>) dst(%arg4 : memref<64xi32, #tpu.memory_space<vmem>>)
      %dma_start3A_106 = arith.constant 0 : i32
      %dma_start3A_107 = arith.constant 0 : i32
      %dma_start3A_108 = tpu.memref_slice %arg11[%dma_start3A_106, %dma_start3A_107] : memref<10000x128xf32, #tpu.memory_space<vmem_shared>> -> memref<10000x128xf32, #tpu.memory_space<vmem_shared>>
      tpu.enqueue_indirect_dma source(%arg9 : memref<64x128xf32, #tpu.memory_space<vmem>>) target(%dma_start3A_108 : memref<10000x128xf32, #tpu.memory_space<vmem_shared>>) offsets(%arg4 : memref<64xi32, #tpu.memory_space<vmem>>) semaphore(%arg16 : memref<!tpu.dma_semaphore, #tpu.memory_space<semaphore_mem>>) {add = true}
      %dma_wait3A_109 = arith.constant 0 : i32
      %dma_wait3A_110 = arith.constant 0 : i32
      %dma_wait3A_111 = tpu.memref_slice %arg11[%dma_wait3A_109, %dma_wait3A_110] : memref<10000x128xf32, #tpu.memory_space<vmem_shared>> -> memref<10000x128xf32, #tpu.memory_space<vmem_shared>>
      tpu.wait_indirect_dma semaphore(%arg18 : memref<!tpu.dma_semaphore, #tpu.memory_space<semaphore_mem>>) src(%arg9 : memref<64x128xf32, #tpu.memory_space<vmem>>) dst(%dma_wait3A_111 : memref<10000x128xf32, #tpu.memory_space<vmem_shared>>)
      %add3A_112 = arith.constant 2 : i32
      %add3A_113 = arith.addi %add3A_103, %add3A_112 : i32
      %mul3A_114 = arith.constant 64 : i32
      %mul3A_115 = arith.muli %add3A_113, %mul3A_114 : i32
      %add3A_116 = arith.addi %mul3A_5, %mul3A_115 : i32
      %dma_start3A_117 = tpu.memref_slice %arg2[%add3A_116] : memref<320000xi32, #tpu.memory_space<hbm>> -> memref<64xi32, #tpu.memory_space<hbm>>
      %dma_start3A_118 = tpu.memref_slice %arg2[%add3A_116] : memref<320000xi32, #tpu.memory_space<hbm>> -> memref<64xi32, #tpu.memory_space<hbm>>
      tpu.enqueue_dma source(%dma_start3A_118 : memref<64xi32, #tpu.memory_space<hbm>>) target(%arg6 : memref<64xi32, #tpu.memory_space<vmem>>) target_semaphore(%arg14 : memref<!tpu.dma_semaphore, #tpu.memory_space<semaphore_mem>>)
      %mul3A_119 = arith.constant 4 : i32
      %mul3A_120 = arith.muli %mul3A_119, %add3A_97 : i32
      %add3A_121 = arith.constant 4 : i32
      %add3A_122 = arith.addi %mul3A_120, %add3A_121 : i32
      %add3A_123 = arith.constant 1 : i32
      %add3A_124 = arith.addi %add3A_122, %add3A_123 : i32
      %dma_wait3A_125 = tpu.memref_slice %arg2[%mul3A_5] : memref<320000xi32, #tpu.memory_space<hbm>> -> memref<64xi32, #tpu.memory_space<hbm>>
      %dma_wait3A_126 = tpu.memref_slice %arg2[%mul3A_5] : memref<320000xi32, #tpu.memory_space<hbm>> -> memref<64xi32, #tpu.memory_space<hbm>>
      tpu.wait_dma2 semaphore(%arg13 : memref<!tpu.dma_semaphore, #tpu.memory_space<semaphore_mem>>) src(%dma_wait3A_126 : memref<64xi32, #tpu.memory_space<hbm>>) dst(%arg5 : memref<64xi32, #tpu.memory_space<vmem>>)
      %dma_start3A_127 = arith.constant 0 : i32
      %dma_start3A_128 = arith.constant 0 : i32
      %dma_start3A_129 = tpu.memref_slice %arg11[%dma_start3A_127, %dma_start3A_128] : memref<10000x128xf32, #tpu.memory_space<vmem_shared>> -> memref<10000x128xf32, #tpu.memory_space<vmem_shared>>
      tpu.enqueue_indirect_dma source(%arg9 : memref<64x128xf32, #tpu.memory_space<vmem>>) target(%dma_start3A_129 : memref<10000x128xf32, #tpu.memory_space<vmem_shared>>) offsets(%arg5 : memref<64xi32, #tpu.memory_space<vmem>>) semaphore(%arg17 : memref<!tpu.dma_semaphore, #tpu.memory_space<semaphore_mem>>) {add = true}
      %dma_wait3A_130 = arith.constant 0 : i32
      %dma_wait3A_131 = arith.constant 0 : i32
      %dma_wait3A_132 = tpu.memref_slice %arg11[%dma_wait3A_130, %dma_wait3A_131] : memref<10000x128xf32, #tpu.memory_space<vmem_shared>> -> memref<10000x128xf32, #tpu.memory_space<vmem_shared>>
      tpu.wait_indirect_dma semaphore(%arg19 : memref<!tpu.dma_semaphore, #tpu.memory_space<semaphore_mem>>) src(%arg9 : memref<64x128xf32, #tpu.memory_space<vmem>>) dst(%dma_wait3A_132 : memref<10000x128xf32, #tpu.memory_space<vmem_shared>>)
      %add3A_133 = arith.constant 2 : i32
      %add3A_134 = arith.addi %add3A_124, %add3A_133 : i32
      %mul3A_135 = arith.constant 64 : i32
      %mul3A_136 = arith.muli %add3A_134, %mul3A_135 : i32
      %add3A_137 = arith.addi %mul3A_5, %mul3A_136 : i32
      %dma_start3A_138 = tpu.memref_slice %arg2[%add3A_137] : memref<320000xi32, #tpu.memory_space<hbm>> -> memref<64xi32, #tpu.memory_space<hbm>>
      %dma_start3A_139 = tpu.memref_slice %arg2[%add3A_137] : memref<320000xi32, #tpu.memory_space<hbm>> -> memref<64xi32, #tpu.memory_space<hbm>>
      tpu.enqueue_dma source(%dma_start3A_139 : memref<64xi32, #tpu.memory_space<hbm>>) target(%arg7 : memref<64xi32, #tpu.memory_space<vmem>>) target_semaphore(%arg15 : memref<!tpu.dma_semaphore, #tpu.memory_space<semaphore_mem>>)
      %mul3A_140 = arith.constant 4 : i32
      %mul3A_141 = arith.muli %mul3A_140, %add3A_97 : i32
      %add3A_142 = arith.constant 4 : i32
      %add3A_143 = arith.addi %mul3A_141, %add3A_142 : i32
      %add3A_144 = arith.constant 2 : i32
      %add3A_145 = arith.addi %add3A_143, %add3A_144 : i32
      %dma_wait3A_146 = tpu.memref_slice %arg2[%mul3A_5] : memref<320000xi32, #tpu.memory_space<hbm>> -> memref<64xi32, #tpu.memory_space<hbm>>
      %dma_wait3A_147 = tpu.memref_slice %arg2[%mul3A_5] : memref<320000xi32, #tpu.memory_space<hbm>> -> memref<64xi32, #tpu.memory_space<hbm>>
      tpu.wait_dma2 semaphore(%arg14 : memref<!tpu.dma_semaphore, #tpu.memory_space<semaphore_mem>>) src(%dma_wait3A_147 : memref<64xi32, #tpu.memory_space<hbm>>) dst(%arg6 : memref<64xi32, #tpu.memory_space<vmem>>)
      %dma_start3A_148 = arith.constant 0 : i32
      %dma_start3A_149 = arith.constant 0 : i32
      %dma_start3A_150 = tpu.memref_slice %arg11[%dma_start3A_148, %dma_start3A_149] : memref<10000x128xf32, #tpu.memory_space<vmem_shared>> -> memref<10000x128xf32, #tpu.memory_space<vmem_shared>>
      tpu.enqueue_indirect_dma source(%arg9 : memref<64x128xf32, #tpu.memory_space<vmem>>) target(%dma_start3A_150 : memref<10000x128xf32, #tpu.memory_space<vmem_shared>>) offsets(%arg6 : memref<64xi32, #tpu.memory_space<vmem>>) semaphore(%arg18 : memref<!tpu.dma_semaphore, #tpu.memory_space<semaphore_mem>>) {add = true}
      %dma_wait3A_151 = arith.constant 0 : i32
      %dma_wait3A_152 = arith.constant 0 : i32
      %dma_wait3A_153 = tpu.memref_slice %arg11[%dma_wait3A_151, %dma_wait3A_152] : memref<10000x128xf32, #tpu.memory_space<vmem_shared>> -> memref<10000x128xf32, #tpu.memory_space<vmem_shared>>
      tpu.wait_indirect_dma semaphore(%arg16 : memref<!tpu.dma_semaphore, #tpu.memory_space<semaphore_mem>>) src(%arg9 : memref<64x128xf32, #tpu.memory_space<vmem>>) dst(%dma_wait3A_153 : memref<10000x128xf32, #tpu.memory_space<vmem_shared>>)
      %lt3A = arith.constant 37 : i32
      %lt3A_154 = arith.cmpi slt, %add3A_97, %lt3A : i32
      %convert_element_type3A_155 = arith.extui %lt3A_154 : i1 to i32
      %cond3A_156 = arith.constant 0 : i32
      %cond3A_157 = arith.cmpi ne, %convert_element_type3A_155, %cond3A_156 : i32
      scf.if %cond3A_157 {
        %add3A_177 = arith.constant 2 : i32
        %add3A_178 = arith.addi %add3A_145, %add3A_177 : i32
        %mul3A_179 = arith.constant 64 : i32
        %mul3A_180 = arith.muli %add3A_178, %mul3A_179 : i32
        %add3A_181 = arith.addi %mul3A_5, %mul3A_180 : i32
        %dma_start3A_182 = tpu.memref_slice %arg2[%add3A_181] : memref<320000xi32, #tpu.memory_space<hbm>> -> memref<64xi32, #tpu.memory_space<hbm>>
        %dma_start3A_183 = tpu.memref_slice %arg2[%add3A_181] : memref<320000xi32, #tpu.memory_space<hbm>> -> memref<64xi32, #tpu.memory_space<hbm>>
        tpu.enqueue_dma source(%dma_start3A_183 : memref<64xi32, #tpu.memory_space<hbm>>) target(%arg4 : memref<64xi32, #tpu.memory_space<vmem>>) target_semaphore(%arg12 : memref<!tpu.dma_semaphore, #tpu.memory_space<semaphore_mem>>)
      } else {
      }
      %mul3A_158 = arith.constant 4 : i32
      %mul3A_159 = arith.muli %mul3A_158, %add3A_97 : i32
      %add3A_160 = arith.constant 4 : i32
      %add3A_161 = arith.addi %mul3A_159, %add3A_160 : i32
      %add3A_162 = arith.constant 3 : i32
      %add3A_163 = arith.addi %add3A_161, %add3A_162 : i32
      %dma_wait3A_164 = tpu.memref_slice %arg2[%mul3A_5] : memref<320000xi32, #tpu.memory_space<hbm>> -> memref<64xi32, #tpu.memory_space<hbm>>
      %dma_wait3A_165 = tpu.memref_slice %arg2[%mul3A_5] : memref<320000xi32, #tpu.memory_space<hbm>> -> memref<64xi32, #tpu.memory_space<hbm>>
      tpu.wait_dma2 semaphore(%arg15 : memref<!tpu.dma_semaphore, #tpu.memory_space<semaphore_mem>>) src(%dma_wait3A_165 : memref<64xi32, #tpu.memory_space<hbm>>) dst(%arg7 : memref<64xi32, #tpu.memory_space<vmem>>)
      %dma_start3A_166 = arith.constant 0 : i32
      %dma_start3A_167 = arith.constant 0 : i32
      %dma_start3A_168 = tpu.memref_slice %arg11[%dma_start3A_166, %dma_start3A_167] : memref<10000x128xf32, #tpu.memory_space<vmem_shared>> -> memref<10000x128xf32, #tpu.memory_space<vmem_shared>>
      tpu.enqueue_indirect_dma source(%arg9 : memref<64x128xf32, #tpu.memory_space<vmem>>) target(%dma_start3A_168 : memref<10000x128xf32, #tpu.memory_space<vmem_shared>>) offsets(%arg7 : memref<64xi32, #tpu.memory_space<vmem>>) semaphore(%arg19 : memref<!tpu.dma_semaphore, #tpu.memory_space<semaphore_mem>>) {add = true}
      %dma_wait3A_169 = arith.constant 0 : i32
      %dma_wait3A_170 = arith.constant 0 : i32
      %dma_wait3A_171 = tpu.memref_slice %arg11[%dma_wait3A_169, %dma_wait3A_170] : memref<10000x128xf32, #tpu.memory_space<vmem_shared>> -> memref<10000x128xf32, #tpu.memory_space<vmem_shared>>
      tpu.wait_indirect_dma semaphore(%arg17 : memref<!tpu.dma_semaphore, #tpu.memory_space<semaphore_mem>>) src(%arg9 : memref<64x128xf32, #tpu.memory_space<vmem>>) dst(%dma_wait3A_171 : memref<10000x128xf32, #tpu.memory_space<vmem_shared>>)
      %lt3A_172 = arith.constant 37 : i32
      %lt3A_173 = arith.cmpi slt, %add3A_97, %lt3A_172 : i32
      %convert_element_type3A_174 = arith.extui %lt3A_173 : i1 to i32
      %cond3A_175 = arith.constant 0 : i32
      %cond3A_176 = arith.cmpi ne, %convert_element_type3A_174, %cond3A_175 : i32
      scf.if %cond3A_176 {
        %add3A_177 = arith.constant 2 : i32
        %add3A_178 = arith.addi %add3A_163, %add3A_177 : i32
        %mul3A_179 = arith.constant 64 : i32
        %mul3A_180 = arith.muli %add3A_178, %mul3A_179 : i32
        %add3A_181 = arith.addi %mul3A_5, %mul3A_180 : i32
        %dma_start3A_182 = tpu.memref_slice %arg2[%add3A_181] : memref<320000xi32, #tpu.memory_space<hbm>> -> memref<64xi32, #tpu.memory_space<hbm>>
        %dma_start3A_183 = tpu.memref_slice %arg2[%add3A_181] : memref<320000xi32, #tpu.memory_space<hbm>> -> memref<64xi32, #tpu.memory_space<hbm>>
        tpu.enqueue_dma source(%dma_start3A_183 : memref<64xi32, #tpu.memory_space<hbm>>) target(%arg5 : memref<64xi32, #tpu.memory_space<vmem>>) target_semaphore(%arg13 : memref<!tpu.dma_semaphore, #tpu.memory_space<semaphore_mem>>)
      } else {
      }
    }
    %scan3A_74 = arith.constant 38 : i32
    %dma_wait3A_75 = arith.constant 0 : i32
    %dma_wait3A_76 = arith.constant 0 : i32
    %dma_wait3A_77 = tpu.memref_slice %arg11[%dma_wait3A_75, %dma_wait3A_76] : memref<10000x128xf32, #tpu.memory_space<vmem_shared>> -> memref<10000x128xf32, #tpu.memory_space<vmem_shared>>
    tpu.wait_indirect_dma semaphore(%arg18 : memref<!tpu.dma_semaphore, #tpu.memory_space<semaphore_mem>>) src(%arg9 : memref<64x128xf32, #tpu.memory_space<vmem>>) dst(%dma_wait3A_77 : memref<10000x128xf32, #tpu.memory_space<vmem_shared>>)
    %dma_wait3A_78 = arith.constant 0 : i32
    %dma_wait3A_79 = arith.constant 0 : i32
    %dma_wait3A_80 = tpu.memref_slice %arg11[%dma_wait3A_78, %dma_wait3A_79] : memref<10000x128xf32, #tpu.memory_space<vmem_shared>> -> memref<10000x128xf32, #tpu.memory_space<vmem_shared>>
    tpu.wait_indirect_dma semaphore(%arg19 : memref<!tpu.dma_semaphore, #tpu.memory_space<semaphore_mem>>) src(%arg9 : memref<64x128xf32, #tpu.memory_space<vmem>>) dst(%dma_wait3A_80 : memref<10000x128xf32, #tpu.memory_space<vmem_shared>>)
    %add3A_81 = arith.constant 9984 : i32
    %add3A_82 = arith.addi %mul3A_5, %add3A_81 : i32
    "tpu.region"() ({
      %run_scoped3A = tpu.sem_alloc : memref<!tpu.dma_semaphore, #tpu.memory_space<semaphore_mem>>
      %dma_start3A_93 = tpu.memref_slice %arg2[%add3A_82] : memref<320000xi32, #tpu.memory_space<hbm>> -> memref<16xi32, #tpu.memory_space<hbm>>
      %dma_start3A_94 = tpu.memref_slice %arg2[%add3A_82] : memref<320000xi32, #tpu.memory_space<hbm>> -> memref<16xi32, #tpu.memory_space<hbm>>
      tpu.enqueue_dma source(%dma_start3A_94 : memref<16xi32, #tpu.memory_space<hbm>>) target(%arg8 : memref<16xi32, #tpu.memory_space<vmem>>) target_semaphore(%run_scoped3A : memref<!tpu.dma_semaphore, #tpu.memory_space<semaphore_mem>>)
      %dma_wait3A_95 = tpu.memref_slice %arg2[%add3A_82] : memref<320000xi32, #tpu.memory_space<hbm>> -> memref<16xi32, #tpu.memory_space<hbm>>
      %dma_wait3A_96 = tpu.memref_slice %arg2[%add3A_82] : memref<320000xi32, #tpu.memory_space<hbm>> -> memref<16xi32, #tpu.memory_space<hbm>>
      tpu.wait_dma2 semaphore(%run_scoped3A : memref<!tpu.dma_semaphore, #tpu.memory_space<semaphore_mem>>) src(%dma_wait3A_96 : memref<16xi32, #tpu.memory_space<hbm>>) dst(%arg8 : memref<16xi32, #tpu.memory_space<vmem>>)
      tpu.yield
    }) : () -> ()
    "tpu.region"() ({
      %run_scoped3A = tpu.sem_alloc : memref<!tpu.dma_semaphore, #tpu.memory_space<semaphore_mem>>
      %dma_start3A_93 = arith.constant 0 : i32
      %dma_start3A_94 = arith.constant 0 : i32
      %dma_start3A_95 = tpu.memref_slice %arg9[%dma_start3A_93, %dma_start3A_94] : memref<64x128xf32, #tpu.memory_space<vmem>> -> memref<16x128xf32, #tpu.memory_space<vmem>>
      %dma_start3A_96 = arith.constant 0 : i32
      %dma_start3A_97 = arith.constant 0 : i32
      %dma_start3A_98 = tpu.memref_slice %arg11[%dma_start3A_96, %dma_start3A_97] : memref<10000x128xf32, #tpu.memory_space<vmem_shared>> -> memref<10000x128xf32, #tpu.memory_space<vmem_shared>>
      tpu.enqueue_indirect_dma source(%dma_start3A_95 : memref<16x128xf32, #tpu.memory_space<vmem>>) target(%dma_start3A_98 : memref<10000x128xf32, #tpu.memory_space<vmem_shared>>) offsets(%arg8 : memref<16xi32, #tpu.memory_space<vmem>>) semaphore(%run_scoped3A : memref<!tpu.dma_semaphore, #tpu.memory_space<semaphore_mem>>) {add = true}
      %dma_wait3A_99 = arith.constant 0 : i32
      %dma_wait3A_100 = arith.constant 0 : i32
      %dma_wait3A_101 = tpu.memref_slice %arg9[%dma_wait3A_99, %dma_wait3A_100] : memref<64x128xf32, #tpu.memory_space<vmem>> -> memref<16x128xf32, #tpu.memory_space<vmem>>
      %dma_wait3A_102 = arith.constant 0 : i32
      %dma_wait3A_103 = arith.constant 0 : i32
      %dma_wait3A_104 = tpu.memref_slice %arg11[%dma_wait3A_102, %dma_wait3A_103] : memref<10000x128xf32, #tpu.memory_space<vmem_shared>> -> memref<10000x128xf32, #tpu.memory_space<vmem_shared>>
      tpu.wait_indirect_dma semaphore(%run_scoped3A : memref<!tpu.dma_semaphore, #tpu.memory_space<semaphore_mem>>) src(%dma_wait3A_101 : memref<16x128xf32, #tpu.memory_space<vmem>>) dst(%dma_wait3A_104 : memref<10000x128xf32, #tpu.memory_space<vmem_shared>>)
      tpu.yield
    }) : () -> ()
    %barrier3A_83 = arith.constant 0 : index
    tpu.barrier barrier_id(%barrier3A_83)
    %mul3A_84 = arith.constant 624 : i32
    %mul3A_85 = arith.muli %arg1, %mul3A_84 : i32
    %mul3A_86 = arith.constant 624 : i32
    %mul3A_87 = arith.muli %arg1, %mul3A_86 : i32
    "tpu.region"() ({
      %run_scoped3A = tpu.sem_alloc : memref<!tpu.dma_semaphore, #tpu.memory_space<semaphore_mem>>
      %dma_start3A_93 = arith.constant 0 : i32
      %dma_start3A_94 = arith.constant 0 : i32
      %dma_start3A_95 = tpu.memref_slice %arg3[%arg0, %dma_start3A_93, %dma_start3A_94] : memref<2x10000x128xf32, #tpu.memory_space<hbm>> -> memref<1x10000x128xf32, #tpu.memory_space<hbm>>
      %dma_start3A_96 = tpu.memref_squeeze %dma_start3A_95 : memref<1x10000x128xf32, #tpu.memory_space<hbm>> -> memref<10000x128xf32, #tpu.memory_space<hbm>>
      %dma_start3A_97 = arith.constant 0 : i32
      %dma_start3A_98 = tpu.memref_slice %dma_start3A_96[%mul3A_87, %dma_start3A_97] : memref<10000x128xf32, #tpu.memory_space<hbm>> -> memref<624x128xf32, #tpu.memory_space<hbm>>
      %dma_start3A_99 = arith.constant 0 : i32
      %dma_start3A_100 = tpu.memref_slice %arg11[%mul3A_85, %dma_start3A_99] : memref<10000x128xf32, #tpu.memory_space<vmem_shared>> -> memref<624x128xf32, #tpu.memory_space<vmem_shared>>
      tpu.enqueue_dma source(%dma_start3A_100 : memref<624x128xf32, #tpu.memory_space<vmem_shared>>) target(%dma_start3A_98 : memref<624x128xf32, #tpu.memory_space<hbm>>) target_semaphore(%run_scoped3A : memref<!tpu.dma_semaphore, #tpu.memory_space<semaphore_mem>>)
      %dma_wait3A_101 = arith.constant 0 : i32
      %dma_wait3A_102 = arith.constant 0 : i32
      %dma_wait3A_103 = tpu.memref_slice %arg3[%arg0, %dma_wait3A_101, %dma_wait3A_102] : memref<2x10000x128xf32, #tpu.memory_space<hbm>> -> memref<1x10000x128xf32, #tpu.memory_space<hbm>>
      %dma_wait3A_104 = tpu.memref_squeeze %dma_wait3A_103 : memref<1x10000x128xf32, #tpu.memory_space<hbm>> -> memref<10000x128xf32, #tpu.memory_space<hbm>>
      %dma_wait3A_105 = arith.constant 0 : i32
      %dma_wait3A_106 = tpu.memref_slice %dma_wait3A_104[%mul3A_87, %dma_wait3A_105] : memref<10000x128xf32, #tpu.memory_space<hbm>> -> memref<624x128xf32, #tpu.memory_space<hbm>>
      %dma_wait3A_107 = arith.constant 0 : i32
      %dma_wait3A_108 = tpu.memref_slice %arg11[%mul3A_85, %dma_wait3A_107] : memref<10000x128xf32, #tpu.memory_space<vmem_shared>> -> memref<624x128xf32, #tpu.memory_space<vmem_shared>>
      tpu.wait_dma2 semaphore(%run_scoped3A : memref<!tpu.dma_semaphore, #tpu.memory_space<semaphore_mem>>) src(%dma_wait3A_108 : memref<624x128xf32, #tpu.memory_space<vmem_shared>>) dst(%dma_wait3A_106 : memref<624x128xf32, #tpu.memory_space<hbm>>)
      tpu.yield
    }) : () -> ()
    %eq3A_88 = arith.constant 15 : i32
    %eq3A_89 = arith.cmpi eq, %arg1, %eq3A_88 : i32
    %convert_element_type3A_90 = arith.extui %eq3A_89 : i1 to i32
    %cond3A_91 = arith.constant 0 : i32
    %cond3A_92 = arith.cmpi ne, %convert_element_type3A_90, %cond3A_91 : i32
    scf.if %cond3A_92 {
      "tpu.region"() ({
        %run_scoped3A = tpu.sem_alloc : memref<!tpu.dma_semaphore, #tpu.memory_space<semaphore_mem>>
        %dma_start3A_93 = arith.constant 0 : i32
        %dma_start3A_94 = arith.constant 0 : i32
        %dma_start3A_95 = tpu.memref_slice %arg3[%arg0, %dma_start3A_93, %dma_start3A_94] : memref<2x10000x128xf32, #tpu.memory_space<hbm>> -> memref<1x10000x128xf32, #tpu.memory_space<hbm>>
        %dma_start3A_96 = tpu.memref_squeeze %dma_start3A_95 : memref<1x10000x128xf32, #tpu.memory_space<hbm>> -> memref<10000x128xf32, #tpu.memory_space<hbm>>
        %dma_start3A_97 = arith.constant 9984 : i32
        %dma_start3A_98 = arith.constant 0 : i32
        %dma_start3A_99 = tpu.memref_slice %dma_start3A_96[%dma_start3A_97, %dma_start3A_98] : memref<10000x128xf32, #tpu.memory_space<hbm>> -> memref<16x128xf32, #tpu.memory_space<hbm>>
        %dma_start3A_100 = arith.constant 9984 : i32
        %dma_start3A_101 = arith.constant 0 : i32
        %dma_start3A_102 = tpu.memref_slice %arg11[%dma_start3A_100, %dma_start3A_101] : memref<10000x128xf32, #tpu.memory_space<vmem_shared>> -> memref<16x128xf32, #tpu.memory_space<vmem_shared>>
        tpu.enqueue_dma source(%dma_start3A_102 : memref<16x128xf32, #tpu.memory_space<vmem_shared>>) target(%dma_start3A_99 : memref<16x128xf32, #tpu.memory_space<hbm>>) target_semaphore(%run_scoped3A : memref<!tpu.dma_semaphore, #tpu.memory_space<semaphore_mem>>)
        %dma_wait3A_103 = arith.constant 0 : i32
        %dma_wait3A_104 = arith.constant 0 : i32
        %dma_wait3A_105 = tpu.memref_slice %arg3[%arg0, %dma_wait3A_103, %dma_wait3A_104] : memref<2x10000x128xf32, #tpu.memory_space<hbm>> -> memref<1x10000x128xf32, #tpu.memory_space<hbm>>
        %dma_wait3A_106 = tpu.memref_squeeze %dma_wait3A_105 : memref<1x10000x128xf32, #tpu.memory_space<hbm>> -> memref<10000x128xf32, #tpu.memory_space<hbm>>
        %dma_wait3A_107 = arith.constant 9984 : i32
        %dma_wait3A_108 = arith.constant 0 : i32
        %dma_wait3A_109 = tpu.memref_slice %dma_wait3A_106[%dma_wait3A_107, %dma_wait3A_108] : memref<10000x128xf32, #tpu.memory_space<hbm>> -> memref<16x128xf32, #tpu.memory_space<hbm>>
        %dma_wait3A_110 = arith.constant 9984 : i32
        %dma_wait3A_111 = arith.constant 0 : i32
        %dma_wait3A_112 = tpu.memref_slice %arg11[%dma_wait3A_110, %dma_wait3A_111] : memref<10000x128xf32, #tpu.memory_space<vmem_shared>> -> memref<16x128xf32, #tpu.memory_space<vmem_shared>>
        tpu.wait_dma2 semaphore(%run_scoped3A : memref<!tpu.dma_semaphore, #tpu.memory_space<semaphore_mem>>) src(%dma_wait3A_112 : memref<16x128xf32, #tpu.memory_space<vmem_shared>>) dst(%dma_wait3A_109 : memref<16x128xf32, #tpu.memory_space<hbm>>)
        tpu.yield
      }) : () -> ()
    } else {
    }
    return
  }
}

#map = affine_map<(d0, d1) -> (0, 0)>
#map1 = affine_map<(d0, d1) -> (0)>
#map2 = affine_map<(d0, d1) -> (0, 0, 0)>
module attributes {stable_mosaic.version = 14 : i64} {
  func.func @agg_kernel(%arg0: i32, %arg1: i32, %arg2: memref<10000x128xf32, #tpu.memory_space<hbm>>, %arg3: memref<320000xi32, #tpu.memory_space<hbm>>, %arg4: memref<320000xi32, #tpu.memory_space<hbm>>, %arg5: memref<2x10000x128xf32, #tpu.memory_space<hbm>>, %arg6: memref<64xi32, #tpu.memory_space<vmem>>, %arg7: memref<64xi32, #tpu.memory_space<vmem>>, %arg8: memref<64xi32, #tpu.memory_space<vmem>>, %arg9: memref<64xi32, #tpu.memory_space<vmem>>, %arg10: memref<64xi32, #tpu.memory_space<vmem>>, %arg11: memref<64xi32, #tpu.memory_space<vmem>>, %arg12: memref<64xi32, #tpu.memory_space<vmem>>, %arg13: memref<64xi32, #tpu.memory_space<vmem>>, %arg14: memref<64xi32, #tpu.memory_space<vmem>>, %arg15: memref<64xi32, #tpu.memory_space<vmem>>, %arg16: memref<16xi32, #tpu.memory_space<vmem>>, %arg17: memref<16xi32, #tpu.memory_space<vmem>>, %arg18: memref<64x128xf32, #tpu.memory_space<vmem>>, %arg19: memref<64x128xf32, #tpu.memory_space<vmem>>, %arg20: memref<64x128xf32, #tpu.memory_space<vmem>>, %arg21: memref<64x128xf32, #tpu.memory_space<vmem>>, %arg22: memref<64x128xf32, #tpu.memory_space<vmem>>, %arg23: memref<16x128xf32, #tpu.memory_space<vmem>>, %arg24: memref<16x128xf32, #tpu.memory_space<vmem>>, %arg25: memref<10000x128xf32, #tpu.memory_space<vmem_shared>>, %arg26: memref<!tpu.dma_semaphore, #tpu.memory_space<semaphore_mem>>, %arg27: memref<!tpu.dma_semaphore, #tpu.memory_space<semaphore_mem>>, %arg28: memref<!tpu.dma_semaphore, #tpu.memory_space<semaphore_mem>>, %arg29: memref<!tpu.dma_semaphore, #tpu.memory_space<semaphore_mem>>, %arg30: memref<!tpu.dma_semaphore, #tpu.memory_space<semaphore_mem>>, %arg31: memref<!tpu.dma_semaphore, #tpu.memory_space<semaphore_mem>>, %arg32: memref<!tpu.dma_semaphore, #tpu.memory_space<semaphore_mem>>, %arg33: memref<!tpu.dma_semaphore, #tpu.memory_space<semaphore_mem>>, %arg34: memref<!tpu.dma_semaphore, #tpu.memory_space<semaphore_mem>>, %arg35: memref<!tpu.dma_semaphore, #tpu.memory_space<semaphore_mem>>, %arg36: memref<!tpu.dma_semaphore, #tpu.memory_space<semaphore_mem>>, %arg37: memref<!tpu.dma_semaphore, #tpu.memory_space<semaphore_mem>>, %arg38: memref<!tpu.dma_semaphore, #tpu.memory_space<semaphore_mem>>, %arg39: memref<!tpu.dma_semaphore, #tpu.memory_space<semaphore_mem>>, %arg40: memref<!tpu.dma_semaphore, #tpu.memory_space<semaphore_mem>>) attributes {dimension_semantics = [#tpu.dimension_semantics<core_parallel>, #tpu.dimension_semantics<subcore_parallel>], iteration_bounds = array<i64: 2, 16>, scalar_prefetch = 0 : i64, scratch_operands = 35 : i64, tpu.core_type = #tpu.core_type<sc_vector_subcore>, window_params = [{transform_indices = #map}, {transform_indices = #map1}, {transform_indices = #map1}, {transform_indices = #map2}]} {
    %mul3A = arith.constant 16 : i32
    %mul3A_0 = arith.muli %arg0, %mul3A : i32
    %add3A = arith.addi %mul3A_0, %arg1 : i32
    %broadcast_in_dim3A = arith.constant 0.000000e+00 : f32
    %broadcast_in_dim3A_1 = vector.broadcast %broadcast_in_dim3A : f32 to vector<16xf32>
    %mul3A_2 = arith.constant 10000 : i32
    %mul3A_3 = arith.muli %add3A, %mul3A_2 : i32
    %add3A_4 = arith.constant 0 : i32
    %add3A_5 = arith.addi %mul3A_3, %add3A_4 : i32
    %dma_start3A = tpu.memref_slice %arg3[%add3A_5] : memref<320000xi32, #tpu.memory_space<hbm>> -> memref<64xi32, #tpu.memory_space<hbm>>
    %dma_start3A_6 = tpu.memref_slice %arg3[%add3A_5] : memref<320000xi32, #tpu.memory_space<hbm>> -> memref<64xi32, #tpu.memory_space<hbm>>
    tpu.enqueue_dma source(%dma_start3A_6 : memref<64xi32, #tpu.memory_space<hbm>>) target(%arg6 : memref<64xi32, #tpu.memory_space<vmem>>) target_semaphore(%arg26 : memref<!tpu.dma_semaphore, #tpu.memory_space<semaphore_mem>>)
    %dma_start3A_7 = tpu.memref_slice %arg4[%add3A_5] : memref<320000xi32, #tpu.memory_space<hbm>> -> memref<64xi32, #tpu.memory_space<hbm>>
    %dma_start3A_8 = tpu.memref_slice %arg4[%add3A_5] : memref<320000xi32, #tpu.memory_space<hbm>> -> memref<64xi32, #tpu.memory_space<hbm>>
    tpu.enqueue_dma source(%dma_start3A_8 : memref<64xi32, #tpu.memory_space<hbm>>) target(%arg7 : memref<64xi32, #tpu.memory_space<vmem>>) target_semaphore(%arg27 : memref<!tpu.dma_semaphore, #tpu.memory_space<semaphore_mem>>)
    %dma_wait3A = tpu.memref_slice %arg3[%mul3A_3] : memref<320000xi32, #tpu.memory_space<hbm>> -> memref<64xi32, #tpu.memory_space<hbm>>
    %dma_wait3A_9 = tpu.memref_slice %arg3[%mul3A_3] : memref<320000xi32, #tpu.memory_space<hbm>> -> memref<64xi32, #tpu.memory_space<hbm>>
    tpu.wait_dma2 semaphore(%arg26 : memref<!tpu.dma_semaphore, #tpu.memory_space<semaphore_mem>>) src(%dma_wait3A_9 : memref<64xi32, #tpu.memory_space<hbm>>) dst(%arg6 : memref<64xi32, #tpu.memory_space<vmem>>)
    %dma_wait3A_10 = tpu.memref_slice %arg4[%mul3A_3] : memref<320000xi32, #tpu.memory_space<hbm>> -> memref<64xi32, #tpu.memory_space<hbm>>
    %dma_wait3A_11 = tpu.memref_slice %arg4[%mul3A_3] : memref<320000xi32, #tpu.memory_space<hbm>> -> memref<64xi32, #tpu.memory_space<hbm>>
    tpu.wait_dma2 semaphore(%arg27 : memref<!tpu.dma_semaphore, #tpu.memory_space<semaphore_mem>>) src(%dma_wait3A_11 : memref<64xi32, #tpu.memory_space<hbm>>) dst(%arg7 : memref<64xi32, #tpu.memory_space<vmem>>)
    %dma_start3A_12 = arith.constant 0 : i32
    %dma_start3A_13 = arith.constant 0 : i32
    %dma_start3A_14 = tpu.memref_slice %arg2[%dma_start3A_12, %dma_start3A_13] : memref<10000x128xf32, #tpu.memory_space<hbm>> -> memref<10000x128xf32, #tpu.memory_space<hbm>>
    tpu.enqueue_indirect_dma source(%dma_start3A_14 : memref<10000x128xf32, #tpu.memory_space<hbm>>) target(%arg18 : memref<64x128xf32, #tpu.memory_space<vmem>>) offsets(%arg6 : memref<64xi32, #tpu.memory_space<vmem>>) semaphore(%arg28 : memref<!tpu.dma_semaphore, #tpu.memory_space<semaphore_mem>>)
    %add3A_15 = arith.constant 64 : i32
    %add3A_16 = arith.addi %mul3A_3, %add3A_15 : i32
    %dma_start3A_17 = tpu.memref_slice %arg3[%add3A_16] : memref<320000xi32, #tpu.memory_space<hbm>> -> memref<64xi32, #tpu.memory_space<hbm>>
    %dma_start3A_18 = tpu.memref_slice %arg3[%add3A_16] : memref<320000xi32, #tpu.memory_space<hbm>> -> memref<64xi32, #tpu.memory_space<hbm>>
    tpu.enqueue_dma source(%dma_start3A_18 : memref<64xi32, #tpu.memory_space<hbm>>) target(%arg8 : memref<64xi32, #tpu.memory_space<vmem>>) target_semaphore(%arg29 : memref<!tpu.dma_semaphore, #tpu.memory_space<semaphore_mem>>)
    %dma_start3A_19 = tpu.memref_slice %arg4[%add3A_16] : memref<320000xi32, #tpu.memory_space<hbm>> -> memref<64xi32, #tpu.memory_space<hbm>>
    %dma_start3A_20 = tpu.memref_slice %arg4[%add3A_16] : memref<320000xi32, #tpu.memory_space<hbm>> -> memref<64xi32, #tpu.memory_space<hbm>>
    tpu.enqueue_dma source(%dma_start3A_20 : memref<64xi32, #tpu.memory_space<hbm>>) target(%arg9 : memref<64xi32, #tpu.memory_space<vmem>>) target_semaphore(%arg30 : memref<!tpu.dma_semaphore, #tpu.memory_space<semaphore_mem>>)
    %dma_wait3A_21 = tpu.memref_slice %arg3[%mul3A_3] : memref<320000xi32, #tpu.memory_space<hbm>> -> memref<64xi32, #tpu.memory_space<hbm>>
    %dma_wait3A_22 = tpu.memref_slice %arg3[%mul3A_3] : memref<320000xi32, #tpu.memory_space<hbm>> -> memref<64xi32, #tpu.memory_space<hbm>>
    tpu.wait_dma2 semaphore(%arg29 : memref<!tpu.dma_semaphore, #tpu.memory_space<semaphore_mem>>) src(%dma_wait3A_22 : memref<64xi32, #tpu.memory_space<hbm>>) dst(%arg8 : memref<64xi32, #tpu.memory_space<vmem>>)
    %dma_wait3A_23 = tpu.memref_slice %arg4[%mul3A_3] : memref<320000xi32, #tpu.memory_space<hbm>> -> memref<64xi32, #tpu.memory_space<hbm>>
    %dma_wait3A_24 = tpu.memref_slice %arg4[%mul3A_3] : memref<320000xi32, #tpu.memory_space<hbm>> -> memref<64xi32, #tpu.memory_space<hbm>>
    tpu.wait_dma2 semaphore(%arg30 : memref<!tpu.dma_semaphore, #tpu.memory_space<semaphore_mem>>) src(%dma_wait3A_24 : memref<64xi32, #tpu.memory_space<hbm>>) dst(%arg9 : memref<64xi32, #tpu.memory_space<vmem>>)
    %dma_start3A_25 = arith.constant 0 : i32
    %dma_start3A_26 = arith.constant 0 : i32
    %dma_start3A_27 = tpu.memref_slice %arg2[%dma_start3A_25, %dma_start3A_26] : memref<10000x128xf32, #tpu.memory_space<hbm>> -> memref<10000x128xf32, #tpu.memory_space<hbm>>
    tpu.enqueue_indirect_dma source(%dma_start3A_27 : memref<10000x128xf32, #tpu.memory_space<hbm>>) target(%arg19 : memref<64x128xf32, #tpu.memory_space<vmem>>) offsets(%arg8 : memref<64xi32, #tpu.memory_space<vmem>>) semaphore(%arg31 : memref<!tpu.dma_semaphore, #tpu.memory_space<semaphore_mem>>)
    %add3A_28 = arith.constant 128 : i32
    %add3A_29 = arith.addi %mul3A_3, %add3A_28 : i32
    %dma_start3A_30 = tpu.memref_slice %arg3[%add3A_29] : memref<320000xi32, #tpu.memory_space<hbm>> -> memref<64xi32, #tpu.memory_space<hbm>>
    %dma_start3A_31 = tpu.memref_slice %arg3[%add3A_29] : memref<320000xi32, #tpu.memory_space<hbm>> -> memref<64xi32, #tpu.memory_space<hbm>>
    tpu.enqueue_dma source(%dma_start3A_31 : memref<64xi32, #tpu.memory_space<hbm>>) target(%arg10 : memref<64xi32, #tpu.memory_space<vmem>>) target_semaphore(%arg32 : memref<!tpu.dma_semaphore, #tpu.memory_space<semaphore_mem>>)
    %dma_start3A_32 = tpu.memref_slice %arg4[%add3A_29] : memref<320000xi32, #tpu.memory_space<hbm>> -> memref<64xi32, #tpu.memory_space<hbm>>
    %dma_start3A_33 = tpu.memref_slice %arg4[%add3A_29] : memref<320000xi32, #tpu.memory_space<hbm>> -> memref<64xi32, #tpu.memory_space<hbm>>
    tpu.enqueue_dma source(%dma_start3A_33 : memref<64xi32, #tpu.memory_space<hbm>>) target(%arg11 : memref<64xi32, #tpu.memory_space<vmem>>) target_semaphore(%arg33 : memref<!tpu.dma_semaphore, #tpu.memory_space<semaphore_mem>>)
    %dma_wait3A_34 = tpu.memref_slice %arg3[%mul3A_3] : memref<320000xi32, #tpu.memory_space<hbm>> -> memref<64xi32, #tpu.memory_space<hbm>>
    %dma_wait3A_35 = tpu.memref_slice %arg3[%mul3A_3] : memref<320000xi32, #tpu.memory_space<hbm>> -> memref<64xi32, #tpu.memory_space<hbm>>
    tpu.wait_dma2 semaphore(%arg32 : memref<!tpu.dma_semaphore, #tpu.memory_space<semaphore_mem>>) src(%dma_wait3A_35 : memref<64xi32, #tpu.memory_space<hbm>>) dst(%arg10 : memref<64xi32, #tpu.memory_space<vmem>>)
    %dma_wait3A_36 = tpu.memref_slice %arg4[%mul3A_3] : memref<320000xi32, #tpu.memory_space<hbm>> -> memref<64xi32, #tpu.memory_space<hbm>>
    %dma_wait3A_37 = tpu.memref_slice %arg4[%mul3A_3] : memref<320000xi32, #tpu.memory_space<hbm>> -> memref<64xi32, #tpu.memory_space<hbm>>
    tpu.wait_dma2 semaphore(%arg33 : memref<!tpu.dma_semaphore, #tpu.memory_space<semaphore_mem>>) src(%dma_wait3A_37 : memref<64xi32, #tpu.memory_space<hbm>>) dst(%arg11 : memref<64xi32, #tpu.memory_space<vmem>>)
    %dma_start3A_38 = arith.constant 0 : i32
    %dma_start3A_39 = arith.constant 0 : i32
    %dma_start3A_40 = tpu.memref_slice %arg2[%dma_start3A_38, %dma_start3A_39] : memref<10000x128xf32, #tpu.memory_space<hbm>> -> memref<10000x128xf32, #tpu.memory_space<hbm>>
    tpu.enqueue_indirect_dma source(%dma_start3A_40 : memref<10000x128xf32, #tpu.memory_space<hbm>>) target(%arg20 : memref<64x128xf32, #tpu.memory_space<vmem>>) offsets(%arg10 : memref<64xi32, #tpu.memory_space<vmem>>) semaphore(%arg34 : memref<!tpu.dma_semaphore, #tpu.memory_space<semaphore_mem>>)
    %scan3A = arith.constant 0 : i32
    %scan3A_41 = arith.constant 16 : i32
    %scan3A_42 = arith.addi %scan3A, %scan3A_41 : i32
    %scan3A_43 = arith.constant 1 : i32
    scf.for %scan3A_201 = %scan3A to %scan3A_42 step %scan3A_43  : i32 {
      %mul3A_202 = arith.constant 1 : i32
      %mul3A_203 = arith.muli %scan3A_201, %mul3A_202 : i32
      %add3A_204 = arith.constant 0 : i32
      %add3A_205 = arith.addi %add3A_204, %mul3A_203 : i32
      %scan3A_206 = arith.constant 0 : i32
      %scan3A_207 = arith.constant 8 : i32
      %scan3A_208 = arith.addi %scan3A_206, %scan3A_207 : i32
      %scan3A_209 = arith.constant 1 : i32
      scf.for %scan3A_211 = %scan3A_206 to %scan3A_208 step %scan3A_209  : i32 {
        %mul3A_212 = arith.constant 1 : i32
        %mul3A_213 = arith.muli %scan3A_211, %mul3A_212 : i32
        %add3A_214 = arith.constant 0 : i32
        %add3A_215 = arith.addi %add3A_214, %mul3A_213 : i32
        %mul3A_216 = arith.constant 16 : i32
        %mul3A_217 = arith.muli %add3A_215, %mul3A_216 : i32
        %swap3A = arith.index_cast %add3A_205 : i32 to index
        %swap3A_218 = arith.index_cast %mul3A_217 : i32 to index
        %swap3A_219 = tpu.vector_load %arg24[%swap3A, %swap3A_218] {strides = array<i32>} : memref<16x128xf32, #tpu.memory_space<vmem>>, vector<1x16xf32>,
        %swap3A_220 = vector.shape_cast %swap3A_219 : vector<1x16xf32> to vector<16xf32>
        %swap3A_221 = vector.shape_cast %broadcast_in_dim3A_1 : vector<16xf32> to vector<1x16xf32>
        tpu.vector_store %arg24[%swap3A, %swap3A_218], %swap3A_221 {strides = array<i32>} : memref<16x128xf32, #tpu.memory_space<vmem>>, vector<1x16xf32>,
      }
      %scan3A_210 = arith.constant 8 : i32
    }
    %scan3A_44 = arith.constant 16 : i32
    %scan3A_45 = arith.constant 0 : i32
    %scan3A_46 = arith.constant 39 : i32
    %scan3A_47 = arith.addi %scan3A_45, %scan3A_46 : i32
    %scan3A_48 = arith.constant 1 : i32
    scf.for %scan3A_201 = %scan3A_45 to %scan3A_47 step %scan3A_48  : i32 {
      %mul3A_202 = arith.constant 1 : i32
      %mul3A_203 = arith.muli %scan3A_201, %mul3A_202 : i32
      %add3A_204 = arith.constant 0 : i32
      %add3A_205 = arith.addi %add3A_204, %mul3A_203 : i32
      %mul3A_206 = arith.constant 624 : i32
      %mul3A_207 = arith.muli %arg1, %mul3A_206 : i32
      %mul3A_208 = arith.constant 16 : i32
      %mul3A_209 = arith.muli %add3A_205, %mul3A_208 : i32
      %add3A_210 = arith.addi %mul3A_207, %mul3A_209 : i32
      "tpu.region"() ({
        %run_scoped3A = tpu.sem_alloc : memref<!tpu.dma_semaphore, #tpu.memory_space<semaphore_mem>>
        %dma_start3A_211 = arith.constant 0 : i32
        %dma_start3A_212 = tpu.memref_slice %arg25[%add3A_210, %dma_start3A_211] : memref<10000x128xf32, #tpu.memory_space<vmem_shared>> -> memref<16x128xf32, #tpu.memory_space<vmem_shared>>
        %dma_start3A_213 = arith.constant 0 : i32
        %dma_start3A_214 = tpu.memref_slice %arg25[%add3A_210, %dma_start3A_213] : memref<10000x128xf32, #tpu.memory_space<vmem_shared>> -> memref<16x128xf32, #tpu.memory_space<vmem_shared>>
        tpu.enqueue_dma source(%arg24 : memref<16x128xf32, #tpu.memory_space<vmem>>) target(%dma_start3A_214 : memref<16x128xf32, #tpu.memory_space<vmem_shared>>) target_semaphore(%run_scoped3A : memref<!tpu.dma_semaphore, #tpu.memory_space<semaphore_mem>>)
        %dma_wait3A_215 = arith.constant 0 : i32
        %dma_wait3A_216 = tpu.memref_slice %arg25[%add3A_210, %dma_wait3A_215] : memref<10000x128xf32, #tpu.memory_space<vmem_shared>> -> memref<16x128xf32, #tpu.memory_space<vmem_shared>>
        %dma_wait3A_217 = arith.constant 0 : i32
        %dma_wait3A_218 = tpu.memref_slice %arg25[%add3A_210, %dma_wait3A_217] : memref<10000x128xf32, #tpu.memory_space<vmem_shared>> -> memref<16x128xf32, #tpu.memory_space<vmem_shared>>
        tpu.wait_dma2 semaphore(%run_scoped3A : memref<!tpu.dma_semaphore, #tpu.memory_space<semaphore_mem>>) src(%arg24 : memref<16x128xf32, #tpu.memory_space<vmem>>) dst(%dma_wait3A_218 : memref<16x128xf32, #tpu.memory_space<vmem_shared>>)
        tpu.yield
      }) : () -> ()
    }
    %scan3A_49 = arith.constant 39 : i32
    %eq3A = arith.constant 15 : i32
    %eq3A_50 = arith.cmpi eq, %arg1, %eq3A : i32
    %convert_element_type3A = arith.extui %eq3A_50 : i1 to i32
    %cond3A = arith.constant 0 : i32
    %cond3A_51 = arith.cmpi ne, %convert_element_type3A, %cond3A : i32
    scf.if %cond3A_51 {
      "tpu.region"() ({
        %run_scoped3A = tpu.sem_alloc : memref<!tpu.dma_semaphore, #tpu.memory_space<semaphore_mem>>
        %dma_start3A_201 = arith.constant 0 : i32
        %dma_start3A_202 = arith.constant 0 : i32
        %dma_start3A_203 = tpu.memref_slice %arg24[%dma_start3A_201, %dma_start3A_202] : memref<16x128xf32, #tpu.memory_space<vmem>> -> memref<16x128xf32, #tpu.memory_space<vmem>>
        %dma_start3A_204 = arith.constant 9984 : i32
        %dma_start3A_205 = arith.constant 0 : i32
        %dma_start3A_206 = tpu.memref_slice %arg25[%dma_start3A_204, %dma_start3A_205] : memref<10000x128xf32, #tpu.memory_space<vmem_shared>> -> memref<16x128xf32, #tpu.memory_space<vmem_shared>>
        %dma_start3A_207 = arith.constant 9984 : i32
        %dma_start3A_208 = arith.constant 0 : i32
        %dma_start3A_209 = tpu.memref_slice %arg25[%dma_start3A_207, %dma_start3A_208] : memref<10000x128xf32, #tpu.memory_space<vmem_shared>> -> memref<16x128xf32, #tpu.memory_space<vmem_shared>>
        %dma_start3A_210 = arith.constant 0 : i32
        %dma_start3A_211 = arith.constant 0 : i32
        %dma_start3A_212 = tpu.memref_slice %arg24[%dma_start3A_210, %dma_start3A_211] : memref<16x128xf32, #tpu.memory_space<vmem>> -> memref<16x128xf32, #tpu.memory_space<vmem>>
        tpu.enqueue_dma source(%dma_start3A_212 : memref<16x128xf32, #tpu.memory_space<vmem>>) target(%dma_start3A_209 : memref<16x128xf32, #tpu.memory_space<vmem_shared>>) target_semaphore(%run_scoped3A : memref<!tpu.dma_semaphore, #tpu.memory_space<semaphore_mem>>)
        %dma_wait3A_213 = arith.constant 0 : i32
        %dma_wait3A_214 = arith.constant 0 : i32
        %dma_wait3A_215 = tpu.memref_slice %arg24[%dma_wait3A_213, %dma_wait3A_214] : memref<16x128xf32, #tpu.memory_space<vmem>> -> memref<16x128xf32, #tpu.memory_space<vmem>>
        %dma_wait3A_216 = arith.constant 9984 : i32
        %dma_wait3A_217 = arith.constant 0 : i32
        %dma_wait3A_218 = tpu.memref_slice %arg25[%dma_wait3A_216, %dma_wait3A_217] : memref<10000x128xf32, #tpu.memory_space<vmem_shared>> -> memref<16x128xf32, #tpu.memory_space<vmem_shared>>
        %dma_wait3A_219 = arith.constant 9984 : i32
        %dma_wait3A_220 = arith.constant 0 : i32
        %dma_wait3A_221 = tpu.memref_slice %arg25[%dma_wait3A_219, %dma_wait3A_220] : memref<10000x128xf32, #tpu.memory_space<vmem_shared>> -> memref<16x128xf32, #tpu.memory_space<vmem_shared>>
        %dma_wait3A_222 = arith.constant 0 : i32
        %dma_wait3A_223 = arith.constant 0 : i32
        %dma_wait3A_224 = tpu.memref_slice %arg24[%dma_wait3A_222, %dma_wait3A_223] : memref<16x128xf32, #tpu.memory_space<vmem>> -> memref<16x128xf32, #tpu.memory_space<vmem>>
        tpu.wait_dma2 semaphore(%run_scoped3A : memref<!tpu.dma_semaphore, #tpu.memory_space<semaphore_mem>>) src(%dma_wait3A_224 : memref<16x128xf32, #tpu.memory_space<vmem>>) dst(%dma_wait3A_221 : memref<16x128xf32, #tpu.memory_space<vmem_shared>>)
        tpu.yield
      }) : () -> ()
    } else {
    }
    %barrier3A = arith.constant 0 : index
    tpu.barrier barrier_id(%barrier3A)
    %dma_wait3A_52 = arith.constant 0 : i32
    %dma_wait3A_53 = arith.constant 0 : i32
    %dma_wait3A_54 = tpu.memref_slice %arg2[%dma_wait3A_52, %dma_wait3A_53] : memref<10000x128xf32, #tpu.memory_space<hbm>> -> memref<10000x128xf32, #tpu.memory_space<hbm>>
    tpu.wait_indirect_dma semaphore(%arg28 : memref<!tpu.dma_semaphore, #tpu.memory_space<semaphore_mem>>) src(%dma_wait3A_54 : memref<10000x128xf32, #tpu.memory_space<hbm>>) dst(%arg18 : memref<64x128xf32, #tpu.memory_space<vmem>>)
    %dma_start3A_55 = arith.constant 0 : i32
    %dma_start3A_56 = arith.constant 0 : i32
    %dma_start3A_57 = tpu.memref_slice %arg25[%dma_start3A_55, %dma_start3A_56] : memref<10000x128xf32, #tpu.memory_space<vmem_shared>> -> memref<10000x128xf32, #tpu.memory_space<vmem_shared>>
    tpu.enqueue_indirect_dma source(%arg18 : memref<64x128xf32, #tpu.memory_space<vmem>>) target(%dma_start3A_57 : memref<10000x128xf32, #tpu.memory_space<vmem_shared>>) offsets(%arg7 : memref<64xi32, #tpu.memory_space<vmem>>) semaphore(%arg28 : memref<!tpu.dma_semaphore, #tpu.memory_space<semaphore_mem>>) {add = true}
    %add3A_58 = arith.constant 192 : i32
    %add3A_59 = arith.addi %mul3A_3, %add3A_58 : i32
    %dma_start3A_60 = tpu.memref_slice %arg3[%add3A_59] : memref<320000xi32, #tpu.memory_space<hbm>> -> memref<64xi32, #tpu.memory_space<hbm>>
    %dma_start3A_61 = tpu.memref_slice %arg3[%add3A_59] : memref<320000xi32, #tpu.memory_space<hbm>> -> memref<64xi32, #tpu.memory_space<hbm>>
    tpu.enqueue_dma source(%dma_start3A_61 : memref<64xi32, #tpu.memory_space<hbm>>) target(%arg12 : memref<64xi32, #tpu.memory_space<vmem>>) target_semaphore(%arg35 : memref<!tpu.dma_semaphore, #tpu.memory_space<semaphore_mem>>)
    %dma_start3A_62 = tpu.memref_slice %arg4[%add3A_59] : memref<320000xi32, #tpu.memory_space<hbm>> -> memref<64xi32, #tpu.memory_space<hbm>>
    %dma_start3A_63 = tpu.memref_slice %arg4[%add3A_59] : memref<320000xi32, #tpu.memory_space<hbm>> -> memref<64xi32, #tpu.memory_space<hbm>>
    tpu.enqueue_dma source(%dma_start3A_63 : memref<64xi32, #tpu.memory_space<hbm>>) target(%arg13 : memref<64xi32, #tpu.memory_space<vmem>>) target_semaphore(%arg36 : memref<!tpu.dma_semaphore, #tpu.memory_space<semaphore_mem>>)
    %dma_wait3A_64 = tpu.memref_slice %arg3[%mul3A_3] : memref<320000xi32, #tpu.memory_space<hbm>> -> memref<64xi32, #tpu.memory_space<hbm>>
    %dma_wait3A_65 = tpu.memref_slice %arg3[%mul3A_3] : memref<320000xi32, #tpu.memory_space<hbm>> -> memref<64xi32, #tpu.memory_space<hbm>>
    tpu.wait_dma2 semaphore(%arg35 : memref<!tpu.dma_semaphore, #tpu.memory_space<semaphore_mem>>) src(%dma_wait3A_65 : memref<64xi32, #tpu.memory_space<hbm>>) dst(%arg12 : memref<64xi32, #tpu.memory_space<vmem>>)
    %dma_wait3A_66 = tpu.memref_slice %arg4[%mul3A_3] : memref<320000xi32, #tpu.memory_space<hbm>> -> memref<64xi32, #tpu.memory_space<hbm>>
    %dma_wait3A_67 = tpu.memref_slice %arg4[%mul3A_3] : memref<320000xi32, #tpu.memory_space<hbm>> -> memref<64xi32, #tpu.memory_space<hbm>>
    tpu.wait_dma2 semaphore(%arg36 : memref<!tpu.dma_semaphore, #tpu.memory_space<semaphore_mem>>) src(%dma_wait3A_67 : memref<64xi32, #tpu.memory_space<hbm>>) dst(%arg13 : memref<64xi32, #tpu.memory_space<vmem>>)
    %dma_start3A_68 = arith.constant 0 : i32
    %dma_start3A_69 = arith.constant 0 : i32
    %dma_start3A_70 = tpu.memref_slice %arg2[%dma_start3A_68, %dma_start3A_69] : memref<10000x128xf32, #tpu.memory_space<hbm>> -> memref<10000x128xf32, #tpu.memory_space<hbm>>
    tpu.enqueue_indirect_dma source(%dma_start3A_70 : memref<10000x128xf32, #tpu.memory_space<hbm>>) target(%arg21 : memref<64x128xf32, #tpu.memory_space<vmem>>) offsets(%arg12 : memref<64xi32, #tpu.memory_space<vmem>>) semaphore(%arg37 : memref<!tpu.dma_semaphore, #tpu.memory_space<semaphore_mem>>)
    %dma_wait3A_71 = arith.constant 0 : i32
    %dma_wait3A_72 = arith.constant 0 : i32
    %dma_wait3A_73 = tpu.memref_slice %arg2[%dma_wait3A_71, %dma_wait3A_72] : memref<10000x128xf32, #tpu.memory_space<hbm>> -> memref<10000x128xf32, #tpu.memory_space<hbm>>
    tpu.wait_indirect_dma semaphore(%arg31 : memref<!tpu.dma_semaphore, #tpu.memory_space<semaphore_mem>>) src(%dma_wait3A_73 : memref<10000x128xf32, #tpu.memory_space<hbm>>) dst(%arg19 : memref<64x128xf32, #tpu.memory_space<vmem>>)
    %dma_start3A_74 = arith.constant 0 : i32
    %dma_start3A_75 = arith.constant 0 : i32
    %dma_start3A_76 = tpu.memref_slice %arg25[%dma_start3A_74, %dma_start3A_75] : memref<10000x128xf32, #tpu.memory_space<vmem_shared>> -> memref<10000x128xf32, #tpu.memory_space<vmem_shared>>
    tpu.enqueue_indirect_dma source(%arg19 : memref<64x128xf32, #tpu.memory_space<vmem>>) target(%dma_start3A_76 : memref<10000x128xf32, #tpu.memory_space<vmem_shared>>) offsets(%arg9 : memref<64xi32, #tpu.memory_space<vmem>>) semaphore(%arg31 : memref<!tpu.dma_semaphore, #tpu.memory_space<semaphore_mem>>) {add = true}
    %add3A_77 = arith.constant 256 : i32
    %add3A_78 = arith.addi %mul3A_3, %add3A_77 : i32
    %dma_start3A_79 = tpu.memref_slice %arg3[%add3A_78] : memref<320000xi32, #tpu.memory_space<hbm>> -> memref<64xi32, #tpu.memory_space<hbm>>
    %dma_start3A_80 = tpu.memref_slice %arg3[%add3A_78] : memref<320000xi32, #tpu.memory_space<hbm>> -> memref<64xi32, #tpu.memory_space<hbm>>
    tpu.enqueue_dma source(%dma_start3A_80 : memref<64xi32, #tpu.memory_space<hbm>>) target(%arg14 : memref<64xi32, #tpu.memory_space<vmem>>) target_semaphore(%arg38 : memref<!tpu.dma_semaphore, #tpu.memory_space<semaphore_mem>>)
    %dma_start3A_81 = tpu.memref_slice %arg4[%add3A_78] : memref<320000xi32, #tpu.memory_space<hbm>> -> memref<64xi32, #tpu.memory_space<hbm>>
    %dma_start3A_82 = tpu.memref_slice %arg4[%add3A_78] : memref<320000xi32, #tpu.memory_space<hbm>> -> memref<64xi32, #tpu.memory_space<hbm>>
    tpu.enqueue_dma source(%dma_start3A_82 : memref<64xi32, #tpu.memory_space<hbm>>) target(%arg15 : memref<64xi32, #tpu.memory_space<vmem>>) target_semaphore(%arg39 : memref<!tpu.dma_semaphore, #tpu.memory_space<semaphore_mem>>)
    %dma_wait3A_83 = tpu.memref_slice %arg3[%mul3A_3] : memref<320000xi32, #tpu.memory_space<hbm>> -> memref<64xi32, #tpu.memory_space<hbm>>
    %dma_wait3A_84 = tpu.memref_slice %arg3[%mul3A_3] : memref<320000xi32, #tpu.memory_space<hbm>> -> memref<64xi32, #tpu.memory_space<hbm>>
    tpu.wait_dma2 semaphore(%arg38 : memref<!tpu.dma_semaphore, #tpu.memory_space<semaphore_mem>>) src(%dma_wait3A_84 : memref<64xi32, #tpu.memory_space<hbm>>) dst(%arg14 : memref<64xi32, #tpu.memory_space<vmem>>)
    %dma_wait3A_85 = tpu.memref_slice %arg4[%mul3A_3] : memref<320000xi32, #tpu.memory_space<hbm>> -> memref<64xi32, #tpu.memory_space<hbm>>
    %dma_wait3A_86 = tpu.memref_slice %arg4[%mul3A_3] : memref<320000xi32, #tpu.memory_space<hbm>> -> memref<64xi32, #tpu.memory_space<hbm>>
    tpu.wait_dma2 semaphore(%arg39 : memref<!tpu.dma_semaphore, #tpu.memory_space<semaphore_mem>>) src(%dma_wait3A_86 : memref<64xi32, #tpu.memory_space<hbm>>) dst(%arg15 : memref<64xi32, #tpu.memory_space<vmem>>)
    %dma_start3A_87 = arith.constant 0 : i32
    %dma_start3A_88 = arith.constant 0 : i32
    %dma_start3A_89 = tpu.memref_slice %arg2[%dma_start3A_87, %dma_start3A_88] : memref<10000x128xf32, #tpu.memory_space<hbm>> -> memref<10000x128xf32, #tpu.memory_space<hbm>>
    tpu.enqueue_indirect_dma source(%dma_start3A_89 : memref<10000x128xf32, #tpu.memory_space<hbm>>) target(%arg22 : memref<64x128xf32, #tpu.memory_space<vmem>>) offsets(%arg14 : memref<64xi32, #tpu.memory_space<vmem>>) semaphore(%arg40 : memref<!tpu.dma_semaphore, #tpu.memory_space<semaphore_mem>>)
    %dma_wait3A_90 = arith.constant 0 : i32
    %dma_wait3A_91 = arith.constant 0 : i32
    %dma_wait3A_92 = tpu.memref_slice %arg2[%dma_wait3A_90, %dma_wait3A_91] : memref<10000x128xf32, #tpu.memory_space<hbm>> -> memref<10000x128xf32, #tpu.memory_space<hbm>>
    tpu.wait_indirect_dma semaphore(%arg34 : memref<!tpu.dma_semaphore, #tpu.memory_space<semaphore_mem>>) src(%dma_wait3A_92 : memref<10000x128xf32, #tpu.memory_space<hbm>>) dst(%arg20 : memref<64x128xf32, #tpu.memory_space<vmem>>)
    %dma_start3A_93 = arith.constant 0 : i32
    %dma_start3A_94 = arith.constant 0 : i32
    %dma_start3A_95 = tpu.memref_slice %arg25[%dma_start3A_93, %dma_start3A_94] : memref<10000x128xf32, #tpu.memory_space<vmem_shared>> -> memref<10000x128xf32, #tpu.memory_space<vmem_shared>>
    tpu.enqueue_indirect_dma source(%arg20 : memref<64x128xf32, #tpu.memory_space<vmem>>) target(%dma_start3A_95 : memref<10000x128xf32, #tpu.memory_space<vmem_shared>>) offsets(%arg11 : memref<64xi32, #tpu.memory_space<vmem>>) semaphore(%arg34 : memref<!tpu.dma_semaphore, #tpu.memory_space<semaphore_mem>>) {add = true}
    %dma_wait3A_96 = arith.constant 0 : i32
    %dma_wait3A_97 = arith.constant 0 : i32
    %dma_wait3A_98 = tpu.memref_slice %arg25[%dma_wait3A_96, %dma_wait3A_97] : memref<10000x128xf32, #tpu.memory_space<vmem_shared>> -> memref<10000x128xf32, #tpu.memory_space<vmem_shared>>
    tpu.wait_indirect_dma semaphore(%arg28 : memref<!tpu.dma_semaphore, #tpu.memory_space<semaphore_mem>>) src(%arg18 : memref<64x128xf32, #tpu.memory_space<vmem>>) dst(%dma_wait3A_98 : memref<10000x128xf32, #tpu.memory_space<vmem_shared>>)
    %add3A_99 = arith.constant 320 : i32
    %add3A_100 = arith.addi %mul3A_3, %add3A_99 : i32
    %dma_start3A_101 = tpu.memref_slice %arg3[%add3A_100] : memref<320000xi32, #tpu.memory_space<hbm>> -> memref<64xi32, #tpu.memory_space<hbm>>
    %dma_start3A_102 = tpu.memref_slice %arg3[%add3A_100] : memref<320000xi32, #tpu.memory_space<hbm>> -> memref<64xi32, #tpu.memory_space<hbm>>
    tpu.enqueue_dma source(%dma_start3A_102 : memref<64xi32, #tpu.memory_space<hbm>>) target(%arg6 : memref<64xi32, #tpu.memory_space<vmem>>) target_semaphore(%arg26 : memref<!tpu.dma_semaphore, #tpu.memory_space<semaphore_mem>>)
    %dma_start3A_103 = tpu.memref_slice %arg4[%add3A_100] : memref<320000xi32, #tpu.memory_space<hbm>> -> memref<64xi32, #tpu.memory_space<hbm>>
    %dma_start3A_104 = tpu.memref_slice %arg4[%add3A_100] : memref<320000xi32, #tpu.memory_space<hbm>> -> memref<64xi32, #tpu.memory_space<hbm>>
    tpu.enqueue_dma source(%dma_start3A_104 : memref<64xi32, #tpu.memory_space<hbm>>) target(%arg7 : memref<64xi32, #tpu.memory_space<vmem>>) target_semaphore(%arg27 : memref<!tpu.dma_semaphore, #tpu.memory_space<semaphore_mem>>)
    %dma_wait3A_105 = tpu.memref_slice %arg3[%mul3A_3] : memref<320000xi32, #tpu.memory_space<hbm>> -> memref<64xi32, #tpu.memory_space<hbm>>
    %dma_wait3A_106 = tpu.memref_slice %arg3[%mul3A_3] : memref<320000xi32, #tpu.memory_space<hbm>> -> memref<64xi32, #tpu.memory_space<hbm>>
    tpu.wait_dma2 semaphore(%arg26 : memref<!tpu.dma_semaphore, #tpu.memory_space<semaphore_mem>>) src(%dma_wait3A_106 : memref<64xi32, #tpu.memory_space<hbm>>) dst(%arg6 : memref<64xi32, #tpu.memory_space<vmem>>)
    %dma_wait3A_107 = tpu.memref_slice %arg4[%mul3A_3] : memref<320000xi32, #tpu.memory_space<hbm>> -> memref<64xi32, #tpu.memory_space<hbm>>
    %dma_wait3A_108 = tpu.memref_slice %arg4[%mul3A_3] : memref<320000xi32, #tpu.memory_space<hbm>> -> memref<64xi32, #tpu.memory_space<hbm>>
    tpu.wait_dma2 semaphore(%arg27 : memref<!tpu.dma_semaphore, #tpu.memory_space<semaphore_mem>>) src(%dma_wait3A_108 : memref<64xi32, #tpu.memory_space<hbm>>) dst(%arg7 : memref<64xi32, #tpu.memory_space<vmem>>)
    %dma_start3A_109 = arith.constant 0 : i32
    %dma_start3A_110 = arith.constant 0 : i32
    %dma_start3A_111 = tpu.memref_slice %arg2[%dma_start3A_109, %dma_start3A_110] : memref<10000x128xf32, #tpu.memory_space<hbm>> -> memref<10000x128xf32, #tpu.memory_space<hbm>>
    tpu.enqueue_indirect_dma source(%dma_start3A_111 : memref<10000x128xf32, #tpu.memory_space<hbm>>) target(%arg18 : memref<64x128xf32, #tpu.memory_space<vmem>>) offsets(%arg6 : memref<64xi32, #tpu.memory_space<vmem>>) semaphore(%arg28 : memref<!tpu.dma_semaphore, #tpu.memory_space<semaphore_mem>>)
    %dma_wait3A_112 = arith.constant 0 : i32
    %dma_wait3A_113 = arith.constant 0 : i32
    %dma_wait3A_114 = tpu.memref_slice %arg2[%dma_wait3A_112, %dma_wait3A_113] : memref<10000x128xf32, #tpu.memory_space<hbm>> -> memref<10000x128xf32, #tpu.memory_space<hbm>>
    tpu.wait_indirect_dma semaphore(%arg37 : memref<!tpu.dma_semaphore, #tpu.memory_space<semaphore_mem>>) src(%dma_wait3A_114 : memref<10000x128xf32, #tpu.memory_space<hbm>>) dst(%arg21 : memref<64x128xf32, #tpu.memory_space<vmem>>)
    %dma_start3A_115 = arith.constant 0 : i32
    %dma_start3A_116 = arith.constant 0 : i32
    %dma_start3A_117 = tpu.memref_slice %arg25[%dma_start3A_115, %dma_start3A_116] : memref<10000x128xf32, #tpu.memory_space<vmem_shared>> -> memref<10000x128xf32, #tpu.memory_space<vmem_shared>>
    tpu.enqueue_indirect_dma source(%arg21 : memref<64x128xf32, #tpu.memory_space<vmem>>) target(%dma_start3A_117 : memref<10000x128xf32, #tpu.memory_space<vmem_shared>>) offsets(%arg13 : memref<64xi32, #tpu.memory_space<vmem>>) semaphore(%arg37 : memref<!tpu.dma_semaphore, #tpu.memory_space<semaphore_mem>>) {add = true}
    %dma_wait3A_118 = arith.constant 0 : i32
    %dma_wait3A_119 = arith.constant 0 : i32
    %dma_wait3A_120 = tpu.memref_slice %arg25[%dma_wait3A_118, %dma_wait3A_119] : memref<10000x128xf32, #tpu.memory_space<vmem_shared>> -> memref<10000x128xf32, #tpu.memory_space<vmem_shared>>
    tpu.wait_indirect_dma semaphore(%arg31 : memref<!tpu.dma_semaphore, #tpu.memory_space<semaphore_mem>>) src(%arg19 : memref<64x128xf32, #tpu.memory_space<vmem>>) dst(%dma_wait3A_120 : memref<10000x128xf32, #tpu.memory_space<vmem_shared>>)
    %add3A_121 = arith.constant 384 : i32
    %add3A_122 = arith.addi %mul3A_3, %add3A_121 : i32
    %dma_start3A_123 = tpu.memref_slice %arg3[%add3A_122] : memref<320000xi32, #tpu.memory_space<hbm>> -> memref<64xi32, #tpu.memory_space<hbm>>
    %dma_start3A_124 = tpu.memref_slice %arg3[%add3A_122] : memref<320000xi32, #tpu.memory_space<hbm>> -> memref<64xi32, #tpu.memory_space<hbm>>
    tpu.enqueue_dma source(%dma_start3A_124 : memref<64xi32, #tpu.memory_space<hbm>>) target(%arg8 : memref<64xi32, #tpu.memory_space<vmem>>) target_semaphore(%arg29 : memref<!tpu.dma_semaphore, #tpu.memory_space<semaphore_mem>>)
    %dma_start3A_125 = tpu.memref_slice %arg4[%add3A_122] : memref<320000xi32, #tpu.memory_space<hbm>> -> memref<64xi32, #tpu.memory_space<hbm>>
    %dma_start3A_126 = tpu.memref_slice %arg4[%add3A_122] : memref<320000xi32, #tpu.memory_space<hbm>> -> memref<64xi32, #tpu.memory_space<hbm>>
    tpu.enqueue_dma source(%dma_start3A_126 : memref<64xi32, #tpu.memory_space<hbm>>) target(%arg9 : memref<64xi32, #tpu.memory_space<vmem>>) target_semaphore(%arg30 : memref<!tpu.dma_semaphore, #tpu.memory_space<semaphore_mem>>)
    %dma_wait3A_127 = tpu.memref_slice %arg3[%mul3A_3] : memref<320000xi32, #tpu.memory_space<hbm>> -> memref<64xi32, #tpu.memory_space<hbm>>
    %dma_wait3A_128 = tpu.memref_slice %arg3[%mul3A_3] : memref<320000xi32, #tpu.memory_space<hbm>> -> memref<64xi32, #tpu.memory_space<hbm>>
    tpu.wait_dma2 semaphore(%arg29 : memref<!tpu.dma_semaphore, #tpu.memory_space<semaphore_mem>>) src(%dma_wait3A_128 : memref<64xi32, #tpu.memory_space<hbm>>) dst(%arg8 : memref<64xi32, #tpu.memory_space<vmem>>)
    %dma_wait3A_129 = tpu.memref_slice %arg4[%mul3A_3] : memref<320000xi32, #tpu.memory_space<hbm>> -> memref<64xi32, #tpu.memory_space<hbm>>
    %dma_wait3A_130 = tpu.memref_slice %arg4[%mul3A_3] : memref<320000xi32, #tpu.memory_space<hbm>> -> memref<64xi32, #tpu.memory_space<hbm>>
    tpu.wait_dma2 semaphore(%arg30 : memref<!tpu.dma_semaphore, #tpu.memory_space<semaphore_mem>>) src(%dma_wait3A_130 : memref<64xi32, #tpu.memory_space<hbm>>) dst(%arg9 : memref<64xi32, #tpu.memory_space<vmem>>)
    %dma_start3A_131 = arith.constant 0 : i32
    %dma_start3A_132 = arith.constant 0 : i32
    %dma_start3A_133 = tpu.memref_slice %arg2[%dma_start3A_131, %dma_start3A_132] : memref<10000x128xf32, #tpu.memory_space<hbm>> -> memref<10000x128xf32, #tpu.memory_space<hbm>>
    tpu.enqueue_indirect_dma source(%dma_start3A_133 : memref<10000x128xf32, #tpu.memory_space<hbm>>) target(%arg19 : memref<64x128xf32, #tpu.memory_space<vmem>>) offsets(%arg8 : memref<64xi32, #tpu.memory_space<vmem>>) semaphore(%arg31 : memref<!tpu.dma_semaphore, #tpu.memory_space<semaphore_mem>>)
    %dma_wait3A_134 = arith.constant 0 : i32
    %dma_wait3A_135 = arith.constant 0 : i32
    %dma_wait3A_136 = tpu.memref_slice %arg2[%dma_wait3A_134, %dma_wait3A_135] : memref<10000x128xf32, #tpu.memory_space<hbm>> -> memref<10000x128xf32, #tpu.memory_space<hbm>>
    tpu.wait_indirect_dma semaphore(%arg40 : memref<!tpu.dma_semaphore, #tpu.memory_space<semaphore_mem>>) src(%dma_wait3A_136 : memref<10000x128xf32, #tpu.memory_space<hbm>>) dst(%arg22 : memref<64x128xf32, #tpu.memory_space<vmem>>)
    %dma_start3A_137 = arith.constant 0 : i32
    %dma_start3A_138 = arith.constant 0 : i32
    %dma_start3A_139 = tpu.memref_slice %arg25[%dma_start3A_137, %dma_start3A_138] : memref<10000x128xf32, #tpu.memory_space<vmem_shared>> -> memref<10000x128xf32, #tpu.memory_space<vmem_shared>>
    tpu.enqueue_indirect_dma source(%arg22 : memref<64x128xf32, #tpu.memory_space<vmem>>) target(%dma_start3A_139 : memref<10000x128xf32, #tpu.memory_space<vmem_shared>>) offsets(%arg15 : memref<64xi32, #tpu.memory_space<vmem>>) semaphore(%arg40 : memref<!tpu.dma_semaphore, #tpu.memory_space<semaphore_mem>>) {add = true}
    %dma_wait3A_140 = arith.constant 0 : i32
    %dma_wait3A_141 = arith.constant 0 : i32
    %dma_wait3A_142 = tpu.memref_slice %arg25[%dma_wait3A_140, %dma_wait3A_141] : memref<10000x128xf32, #tpu.memory_space<vmem_shared>> -> memref<10000x128xf32, #tpu.memory_space<vmem_shared>>
    tpu.wait_indirect_dma semaphore(%arg34 : memref<!tpu.dma_semaphore, #tpu.memory_space<semaphore_mem>>) src(%arg20 : memref<64x128xf32, #tpu.memory_space<vmem>>) dst(%dma_wait3A_142 : memref<10000x128xf32, #tpu.memory_space<vmem_shared>>)
    %add3A_143 = arith.constant 448 : i32
    %add3A_144 = arith.addi %mul3A_3, %add3A_143 : i32
    %dma_start3A_145 = tpu.memref_slice %arg3[%add3A_144] : memref<320000xi32, #tpu.memory_space<hbm>> -> memref<64xi32, #tpu.memory_space<hbm>>
    %dma_start3A_146 = tpu.memref_slice %arg3[%add3A_144] : memref<320000xi32, #tpu.memory_space<hbm>> -> memref<64xi32, #tpu.memory_space<hbm>>
    tpu.enqueue_dma source(%dma_start3A_146 : memref<64xi32, #tpu.memory_space<hbm>>) target(%arg10 : memref<64xi32, #tpu.memory_space<vmem>>) target_semaphore(%arg32 : memref<!tpu.dma_semaphore, #tpu.memory_space<semaphore_mem>>)
    %dma_start3A_147 = tpu.memref_slice %arg4[%add3A_144] : memref<320000xi32, #tpu.memory_space<hbm>> -> memref<64xi32, #tpu.memory_space<hbm>>
    %dma_start3A_148 = tpu.memref_slice %arg4[%add3A_144] : memref<320000xi32, #tpu.memory_space<hbm>> -> memref<64xi32, #tpu.memory_space<hbm>>
    tpu.enqueue_dma source(%dma_start3A_148 : memref<64xi32, #tpu.memory_space<hbm>>) target(%arg11 : memref<64xi32, #tpu.memory_space<vmem>>) target_semaphore(%arg33 : memref<!tpu.dma_semaphore, #tpu.memory_space<semaphore_mem>>)
    %dma_wait3A_149 = tpu.memref_slice %arg3[%mul3A_3] : memref<320000xi32, #tpu.memory_space<hbm>> -> memref<64xi32, #tpu.memory_space<hbm>>
    %dma_wait3A_150 = tpu.memref_slice %arg3[%mul3A_3] : memref<320000xi32, #tpu.memory_space<hbm>> -> memref<64xi32, #tpu.memory_space<hbm>>
    tpu.wait_dma2 semaphore(%arg32 : memref<!tpu.dma_semaphore, #tpu.memory_space<semaphore_mem>>) src(%dma_wait3A_150 : memref<64xi32, #tpu.memory_space<hbm>>) dst(%arg10 : memref<64xi32, #tpu.memory_space<vmem>>)
    %dma_wait3A_151 = tpu.memref_slice %arg4[%mul3A_3] : memref<320000xi32, #tpu.memory_space<hbm>> -> memref<64xi32, #tpu.memory_space<hbm>>
    %dma_wait3A_152 = tpu.memref_slice %arg4[%mul3A_3] : memref<320000xi32, #tpu.memory_space<hbm>> -> memref<64xi32, #tpu.memory_space<hbm>>
    tpu.wait_dma2 semaphore(%arg33 : memref<!tpu.dma_semaphore, #tpu.memory_space<semaphore_mem>>) src(%dma_wait3A_152 : memref<64xi32, #tpu.memory_space<hbm>>) dst(%arg11 : memref<64xi32, #tpu.memory_space<vmem>>)
    %dma_start3A_153 = arith.constant 0 : i32
    %dma_start3A_154 = arith.constant 0 : i32
    %dma_start3A_155 = tpu.memref_slice %arg2[%dma_start3A_153, %dma_start3A_154] : memref<10000x128xf32, #tpu.memory_space<hbm>> -> memref<10000x128xf32, #tpu.memory_space<hbm>>
    tpu.enqueue_indirect_dma source(%dma_start3A_155 : memref<10000x128xf32, #tpu.memory_space<hbm>>) target(%arg20 : memref<64x128xf32, #tpu.memory_space<vmem>>) offsets(%arg10 : memref<64xi32, #tpu.memory_space<vmem>>) semaphore(%arg34 : memref<!tpu.dma_semaphore, #tpu.memory_space<semaphore_mem>>)
    %dma_wait3A_156 = arith.constant 0 : i32
    %dma_wait3A_157 = arith.constant 0 : i32
    %dma_wait3A_158 = tpu.memref_slice %arg2[%dma_wait3A_156, %dma_wait3A_157] : memref<10000x128xf32, #tpu.memory_space<hbm>> -> memref<10000x128xf32, #tpu.memory_space<hbm>>
    tpu.wait_indirect_dma semaphore(%arg28 : memref<!tpu.dma_semaphore, #tpu.memory_space<semaphore_mem>>) src(%dma_wait3A_158 : memref<10000x128xf32, #tpu.memory_space<hbm>>) dst(%arg18 : memref<64x128xf32, #tpu.memory_space<vmem>>)
    %dma_start3A_159 = arith.constant 0 : i32
    %dma_start3A_160 = arith.constant 0 : i32
    %dma_start3A_161 = tpu.memref_slice %arg25[%dma_start3A_159, %dma_start3A_160] : memref<10000x128xf32, #tpu.memory_space<vmem_shared>> -> memref<10000x128xf32, #tpu.memory_space<vmem_shared>>
    tpu.enqueue_indirect_dma source(%arg18 : memref<64x128xf32, #tpu.memory_space<vmem>>) target(%dma_start3A_161 : memref<10000x128xf32, #tpu.memory_space<vmem_shared>>) offsets(%arg7 : memref<64xi32, #tpu.memory_space<vmem>>) semaphore(%arg28 : memref<!tpu.dma_semaphore, #tpu.memory_space<semaphore_mem>>) {add = true}
    %dma_wait3A_162 = arith.constant 0 : i32
    %dma_wait3A_163 = arith.constant 0 : i32
    %dma_wait3A_164 = tpu.memref_slice %arg25[%dma_wait3A_162, %dma_wait3A_163] : memref<10000x128xf32, #tpu.memory_space<vmem_shared>> -> memref<10000x128xf32, #tpu.memory_space<vmem_shared>>
    tpu.wait_indirect_dma semaphore(%arg37 : memref<!tpu.dma_semaphore, #tpu.memory_space<semaphore_mem>>) src(%arg21 : memref<64x128xf32, #tpu.memory_space<vmem>>) dst(%dma_wait3A_164 : memref<10000x128xf32, #tpu.memory_space<vmem_shared>>)
    %add3A_165 = arith.constant 512 : i32
    %add3A_166 = arith.addi %mul3A_3, %add3A_165 : i32
    %dma_start3A_167 = tpu.memref_slice %arg3[%add3A_166] : memref<320000xi32, #tpu.memory_space<hbm>> -> memref<64xi32, #tpu.memory_space<hbm>>
    %dma_start3A_168 = tpu.memref_slice %arg3[%add3A_166] : memref<320000xi32, #tpu.memory_space<hbm>> -> memref<64xi32, #tpu.memory_space<hbm>>
    tpu.enqueue_dma source(%dma_start3A_168 : memref<64xi32, #tpu.memory_space<hbm>>) target(%arg12 : memref<64xi32, #tpu.memory_space<vmem>>) target_semaphore(%arg35 : memref<!tpu.dma_semaphore, #tpu.memory_space<semaphore_mem>>)
    %dma_start3A_169 = tpu.memref_slice %arg4[%add3A_166] : memref<320000xi32, #tpu.memory_space<hbm>> -> memref<64xi32, #tpu.memory_space<hbm>>
    %dma_start3A_170 = tpu.memref_slice %arg4[%add3A_166] : memref<320000xi32, #tpu.memory_space<hbm>> -> memref<64xi32, #tpu.memory_space<hbm>>
    tpu.enqueue_dma source(%dma_start3A_170 : memref<64xi32, #tpu.memory_space<hbm>>) target(%arg13 : memref<64xi32, #tpu.memory_space<vmem>>) target_semaphore(%arg36 : memref<!tpu.dma_semaphore, #tpu.memory_space<semaphore_mem>>)
    %dma_wait3A_171 = tpu.memref_slice %arg3[%mul3A_3] : memref<320000xi32, #tpu.memory_space<hbm>> -> memref<64xi32, #tpu.memory_space<hbm>>
    %dma_wait3A_172 = tpu.memref_slice %arg3[%mul3A_3] : memref<320000xi32, #tpu.memory_space<hbm>> -> memref<64xi32, #tpu.memory_space<hbm>>
    tpu.wait_dma2 semaphore(%arg35 : memref<!tpu.dma_semaphore, #tpu.memory_space<semaphore_mem>>) src(%dma_wait3A_172 : memref<64xi32, #tpu.memory_space<hbm>>) dst(%arg12 : memref<64xi32, #tpu.memory_space<vmem>>)
    %dma_wait3A_173 = tpu.memref_slice %arg4[%mul3A_3] : memref<320000xi32, #tpu.memory_space<hbm>> -> memref<64xi32, #tpu.memory_space<hbm>>
    %dma_wait3A_174 = tpu.memref_slice %arg4[%mul3A_3] : memref<320000xi32, #tpu.memory_space<hbm>> -> memref<64xi32, #tpu.memory_space<hbm>>
    tpu.wait_dma2 semaphore(%arg36 : memref<!tpu.dma_semaphore, #tpu.memory_space<semaphore_mem>>) src(%dma_wait3A_174 : memref<64xi32, #tpu.memory_space<hbm>>) dst(%arg13 : memref<64xi32, #tpu.memory_space<vmem>>)
    %dma_start3A_175 = arith.constant 0 : i32
    %dma_start3A_176 = arith.constant 0 : i32
    %dma_start3A_177 = tpu.memref_slice %arg2[%dma_start3A_175, %dma_start3A_176] : memref<10000x128xf32, #tpu.memory_space<hbm>> -> memref<10000x128xf32, #tpu.memory_space<hbm>>
    tpu.enqueue_indirect_dma source(%dma_start3A_177 : memref<10000x128xf32, #tpu.memory_space<hbm>>) target(%arg21 : memref<64x128xf32, #tpu.memory_space<vmem>>) offsets(%arg12 : memref<64xi32, #tpu.memory_space<vmem>>) semaphore(%arg37 : memref<!tpu.dma_semaphore, #tpu.memory_space<semaphore_mem>>)
    %scan3A_178 = arith.constant 0 : i32
    %scan3A_179 = arith.constant 30 : i32
    %scan3A_180 = arith.addi %scan3A_178, %scan3A_179 : i32
    %scan3A_181 = arith.constant 1 : i32
    scf.for %scan3A_201 = %scan3A_178 to %scan3A_180 step %scan3A_181  : i32 {
      %mul3A_202 = arith.constant 1 : i32
      %mul3A_203 = arith.muli %scan3A_201, %mul3A_202 : i32
      %add3A_204 = arith.constant 0 : i32
      %add3A_205 = arith.addi %add3A_204, %mul3A_203 : i32
      %mul3A_206 = arith.constant 5 : i32
      %mul3A_207 = arith.muli %mul3A_206, %add3A_205 : i32
      %add3A_208 = arith.constant 6 : i32
      %add3A_209 = arith.addi %mul3A_207, %add3A_208 : i32
      %add3A_210 = arith.constant 0 : i32
      %add3A_211 = arith.addi %add3A_209, %add3A_210 : i32
      %dma_wait3A_212 = arith.constant 0 : i32
      %dma_wait3A_213 = arith.constant 0 : i32
      %dma_wait3A_214 = tpu.memref_slice %arg2[%dma_wait3A_212, %dma_wait3A_213] : memref<10000x128xf32, #tpu.memory_space<hbm>> -> memref<10000x128xf32, #tpu.memory_space<hbm>>
      tpu.wait_indirect_dma semaphore(%arg31 : memref<!tpu.dma_semaphore, #tpu.memory_space<semaphore_mem>>) src(%dma_wait3A_214 : memref<10000x128xf32, #tpu.memory_space<hbm>>) dst(%arg19 : memref<64x128xf32, #tpu.memory_space<vmem>>)
      %dma_start3A_215 = arith.constant 0 : i32
      %dma_start3A_216 = arith.constant 0 : i32
      %dma_start3A_217 = tpu.memref_slice %arg25[%dma_start3A_215, %dma_start3A_216] : memref<10000x128xf32, #tpu.memory_space<vmem_shared>> -> memref<10000x128xf32, #tpu.memory_space<vmem_shared>>
      tpu.enqueue_indirect_dma source(%arg19 : memref<64x128xf32, #tpu.memory_space<vmem>>) target(%dma_start3A_217 : memref<10000x128xf32, #tpu.memory_space<vmem_shared>>) offsets(%arg9 : memref<64xi32, #tpu.memory_space<vmem>>) semaphore(%arg31 : memref<!tpu.dma_semaphore, #tpu.memory_space<semaphore_mem>>) {add = true}
      %dma_wait3A_218 = arith.constant 0 : i32
      %dma_wait3A_219 = arith.constant 0 : i32
      %dma_wait3A_220 = tpu.memref_slice %arg25[%dma_wait3A_218, %dma_wait3A_219] : memref<10000x128xf32, #tpu.memory_space<vmem_shared>> -> memref<10000x128xf32, #tpu.memory_space<vmem_shared>>
      tpu.wait_indirect_dma semaphore(%arg40 : memref<!tpu.dma_semaphore, #tpu.memory_space<semaphore_mem>>) src(%arg22 : memref<64x128xf32, #tpu.memory_space<vmem>>) dst(%dma_wait3A_220 : memref<10000x128xf32, #tpu.memory_space<vmem_shared>>)
      %add3A_221 = arith.constant 3 : i32
      %add3A_222 = arith.addi %add3A_211, %add3A_221 : i32
      %mul3A_223 = arith.constant 64 : i32
      %mul3A_224 = arith.muli %add3A_222, %mul3A_223 : i32
      %add3A_225 = arith.addi %mul3A_3, %mul3A_224 : i32
      %dma_start3A_226 = tpu.memref_slice %arg3[%add3A_225] : memref<320000xi32, #tpu.memory_space<hbm>> -> memref<64xi32, #tpu.memory_space<hbm>>
      %dma_start3A_227 = tpu.memref_slice %arg3[%add3A_225] : memref<320000xi32, #tpu.memory_space<hbm>> -> memref<64xi32, #tpu.memory_space<hbm>>
      tpu.enqueue_dma source(%dma_start3A_227 : memref<64xi32, #tpu.memory_space<hbm>>) target(%arg14 : memref<64xi32, #tpu.memory_space<vmem>>) target_semaphore(%arg38 : memref<!tpu.dma_semaphore, #tpu.memory_space<semaphore_mem>>)
      %dma_start3A_228 = tpu.memref_slice %arg4[%add3A_225] : memref<320000xi32, #tpu.memory_space<hbm>> -> memref<64xi32, #tpu.memory_space<hbm>>
      %dma_start3A_229 = tpu.memref_slice %arg4[%add3A_225] : memref<320000xi32, #tpu.memory_space<hbm>> -> memref<64xi32, #tpu.memory_space<hbm>>
      tpu.enqueue_dma source(%dma_start3A_229 : memref<64xi32, #tpu.memory_space<hbm>>) target(%arg15 : memref<64xi32, #tpu.memory_space<vmem>>) target_semaphore(%arg39 : memref<!tpu.dma_semaphore, #tpu.memory_space<semaphore_mem>>)
      %dma_wait3A_230 = tpu.memref_slice %arg3[%mul3A_3] : memref<320000xi32, #tpu.memory_space<hbm>> -> memref<64xi32, #tpu.memory_space<hbm>>
      %dma_wait3A_231 = tpu.memref_slice %arg3[%mul3A_3] : memref<320000xi32, #tpu.memory_space<hbm>> -> memref<64xi32, #tpu.memory_space<hbm>>
      tpu.wait_dma2 semaphore(%arg38 : memref<!tpu.dma_semaphore, #tpu.memory_space<semaphore_mem>>) src(%dma_wait3A_231 : memref<64xi32, #tpu.memory_space<hbm>>) dst(%arg14 : memref<64xi32, #tpu.memory_space<vmem>>)
      %dma_wait3A_232 = tpu.memref_slice %arg4[%mul3A_3] : memref<320000xi32, #tpu.memory_space<hbm>> -> memref<64xi32, #tpu.memory_space<hbm>>
      %dma_wait3A_233 = tpu.memref_slice %arg4[%mul3A_3] : memref<320000xi32, #tpu.memory_space<hbm>> -> memref<64xi32, #tpu.memory_space<hbm>>
      tpu.wait_dma2 semaphore(%arg39 : memref<!tpu.dma_semaphore, #tpu.memory_space<semaphore_mem>>) src(%dma_wait3A_233 : memref<64xi32, #tpu.memory_space<hbm>>) dst(%arg15 : memref<64xi32, #tpu.memory_space<vmem>>)
      %dma_start3A_234 = arith.constant 0 : i32
      %dma_start3A_235 = arith.constant 0 : i32
      %dma_start3A_236 = tpu.memref_slice %arg2[%dma_start3A_234, %dma_start3A_235] : memref<10000x128xf32, #tpu.memory_space<hbm>> -> memref<10000x128xf32, #tpu.memory_space<hbm>>
      tpu.enqueue_indirect_dma source(%dma_start3A_236 : memref<10000x128xf32, #tpu.memory_space<hbm>>) target(%arg22 : memref<64x128xf32, #tpu.memory_space<vmem>>) offsets(%arg14 : memref<64xi32, #tpu.memory_space<vmem>>) semaphore(%arg40 : memref<!tpu.dma_semaphore, #tpu.memory_space<semaphore_mem>>)
      %mul3A_237 = arith.constant 5 : i32
      %mul3A_238 = arith.muli %mul3A_237, %add3A_205 : i32
      %add3A_239 = arith.constant 6 : i32
      %add3A_240 = arith.addi %mul3A_238, %add3A_239 : i32
      %add3A_241 = arith.constant 1 : i32
      %add3A_242 = arith.addi %add3A_240, %add3A_241 : i32
      %dma_wait3A_243 = arith.constant 0 : i32
      %dma_wait3A_244 = arith.constant 0 : i32
      %dma_wait3A_245 = tpu.memref_slice %arg2[%dma_wait3A_243, %dma_wait3A_244] : memref<10000x128xf32, #tpu.memory_space<hbm>> -> memref<10000x128xf32, #tpu.memory_space<hbm>>
      tpu.wait_indirect_dma semaphore(%arg34 : memref<!tpu.dma_semaphore, #tpu.memory_space<semaphore_mem>>) src(%dma_wait3A_245 : memref<10000x128xf32, #tpu.memory_space<hbm>>) dst(%arg20 : memref<64x128xf32, #tpu.memory_space<vmem>>)
      %dma_start3A_246 = arith.constant 0 : i32
      %dma_start3A_247 = arith.constant 0 : i32
      %dma_start3A_248 = tpu.memref_slice %arg25[%dma_start3A_246, %dma_start3A_247] : memref<10000x128xf32, #tpu.memory_space<vmem_shared>> -> memref<10000x128xf32, #tpu.memory_space<vmem_shared>>
      tpu.enqueue_indirect_dma source(%arg20 : memref<64x128xf32, #tpu.memory_space<vmem>>) target(%dma_start3A_248 : memref<10000x128xf32, #tpu.memory_space<vmem_shared>>) offsets(%arg11 : memref<64xi32, #tpu.memory_space<vmem>>) semaphore(%arg34 : memref<!tpu.dma_semaphore, #tpu.memory_space<semaphore_mem>>) {add = true}
      %dma_wait3A_249 = arith.constant 0 : i32
      %dma_wait3A_250 = arith.constant 0 : i32
      %dma_wait3A_251 = tpu.memref_slice %arg25[%dma_wait3A_249, %dma_wait3A_250] : memref<10000x128xf32, #tpu.memory_space<vmem_shared>> -> memref<10000x128xf32, #tpu.memory_space<vmem_shared>>
      tpu.wait_indirect_dma semaphore(%arg28 : memref<!tpu.dma_semaphore, #tpu.memory_space<semaphore_mem>>) src(%arg18 : memref<64x128xf32, #tpu.memory_space<vmem>>) dst(%dma_wait3A_251 : memref<10000x128xf32, #tpu.memory_space<vmem_shared>>)
      %add3A_252 = arith.constant 3 : i32
      %add3A_253 = arith.addi %add3A_242, %add3A_252 : i32
      %mul3A_254 = arith.constant 64 : i32
      %mul3A_255 = arith.muli %add3A_253, %mul3A_254 : i32
      %add3A_256 = arith.addi %mul3A_3, %mul3A_255 : i32
      %dma_start3A_257 = tpu.memref_slice %arg3[%add3A_256] : memref<320000xi32, #tpu.memory_space<hbm>> -> memref<64xi32, #tpu.memory_space<hbm>>
      %dma_start3A_258 = tpu.memref_slice %arg3[%add3A_256] : memref<320000xi32, #tpu.memory_space<hbm>> -> memref<64xi32, #tpu.memory_space<hbm>>
      tpu.enqueue_dma source(%dma_start3A_258 : memref<64xi32, #tpu.memory_space<hbm>>) target(%arg6 : memref<64xi32, #tpu.memory_space<vmem>>) target_semaphore(%arg26 : memref<!tpu.dma_semaphore, #tpu.memory_space<semaphore_mem>>)
      %dma_start3A_259 = tpu.memref_slice %arg4[%add3A_256] : memref<320000xi32, #tpu.memory_space<hbm>> -> memref<64xi32, #tpu.memory_space<hbm>>
      %dma_start3A_260 = tpu.memref_slice %arg4[%add3A_256] : memref<320000xi32, #tpu.memory_space<hbm>> -> memref<64xi32, #tpu.memory_space<hbm>>
      tpu.enqueue_dma source(%dma_start3A_260 : memref<64xi32, #tpu.memory_space<hbm>>) target(%arg7 : memref<64xi32, #tpu.memory_space<vmem>>) target_semaphore(%arg27 : memref<!tpu.dma_semaphore, #tpu.memory_space<semaphore_mem>>)
      %dma_wait3A_261 = tpu.memref_slice %arg3[%mul3A_3] : memref<320000xi32, #tpu.memory_space<hbm>> -> memref<64xi32, #tpu.memory_space<hbm>>
      %dma_wait3A_262 = tpu.memref_slice %arg3[%mul3A_3] : memref<320000xi32, #tpu.memory_space<hbm>> -> memref<64xi32, #tpu.memory_space<hbm>>
      tpu.wait_dma2 semaphore(%arg26 : memref<!tpu.dma_semaphore, #tpu.memory_space<semaphore_mem>>) src(%dma_wait3A_262 : memref<64xi32, #tpu.memory_space<hbm>>) dst(%arg6 : memref<64xi32, #tpu.memory_space<vmem>>)
      %dma_wait3A_263 = tpu.memref_slice %arg4[%mul3A_3] : memref<320000xi32, #tpu.memory_space<hbm>> -> memref<64xi32, #tpu.memory_space<hbm>>
      %dma_wait3A_264 = tpu.memref_slice %arg4[%mul3A_3] : memref<320000xi32, #tpu.memory_space<hbm>> -> memref<64xi32, #tpu.memory_space<hbm>>
      tpu.wait_dma2 semaphore(%arg27 : memref<!tpu.dma_semaphore, #tpu.memory_space<semaphore_mem>>) src(%dma_wait3A_264 : memref<64xi32, #tpu.memory_space<hbm>>) dst(%arg7 : memref<64xi32, #tpu.memory_space<vmem>>)
      %dma_start3A_265 = arith.constant 0 : i32
      %dma_start3A_266 = arith.constant 0 : i32
      %dma_start3A_267 = tpu.memref_slice %arg2[%dma_start3A_265, %dma_start3A_266] : memref<10000x128xf32, #tpu.memory_space<hbm>> -> memref<10000x128xf32, #tpu.memory_space<hbm>>
      tpu.enqueue_indirect_dma source(%dma_start3A_267 : memref<10000x128xf32, #tpu.memory_space<hbm>>) target(%arg18 : memref<64x128xf32, #tpu.memory_space<vmem>>) offsets(%arg6 : memref<64xi32, #tpu.memory_space<vmem>>) semaphore(%arg28 : memref<!tpu.dma_semaphore, #tpu.memory_space<semaphore_mem>>)
      %mul3A_268 = arith.constant 5 : i32
      %mul3A_269 = arith.muli %mul3A_268, %add3A_205 : i32
      %add3A_270 = arith.constant 6 : i32
      %add3A_271 = arith.addi %mul3A_269, %add3A_270 : i32
      %add3A_272 = arith.constant 2 : i32
      %add3A_273 = arith.addi %add3A_271, %add3A_272 : i32
      %lt3A = arith.constant 29 : i32
      %lt3A_274 = arith.cmpi slt, %add3A_205, %lt3A : i32
      %convert_element_type3A_275 = arith.extui %lt3A_274 : i1 to i32
      %cond3A_276 = arith.constant 0 : i32
      %cond3A_277 = arith.cmpi ne, %convert_element_type3A_275, %cond3A_276 : i32
      scf.if %cond3A_277 {
        %dma_wait3A_315 = arith.constant 0 : i32
        %dma_wait3A_316 = arith.constant 0 : i32
        %dma_wait3A_317 = tpu.memref_slice %arg2[%dma_wait3A_315, %dma_wait3A_316] : memref<10000x128xf32, #tpu.memory_space<hbm>> -> memref<10000x128xf32, #tpu.memory_space<hbm>>
        tpu.wait_indirect_dma semaphore(%arg37 : memref<!tpu.dma_semaphore, #tpu.memory_space<semaphore_mem>>) src(%dma_wait3A_317 : memref<10000x128xf32, #tpu.memory_space<hbm>>) dst(%arg21 : memref<64x128xf32, #tpu.memory_space<vmem>>)
        %dma_start3A_318 = arith.constant 0 : i32
        %dma_start3A_319 = arith.constant 0 : i32
        %dma_start3A_320 = tpu.memref_slice %arg25[%dma_start3A_318, %dma_start3A_319] : memref<10000x128xf32, #tpu.memory_space<vmem_shared>> -> memref<10000x128xf32, #tpu.memory_space<vmem_shared>>
        tpu.enqueue_indirect_dma source(%arg21 : memref<64x128xf32, #tpu.memory_space<vmem>>) target(%dma_start3A_320 : memref<10000x128xf32, #tpu.memory_space<vmem_shared>>) offsets(%arg13 : memref<64xi32, #tpu.memory_space<vmem>>) semaphore(%arg37 : memref<!tpu.dma_semaphore, #tpu.memory_space<semaphore_mem>>) {add = true}
        %dma_wait3A_321 = arith.constant 0 : i32
        %dma_wait3A_322 = arith.constant 0 : i32
        %dma_wait3A_323 = tpu.memref_slice %arg25[%dma_wait3A_321, %dma_wait3A_322] : memref<10000x128xf32, #tpu.memory_space<vmem_shared>> -> memref<10000x128xf32, #tpu.memory_space<vmem_shared>>
        tpu.wait_indirect_dma semaphore(%arg31 : memref<!tpu.dma_semaphore, #tpu.memory_space<semaphore_mem>>) src(%arg19 : memref<64x128xf32, #tpu.memory_space<vmem>>) dst(%dma_wait3A_323 : memref<10000x128xf32, #tpu.memory_space<vmem_shared>>)
        %add3A_324 = arith.constant 3 : i32
        %add3A_325 = arith.addi %add3A_273, %add3A_324 : i32
        %mul3A_326 = arith.constant 64 : i32
        %mul3A_327 = arith.muli %add3A_325, %mul3A_326 : i32
        %add3A_328 = arith.addi %mul3A_3, %mul3A_327 : i32
        %dma_start3A_329 = tpu.memref_slice %arg3[%add3A_328] : memref<320000xi32, #tpu.memory_space<hbm>> -> memref<64xi32, #tpu.memory_space<hbm>>
        %dma_start3A_330 = tpu.memref_slice %arg3[%add3A_328] : memref<320000xi32, #tpu.memory_space<hbm>> -> memref<64xi32, #tpu.memory_space<hbm>>
        tpu.enqueue_dma source(%dma_start3A_330 : memref<64xi32, #tpu.memory_space<hbm>>) target(%arg8 : memref<64xi32, #tpu.memory_space<vmem>>) target_semaphore(%arg29 : memref<!tpu.dma_semaphore, #tpu.memory_space<semaphore_mem>>)
        %dma_start3A_331 = tpu.memref_slice %arg4[%add3A_328] : memref<320000xi32, #tpu.memory_space<hbm>> -> memref<64xi32, #tpu.memory_space<hbm>>
        %dma_start3A_332 = tpu.memref_slice %arg4[%add3A_328] : memref<320000xi32, #tpu.memory_space<hbm>> -> memref<64xi32, #tpu.memory_space<hbm>>
        tpu.enqueue_dma source(%dma_start3A_332 : memref<64xi32, #tpu.memory_space<hbm>>) target(%arg9 : memref<64xi32, #tpu.memory_space<vmem>>) target_semaphore(%arg30 : memref<!tpu.dma_semaphore, #tpu.memory_space<semaphore_mem>>)
        %dma_wait3A_333 = tpu.memref_slice %arg3[%mul3A_3] : memref<320000xi32, #tpu.memory_space<hbm>> -> memref<64xi32, #tpu.memory_space<hbm>>
        %dma_wait3A_334 = tpu.memref_slice %arg3[%mul3A_3] : memref<320000xi32, #tpu.memory_space<hbm>> -> memref<64xi32, #tpu.memory_space<hbm>>
        tpu.wait_dma2 semaphore(%arg29 : memref<!tpu.dma_semaphore, #tpu.memory_space<semaphore_mem>>) src(%dma_wait3A_334 : memref<64xi32, #tpu.memory_space<hbm>>) dst(%arg8 : memref<64xi32, #tpu.memory_space<vmem>>)
        %dma_wait3A_335 = tpu.memref_slice %arg4[%mul3A_3] : memref<320000xi32, #tpu.memory_space<hbm>> -> memref<64xi32, #tpu.memory_space<hbm>>
        %dma_wait3A_336 = tpu.memref_slice %arg4[%mul3A_3] : memref<320000xi32, #tpu.memory_space<hbm>> -> memref<64xi32, #tpu.memory_space<hbm>>
        tpu.wait_dma2 semaphore(%arg30 : memref<!tpu.dma_semaphore, #tpu.memory_space<semaphore_mem>>) src(%dma_wait3A_336 : memref<64xi32, #tpu.memory_space<hbm>>) dst(%arg9 : memref<64xi32, #tpu.memory_space<vmem>>)
        %dma_start3A_337 = arith.constant 0 : i32
        %dma_start3A_338 = arith.constant 0 : i32
        %dma_start3A_339 = tpu.memref_slice %arg2[%dma_start3A_337, %dma_start3A_338] : memref<10000x128xf32, #tpu.memory_space<hbm>> -> memref<10000x128xf32, #tpu.memory_space<hbm>>
        tpu.enqueue_indirect_dma source(%dma_start3A_339 : memref<10000x128xf32, #tpu.memory_space<hbm>>) target(%arg19 : memref<64x128xf32, #tpu.memory_space<vmem>>) offsets(%arg8 : memref<64xi32, #tpu.memory_space<vmem>>) semaphore(%arg31 : memref<!tpu.dma_semaphore, #tpu.memory_space<semaphore_mem>>)
      } else {
      }
      %eq3A_278 = arith.constant 29 : i32
      %eq3A_279 = arith.cmpi eq, %add3A_205, %eq3A_278 : i32
      %convert_element_type3A_280 = arith.extui %eq3A_279 : i1 to i32
      %cond3A_281 = arith.constant 0 : i32
      %cond3A_282 = arith.cmpi ne, %convert_element_type3A_280, %cond3A_281 : i32
      scf.if %cond3A_282 {
        %dma_wait3A_315 = arith.constant 0 : i32
        %dma_wait3A_316 = arith.constant 0 : i32
        %dma_wait3A_317 = tpu.memref_slice %arg2[%dma_wait3A_315, %dma_wait3A_316] : memref<10000x128xf32, #tpu.memory_space<hbm>> -> memref<10000x128xf32, #tpu.memory_space<hbm>>
        tpu.wait_indirect_dma semaphore(%arg37 : memref<!tpu.dma_semaphore, #tpu.memory_space<semaphore_mem>>) src(%dma_wait3A_317 : memref<10000x128xf32, #tpu.memory_space<hbm>>) dst(%arg21 : memref<64x128xf32, #tpu.memory_space<vmem>>)
        %dma_start3A_318 = arith.constant 0 : i32
        %dma_start3A_319 = arith.constant 0 : i32
        %dma_start3A_320 = tpu.memref_slice %arg25[%dma_start3A_318, %dma_start3A_319] : memref<10000x128xf32, #tpu.memory_space<vmem_shared>> -> memref<10000x128xf32, #tpu.memory_space<vmem_shared>>
        tpu.enqueue_indirect_dma source(%arg21 : memref<64x128xf32, #tpu.memory_space<vmem>>) target(%dma_start3A_320 : memref<10000x128xf32, #tpu.memory_space<vmem_shared>>) offsets(%arg13 : memref<64xi32, #tpu.memory_space<vmem>>) semaphore(%arg37 : memref<!tpu.dma_semaphore, #tpu.memory_space<semaphore_mem>>) {add = true}
        %dma_wait3A_321 = arith.constant 0 : i32
        %dma_wait3A_322 = arith.constant 0 : i32
        %dma_wait3A_323 = tpu.memref_slice %arg25[%dma_wait3A_321, %dma_wait3A_322] : memref<10000x128xf32, #tpu.memory_space<vmem_shared>> -> memref<10000x128xf32, #tpu.memory_space<vmem_shared>>
        tpu.wait_indirect_dma semaphore(%arg31 : memref<!tpu.dma_semaphore, #tpu.memory_space<semaphore_mem>>) src(%arg19 : memref<64x128xf32, #tpu.memory_space<vmem>>) dst(%dma_wait3A_323 : memref<10000x128xf32, #tpu.memory_space<vmem_shared>>)
      } else {
      }
      %mul3A_283 = arith.constant 5 : i32
      %mul3A_284 = arith.muli %mul3A_283, %add3A_205 : i32
      %add3A_285 = arith.constant 6 : i32
      %add3A_286 = arith.addi %mul3A_284, %add3A_285 : i32
      %add3A_287 = arith.constant 3 : i32
      %add3A_288 = arith.addi %add3A_286, %add3A_287 : i32
      %lt3A_289 = arith.constant 29 : i32
      %lt3A_290 = arith.cmpi slt, %add3A_205, %lt3A_289 : i32
      %convert_element_type3A_291 = arith.extui %lt3A_290 : i1 to i32
      %cond3A_292 = arith.constant 0 : i32
      %cond3A_293 = arith.cmpi ne, %convert_element_type3A_291, %cond3A_292 : i32
      scf.if %cond3A_293 {
        %dma_wait3A_315 = arith.constant 0 : i32
        %dma_wait3A_316 = arith.constant 0 : i32
        %dma_wait3A_317 = tpu.memref_slice %arg2[%dma_wait3A_315, %dma_wait3A_316] : memref<10000x128xf32, #tpu.memory_space<hbm>> -> memref<10000x128xf32, #tpu.memory_space<hbm>>
        tpu.wait_indirect_dma semaphore(%arg40 : memref<!tpu.dma_semaphore, #tpu.memory_space<semaphore_mem>>) src(%dma_wait3A_317 : memref<10000x128xf32, #tpu.memory_space<hbm>>) dst(%arg22 : memref<64x128xf32, #tpu.memory_space<vmem>>)
        %dma_start3A_318 = arith.constant 0 : i32
        %dma_start3A_319 = arith.constant 0 : i32
        %dma_start3A_320 = tpu.memref_slice %arg25[%dma_start3A_318, %dma_start3A_319] : memref<10000x128xf32, #tpu.memory_space<vmem_shared>> -> memref<10000x128xf32, #tpu.memory_space<vmem_shared>>
        tpu.enqueue_indirect_dma source(%arg22 : memref<64x128xf32, #tpu.memory_space<vmem>>) target(%dma_start3A_320 : memref<10000x128xf32, #tpu.memory_space<vmem_shared>>) offsets(%arg15 : memref<64xi32, #tpu.memory_space<vmem>>) semaphore(%arg40 : memref<!tpu.dma_semaphore, #tpu.memory_space<semaphore_mem>>) {add = true}
        %dma_wait3A_321 = arith.constant 0 : i32
        %dma_wait3A_322 = arith.constant 0 : i32
        %dma_wait3A_323 = tpu.memref_slice %arg25[%dma_wait3A_321, %dma_wait3A_322] : memref<10000x128xf32, #tpu.memory_space<vmem_shared>> -> memref<10000x128xf32, #tpu.memory_space<vmem_shared>>
        tpu.wait_indirect_dma semaphore(%arg34 : memref<!tpu.dma_semaphore, #tpu.memory_space<semaphore_mem>>) src(%arg20 : memref<64x128xf32, #tpu.memory_space<vmem>>) dst(%dma_wait3A_323 : memref<10000x128xf32, #tpu.memory_space<vmem_shared>>)
        %add3A_324 = arith.constant 3 : i32
        %add3A_325 = arith.addi %add3A_288, %add3A_324 : i32
        %mul3A_326 = arith.constant 64 : i32
        %mul3A_327 = arith.muli %add3A_325, %mul3A_326 : i32
        %add3A_328 = arith.addi %mul3A_3, %mul3A_327 : i32
        %dma_start3A_329 = tpu.memref_slice %arg3[%add3A_328] : memref<320000xi32, #tpu.memory_space<hbm>> -> memref<64xi32, #tpu.memory_space<hbm>>
        %dma_start3A_330 = tpu.memref_slice %arg3[%add3A_328] : memref<320000xi32, #tpu.memory_space<hbm>> -> memref<64xi32, #tpu.memory_space<hbm>>
        tpu.enqueue_dma source(%dma_start3A_330 : memref<64xi32, #tpu.memory_space<hbm>>) target(%arg10 : memref<64xi32, #tpu.memory_space<vmem>>) target_semaphore(%arg32 : memref<!tpu.dma_semaphore, #tpu.memory_space<semaphore_mem>>)
        %dma_start3A_331 = tpu.memref_slice %arg4[%add3A_328] : memref<320000xi32, #tpu.memory_space<hbm>> -> memref<64xi32, #tpu.memory_space<hbm>>
        %dma_start3A_332 = tpu.memref_slice %arg4[%add3A_328] : memref<320000xi32, #tpu.memory_space<hbm>> -> memref<64xi32, #tpu.memory_space<hbm>>
        tpu.enqueue_dma source(%dma_start3A_332 : memref<64xi32, #tpu.memory_space<hbm>>) target(%arg11 : memref<64xi32, #tpu.memory_space<vmem>>) target_semaphore(%arg33 : memref<!tpu.dma_semaphore, #tpu.memory_space<semaphore_mem>>)
        %dma_wait3A_333 = tpu.memref_slice %arg3[%mul3A_3] : memref<320000xi32, #tpu.memory_space<hbm>> -> memref<64xi32, #tpu.memory_space<hbm>>
        %dma_wait3A_334 = tpu.memref_slice %arg3[%mul3A_3] : memref<320000xi32, #tpu.memory_space<hbm>> -> memref<64xi32, #tpu.memory_space<hbm>>
        tpu.wait_dma2 semaphore(%arg32 : memref<!tpu.dma_semaphore, #tpu.memory_space<semaphore_mem>>) src(%dma_wait3A_334 : memref<64xi32, #tpu.memory_space<hbm>>) dst(%arg10 : memref<64xi32, #tpu.memory_space<vmem>>)
        %dma_wait3A_335 = tpu.memref_slice %arg4[%mul3A_3] : memref<320000xi32, #tpu.memory_space<hbm>> -> memref<64xi32, #tpu.memory_space<hbm>>
        %dma_wait3A_336 = tpu.memref_slice %arg4[%mul3A_3] : memref<320000xi32, #tpu.memory_space<hbm>> -> memref<64xi32, #tpu.memory_space<hbm>>
        tpu.wait_dma2 semaphore(%arg33 : memref<!tpu.dma_semaphore, #tpu.memory_space<semaphore_mem>>) src(%dma_wait3A_336 : memref<64xi32, #tpu.memory_space<hbm>>) dst(%arg11 : memref<64xi32, #tpu.memory_space<vmem>>)
        %dma_start3A_337 = arith.constant 0 : i32
        %dma_start3A_338 = arith.constant 0 : i32
        %dma_start3A_339 = tpu.memref_slice %arg2[%dma_start3A_337, %dma_start3A_338] : memref<10000x128xf32, #tpu.memory_space<hbm>> -> memref<10000x128xf32, #tpu.memory_space<hbm>>
        tpu.enqueue_indirect_dma source(%dma_start3A_339 : memref<10000x128xf32, #tpu.memory_space<hbm>>) target(%arg20 : memref<64x128xf32, #tpu.memory_space<vmem>>) offsets(%arg10 : memref<64xi32, #tpu.memory_space<vmem>>) semaphore(%arg34 : memref<!tpu.dma_semaphore, #tpu.memory_space<semaphore_mem>>)
      } else {
      }
      %eq3A_294 = arith.constant 29 : i32
      %eq3A_295 = arith.cmpi eq, %add3A_205, %eq3A_294 : i32
      %convert_element_type3A_296 = arith.extui %eq3A_295 : i1 to i32
      %cond3A_297 = arith.constant 0 : i32
      %cond3A_298 = arith.cmpi ne, %convert_element_type3A_296, %cond3A_297 : i32
      scf.if %cond3A_298 {
        %dma_wait3A_315 = arith.constant 0 : i32
        %dma_wait3A_316 = arith.constant 0 : i32
        %dma_wait3A_317 = tpu.memref_slice %arg2[%dma_wait3A_315, %dma_wait3A_316] : memref<10000x128xf32, #tpu.memory_space<hbm>> -> memref<10000x128xf32, #tpu.memory_space<hbm>>
        tpu.wait_indirect_dma semaphore(%arg40 : memref<!tpu.dma_semaphore, #tpu.memory_space<semaphore_mem>>) src(%dma_wait3A_317 : memref<10000x128xf32, #tpu.memory_space<hbm>>) dst(%arg22 : memref<64x128xf32, #tpu.memory_space<vmem>>)
        %dma_start3A_318 = arith.constant 0 : i32
        %dma_start3A_319 = arith.constant 0 : i32
        %dma_start3A_320 = tpu.memref_slice %arg25[%dma_start3A_318, %dma_start3A_319] : memref<10000x128xf32, #tpu.memory_space<vmem_shared>> -> memref<10000x128xf32, #tpu.memory_space<vmem_shared>>
        tpu.enqueue_indirect_dma source(%arg22 : memref<64x128xf32, #tpu.memory_space<vmem>>) target(%dma_start3A_320 : memref<10000x128xf32, #tpu.memory_space<vmem_shared>>) offsets(%arg15 : memref<64xi32, #tpu.memory_space<vmem>>) semaphore(%arg40 : memref<!tpu.dma_semaphore, #tpu.memory_space<semaphore_mem>>) {add = true}
        %dma_wait3A_321 = arith.constant 0 : i32
        %dma_wait3A_322 = arith.constant 0 : i32
        %dma_wait3A_323 = tpu.memref_slice %arg25[%dma_wait3A_321, %dma_wait3A_322] : memref<10000x128xf32, #tpu.memory_space<vmem_shared>> -> memref<10000x128xf32, #tpu.memory_space<vmem_shared>>
        tpu.wait_indirect_dma semaphore(%arg34 : memref<!tpu.dma_semaphore, #tpu.memory_space<semaphore_mem>>) src(%arg20 : memref<64x128xf32, #tpu.memory_space<vmem>>) dst(%dma_wait3A_323 : memref<10000x128xf32, #tpu.memory_space<vmem_shared>>)
      } else {
      }
      %mul3A_299 = arith.constant 5 : i32
      %mul3A_300 = arith.muli %mul3A_299, %add3A_205 : i32
      %add3A_301 = arith.constant 6 : i32
      %add3A_302 = arith.addi %mul3A_300, %add3A_301 : i32
      %add3A_303 = arith.constant 4 : i32
      %add3A_304 = arith.addi %add3A_302, %add3A_303 : i32
      %lt3A_305 = arith.constant 29 : i32
      %lt3A_306 = arith.cmpi slt, %add3A_205, %lt3A_305 : i32
      %convert_element_type3A_307 = arith.extui %lt3A_306 : i1 to i32
      %cond3A_308 = arith.constant 0 : i32
      %cond3A_309 = arith.cmpi ne, %convert_element_type3A_307, %cond3A_308 : i32
      scf.if %cond3A_309 {
        %dma_wait3A_315 = arith.constant 0 : i32
        %dma_wait3A_316 = arith.constant 0 : i32
        %dma_wait3A_317 = tpu.memref_slice %arg2[%dma_wait3A_315, %dma_wait3A_316] : memref<10000x128xf32, #tpu.memory_space<hbm>> -> memref<10000x128xf32, #tpu.memory_space<hbm>>
        tpu.wait_indirect_dma semaphore(%arg28 : memref<!tpu.dma_semaphore, #tpu.memory_space<semaphore_mem>>) src(%dma_wait3A_317 : memref<10000x128xf32, #tpu.memory_space<hbm>>) dst(%arg18 : memref<64x128xf32, #tpu.memory_space<vmem>>)
        %dma_start3A_318 = arith.constant 0 : i32
        %dma_start3A_319 = arith.constant 0 : i32
        %dma_start3A_320 = tpu.memref_slice %arg25[%dma_start3A_318, %dma_start3A_319] : memref<10000x128xf32, #tpu.memory_space<vmem_shared>> -> memref<10000x128xf32, #tpu.memory_space<vmem_shared>>
        tpu.enqueue_indirect_dma source(%arg18 : memref<64x128xf32, #tpu.memory_space<vmem>>) target(%dma_start3A_320 : memref<10000x128xf32, #tpu.memory_space<vmem_shared>>) offsets(%arg7 : memref<64xi32, #tpu.memory_space<vmem>>) semaphore(%arg28 : memref<!tpu.dma_semaphore, #tpu.memory_space<semaphore_mem>>) {add = true}
        %dma_wait3A_321 = arith.constant 0 : i32
        %dma_wait3A_322 = arith.constant 0 : i32
        %dma_wait3A_323 = tpu.memref_slice %arg25[%dma_wait3A_321, %dma_wait3A_322] : memref<10000x128xf32, #tpu.memory_space<vmem_shared>> -> memref<10000x128xf32, #tpu.memory_space<vmem_shared>>
        tpu.wait_indirect_dma semaphore(%arg37 : memref<!tpu.dma_semaphore, #tpu.memory_space<semaphore_mem>>) src(%arg21 : memref<64x128xf32, #tpu.memory_space<vmem>>) dst(%dma_wait3A_323 : memref<10000x128xf32, #tpu.memory_space<vmem_shared>>)
        %add3A_324 = arith.constant 3 : i32
        %add3A_325 = arith.addi %add3A_304, %add3A_324 : i32
        %mul3A_326 = arith.constant 64 : i32
        %mul3A_327 = arith.muli %add3A_325, %mul3A_326 : i32
        %add3A_328 = arith.addi %mul3A_3, %mul3A_327 : i32
        %dma_start3A_329 = tpu.memref_slice %arg3[%add3A_328] : memref<320000xi32, #tpu.memory_space<hbm>> -> memref<64xi32, #tpu.memory_space<hbm>>
        %dma_start3A_330 = tpu.memref_slice %arg3[%add3A_328] : memref<320000xi32, #tpu.memory_space<hbm>> -> memref<64xi32, #tpu.memory_space<hbm>>
        tpu.enqueue_dma source(%dma_start3A_330 : memref<64xi32, #tpu.memory_space<hbm>>) target(%arg12 : memref<64xi32, #tpu.memory_space<vmem>>) target_semaphore(%arg35 : memref<!tpu.dma_semaphore, #tpu.memory_space<semaphore_mem>>)
        %dma_start3A_331 = tpu.memref_slice %arg4[%add3A_328] : memref<320000xi32, #tpu.memory_space<hbm>> -> memref<64xi32, #tpu.memory_space<hbm>>
        %dma_start3A_332 = tpu.memref_slice %arg4[%add3A_328] : memref<320000xi32, #tpu.memory_space<hbm>> -> memref<64xi32, #tpu.memory_space<hbm>>
        tpu.enqueue_dma source(%dma_start3A_332 : memref<64xi32, #tpu.memory_space<hbm>>) target(%arg13 : memref<64xi32, #tpu.memory_space<vmem>>) target_semaphore(%arg36 : memref<!tpu.dma_semaphore, #tpu.memory_space<semaphore_mem>>)
        %dma_wait3A_333 = tpu.memref_slice %arg3[%mul3A_3] : memref<320000xi32, #tpu.memory_space<hbm>> -> memref<64xi32, #tpu.memory_space<hbm>>
        %dma_wait3A_334 = tpu.memref_slice %arg3[%mul3A_3] : memref<320000xi32, #tpu.memory_space<hbm>> -> memref<64xi32, #tpu.memory_space<hbm>>
        tpu.wait_dma2 semaphore(%arg35 : memref<!tpu.dma_semaphore, #tpu.memory_space<semaphore_mem>>) src(%dma_wait3A_334 : memref<64xi32, #tpu.memory_space<hbm>>) dst(%arg12 : memref<64xi32, #tpu.memory_space<vmem>>)
        %dma_wait3A_335 = tpu.memref_slice %arg4[%mul3A_3] : memref<320000xi32, #tpu.memory_space<hbm>> -> memref<64xi32, #tpu.memory_space<hbm>>
        %dma_wait3A_336 = tpu.memref_slice %arg4[%mul3A_3] : memref<320000xi32, #tpu.memory_space<hbm>> -> memref<64xi32, #tpu.memory_space<hbm>>
        tpu.wait_dma2 semaphore(%arg36 : memref<!tpu.dma_semaphore, #tpu.memory_space<semaphore_mem>>) src(%dma_wait3A_336 : memref<64xi32, #tpu.memory_space<hbm>>) dst(%arg13 : memref<64xi32, #tpu.memory_space<vmem>>)
        %dma_start3A_337 = arith.constant 0 : i32
        %dma_start3A_338 = arith.constant 0 : i32
        %dma_start3A_339 = tpu.memref_slice %arg2[%dma_start3A_337, %dma_start3A_338] : memref<10000x128xf32, #tpu.memory_space<hbm>> -> memref<10000x128xf32, #tpu.memory_space<hbm>>
        tpu.enqueue_indirect_dma source(%dma_start3A_339 : memref<10000x128xf32, #tpu.memory_space<hbm>>) target(%arg21 : memref<64x128xf32, #tpu.memory_space<vmem>>) offsets(%arg12 : memref<64xi32, #tpu.memory_space<vmem>>) semaphore(%arg37 : memref<!tpu.dma_semaphore, #tpu.memory_space<semaphore_mem>>)
      } else {
      }
      %eq3A_310 = arith.constant 29 : i32
      %eq3A_311 = arith.cmpi eq, %add3A_205, %eq3A_310 : i32
      %convert_element_type3A_312 = arith.extui %eq3A_311 : i1 to i32
      %cond3A_313 = arith.constant 0 : i32
      %cond3A_314 = arith.cmpi ne, %convert_element_type3A_312, %cond3A_313 : i32
      scf.if %cond3A_314 {
        %dma_wait3A_315 = arith.constant 0 : i32
        %dma_wait3A_316 = arith.constant 0 : i32
        %dma_wait3A_317 = tpu.memref_slice %arg2[%dma_wait3A_315, %dma_wait3A_316] : memref<10000x128xf32, #tpu.memory_space<hbm>> -> memref<10000x128xf32, #tpu.memory_space<hbm>>
        tpu.wait_indirect_dma semaphore(%arg28 : memref<!tpu.dma_semaphore, #tpu.memory_space<semaphore_mem>>) src(%dma_wait3A_317 : memref<10000x128xf32, #tpu.memory_space<hbm>>) dst(%arg18 : memref<64x128xf32, #tpu.memory_space<vmem>>)
        %dma_start3A_318 = arith.constant 0 : i32
        %dma_start3A_319 = arith.constant 0 : i32
        %dma_start3A_320 = tpu.memref_slice %arg25[%dma_start3A_318, %dma_start3A_319] : memref<10000x128xf32, #tpu.memory_space<vmem_shared>> -> memref<10000x128xf32, #tpu.memory_space<vmem_shared>>
        tpu.enqueue_indirect_dma source(%arg18 : memref<64x128xf32, #tpu.memory_space<vmem>>) target(%dma_start3A_320 : memref<10000x128xf32, #tpu.memory_space<vmem_shared>>) offsets(%arg7 : memref<64xi32, #tpu.memory_space<vmem>>) semaphore(%arg28 : memref<!tpu.dma_semaphore, #tpu.memory_space<semaphore_mem>>) {add = true}
        %dma_wait3A_321 = arith.constant 0 : i32
        %dma_wait3A_322 = arith.constant 0 : i32
        %dma_wait3A_323 = tpu.memref_slice %arg25[%dma_wait3A_321, %dma_wait3A_322] : memref<10000x128xf32, #tpu.memory_space<vmem_shared>> -> memref<10000x128xf32, #tpu.memory_space<vmem_shared>>
        tpu.wait_indirect_dma semaphore(%arg37 : memref<!tpu.dma_semaphore, #tpu.memory_space<semaphore_mem>>) src(%arg21 : memref<64x128xf32, #tpu.memory_space<vmem>>) dst(%dma_wait3A_323 : memref<10000x128xf32, #tpu.memory_space<vmem_shared>>)
      } else {
      }
    }
    %scan3A_182 = arith.constant 30 : i32
    %dma_wait3A_183 = arith.constant 0 : i32
    %dma_wait3A_184 = arith.constant 0 : i32
    %dma_wait3A_185 = tpu.memref_slice %arg25[%dma_wait3A_183, %dma_wait3A_184] : memref<10000x128xf32, #tpu.memory_space<vmem_shared>> -> memref<10000x128xf32, #tpu.memory_space<vmem_shared>>
    tpu.wait_indirect_dma semaphore(%arg40 : memref<!tpu.dma_semaphore, #tpu.memory_space<semaphore_mem>>) src(%arg22 : memref<64x128xf32, #tpu.memory_space<vmem>>) dst(%dma_wait3A_185 : memref<10000x128xf32, #tpu.memory_space<vmem_shared>>)
    %dma_wait3A_186 = arith.constant 0 : i32
    %dma_wait3A_187 = arith.constant 0 : i32
    %dma_wait3A_188 = tpu.memref_slice %arg25[%dma_wait3A_186, %dma_wait3A_187] : memref<10000x128xf32, #tpu.memory_space<vmem_shared>> -> memref<10000x128xf32, #tpu.memory_space<vmem_shared>>
    tpu.wait_indirect_dma semaphore(%arg28 : memref<!tpu.dma_semaphore, #tpu.memory_space<semaphore_mem>>) src(%arg18 : memref<64x128xf32, #tpu.memory_space<vmem>>) dst(%dma_wait3A_188 : memref<10000x128xf32, #tpu.memory_space<vmem_shared>>)
    %add3A_189 = arith.constant 9984 : i32
    %add3A_190 = arith.addi %mul3A_3, %add3A_189 : i32
    "tpu.region"() ({
      %run_scoped3A = tpu.sem_alloc : memref<!tpu.dma_semaphore, #tpu.memory_space<semaphore_mem>>
      %dma_start3A_201 = tpu.memref_slice %arg3[%add3A_190] : memref<320000xi32, #tpu.memory_space<hbm>> -> memref<16xi32, #tpu.memory_space<hbm>>
      %dma_start3A_202 = tpu.memref_slice %arg3[%add3A_190] : memref<320000xi32, #tpu.memory_space<hbm>> -> memref<16xi32, #tpu.memory_space<hbm>>
      tpu.enqueue_dma source(%dma_start3A_202 : memref<16xi32, #tpu.memory_space<hbm>>) target(%arg16 : memref<16xi32, #tpu.memory_space<vmem>>) target_semaphore(%run_scoped3A : memref<!tpu.dma_semaphore, #tpu.memory_space<semaphore_mem>>)
      %dma_wait3A_203 = tpu.memref_slice %arg3[%add3A_190] : memref<320000xi32, #tpu.memory_space<hbm>> -> memref<16xi32, #tpu.memory_space<hbm>>
      %dma_wait3A_204 = tpu.memref_slice %arg3[%add3A_190] : memref<320000xi32, #tpu.memory_space<hbm>> -> memref<16xi32, #tpu.memory_space<hbm>>
      tpu.wait_dma2 semaphore(%run_scoped3A : memref<!tpu.dma_semaphore, #tpu.memory_space<semaphore_mem>>) src(%dma_wait3A_204 : memref<16xi32, #tpu.memory_space<hbm>>) dst(%arg16 : memref<16xi32, #tpu.memory_space<vmem>>)
      tpu.yield
    }) : () -> ()
    "tpu.region"() ({
      %run_scoped3A = tpu.sem_alloc : memref<!tpu.dma_semaphore, #tpu.memory_space<semaphore_mem>>
      %dma_start3A_201 = tpu.memref_slice %arg4[%add3A_190] : memref<320000xi32, #tpu.memory_space<hbm>> -> memref<16xi32, #tpu.memory_space<hbm>>
      %dma_start3A_202 = tpu.memref_slice %arg4[%add3A_190] : memref<320000xi32, #tpu.memory_space<hbm>> -> memref<16xi32, #tpu.memory_space<hbm>>
      tpu.enqueue_dma source(%dma_start3A_202 : memref<16xi32, #tpu.memory_space<hbm>>) target(%arg17 : memref<16xi32, #tpu.memory_space<vmem>>) target_semaphore(%run_scoped3A : memref<!tpu.dma_semaphore, #tpu.memory_space<semaphore_mem>>)
      %dma_wait3A_203 = tpu.memref_slice %arg4[%add3A_190] : memref<320000xi32, #tpu.memory_space<hbm>> -> memref<16xi32, #tpu.memory_space<hbm>>
      %dma_wait3A_204 = tpu.memref_slice %arg4[%add3A_190] : memref<320000xi32, #tpu.memory_space<hbm>> -> memref<16xi32, #tpu.memory_space<hbm>>
      tpu.wait_dma2 semaphore(%run_scoped3A : memref<!tpu.dma_semaphore, #tpu.memory_space<semaphore_mem>>) src(%dma_wait3A_204 : memref<16xi32, #tpu.memory_space<hbm>>) dst(%arg17 : memref<16xi32, #tpu.memory_space<vmem>>)
      tpu.yield
    }) : () -> ()
    "tpu.region"() ({
      %run_scoped3A = tpu.sem_alloc : memref<!tpu.dma_semaphore, #tpu.memory_space<semaphore_mem>>
      %dma_start3A_201 = arith.constant 0 : i32
      %dma_start3A_202 = arith.constant 0 : i32
      %dma_start3A_203 = tpu.memref_slice %arg2[%dma_start3A_201, %dma_start3A_202] : memref<10000x128xf32, #tpu.memory_space<hbm>> -> memref<10000x128xf32, #tpu.memory_space<hbm>>
      tpu.enqueue_indirect_dma source(%dma_start3A_203 : memref<10000x128xf32, #tpu.memory_space<hbm>>) target(%arg23 : memref<16x128xf32, #tpu.memory_space<vmem>>) offsets(%arg16 : memref<16xi32, #tpu.memory_space<vmem>>) semaphore(%run_scoped3A : memref<!tpu.dma_semaphore, #tpu.memory_space<semaphore_mem>>)
      %dma_wait3A_204 = arith.constant 0 : i32
      %dma_wait3A_205 = arith.constant 0 : i32
      %dma_wait3A_206 = tpu.memref_slice %arg2[%dma_wait3A_204, %dma_wait3A_205] : memref<10000x128xf32, #tpu.memory_space<hbm>> -> memref<10000x128xf32, #tpu.memory_space<hbm>>
      tpu.wait_indirect_dma semaphore(%run_scoped3A : memref<!tpu.dma_semaphore, #tpu.memory_space<semaphore_mem>>) src(%dma_wait3A_206 : memref<10000x128xf32, #tpu.memory_space<hbm>>) dst(%arg23 : memref<16x128xf32, #tpu.memory_space<vmem>>)
      tpu.yield
    }) : () -> ()
    "tpu.region"() ({
      %run_scoped3A = tpu.sem_alloc : memref<!tpu.dma_semaphore, #tpu.memory_space<semaphore_mem>>
      %dma_start3A_201 = arith.constant 0 : i32
      %dma_start3A_202 = arith.constant 0 : i32
      %dma_start3A_203 = tpu.memref_slice %arg25[%dma_start3A_201, %dma_start3A_202] : memref<10000x128xf32, #tpu.memory_space<vmem_shared>> -> memref<10000x128xf32, #tpu.memory_space<vmem_shared>>
      tpu.enqueue_indirect_dma source(%arg23 : memref<16x128xf32, #tpu.memory_space<vmem>>) target(%dma_start3A_203 : memref<10000x128xf32, #tpu.memory_space<vmem_shared>>) offsets(%arg17 : memref<16xi32, #tpu.memory_space<vmem>>) semaphore(%run_scoped3A : memref<!tpu.dma_semaphore, #tpu.memory_space<semaphore_mem>>) {add = true}
      %dma_wait3A_204 = arith.constant 0 : i32
      %dma_wait3A_205 = arith.constant 0 : i32
      %dma_wait3A_206 = tpu.memref_slice %arg25[%dma_wait3A_204, %dma_wait3A_205] : memref<10000x128xf32, #tpu.memory_space<vmem_shared>> -> memref<10000x128xf32, #tpu.memory_space<vmem_shared>>
      tpu.wait_indirect_dma semaphore(%run_scoped3A : memref<!tpu.dma_semaphore, #tpu.memory_space<semaphore_mem>>) src(%arg23 : memref<16x128xf32, #tpu.memory_space<vmem>>) dst(%dma_wait3A_206 : memref<10000x128xf32, #tpu.memory_space<vmem_shared>>)
      tpu.yield
    }) : () -> ()
    %barrier3A_191 = arith.constant 0 : index
    tpu.barrier barrier_id(%barrier3A_191)
    %mul3A_192 = arith.constant 624 : i32
    %mul3A_193 = arith.muli %arg1, %mul3A_192 : i32
    %mul3A_194 = arith.constant 624 : i32
    %mul3A_195 = arith.muli %arg1, %mul3A_194 : i32
    "tpu.region"() ({
      %run_scoped3A = tpu.sem_alloc : memref<!tpu.dma_semaphore, #tpu.memory_space<semaphore_mem>>
      %dma_start3A_201 = arith.constant 0 : i32
      %dma_start3A_202 = arith.constant 0 : i32
      %dma_start3A_203 = tpu.memref_slice %arg5[%arg0, %dma_start3A_201, %dma_start3A_202] : memref<2x10000x128xf32, #tpu.memory_space<hbm>> -> memref<1x10000x128xf32, #tpu.memory_space<hbm>>
      %dma_start3A_204 = tpu.memref_squeeze %dma_start3A_203 : memref<1x10000x128xf32, #tpu.memory_space<hbm>> -> memref<10000x128xf32, #tpu.memory_space<hbm>>
      %dma_start3A_205 = arith.constant 0 : i32
      %dma_start3A_206 = tpu.memref_slice %dma_start3A_204[%mul3A_195, %dma_start3A_205] : memref<10000x128xf32, #tpu.memory_space<hbm>> -> memref<624x128xf32, #tpu.memory_space<hbm>>
      %dma_start3A_207 = arith.constant 0 : i32
      %dma_start3A_208 = tpu.memref_slice %arg25[%mul3A_193, %dma_start3A_207] : memref<10000x128xf32, #tpu.memory_space<vmem_shared>> -> memref<624x128xf32, #tpu.memory_space<vmem_shared>>
      tpu.enqueue_dma source(%dma_start3A_208 : memref<624x128xf32, #tpu.memory_space<vmem_shared>>) target(%dma_start3A_206 : memref<624x128xf32, #tpu.memory_space<hbm>>) target_semaphore(%run_scoped3A : memref<!tpu.dma_semaphore, #tpu.memory_space<semaphore_mem>>)
      %dma_wait3A_209 = arith.constant 0 : i32
      %dma_wait3A_210 = arith.constant 0 : i32
      %dma_wait3A_211 = tpu.memref_slice %arg5[%arg0, %dma_wait3A_209, %dma_wait3A_210] : memref<2x10000x128xf32, #tpu.memory_space<hbm>> -> memref<1x10000x128xf32, #tpu.memory_space<hbm>>
      %dma_wait3A_212 = tpu.memref_squeeze %dma_wait3A_211 : memref<1x10000x128xf32, #tpu.memory_space<hbm>> -> memref<10000x128xf32, #tpu.memory_space<hbm>>
      %dma_wait3A_213 = arith.constant 0 : i32
      %dma_wait3A_214 = tpu.memref_slice %dma_wait3A_212[%mul3A_195, %dma_wait3A_213] : memref<10000x128xf32, #tpu.memory_space<hbm>> -> memref<624x128xf32, #tpu.memory_space<hbm>>
      %dma_wait3A_215 = arith.constant 0 : i32
      %dma_wait3A_216 = tpu.memref_slice %arg25[%mul3A_193, %dma_wait3A_215] : memref<10000x128xf32, #tpu.memory_space<vmem_shared>> -> memref<624x128xf32, #tpu.memory_space<vmem_shared>>
      tpu.wait_dma2 semaphore(%run_scoped3A : memref<!tpu.dma_semaphore, #tpu.memory_space<semaphore_mem>>) src(%dma_wait3A_216 : memref<624x128xf32, #tpu.memory_space<vmem_shared>>) dst(%dma_wait3A_214 : memref<624x128xf32, #tpu.memory_space<hbm>>)
      tpu.yield
    }) : () -> ()
    %eq3A_196 = arith.constant 15 : i32
    %eq3A_197 = arith.cmpi eq, %arg1, %eq3A_196 : i32
    %convert_element_type3A_198 = arith.extui %eq3A_197 : i1 to i32
    %cond3A_199 = arith.constant 0 : i32
    %cond3A_200 = arith.cmpi ne, %convert_element_type3A_198, %cond3A_199 : i32
    scf.if %cond3A_200 {
      "tpu.region"() ({
        %run_scoped3A = tpu.sem_alloc : memref<!tpu.dma_semaphore, #tpu.memory_space<semaphore_mem>>
        %dma_start3A_201 = arith.constant 0 : i32
        %dma_start3A_202 = arith.constant 0 : i32
        %dma_start3A_203 = tpu.memref_slice %arg5[%arg0, %dma_start3A_201, %dma_start3A_202] : memref<2x10000x128xf32, #tpu.memory_space<hbm>> -> memref<1x10000x128xf32, #tpu.memory_space<hbm>>
        %dma_start3A_204 = tpu.memref_squeeze %dma_start3A_203 : memref<1x10000x128xf32, #tpu.memory_space<hbm>> -> memref<10000x128xf32, #tpu.memory_space<hbm>>
        %dma_start3A_205 = arith.constant 9984 : i32
        %dma_start3A_206 = arith.constant 0 : i32
        %dma_start3A_207 = tpu.memref_slice %dma_start3A_204[%dma_start3A_205, %dma_start3A_206] : memref<10000x128xf32, #tpu.memory_space<hbm>> -> memref<16x128xf32, #tpu.memory_space<hbm>>
        %dma_start3A_208 = arith.constant 9984 : i32
        %dma_start3A_209 = arith.constant 0 : i32
        %dma_start3A_210 = tpu.memref_slice %arg25[%dma_start3A_208, %dma_start3A_209] : memref<10000x128xf32, #tpu.memory_space<vmem_shared>> -> memref<16x128xf32, #tpu.memory_space<vmem_shared>>
        tpu.enqueue_dma source(%dma_start3A_210 : memref<16x128xf32, #tpu.memory_space<vmem_shared>>) target(%dma_start3A_207 : memref<16x128xf32, #tpu.memory_space<hbm>>) target_semaphore(%run_scoped3A : memref<!tpu.dma_semaphore, #tpu.memory_space<semaphore_mem>>)
        %dma_wait3A_211 = arith.constant 0 : i32
        %dma_wait3A_212 = arith.constant 0 : i32
        %dma_wait3A_213 = tpu.memref_slice %arg5[%arg0, %dma_wait3A_211, %dma_wait3A_212] : memref<2x10000x128xf32, #tpu.memory_space<hbm>> -> memref<1x10000x128xf32, #tpu.memory_space<hbm>>
        %dma_wait3A_214 = tpu.memref_squeeze %dma_wait3A_213 : memref<1x10000x128xf32, #tpu.memory_space<hbm>> -> memref<10000x128xf32, #tpu.memory_space<hbm>>
        %dma_wait3A_215 = arith.constant 9984 : i32
        %dma_wait3A_216 = arith.constant 0 : i32
        %dma_wait3A_217 = tpu.memref_slice %dma_wait3A_214[%dma_wait3A_215, %dma_wait3A_216] : memref<10000x128xf32, #tpu.memory_space<hbm>> -> memref<16x128xf32, #tpu.memory_space<hbm>>
        %dma_wait3A_218 = arith.constant 9984 : i32
        %dma_wait3A_219 = arith.constant 0 : i32
        %dma_wait3A_220 = tpu.memref_slice %arg25[%dma_wait3A_218, %dma_wait3A_219] : memref<10000x128xf32, #tpu.memory_space<vmem_shared>> -> memref<16x128xf32, #tpu.memory_space<vmem_shared>>
        tpu.wait_dma2 semaphore(%run_scoped3A : memref<!tpu.dma_semaphore, #tpu.memory_space<semaphore_mem>>) src(%dma_wait3A_220 : memref<16x128xf32, #tpu.memory_space<vmem_shared>>) dst(%dma_wait3A_217 : memref<16x128xf32, #tpu.memory_space<hbm>>)
        tpu.yield
      }) : () -> ()
    } else {
    }
    return
  }
}

#map = affine_map<(d0, d1) -> (0, 0)>
#map1 = affine_map<(d0, d1) -> (0)>
#map2 = affine_map<(d0, d1) -> (0, 0, 0)>
module attributes {stable_mosaic.version = 14 : i64} {
  func.func @agg_kernel(%arg0: i32, %arg1: i32, %arg2: memref<10000x128xf32, #tpu.memory_space<hbm>>, %arg3: memref<320000xi32, #tpu.memory_space<hbm>>, %arg4: memref<320000xi32, #tpu.memory_space<hbm>>, %arg5: memref<2x10000x128xf32, #tpu.memory_space<hbm>>, %arg6: memref<64xi32, #tpu.memory_space<vmem>>, %arg7: memref<64xi32, #tpu.memory_space<vmem>>, %arg8: memref<64xi32, #tpu.memory_space<vmem>>, %arg9: memref<64xi32, #tpu.memory_space<vmem>>, %arg10: memref<64xi32, #tpu.memory_space<vmem>>, %arg11: memref<64xi32, #tpu.memory_space<vmem>>, %arg12: memref<64xi32, #tpu.memory_space<vmem>>, %arg13: memref<64xi32, #tpu.memory_space<vmem>>, %arg14: memref<64xi32, #tpu.memory_space<vmem>>, %arg15: memref<64xi32, #tpu.memory_space<vmem>>, %arg16: memref<16xi32, #tpu.memory_space<vmem>>, %arg17: memref<16xi32, #tpu.memory_space<vmem>>, %arg18: memref<64x128xf32, #tpu.memory_space<vmem>>, %arg19: memref<64x128xf32, #tpu.memory_space<vmem>>, %arg20: memref<64x128xf32, #tpu.memory_space<vmem>>, %arg21: memref<64x128xf32, #tpu.memory_space<vmem>>, %arg22: memref<64x128xf32, #tpu.memory_space<vmem>>, %arg23: memref<16x128xf32, #tpu.memory_space<vmem>>, %arg24: memref<16x128xf32, #tpu.memory_space<vmem>>, %arg25: memref<10000x128xf32, #tpu.memory_space<vmem_shared>>, %arg26: memref<!tpu.dma_semaphore, #tpu.memory_space<semaphore_mem>>, %arg27: memref<!tpu.dma_semaphore, #tpu.memory_space<semaphore_mem>>, %arg28: memref<!tpu.dma_semaphore, #tpu.memory_space<semaphore_mem>>, %arg29: memref<!tpu.dma_semaphore, #tpu.memory_space<semaphore_mem>>, %arg30: memref<!tpu.dma_semaphore, #tpu.memory_space<semaphore_mem>>, %arg31: memref<!tpu.dma_semaphore, #tpu.memory_space<semaphore_mem>>, %arg32: memref<!tpu.dma_semaphore, #tpu.memory_space<semaphore_mem>>, %arg33: memref<!tpu.dma_semaphore, #tpu.memory_space<semaphore_mem>>, %arg34: memref<!tpu.dma_semaphore, #tpu.memory_space<semaphore_mem>>, %arg35: memref<!tpu.dma_semaphore, #tpu.memory_space<semaphore_mem>>, %arg36: memref<!tpu.dma_semaphore, #tpu.memory_space<semaphore_mem>>, %arg37: memref<!tpu.dma_semaphore, #tpu.memory_space<semaphore_mem>>, %arg38: memref<!tpu.dma_semaphore, #tpu.memory_space<semaphore_mem>>, %arg39: memref<!tpu.dma_semaphore, #tpu.memory_space<semaphore_mem>>, %arg40: memref<!tpu.dma_semaphore, #tpu.memory_space<semaphore_mem>>) attributes {dimension_semantics = [#tpu.dimension_semantics<core_parallel>, #tpu.dimension_semantics<subcore_parallel>], iteration_bounds = array<i64: 2, 16>, scalar_prefetch = 0 : i64, scratch_operands = 35 : i64, tpu.core_type = #tpu.core_type<sc_vector_subcore>, window_params = [{transform_indices = #map}, {transform_indices = #map1}, {transform_indices = #map1}, {transform_indices = #map2}]} {
    %mul3A = arith.constant 16 : i32
    %mul3A_0 = arith.muli %arg0, %mul3A : i32
    %add3A = arith.addi %mul3A_0, %arg1 : i32
    %broadcast_in_dim3A = arith.constant 0.000000e+00 : f32
    %broadcast_in_dim3A_1 = vector.broadcast %broadcast_in_dim3A : f32 to vector<16xf32>
    %mul3A_2 = arith.constant 10000 : i32
    %mul3A_3 = arith.muli %add3A, %mul3A_2 : i32
    %add3A_4 = arith.constant 0 : i32
    %add3A_5 = arith.addi %mul3A_3, %add3A_4 : i32
    %dma_start3A = tpu.memref_slice %arg3[%add3A_5] : memref<320000xi32, #tpu.memory_space<hbm>> -> memref<64xi32, #tpu.memory_space<hbm>>
    %dma_start3A_6 = tpu.memref_slice %arg3[%add3A_5] : memref<320000xi32, #tpu.memory_space<hbm>> -> memref<64xi32, #tpu.memory_space<hbm>>
    tpu.enqueue_dma source(%dma_start3A_6 : memref<64xi32, #tpu.memory_space<hbm>>) target(%arg6 : memref<64xi32, #tpu.memory_space<vmem>>) target_semaphore(%arg26 : memref<!tpu.dma_semaphore, #tpu.memory_space<semaphore_mem>>)
    %dma_start3A_7 = tpu.memref_slice %arg4[%add3A_5] : memref<320000xi32, #tpu.memory_space<hbm>> -> memref<64xi32, #tpu.memory_space<hbm>>
    %dma_start3A_8 = tpu.memref_slice %arg4[%add3A_5] : memref<320000xi32, #tpu.memory_space<hbm>> -> memref<64xi32, #tpu.memory_space<hbm>>
    tpu.enqueue_dma source(%dma_start3A_8 : memref<64xi32, #tpu.memory_space<hbm>>) target(%arg7 : memref<64xi32, #tpu.memory_space<vmem>>) target_semaphore(%arg27 : memref<!tpu.dma_semaphore, #tpu.memory_space<semaphore_mem>>)
    %dma_wait3A = tpu.memref_slice %arg3[%mul3A_3] : memref<320000xi32, #tpu.memory_space<hbm>> -> memref<64xi32, #tpu.memory_space<hbm>>
    %dma_wait3A_9 = tpu.memref_slice %arg3[%mul3A_3] : memref<320000xi32, #tpu.memory_space<hbm>> -> memref<64xi32, #tpu.memory_space<hbm>>
    tpu.wait_dma2 semaphore(%arg26 : memref<!tpu.dma_semaphore, #tpu.memory_space<semaphore_mem>>) src(%dma_wait3A_9 : memref<64xi32, #tpu.memory_space<hbm>>) dst(%arg6 : memref<64xi32, #tpu.memory_space<vmem>>)
    %dma_wait3A_10 = tpu.memref_slice %arg4[%mul3A_3] : memref<320000xi32, #tpu.memory_space<hbm>> -> memref<64xi32, #tpu.memory_space<hbm>>
    %dma_wait3A_11 = tpu.memref_slice %arg4[%mul3A_3] : memref<320000xi32, #tpu.memory_space<hbm>> -> memref<64xi32, #tpu.memory_space<hbm>>
    tpu.wait_dma2 semaphore(%arg27 : memref<!tpu.dma_semaphore, #tpu.memory_space<semaphore_mem>>) src(%dma_wait3A_11 : memref<64xi32, #tpu.memory_space<hbm>>) dst(%arg7 : memref<64xi32, #tpu.memory_space<vmem>>)
    %dma_start3A_12 = arith.constant 0 : i32
    %dma_start3A_13 = arith.constant 0 : i32
    %dma_start3A_14 = tpu.memref_slice %arg2[%dma_start3A_12, %dma_start3A_13] : memref<10000x128xf32, #tpu.memory_space<hbm>> -> memref<10000x128xf32, #tpu.memory_space<hbm>>
    tpu.enqueue_indirect_dma source(%dma_start3A_14 : memref<10000x128xf32, #tpu.memory_space<hbm>>) target(%arg18 : memref<64x128xf32, #tpu.memory_space<vmem>>) offsets(%arg6 : memref<64xi32, #tpu.memory_space<vmem>>) semaphore(%arg28 : memref<!tpu.dma_semaphore, #tpu.memory_space<semaphore_mem>>)
    %add3A_15 = arith.constant 64 : i32
    %add3A_16 = arith.addi %mul3A_3, %add3A_15 : i32
    %dma_start3A_17 = tpu.memref_slice %arg3[%add3A_16] : memref<320000xi32, #tpu.memory_space<hbm>> -> memref<64xi32, #tpu.memory_space<hbm>>
    %dma_start3A_18 = tpu.memref_slice %arg3[%add3A_16] : memref<320000xi32, #tpu.memory_space<hbm>> -> memref<64xi32, #tpu.memory_space<hbm>>
    tpu.enqueue_dma source(%dma_start3A_18 : memref<64xi32, #tpu.memory_space<hbm>>) target(%arg8 : memref<64xi32, #tpu.memory_space<vmem>>) target_semaphore(%arg29 : memref<!tpu.dma_semaphore, #tpu.memory_space<semaphore_mem>>)
    %dma_start3A_19 = tpu.memref_slice %arg4[%add3A_16] : memref<320000xi32, #tpu.memory_space<hbm>> -> memref<64xi32, #tpu.memory_space<hbm>>
    %dma_start3A_20 = tpu.memref_slice %arg4[%add3A_16] : memref<320000xi32, #tpu.memory_space<hbm>> -> memref<64xi32, #tpu.memory_space<hbm>>
    tpu.enqueue_dma source(%dma_start3A_20 : memref<64xi32, #tpu.memory_space<hbm>>) target(%arg9 : memref<64xi32, #tpu.memory_space<vmem>>) target_semaphore(%arg30 : memref<!tpu.dma_semaphore, #tpu.memory_space<semaphore_mem>>)
    %dma_wait3A_21 = tpu.memref_slice %arg3[%mul3A_3] : memref<320000xi32, #tpu.memory_space<hbm>> -> memref<64xi32, #tpu.memory_space<hbm>>
    %dma_wait3A_22 = tpu.memref_slice %arg3[%mul3A_3] : memref<320000xi32, #tpu.memory_space<hbm>> -> memref<64xi32, #tpu.memory_space<hbm>>
    tpu.wait_dma2 semaphore(%arg29 : memref<!tpu.dma_semaphore, #tpu.memory_space<semaphore_mem>>) src(%dma_wait3A_22 : memref<64xi32, #tpu.memory_space<hbm>>) dst(%arg8 : memref<64xi32, #tpu.memory_space<vmem>>)
    %dma_wait3A_23 = tpu.memref_slice %arg4[%mul3A_3] : memref<320000xi32, #tpu.memory_space<hbm>> -> memref<64xi32, #tpu.memory_space<hbm>>
    %dma_wait3A_24 = tpu.memref_slice %arg4[%mul3A_3] : memref<320000xi32, #tpu.memory_space<hbm>> -> memref<64xi32, #tpu.memory_space<hbm>>
    tpu.wait_dma2 semaphore(%arg30 : memref<!tpu.dma_semaphore, #tpu.memory_space<semaphore_mem>>) src(%dma_wait3A_24 : memref<64xi32, #tpu.memory_space<hbm>>) dst(%arg9 : memref<64xi32, #tpu.memory_space<vmem>>)
    %dma_start3A_25 = arith.constant 0 : i32
    %dma_start3A_26 = arith.constant 0 : i32
    %dma_start3A_27 = tpu.memref_slice %arg2[%dma_start3A_25, %dma_start3A_26] : memref<10000x128xf32, #tpu.memory_space<hbm>> -> memref<10000x128xf32, #tpu.memory_space<hbm>>
    tpu.enqueue_indirect_dma source(%dma_start3A_27 : memref<10000x128xf32, #tpu.memory_space<hbm>>) target(%arg19 : memref<64x128xf32, #tpu.memory_space<vmem>>) offsets(%arg8 : memref<64xi32, #tpu.memory_space<vmem>>) semaphore(%arg31 : memref<!tpu.dma_semaphore, #tpu.memory_space<semaphore_mem>>)
    %add3A_28 = arith.constant 128 : i32
    %add3A_29 = arith.addi %mul3A_3, %add3A_28 : i32
    %dma_start3A_30 = tpu.memref_slice %arg3[%add3A_29] : memref<320000xi32, #tpu.memory_space<hbm>> -> memref<64xi32, #tpu.memory_space<hbm>>
    %dma_start3A_31 = tpu.memref_slice %arg3[%add3A_29] : memref<320000xi32, #tpu.memory_space<hbm>> -> memref<64xi32, #tpu.memory_space<hbm>>
    tpu.enqueue_dma source(%dma_start3A_31 : memref<64xi32, #tpu.memory_space<hbm>>) target(%arg10 : memref<64xi32, #tpu.memory_space<vmem>>) target_semaphore(%arg32 : memref<!tpu.dma_semaphore, #tpu.memory_space<semaphore_mem>>)
    %dma_start3A_32 = tpu.memref_slice %arg4[%add3A_29] : memref<320000xi32, #tpu.memory_space<hbm>> -> memref<64xi32, #tpu.memory_space<hbm>>
    %dma_start3A_33 = tpu.memref_slice %arg4[%add3A_29] : memref<320000xi32, #tpu.memory_space<hbm>> -> memref<64xi32, #tpu.memory_space<hbm>>
    tpu.enqueue_dma source(%dma_start3A_33 : memref<64xi32, #tpu.memory_space<hbm>>) target(%arg11 : memref<64xi32, #tpu.memory_space<vmem>>) target_semaphore(%arg33 : memref<!tpu.dma_semaphore, #tpu.memory_space<semaphore_mem>>)
    %dma_wait3A_34 = tpu.memref_slice %arg3[%mul3A_3] : memref<320000xi32, #tpu.memory_space<hbm>> -> memref<64xi32, #tpu.memory_space<hbm>>
    %dma_wait3A_35 = tpu.memref_slice %arg3[%mul3A_3] : memref<320000xi32, #tpu.memory_space<hbm>> -> memref<64xi32, #tpu.memory_space<hbm>>
    tpu.wait_dma2 semaphore(%arg32 : memref<!tpu.dma_semaphore, #tpu.memory_space<semaphore_mem>>) src(%dma_wait3A_35 : memref<64xi32, #tpu.memory_space<hbm>>) dst(%arg10 : memref<64xi32, #tpu.memory_space<vmem>>)
    %dma_wait3A_36 = tpu.memref_slice %arg4[%mul3A_3] : memref<320000xi32, #tpu.memory_space<hbm>> -> memref<64xi32, #tpu.memory_space<hbm>>
    %dma_wait3A_37 = tpu.memref_slice %arg4[%mul3A_3] : memref<320000xi32, #tpu.memory_space<hbm>> -> memref<64xi32, #tpu.memory_space<hbm>>
    tpu.wait_dma2 semaphore(%arg33 : memref<!tpu.dma_semaphore, #tpu.memory_space<semaphore_mem>>) src(%dma_wait3A_37 : memref<64xi32, #tpu.memory_space<hbm>>) dst(%arg11 : memref<64xi32, #tpu.memory_space<vmem>>)
    %dma_start3A_38 = arith.constant 0 : i32
    %dma_start3A_39 = arith.constant 0 : i32
    %dma_start3A_40 = tpu.memref_slice %arg2[%dma_start3A_38, %dma_start3A_39] : memref<10000x128xf32, #tpu.memory_space<hbm>> -> memref<10000x128xf32, #tpu.memory_space<hbm>>
    tpu.enqueue_indirect_dma source(%dma_start3A_40 : memref<10000x128xf32, #tpu.memory_space<hbm>>) target(%arg20 : memref<64x128xf32, #tpu.memory_space<vmem>>) offsets(%arg10 : memref<64xi32, #tpu.memory_space<vmem>>) semaphore(%arg34 : memref<!tpu.dma_semaphore, #tpu.memory_space<semaphore_mem>>)
    %scan3A = arith.constant 0 : i32
    %scan3A_41 = arith.constant 16 : i32
    %scan3A_42 = arith.addi %scan3A, %scan3A_41 : i32
    %scan3A_43 = arith.constant 1 : i32
    scf.for %scan3A_201 = %scan3A to %scan3A_42 step %scan3A_43  : i32 {
      %mul3A_202 = arith.constant 1 : i32
      %mul3A_203 = arith.muli %scan3A_201, %mul3A_202 : i32
      %add3A_204 = arith.constant 0 : i32
      %add3A_205 = arith.addi %add3A_204, %mul3A_203 : i32
      %scan3A_206 = arith.constant 0 : i32
      %scan3A_207 = arith.constant 8 : i32
      %scan3A_208 = arith.addi %scan3A_206, %scan3A_207 : i32
      %scan3A_209 = arith.constant 1 : i32
      scf.for %scan3A_211 = %scan3A_206 to %scan3A_208 step %scan3A_209  : i32 {
        %mul3A_212 = arith.constant 1 : i32
        %mul3A_213 = arith.muli %scan3A_211, %mul3A_212 : i32
        %add3A_214 = arith.constant 0 : i32
        %add3A_215 = arith.addi %add3A_214, %mul3A_213 : i32
        %mul3A_216 = arith.constant 16 : i32
        %mul3A_217 = arith.muli %add3A_215, %mul3A_216 : i32
        %swap3A = arith.index_cast %add3A_205 : i32 to index
        %swap3A_218 = arith.index_cast %mul3A_217 : i32 to index
        %swap3A_219 = tpu.vector_load %arg24[%swap3A, %swap3A_218] {strides = array<i32>} : memref<16x128xf32, #tpu.memory_space<vmem>>, vector<1x16xf32>,
        %swap3A_220 = vector.shape_cast %swap3A_219 : vector<1x16xf32> to vector<16xf32>
        %swap3A_221 = vector.shape_cast %broadcast_in_dim3A_1 : vector<16xf32> to vector<1x16xf32>
        tpu.vector_store %arg24[%swap3A, %swap3A_218], %swap3A_221 {strides = array<i32>} : memref<16x128xf32, #tpu.memory_space<vmem>>, vector<1x16xf32>,
      }
      %scan3A_210 = arith.constant 8 : i32
    }
    %scan3A_44 = arith.constant 16 : i32
    %scan3A_45 = arith.constant 0 : i32
    %scan3A_46 = arith.constant 39 : i32
    %scan3A_47 = arith.addi %scan3A_45, %scan3A_46 : i32
    %scan3A_48 = arith.constant 1 : i32
    scf.for %scan3A_201 = %scan3A_45 to %scan3A_47 step %scan3A_48  : i32 {
      %mul3A_202 = arith.constant 1 : i32
      %mul3A_203 = arith.muli %scan3A_201, %mul3A_202 : i32
      %add3A_204 = arith.constant 0 : i32
      %add3A_205 = arith.addi %add3A_204, %mul3A_203 : i32
      %mul3A_206 = arith.constant 624 : i32
      %mul3A_207 = arith.muli %arg1, %mul3A_206 : i32
      %mul3A_208 = arith.constant 16 : i32
      %mul3A_209 = arith.muli %add3A_205, %mul3A_208 : i32
      %add3A_210 = arith.addi %mul3A_207, %mul3A_209 : i32
      "tpu.region"() ({
        %run_scoped3A = tpu.sem_alloc : memref<!tpu.dma_semaphore, #tpu.memory_space<semaphore_mem>>
        %dma_start3A_211 = arith.constant 0 : i32
        %dma_start3A_212 = tpu.memref_slice %arg25[%add3A_210, %dma_start3A_211] : memref<10000x128xf32, #tpu.memory_space<vmem_shared>> -> memref<16x128xf32, #tpu.memory_space<vmem_shared>>
        %dma_start3A_213 = arith.constant 0 : i32
        %dma_start3A_214 = tpu.memref_slice %arg25[%add3A_210, %dma_start3A_213] : memref<10000x128xf32, #tpu.memory_space<vmem_shared>> -> memref<16x128xf32, #tpu.memory_space<vmem_shared>>
        tpu.enqueue_dma source(%arg24 : memref<16x128xf32, #tpu.memory_space<vmem>>) target(%dma_start3A_214 : memref<16x128xf32, #tpu.memory_space<vmem_shared>>) target_semaphore(%run_scoped3A : memref<!tpu.dma_semaphore, #tpu.memory_space<semaphore_mem>>)
        %dma_wait3A_215 = arith.constant 0 : i32
        %dma_wait3A_216 = tpu.memref_slice %arg25[%add3A_210, %dma_wait3A_215] : memref<10000x128xf32, #tpu.memory_space<vmem_shared>> -> memref<16x128xf32, #tpu.memory_space<vmem_shared>>
        %dma_wait3A_217 = arith.constant 0 : i32
        %dma_wait3A_218 = tpu.memref_slice %arg25[%add3A_210, %dma_wait3A_217] : memref<10000x128xf32, #tpu.memory_space<vmem_shared>> -> memref<16x128xf32, #tpu.memory_space<vmem_shared>>
        tpu.wait_dma2 semaphore(%run_scoped3A : memref<!tpu.dma_semaphore, #tpu.memory_space<semaphore_mem>>) src(%arg24 : memref<16x128xf32, #tpu.memory_space<vmem>>) dst(%dma_wait3A_218 : memref<16x128xf32, #tpu.memory_space<vmem_shared>>)
        tpu.yield
      }) : () -> ()
    }
    %scan3A_49 = arith.constant 39 : i32
    %eq3A = arith.constant 15 : i32
    %eq3A_50 = arith.cmpi eq, %arg1, %eq3A : i32
    %convert_element_type3A = arith.extui %eq3A_50 : i1 to i32
    %cond3A = arith.constant 0 : i32
    %cond3A_51 = arith.cmpi ne, %convert_element_type3A, %cond3A : i32
    scf.if %cond3A_51 {
      "tpu.region"() ({
        %run_scoped3A = tpu.sem_alloc : memref<!tpu.dma_semaphore, #tpu.memory_space<semaphore_mem>>
        %dma_start3A_201 = arith.constant 0 : i32
        %dma_start3A_202 = arith.constant 0 : i32
        %dma_start3A_203 = tpu.memref_slice %arg24[%dma_start3A_201, %dma_start3A_202] : memref<16x128xf32, #tpu.memory_space<vmem>> -> memref<16x128xf32, #tpu.memory_space<vmem>>
        %dma_start3A_204 = arith.constant 9984 : i32
        %dma_start3A_205 = arith.constant 0 : i32
        %dma_start3A_206 = tpu.memref_slice %arg25[%dma_start3A_204, %dma_start3A_205] : memref<10000x128xf32, #tpu.memory_space<vmem_shared>> -> memref<16x128xf32, #tpu.memory_space<vmem_shared>>
        %dma_start3A_207 = arith.constant 9984 : i32
        %dma_start3A_208 = arith.constant 0 : i32
        %dma_start3A_209 = tpu.memref_slice %arg25[%dma_start3A_207, %dma_start3A_208] : memref<10000x128xf32, #tpu.memory_space<vmem_shared>> -> memref<16x128xf32, #tpu.memory_space<vmem_shared>>
        %dma_start3A_210 = arith.constant 0 : i32
        %dma_start3A_211 = arith.constant 0 : i32
        %dma_start3A_212 = tpu.memref_slice %arg24[%dma_start3A_210, %dma_start3A_211] : memref<16x128xf32, #tpu.memory_space<vmem>> -> memref<16x128xf32, #tpu.memory_space<vmem>>
        tpu.enqueue_dma source(%dma_start3A_212 : memref<16x128xf32, #tpu.memory_space<vmem>>) target(%dma_start3A_209 : memref<16x128xf32, #tpu.memory_space<vmem_shared>>) target_semaphore(%run_scoped3A : memref<!tpu.dma_semaphore, #tpu.memory_space<semaphore_mem>>)
        %dma_wait3A_213 = arith.constant 0 : i32
        %dma_wait3A_214 = arith.constant 0 : i32
        %dma_wait3A_215 = tpu.memref_slice %arg24[%dma_wait3A_213, %dma_wait3A_214] : memref<16x128xf32, #tpu.memory_space<vmem>> -> memref<16x128xf32, #tpu.memory_space<vmem>>
        %dma_wait3A_216 = arith.constant 9984 : i32
        %dma_wait3A_217 = arith.constant 0 : i32
        %dma_wait3A_218 = tpu.memref_slice %arg25[%dma_wait3A_216, %dma_wait3A_217] : memref<10000x128xf32, #tpu.memory_space<vmem_shared>> -> memref<16x128xf32, #tpu.memory_space<vmem_shared>>
        %dma_wait3A_219 = arith.constant 9984 : i32
        %dma_wait3A_220 = arith.constant 0 : i32
        %dma_wait3A_221 = tpu.memref_slice %arg25[%dma_wait3A_219, %dma_wait3A_220] : memref<10000x128xf32, #tpu.memory_space<vmem_shared>> -> memref<16x128xf32, #tpu.memory_space<vmem_shared>>
        %dma_wait3A_222 = arith.constant 0 : i32
        %dma_wait3A_223 = arith.constant 0 : i32
        %dma_wait3A_224 = tpu.memref_slice %arg24[%dma_wait3A_222, %dma_wait3A_223] : memref<16x128xf32, #tpu.memory_space<vmem>> -> memref<16x128xf32, #tpu.memory_space<vmem>>
        tpu.wait_dma2 semaphore(%run_scoped3A : memref<!tpu.dma_semaphore, #tpu.memory_space<semaphore_mem>>) src(%dma_wait3A_224 : memref<16x128xf32, #tpu.memory_space<vmem>>) dst(%dma_wait3A_221 : memref<16x128xf32, #tpu.memory_space<vmem_shared>>)
        tpu.yield
      }) : () -> ()
    } else {
    }
    %barrier3A = arith.constant 0 : index
    tpu.barrier barrier_id(%barrier3A)
    %dma_wait3A_52 = arith.constant 0 : i32
    %dma_wait3A_53 = arith.constant 0 : i32
    %dma_wait3A_54 = tpu.memref_slice %arg2[%dma_wait3A_52, %dma_wait3A_53] : memref<10000x128xf32, #tpu.memory_space<hbm>> -> memref<10000x128xf32, #tpu.memory_space<hbm>>
    tpu.wait_indirect_dma semaphore(%arg28 : memref<!tpu.dma_semaphore, #tpu.memory_space<semaphore_mem>>) src(%dma_wait3A_54 : memref<10000x128xf32, #tpu.memory_space<hbm>>) dst(%arg18 : memref<64x128xf32, #tpu.memory_space<vmem>>)
    %dma_start3A_55 = arith.constant 0 : i32
    %dma_start3A_56 = arith.constant 0 : i32
    %dma_start3A_57 = tpu.memref_slice %arg25[%dma_start3A_55, %dma_start3A_56] : memref<10000x128xf32, #tpu.memory_space<vmem_shared>> -> memref<10000x128xf32, #tpu.memory_space<vmem_shared>>
    tpu.enqueue_indirect_dma source(%arg18 : memref<64x128xf32, #tpu.memory_space<vmem>>) target(%dma_start3A_57 : memref<10000x128xf32, #tpu.memory_space<vmem_shared>>) offsets(%arg7 : memref<64xi32, #tpu.memory_space<vmem>>) semaphore(%arg28 : memref<!tpu.dma_semaphore, #tpu.memory_space<semaphore_mem>>) {add = true}
    %add3A_58 = arith.constant 192 : i32
    %add3A_59 = arith.addi %mul3A_3, %add3A_58 : i32
    %dma_start3A_60 = tpu.memref_slice %arg3[%add3A_59] : memref<320000xi32, #tpu.memory_space<hbm>> -> memref<64xi32, #tpu.memory_space<hbm>>
    %dma_start3A_61 = tpu.memref_slice %arg3[%add3A_59] : memref<320000xi32, #tpu.memory_space<hbm>> -> memref<64xi32, #tpu.memory_space<hbm>>
    tpu.enqueue_dma source(%dma_start3A_61 : memref<64xi32, #tpu.memory_space<hbm>>) target(%arg12 : memref<64xi32, #tpu.memory_space<vmem>>) target_semaphore(%arg35 : memref<!tpu.dma_semaphore, #tpu.memory_space<semaphore_mem>>)
    %dma_start3A_62 = tpu.memref_slice %arg4[%add3A_59] : memref<320000xi32, #tpu.memory_space<hbm>> -> memref<64xi32, #tpu.memory_space<hbm>>
    %dma_start3A_63 = tpu.memref_slice %arg4[%add3A_59] : memref<320000xi32, #tpu.memory_space<hbm>> -> memref<64xi32, #tpu.memory_space<hbm>>
    tpu.enqueue_dma source(%dma_start3A_63 : memref<64xi32, #tpu.memory_space<hbm>>) target(%arg13 : memref<64xi32, #tpu.memory_space<vmem>>) target_semaphore(%arg36 : memref<!tpu.dma_semaphore, #tpu.memory_space<semaphore_mem>>)
    %dma_wait3A_64 = tpu.memref_slice %arg3[%mul3A_3] : memref<320000xi32, #tpu.memory_space<hbm>> -> memref<64xi32, #tpu.memory_space<hbm>>
    %dma_wait3A_65 = tpu.memref_slice %arg3[%mul3A_3] : memref<320000xi32, #tpu.memory_space<hbm>> -> memref<64xi32, #tpu.memory_space<hbm>>
    tpu.wait_dma2 semaphore(%arg35 : memref<!tpu.dma_semaphore, #tpu.memory_space<semaphore_mem>>) src(%dma_wait3A_65 : memref<64xi32, #tpu.memory_space<hbm>>) dst(%arg12 : memref<64xi32, #tpu.memory_space<vmem>>)
    %dma_wait3A_66 = tpu.memref_slice %arg4[%mul3A_3] : memref<320000xi32, #tpu.memory_space<hbm>> -> memref<64xi32, #tpu.memory_space<hbm>>
    %dma_wait3A_67 = tpu.memref_slice %arg4[%mul3A_3] : memref<320000xi32, #tpu.memory_space<hbm>> -> memref<64xi32, #tpu.memory_space<hbm>>
    tpu.wait_dma2 semaphore(%arg36 : memref<!tpu.dma_semaphore, #tpu.memory_space<semaphore_mem>>) src(%dma_wait3A_67 : memref<64xi32, #tpu.memory_space<hbm>>) dst(%arg13 : memref<64xi32, #tpu.memory_space<vmem>>)
    %dma_start3A_68 = arith.constant 0 : i32
    %dma_start3A_69 = arith.constant 0 : i32
    %dma_start3A_70 = tpu.memref_slice %arg2[%dma_start3A_68, %dma_start3A_69] : memref<10000x128xf32, #tpu.memory_space<hbm>> -> memref<10000x128xf32, #tpu.memory_space<hbm>>
    tpu.enqueue_indirect_dma source(%dma_start3A_70 : memref<10000x128xf32, #tpu.memory_space<hbm>>) target(%arg21 : memref<64x128xf32, #tpu.memory_space<vmem>>) offsets(%arg12 : memref<64xi32, #tpu.memory_space<vmem>>) semaphore(%arg37 : memref<!tpu.dma_semaphore, #tpu.memory_space<semaphore_mem>>)
    %dma_wait3A_71 = arith.constant 0 : i32
    %dma_wait3A_72 = arith.constant 0 : i32
    %dma_wait3A_73 = tpu.memref_slice %arg2[%dma_wait3A_71, %dma_wait3A_72] : memref<10000x128xf32, #tpu.memory_space<hbm>> -> memref<10000x128xf32, #tpu.memory_space<hbm>>
    tpu.wait_indirect_dma semaphore(%arg31 : memref<!tpu.dma_semaphore, #tpu.memory_space<semaphore_mem>>) src(%dma_wait3A_73 : memref<10000x128xf32, #tpu.memory_space<hbm>>) dst(%arg19 : memref<64x128xf32, #tpu.memory_space<vmem>>)
    %dma_start3A_74 = arith.constant 0 : i32
    %dma_start3A_75 = arith.constant 0 : i32
    %dma_start3A_76 = tpu.memref_slice %arg25[%dma_start3A_74, %dma_start3A_75] : memref<10000x128xf32, #tpu.memory_space<vmem_shared>> -> memref<10000x128xf32, #tpu.memory_space<vmem_shared>>
    tpu.enqueue_indirect_dma source(%arg19 : memref<64x128xf32, #tpu.memory_space<vmem>>) target(%dma_start3A_76 : memref<10000x128xf32, #tpu.memory_space<vmem_shared>>) offsets(%arg9 : memref<64xi32, #tpu.memory_space<vmem>>) semaphore(%arg31 : memref<!tpu.dma_semaphore, #tpu.memory_space<semaphore_mem>>) {add = true}
    %add3A_77 = arith.constant 256 : i32
    %add3A_78 = arith.addi %mul3A_3, %add3A_77 : i32
    %dma_start3A_79 = tpu.memref_slice %arg3[%add3A_78] : memref<320000xi32, #tpu.memory_space<hbm>> -> memref<64xi32, #tpu.memory_space<hbm>>
    %dma_start3A_80 = tpu.memref_slice %arg3[%add3A_78] : memref<320000xi32, #tpu.memory_space<hbm>> -> memref<64xi32, #tpu.memory_space<hbm>>
    tpu.enqueue_dma source(%dma_start3A_80 : memref<64xi32, #tpu.memory_space<hbm>>) target(%arg14 : memref<64xi32, #tpu.memory_space<vmem>>) target_semaphore(%arg38 : memref<!tpu.dma_semaphore, #tpu.memory_space<semaphore_mem>>)
    %dma_start3A_81 = tpu.memref_slice %arg4[%add3A_78] : memref<320000xi32, #tpu.memory_space<hbm>> -> memref<64xi32, #tpu.memory_space<hbm>>
    %dma_start3A_82 = tpu.memref_slice %arg4[%add3A_78] : memref<320000xi32, #tpu.memory_space<hbm>> -> memref<64xi32, #tpu.memory_space<hbm>>
    tpu.enqueue_dma source(%dma_start3A_82 : memref<64xi32, #tpu.memory_space<hbm>>) target(%arg15 : memref<64xi32, #tpu.memory_space<vmem>>) target_semaphore(%arg39 : memref<!tpu.dma_semaphore, #tpu.memory_space<semaphore_mem>>)
    %dma_wait3A_83 = tpu.memref_slice %arg3[%mul3A_3] : memref<320000xi32, #tpu.memory_space<hbm>> -> memref<64xi32, #tpu.memory_space<hbm>>
    %dma_wait3A_84 = tpu.memref_slice %arg3[%mul3A_3] : memref<320000xi32, #tpu.memory_space<hbm>> -> memref<64xi32, #tpu.memory_space<hbm>>
    tpu.wait_dma2 semaphore(%arg38 : memref<!tpu.dma_semaphore, #tpu.memory_space<semaphore_mem>>) src(%dma_wait3A_84 : memref<64xi32, #tpu.memory_space<hbm>>) dst(%arg14 : memref<64xi32, #tpu.memory_space<vmem>>)
    %dma_wait3A_85 = tpu.memref_slice %arg4[%mul3A_3] : memref<320000xi32, #tpu.memory_space<hbm>> -> memref<64xi32, #tpu.memory_space<hbm>>
    %dma_wait3A_86 = tpu.memref_slice %arg4[%mul3A_3] : memref<320000xi32, #tpu.memory_space<hbm>> -> memref<64xi32, #tpu.memory_space<hbm>>
    tpu.wait_dma2 semaphore(%arg39 : memref<!tpu.dma_semaphore, #tpu.memory_space<semaphore_mem>>) src(%dma_wait3A_86 : memref<64xi32, #tpu.memory_space<hbm>>) dst(%arg15 : memref<64xi32, #tpu.memory_space<vmem>>)
    %dma_start3A_87 = arith.constant 0 : i32
    %dma_start3A_88 = arith.constant 0 : i32
    %dma_start3A_89 = tpu.memref_slice %arg2[%dma_start3A_87, %dma_start3A_88] : memref<10000x128xf32, #tpu.memory_space<hbm>> -> memref<10000x128xf32, #tpu.memory_space<hbm>>
    tpu.enqueue_indirect_dma source(%dma_start3A_89 : memref<10000x128xf32, #tpu.memory_space<hbm>>) target(%arg22 : memref<64x128xf32, #tpu.memory_space<vmem>>) offsets(%arg14 : memref<64xi32, #tpu.memory_space<vmem>>) semaphore(%arg40 : memref<!tpu.dma_semaphore, #tpu.memory_space<semaphore_mem>>)
    %dma_wait3A_90 = arith.constant 0 : i32
    %dma_wait3A_91 = arith.constant 0 : i32
    %dma_wait3A_92 = tpu.memref_slice %arg2[%dma_wait3A_90, %dma_wait3A_91] : memref<10000x128xf32, #tpu.memory_space<hbm>> -> memref<10000x128xf32, #tpu.memory_space<hbm>>
    tpu.wait_indirect_dma semaphore(%arg34 : memref<!tpu.dma_semaphore, #tpu.memory_space<semaphore_mem>>) src(%dma_wait3A_92 : memref<10000x128xf32, #tpu.memory_space<hbm>>) dst(%arg20 : memref<64x128xf32, #tpu.memory_space<vmem>>)
    %dma_start3A_93 = arith.constant 0 : i32
    %dma_start3A_94 = arith.constant 0 : i32
    %dma_start3A_95 = tpu.memref_slice %arg25[%dma_start3A_93, %dma_start3A_94] : memref<10000x128xf32, #tpu.memory_space<vmem_shared>> -> memref<10000x128xf32, #tpu.memory_space<vmem_shared>>
    tpu.enqueue_indirect_dma source(%arg20 : memref<64x128xf32, #tpu.memory_space<vmem>>) target(%dma_start3A_95 : memref<10000x128xf32, #tpu.memory_space<vmem_shared>>) offsets(%arg11 : memref<64xi32, #tpu.memory_space<vmem>>) semaphore(%arg34 : memref<!tpu.dma_semaphore, #tpu.memory_space<semaphore_mem>>) {add = true}
    %dma_wait3A_96 = arith.constant 0 : i32
    %dma_wait3A_97 = arith.constant 0 : i32
    %dma_wait3A_98 = tpu.memref_slice %arg25[%dma_wait3A_96, %dma_wait3A_97] : memref<10000x128xf32, #tpu.memory_space<vmem_shared>> -> memref<10000x128xf32, #tpu.memory_space<vmem_shared>>
    tpu.wait_indirect_dma semaphore(%arg28 : memref<!tpu.dma_semaphore, #tpu.memory_space<semaphore_mem>>) src(%arg18 : memref<64x128xf32, #tpu.memory_space<vmem>>) dst(%dma_wait3A_98 : memref<10000x128xf32, #tpu.memory_space<vmem_shared>>)
    %add3A_99 = arith.constant 320 : i32
    %add3A_100 = arith.addi %mul3A_3, %add3A_99 : i32
    %dma_start3A_101 = tpu.memref_slice %arg3[%add3A_100] : memref<320000xi32, #tpu.memory_space<hbm>> -> memref<64xi32, #tpu.memory_space<hbm>>
    %dma_start3A_102 = tpu.memref_slice %arg3[%add3A_100] : memref<320000xi32, #tpu.memory_space<hbm>> -> memref<64xi32, #tpu.memory_space<hbm>>
    tpu.enqueue_dma source(%dma_start3A_102 : memref<64xi32, #tpu.memory_space<hbm>>) target(%arg6 : memref<64xi32, #tpu.memory_space<vmem>>) target_semaphore(%arg26 : memref<!tpu.dma_semaphore, #tpu.memory_space<semaphore_mem>>)
    %dma_start3A_103 = tpu.memref_slice %arg4[%add3A_100] : memref<320000xi32, #tpu.memory_space<hbm>> -> memref<64xi32, #tpu.memory_space<hbm>>
    %dma_start3A_104 = tpu.memref_slice %arg4[%add3A_100] : memref<320000xi32, #tpu.memory_space<hbm>> -> memref<64xi32, #tpu.memory_space<hbm>>
    tpu.enqueue_dma source(%dma_start3A_104 : memref<64xi32, #tpu.memory_space<hbm>>) target(%arg7 : memref<64xi32, #tpu.memory_space<vmem>>) target_semaphore(%arg27 : memref<!tpu.dma_semaphore, #tpu.memory_space<semaphore_mem>>)
    %dma_wait3A_105 = tpu.memref_slice %arg3[%mul3A_3] : memref<320000xi32, #tpu.memory_space<hbm>> -> memref<64xi32, #tpu.memory_space<hbm>>
    %dma_wait3A_106 = tpu.memref_slice %arg3[%mul3A_3] : memref<320000xi32, #tpu.memory_space<hbm>> -> memref<64xi32, #tpu.memory_space<hbm>>
    tpu.wait_dma2 semaphore(%arg26 : memref<!tpu.dma_semaphore, #tpu.memory_space<semaphore_mem>>) src(%dma_wait3A_106 : memref<64xi32, #tpu.memory_space<hbm>>) dst(%arg6 : memref<64xi32, #tpu.memory_space<vmem>>)
    %dma_wait3A_107 = tpu.memref_slice %arg4[%mul3A_3] : memref<320000xi32, #tpu.memory_space<hbm>> -> memref<64xi32, #tpu.memory_space<hbm>>
    %dma_wait3A_108 = tpu.memref_slice %arg4[%mul3A_3] : memref<320000xi32, #tpu.memory_space<hbm>> -> memref<64xi32, #tpu.memory_space<hbm>>
    tpu.wait_dma2 semaphore(%arg27 : memref<!tpu.dma_semaphore, #tpu.memory_space<semaphore_mem>>) src(%dma_wait3A_108 : memref<64xi32, #tpu.memory_space<hbm>>) dst(%arg7 : memref<64xi32, #tpu.memory_space<vmem>>)
    %dma_start3A_109 = arith.constant 0 : i32
    %dma_start3A_110 = arith.constant 0 : i32
    %dma_start3A_111 = tpu.memref_slice %arg2[%dma_start3A_109, %dma_start3A_110] : memref<10000x128xf32, #tpu.memory_space<hbm>> -> memref<10000x128xf32, #tpu.memory_space<hbm>>
    tpu.enqueue_indirect_dma source(%dma_start3A_111 : memref<10000x128xf32, #tpu.memory_space<hbm>>) target(%arg18 : memref<64x128xf32, #tpu.memory_space<vmem>>) offsets(%arg6 : memref<64xi32, #tpu.memory_space<vmem>>) semaphore(%arg28 : memref<!tpu.dma_semaphore, #tpu.memory_space<semaphore_mem>>)
    %dma_wait3A_112 = arith.constant 0 : i32
    %dma_wait3A_113 = arith.constant 0 : i32
    %dma_wait3A_114 = tpu.memref_slice %arg2[%dma_wait3A_112, %dma_wait3A_113] : memref<10000x128xf32, #tpu.memory_space<hbm>> -> memref<10000x128xf32, #tpu.memory_space<hbm>>
    tpu.wait_indirect_dma semaphore(%arg37 : memref<!tpu.dma_semaphore, #tpu.memory_space<semaphore_mem>>) src(%dma_wait3A_114 : memref<10000x128xf32, #tpu.memory_space<hbm>>) dst(%arg21 : memref<64x128xf32, #tpu.memory_space<vmem>>)
    %dma_start3A_115 = arith.constant 0 : i32
    %dma_start3A_116 = arith.constant 0 : i32
    %dma_start3A_117 = tpu.memref_slice %arg25[%dma_start3A_115, %dma_start3A_116] : memref<10000x128xf32, #tpu.memory_space<vmem_shared>> -> memref<10000x128xf32, #tpu.memory_space<vmem_shared>>
    tpu.enqueue_indirect_dma source(%arg21 : memref<64x128xf32, #tpu.memory_space<vmem>>) target(%dma_start3A_117 : memref<10000x128xf32, #tpu.memory_space<vmem_shared>>) offsets(%arg13 : memref<64xi32, #tpu.memory_space<vmem>>) semaphore(%arg37 : memref<!tpu.dma_semaphore, #tpu.memory_space<semaphore_mem>>) {add = true}
    %dma_wait3A_118 = arith.constant 0 : i32
    %dma_wait3A_119 = arith.constant 0 : i32
    %dma_wait3A_120 = tpu.memref_slice %arg25[%dma_wait3A_118, %dma_wait3A_119] : memref<10000x128xf32, #tpu.memory_space<vmem_shared>> -> memref<10000x128xf32, #tpu.memory_space<vmem_shared>>
    tpu.wait_indirect_dma semaphore(%arg31 : memref<!tpu.dma_semaphore, #tpu.memory_space<semaphore_mem>>) src(%arg19 : memref<64x128xf32, #tpu.memory_space<vmem>>) dst(%dma_wait3A_120 : memref<10000x128xf32, #tpu.memory_space<vmem_shared>>)
    %add3A_121 = arith.constant 384 : i32
    %add3A_122 = arith.addi %mul3A_3, %add3A_121 : i32
    %dma_start3A_123 = tpu.memref_slice %arg3[%add3A_122] : memref<320000xi32, #tpu.memory_space<hbm>> -> memref<64xi32, #tpu.memory_space<hbm>>
    %dma_start3A_124 = tpu.memref_slice %arg3[%add3A_122] : memref<320000xi32, #tpu.memory_space<hbm>> -> memref<64xi32, #tpu.memory_space<hbm>>
    tpu.enqueue_dma source(%dma_start3A_124 : memref<64xi32, #tpu.memory_space<hbm>>) target(%arg8 : memref<64xi32, #tpu.memory_space<vmem>>) target_semaphore(%arg29 : memref<!tpu.dma_semaphore, #tpu.memory_space<semaphore_mem>>)
    %dma_start3A_125 = tpu.memref_slice %arg4[%add3A_122] : memref<320000xi32, #tpu.memory_space<hbm>> -> memref<64xi32, #tpu.memory_space<hbm>>
    %dma_start3A_126 = tpu.memref_slice %arg4[%add3A_122] : memref<320000xi32, #tpu.memory_space<hbm>> -> memref<64xi32, #tpu.memory_space<hbm>>
    tpu.enqueue_dma source(%dma_start3A_126 : memref<64xi32, #tpu.memory_space<hbm>>) target(%arg9 : memref<64xi32, #tpu.memory_space<vmem>>) target_semaphore(%arg30 : memref<!tpu.dma_semaphore, #tpu.memory_space<semaphore_mem>>)
    %dma_wait3A_127 = tpu.memref_slice %arg3[%mul3A_3] : memref<320000xi32, #tpu.memory_space<hbm>> -> memref<64xi32, #tpu.memory_space<hbm>>
    %dma_wait3A_128 = tpu.memref_slice %arg3[%mul3A_3] : memref<320000xi32, #tpu.memory_space<hbm>> -> memref<64xi32, #tpu.memory_space<hbm>>
    tpu.wait_dma2 semaphore(%arg29 : memref<!tpu.dma_semaphore, #tpu.memory_space<semaphore_mem>>) src(%dma_wait3A_128 : memref<64xi32, #tpu.memory_space<hbm>>) dst(%arg8 : memref<64xi32, #tpu.memory_space<vmem>>)
    %dma_wait3A_129 = tpu.memref_slice %arg4[%mul3A_3] : memref<320000xi32, #tpu.memory_space<hbm>> -> memref<64xi32, #tpu.memory_space<hbm>>
    %dma_wait3A_130 = tpu.memref_slice %arg4[%mul3A_3] : memref<320000xi32, #tpu.memory_space<hbm>> -> memref<64xi32, #tpu.memory_space<hbm>>
    tpu.wait_dma2 semaphore(%arg30 : memref<!tpu.dma_semaphore, #tpu.memory_space<semaphore_mem>>) src(%dma_wait3A_130 : memref<64xi32, #tpu.memory_space<hbm>>) dst(%arg9 : memref<64xi32, #tpu.memory_space<vmem>>)
    %dma_start3A_131 = arith.constant 0 : i32
    %dma_start3A_132 = arith.constant 0 : i32
    %dma_start3A_133 = tpu.memref_slice %arg2[%dma_start3A_131, %dma_start3A_132] : memref<10000x128xf32, #tpu.memory_space<hbm>> -> memref<10000x128xf32, #tpu.memory_space<hbm>>
    tpu.enqueue_indirect_dma source(%dma_start3A_133 : memref<10000x128xf32, #tpu.memory_space<hbm>>) target(%arg19 : memref<64x128xf32, #tpu.memory_space<vmem>>) offsets(%arg8 : memref<64xi32, #tpu.memory_space<vmem>>) semaphore(%arg31 : memref<!tpu.dma_semaphore, #tpu.memory_space<semaphore_mem>>)
    %dma_wait3A_134 = arith.constant 0 : i32
    %dma_wait3A_135 = arith.constant 0 : i32
    %dma_wait3A_136 = tpu.memref_slice %arg2[%dma_wait3A_134, %dma_wait3A_135] : memref<10000x128xf32, #tpu.memory_space<hbm>> -> memref<10000x128xf32, #tpu.memory_space<hbm>>
    tpu.wait_indirect_dma semaphore(%arg40 : memref<!tpu.dma_semaphore, #tpu.memory_space<semaphore_mem>>) src(%dma_wait3A_136 : memref<10000x128xf32, #tpu.memory_space<hbm>>) dst(%arg22 : memref<64x128xf32, #tpu.memory_space<vmem>>)
    %dma_start3A_137 = arith.constant 0 : i32
    %dma_start3A_138 = arith.constant 0 : i32
    %dma_start3A_139 = tpu.memref_slice %arg25[%dma_start3A_137, %dma_start3A_138] : memref<10000x128xf32, #tpu.memory_space<vmem_shared>> -> memref<10000x128xf32, #tpu.memory_space<vmem_shared>>
    tpu.enqueue_indirect_dma source(%arg22 : memref<64x128xf32, #tpu.memory_space<vmem>>) target(%dma_start3A_139 : memref<10000x128xf32, #tpu.memory_space<vmem_shared>>) offsets(%arg15 : memref<64xi32, #tpu.memory_space<vmem>>) semaphore(%arg40 : memref<!tpu.dma_semaphore, #tpu.memory_space<semaphore_mem>>) {add = true}
    %dma_wait3A_140 = arith.constant 0 : i32
    %dma_wait3A_141 = arith.constant 0 : i32
    %dma_wait3A_142 = tpu.memref_slice %arg25[%dma_wait3A_140, %dma_wait3A_141] : memref<10000x128xf32, #tpu.memory_space<vmem_shared>> -> memref<10000x128xf32, #tpu.memory_space<vmem_shared>>
    tpu.wait_indirect_dma semaphore(%arg34 : memref<!tpu.dma_semaphore, #tpu.memory_space<semaphore_mem>>) src(%arg20 : memref<64x128xf32, #tpu.memory_space<vmem>>) dst(%dma_wait3A_142 : memref<10000x128xf32, #tpu.memory_space<vmem_shared>>)
    %add3A_143 = arith.constant 448 : i32
    %add3A_144 = arith.addi %mul3A_3, %add3A_143 : i32
    %dma_start3A_145 = tpu.memref_slice %arg3[%add3A_144] : memref<320000xi32, #tpu.memory_space<hbm>> -> memref<64xi32, #tpu.memory_space<hbm>>
    %dma_start3A_146 = tpu.memref_slice %arg3[%add3A_144] : memref<320000xi32, #tpu.memory_space<hbm>> -> memref<64xi32, #tpu.memory_space<hbm>>
    tpu.enqueue_dma source(%dma_start3A_146 : memref<64xi32, #tpu.memory_space<hbm>>) target(%arg10 : memref<64xi32, #tpu.memory_space<vmem>>) target_semaphore(%arg32 : memref<!tpu.dma_semaphore, #tpu.memory_space<semaphore_mem>>)
    %dma_start3A_147 = tpu.memref_slice %arg4[%add3A_144] : memref<320000xi32, #tpu.memory_space<hbm>> -> memref<64xi32, #tpu.memory_space<hbm>>
    %dma_start3A_148 = tpu.memref_slice %arg4[%add3A_144] : memref<320000xi32, #tpu.memory_space<hbm>> -> memref<64xi32, #tpu.memory_space<hbm>>
    tpu.enqueue_dma source(%dma_start3A_148 : memref<64xi32, #tpu.memory_space<hbm>>) target(%arg11 : memref<64xi32, #tpu.memory_space<vmem>>) target_semaphore(%arg33 : memref<!tpu.dma_semaphore, #tpu.memory_space<semaphore_mem>>)
    %dma_wait3A_149 = tpu.memref_slice %arg3[%mul3A_3] : memref<320000xi32, #tpu.memory_space<hbm>> -> memref<64xi32, #tpu.memory_space<hbm>>
    %dma_wait3A_150 = tpu.memref_slice %arg3[%mul3A_3] : memref<320000xi32, #tpu.memory_space<hbm>> -> memref<64xi32, #tpu.memory_space<hbm>>
    tpu.wait_dma2 semaphore(%arg32 : memref<!tpu.dma_semaphore, #tpu.memory_space<semaphore_mem>>) src(%dma_wait3A_150 : memref<64xi32, #tpu.memory_space<hbm>>) dst(%arg10 : memref<64xi32, #tpu.memory_space<vmem>>)
    %dma_wait3A_151 = tpu.memref_slice %arg4[%mul3A_3] : memref<320000xi32, #tpu.memory_space<hbm>> -> memref<64xi32, #tpu.memory_space<hbm>>
    %dma_wait3A_152 = tpu.memref_slice %arg4[%mul3A_3] : memref<320000xi32, #tpu.memory_space<hbm>> -> memref<64xi32, #tpu.memory_space<hbm>>
    tpu.wait_dma2 semaphore(%arg33 : memref<!tpu.dma_semaphore, #tpu.memory_space<semaphore_mem>>) src(%dma_wait3A_152 : memref<64xi32, #tpu.memory_space<hbm>>) dst(%arg11 : memref<64xi32, #tpu.memory_space<vmem>>)
    %dma_start3A_153 = arith.constant 0 : i32
    %dma_start3A_154 = arith.constant 0 : i32
    %dma_start3A_155 = tpu.memref_slice %arg2[%dma_start3A_153, %dma_start3A_154] : memref<10000x128xf32, #tpu.memory_space<hbm>> -> memref<10000x128xf32, #tpu.memory_space<hbm>>
    tpu.enqueue_indirect_dma source(%dma_start3A_155 : memref<10000x128xf32, #tpu.memory_space<hbm>>) target(%arg20 : memref<64x128xf32, #tpu.memory_space<vmem>>) offsets(%arg10 : memref<64xi32, #tpu.memory_space<vmem>>) semaphore(%arg34 : memref<!tpu.dma_semaphore, #tpu.memory_space<semaphore_mem>>)
    %dma_wait3A_156 = arith.constant 0 : i32
    %dma_wait3A_157 = arith.constant 0 : i32
    %dma_wait3A_158 = tpu.memref_slice %arg2[%dma_wait3A_156, %dma_wait3A_157] : memref<10000x128xf32, #tpu.memory_space<hbm>> -> memref<10000x128xf32, #tpu.memory_space<hbm>>
    tpu.wait_indirect_dma semaphore(%arg28 : memref<!tpu.dma_semaphore, #tpu.memory_space<semaphore_mem>>) src(%dma_wait3A_158 : memref<10000x128xf32, #tpu.memory_space<hbm>>) dst(%arg18 : memref<64x128xf32, #tpu.memory_space<vmem>>)
    %dma_start3A_159 = arith.constant 0 : i32
    %dma_start3A_160 = arith.constant 0 : i32
    %dma_start3A_161 = tpu.memref_slice %arg25[%dma_start3A_159, %dma_start3A_160] : memref<10000x128xf32, #tpu.memory_space<vmem_shared>> -> memref<10000x128xf32, #tpu.memory_space<vmem_shared>>
    tpu.enqueue_indirect_dma source(%arg18 : memref<64x128xf32, #tpu.memory_space<vmem>>) target(%dma_start3A_161 : memref<10000x128xf32, #tpu.memory_space<vmem_shared>>) offsets(%arg7 : memref<64xi32, #tpu.memory_space<vmem>>) semaphore(%arg28 : memref<!tpu.dma_semaphore, #tpu.memory_space<semaphore_mem>>) {add = true}
    %dma_wait3A_162 = arith.constant 0 : i32
    %dma_wait3A_163 = arith.constant 0 : i32
    %dma_wait3A_164 = tpu.memref_slice %arg25[%dma_wait3A_162, %dma_wait3A_163] : memref<10000x128xf32, #tpu.memory_space<vmem_shared>> -> memref<10000x128xf32, #tpu.memory_space<vmem_shared>>
    tpu.wait_indirect_dma semaphore(%arg37 : memref<!tpu.dma_semaphore, #tpu.memory_space<semaphore_mem>>) src(%arg21 : memref<64x128xf32, #tpu.memory_space<vmem>>) dst(%dma_wait3A_164 : memref<10000x128xf32, #tpu.memory_space<vmem_shared>>)
    %add3A_165 = arith.constant 512 : i32
    %add3A_166 = arith.addi %mul3A_3, %add3A_165 : i32
    %dma_start3A_167 = tpu.memref_slice %arg3[%add3A_166] : memref<320000xi32, #tpu.memory_space<hbm>> -> memref<64xi32, #tpu.memory_space<hbm>>
    %dma_start3A_168 = tpu.memref_slice %arg3[%add3A_166] : memref<320000xi32, #tpu.memory_space<hbm>> -> memref<64xi32, #tpu.memory_space<hbm>>
    tpu.enqueue_dma source(%dma_start3A_168 : memref<64xi32, #tpu.memory_space<hbm>>) target(%arg12 : memref<64xi32, #tpu.memory_space<vmem>>) target_semaphore(%arg35 : memref<!tpu.dma_semaphore, #tpu.memory_space<semaphore_mem>>)
    %dma_start3A_169 = tpu.memref_slice %arg4[%add3A_166] : memref<320000xi32, #tpu.memory_space<hbm>> -> memref<64xi32, #tpu.memory_space<hbm>>
    %dma_start3A_170 = tpu.memref_slice %arg4[%add3A_166] : memref<320000xi32, #tpu.memory_space<hbm>> -> memref<64xi32, #tpu.memory_space<hbm>>
    tpu.enqueue_dma source(%dma_start3A_170 : memref<64xi32, #tpu.memory_space<hbm>>) target(%arg13 : memref<64xi32, #tpu.memory_space<vmem>>) target_semaphore(%arg36 : memref<!tpu.dma_semaphore, #tpu.memory_space<semaphore_mem>>)
    %dma_wait3A_171 = tpu.memref_slice %arg3[%mul3A_3] : memref<320000xi32, #tpu.memory_space<hbm>> -> memref<64xi32, #tpu.memory_space<hbm>>
    %dma_wait3A_172 = tpu.memref_slice %arg3[%mul3A_3] : memref<320000xi32, #tpu.memory_space<hbm>> -> memref<64xi32, #tpu.memory_space<hbm>>
    tpu.wait_dma2 semaphore(%arg35 : memref<!tpu.dma_semaphore, #tpu.memory_space<semaphore_mem>>) src(%dma_wait3A_172 : memref<64xi32, #tpu.memory_space<hbm>>) dst(%arg12 : memref<64xi32, #tpu.memory_space<vmem>>)
    %dma_wait3A_173 = tpu.memref_slice %arg4[%mul3A_3] : memref<320000xi32, #tpu.memory_space<hbm>> -> memref<64xi32, #tpu.memory_space<hbm>>
    %dma_wait3A_174 = tpu.memref_slice %arg4[%mul3A_3] : memref<320000xi32, #tpu.memory_space<hbm>> -> memref<64xi32, #tpu.memory_space<hbm>>
    tpu.wait_dma2 semaphore(%arg36 : memref<!tpu.dma_semaphore, #tpu.memory_space<semaphore_mem>>) src(%dma_wait3A_174 : memref<64xi32, #tpu.memory_space<hbm>>) dst(%arg13 : memref<64xi32, #tpu.memory_space<vmem>>)
    %dma_start3A_175 = arith.constant 0 : i32
    %dma_start3A_176 = arith.constant 0 : i32
    %dma_start3A_177 = tpu.memref_slice %arg2[%dma_start3A_175, %dma_start3A_176] : memref<10000x128xf32, #tpu.memory_space<hbm>> -> memref<10000x128xf32, #tpu.memory_space<hbm>>
    tpu.enqueue_indirect_dma source(%dma_start3A_177 : memref<10000x128xf32, #tpu.memory_space<hbm>>) target(%arg21 : memref<64x128xf32, #tpu.memory_space<vmem>>) offsets(%arg12 : memref<64xi32, #tpu.memory_space<vmem>>) semaphore(%arg37 : memref<!tpu.dma_semaphore, #tpu.memory_space<semaphore_mem>>)
    %scan3A_178 = arith.constant 0 : i32
    %scan3A_179 = arith.constant 30 : i32
    %scan3A_180 = arith.addi %scan3A_178, %scan3A_179 : i32
    %scan3A_181 = arith.constant 1 : i32
    scf.for %scan3A_201 = %scan3A_178 to %scan3A_180 step %scan3A_181  : i32 {
      %mul3A_202 = arith.constant 1 : i32
      %mul3A_203 = arith.muli %scan3A_201, %mul3A_202 : i32
      %add3A_204 = arith.constant 0 : i32
      %add3A_205 = arith.addi %add3A_204, %mul3A_203 : i32
      %mul3A_206 = arith.constant 5 : i32
      %mul3A_207 = arith.muli %mul3A_206, %add3A_205 : i32
      %add3A_208 = arith.constant 6 : i32
      %add3A_209 = arith.addi %mul3A_207, %add3A_208 : i32
      %add3A_210 = arith.constant 0 : i32
      %add3A_211 = arith.addi %add3A_209, %add3A_210 : i32
      %dma_wait3A_212 = arith.constant 0 : i32
      %dma_wait3A_213 = arith.constant 0 : i32
      %dma_wait3A_214 = tpu.memref_slice %arg2[%dma_wait3A_212, %dma_wait3A_213] : memref<10000x128xf32, #tpu.memory_space<hbm>> -> memref<10000x128xf32, #tpu.memory_space<hbm>>
      tpu.wait_indirect_dma semaphore(%arg31 : memref<!tpu.dma_semaphore, #tpu.memory_space<semaphore_mem>>) src(%dma_wait3A_214 : memref<10000x128xf32, #tpu.memory_space<hbm>>) dst(%arg19 : memref<64x128xf32, #tpu.memory_space<vmem>>)
      %dma_start3A_215 = arith.constant 0 : i32
      %dma_start3A_216 = arith.constant 0 : i32
      %dma_start3A_217 = tpu.memref_slice %arg25[%dma_start3A_215, %dma_start3A_216] : memref<10000x128xf32, #tpu.memory_space<vmem_shared>> -> memref<10000x128xf32, #tpu.memory_space<vmem_shared>>
      tpu.enqueue_indirect_dma source(%arg19 : memref<64x128xf32, #tpu.memory_space<vmem>>) target(%dma_start3A_217 : memref<10000x128xf32, #tpu.memory_space<vmem_shared>>) offsets(%arg9 : memref<64xi32, #tpu.memory_space<vmem>>) semaphore(%arg31 : memref<!tpu.dma_semaphore, #tpu.memory_space<semaphore_mem>>) {add = true}
      %dma_wait3A_218 = arith.constant 0 : i32
      %dma_wait3A_219 = arith.constant 0 : i32
      %dma_wait3A_220 = tpu.memref_slice %arg25[%dma_wait3A_218, %dma_wait3A_219] : memref<10000x128xf32, #tpu.memory_space<vmem_shared>> -> memref<10000x128xf32, #tpu.memory_space<vmem_shared>>
      tpu.wait_indirect_dma semaphore(%arg40 : memref<!tpu.dma_semaphore, #tpu.memory_space<semaphore_mem>>) src(%arg22 : memref<64x128xf32, #tpu.memory_space<vmem>>) dst(%dma_wait3A_220 : memref<10000x128xf32, #tpu.memory_space<vmem_shared>>)
      %add3A_221 = arith.constant 3 : i32
      %add3A_222 = arith.addi %add3A_211, %add3A_221 : i32
      %mul3A_223 = arith.constant 64 : i32
      %mul3A_224 = arith.muli %add3A_222, %mul3A_223 : i32
      %add3A_225 = arith.addi %mul3A_3, %mul3A_224 : i32
      %dma_start3A_226 = tpu.memref_slice %arg3[%add3A_225] : memref<320000xi32, #tpu.memory_space<hbm>> -> memref<64xi32, #tpu.memory_space<hbm>>
      %dma_start3A_227 = tpu.memref_slice %arg3[%add3A_225] : memref<320000xi32, #tpu.memory_space<hbm>> -> memref<64xi32, #tpu.memory_space<hbm>>
      tpu.enqueue_dma source(%dma_start3A_227 : memref<64xi32, #tpu.memory_space<hbm>>) target(%arg14 : memref<64xi32, #tpu.memory_space<vmem>>) target_semaphore(%arg38 : memref<!tpu.dma_semaphore, #tpu.memory_space<semaphore_mem>>)
      %dma_start3A_228 = tpu.memref_slice %arg4[%add3A_225] : memref<320000xi32, #tpu.memory_space<hbm>> -> memref<64xi32, #tpu.memory_space<hbm>>
      %dma_start3A_229 = tpu.memref_slice %arg4[%add3A_225] : memref<320000xi32, #tpu.memory_space<hbm>> -> memref<64xi32, #tpu.memory_space<hbm>>
      tpu.enqueue_dma source(%dma_start3A_229 : memref<64xi32, #tpu.memory_space<hbm>>) target(%arg15 : memref<64xi32, #tpu.memory_space<vmem>>) target_semaphore(%arg39 : memref<!tpu.dma_semaphore, #tpu.memory_space<semaphore_mem>>)
      %dma_wait3A_230 = tpu.memref_slice %arg3[%mul3A_3] : memref<320000xi32, #tpu.memory_space<hbm>> -> memref<64xi32, #tpu.memory_space<hbm>>
      %dma_wait3A_231 = tpu.memref_slice %arg3[%mul3A_3] : memref<320000xi32, #tpu.memory_space<hbm>> -> memref<64xi32, #tpu.memory_space<hbm>>
      tpu.wait_dma2 semaphore(%arg38 : memref<!tpu.dma_semaphore, #tpu.memory_space<semaphore_mem>>) src(%dma_wait3A_231 : memref<64xi32, #tpu.memory_space<hbm>>) dst(%arg14 : memref<64xi32, #tpu.memory_space<vmem>>)
      %dma_wait3A_232 = tpu.memref_slice %arg4[%mul3A_3] : memref<320000xi32, #tpu.memory_space<hbm>> -> memref<64xi32, #tpu.memory_space<hbm>>
      %dma_wait3A_233 = tpu.memref_slice %arg4[%mul3A_3] : memref<320000xi32, #tpu.memory_space<hbm>> -> memref<64xi32, #tpu.memory_space<hbm>>
      tpu.wait_dma2 semaphore(%arg39 : memref<!tpu.dma_semaphore, #tpu.memory_space<semaphore_mem>>) src(%dma_wait3A_233 : memref<64xi32, #tpu.memory_space<hbm>>) dst(%arg15 : memref<64xi32, #tpu.memory_space<vmem>>)
      %dma_start3A_234 = arith.constant 0 : i32
      %dma_start3A_235 = arith.constant 0 : i32
      %dma_start3A_236 = tpu.memref_slice %arg2[%dma_start3A_234, %dma_start3A_235] : memref<10000x128xf32, #tpu.memory_space<hbm>> -> memref<10000x128xf32, #tpu.memory_space<hbm>>
      tpu.enqueue_indirect_dma source(%dma_start3A_236 : memref<10000x128xf32, #tpu.memory_space<hbm>>) target(%arg22 : memref<64x128xf32, #tpu.memory_space<vmem>>) offsets(%arg14 : memref<64xi32, #tpu.memory_space<vmem>>) semaphore(%arg40 : memref<!tpu.dma_semaphore, #tpu.memory_space<semaphore_mem>>)
      %mul3A_237 = arith.constant 5 : i32
      %mul3A_238 = arith.muli %mul3A_237, %add3A_205 : i32
      %add3A_239 = arith.constant 6 : i32
      %add3A_240 = arith.addi %mul3A_238, %add3A_239 : i32
      %add3A_241 = arith.constant 1 : i32
      %add3A_242 = arith.addi %add3A_240, %add3A_241 : i32
      %dma_wait3A_243 = arith.constant 0 : i32
      %dma_wait3A_244 = arith.constant 0 : i32
      %dma_wait3A_245 = tpu.memref_slice %arg2[%dma_wait3A_243, %dma_wait3A_244] : memref<10000x128xf32, #tpu.memory_space<hbm>> -> memref<10000x128xf32, #tpu.memory_space<hbm>>
      tpu.wait_indirect_dma semaphore(%arg34 : memref<!tpu.dma_semaphore, #tpu.memory_space<semaphore_mem>>) src(%dma_wait3A_245 : memref<10000x128xf32, #tpu.memory_space<hbm>>) dst(%arg20 : memref<64x128xf32, #tpu.memory_space<vmem>>)
      %dma_start3A_246 = arith.constant 0 : i32
      %dma_start3A_247 = arith.constant 0 : i32
      %dma_start3A_248 = tpu.memref_slice %arg25[%dma_start3A_246, %dma_start3A_247] : memref<10000x128xf32, #tpu.memory_space<vmem_shared>> -> memref<10000x128xf32, #tpu.memory_space<vmem_shared>>
      tpu.enqueue_indirect_dma source(%arg20 : memref<64x128xf32, #tpu.memory_space<vmem>>) target(%dma_start3A_248 : memref<10000x128xf32, #tpu.memory_space<vmem_shared>>) offsets(%arg11 : memref<64xi32, #tpu.memory_space<vmem>>) semaphore(%arg34 : memref<!tpu.dma_semaphore, #tpu.memory_space<semaphore_mem>>) {add = true}
      %dma_wait3A_249 = arith.constant 0 : i32
      %dma_wait3A_250 = arith.constant 0 : i32
      %dma_wait3A_251 = tpu.memref_slice %arg25[%dma_wait3A_249, %dma_wait3A_250] : memref<10000x128xf32, #tpu.memory_space<vmem_shared>> -> memref<10000x128xf32, #tpu.memory_space<vmem_shared>>
      tpu.wait_indirect_dma semaphore(%arg28 : memref<!tpu.dma_semaphore, #tpu.memory_space<semaphore_mem>>) src(%arg18 : memref<64x128xf32, #tpu.memory_space<vmem>>) dst(%dma_wait3A_251 : memref<10000x128xf32, #tpu.memory_space<vmem_shared>>)
      %add3A_252 = arith.constant 3 : i32
      %add3A_253 = arith.addi %add3A_242, %add3A_252 : i32
      %mul3A_254 = arith.constant 64 : i32
      %mul3A_255 = arith.muli %add3A_253, %mul3A_254 : i32
      %add3A_256 = arith.addi %mul3A_3, %mul3A_255 : i32
      %dma_start3A_257 = tpu.memref_slice %arg3[%add3A_256] : memref<320000xi32, #tpu.memory_space<hbm>> -> memref<64xi32, #tpu.memory_space<hbm>>
      %dma_start3A_258 = tpu.memref_slice %arg3[%add3A_256] : memref<320000xi32, #tpu.memory_space<hbm>> -> memref<64xi32, #tpu.memory_space<hbm>>
      tpu.enqueue_dma source(%dma_start3A_258 : memref<64xi32, #tpu.memory_space<hbm>>) target(%arg6 : memref<64xi32, #tpu.memory_space<vmem>>) target_semaphore(%arg26 : memref<!tpu.dma_semaphore, #tpu.memory_space<semaphore_mem>>)
      %dma_start3A_259 = tpu.memref_slice %arg4[%add3A_256] : memref<320000xi32, #tpu.memory_space<hbm>> -> memref<64xi32, #tpu.memory_space<hbm>>
      %dma_start3A_260 = tpu.memref_slice %arg4[%add3A_256] : memref<320000xi32, #tpu.memory_space<hbm>> -> memref<64xi32, #tpu.memory_space<hbm>>
      tpu.enqueue_dma source(%dma_start3A_260 : memref<64xi32, #tpu.memory_space<hbm>>) target(%arg7 : memref<64xi32, #tpu.memory_space<vmem>>) target_semaphore(%arg27 : memref<!tpu.dma_semaphore, #tpu.memory_space<semaphore_mem>>)
      %dma_wait3A_261 = tpu.memref_slice %arg3[%mul3A_3] : memref<320000xi32, #tpu.memory_space<hbm>> -> memref<64xi32, #tpu.memory_space<hbm>>
      %dma_wait3A_262 = tpu.memref_slice %arg3[%mul3A_3] : memref<320000xi32, #tpu.memory_space<hbm>> -> memref<64xi32, #tpu.memory_space<hbm>>
      tpu.wait_dma2 semaphore(%arg26 : memref<!tpu.dma_semaphore, #tpu.memory_space<semaphore_mem>>) src(%dma_wait3A_262 : memref<64xi32, #tpu.memory_space<hbm>>) dst(%arg6 : memref<64xi32, #tpu.memory_space<vmem>>)
      %dma_wait3A_263 = tpu.memref_slice %arg4[%mul3A_3] : memref<320000xi32, #tpu.memory_space<hbm>> -> memref<64xi32, #tpu.memory_space<hbm>>
      %dma_wait3A_264 = tpu.memref_slice %arg4[%mul3A_3] : memref<320000xi32, #tpu.memory_space<hbm>> -> memref<64xi32, #tpu.memory_space<hbm>>
      tpu.wait_dma2 semaphore(%arg27 : memref<!tpu.dma_semaphore, #tpu.memory_space<semaphore_mem>>) src(%dma_wait3A_264 : memref<64xi32, #tpu.memory_space<hbm>>) dst(%arg7 : memref<64xi32, #tpu.memory_space<vmem>>)
      %dma_start3A_265 = arith.constant 0 : i32
      %dma_start3A_266 = arith.constant 0 : i32
      %dma_start3A_267 = tpu.memref_slice %arg2[%dma_start3A_265, %dma_start3A_266] : memref<10000x128xf32, #tpu.memory_space<hbm>> -> memref<10000x128xf32, #tpu.memory_space<hbm>>
      tpu.enqueue_indirect_dma source(%dma_start3A_267 : memref<10000x128xf32, #tpu.memory_space<hbm>>) target(%arg18 : memref<64x128xf32, #tpu.memory_space<vmem>>) offsets(%arg6 : memref<64xi32, #tpu.memory_space<vmem>>) semaphore(%arg28 : memref<!tpu.dma_semaphore, #tpu.memory_space<semaphore_mem>>)
      %mul3A_268 = arith.constant 5 : i32
      %mul3A_269 = arith.muli %mul3A_268, %add3A_205 : i32
      %add3A_270 = arith.constant 6 : i32
      %add3A_271 = arith.addi %mul3A_269, %add3A_270 : i32
      %add3A_272 = arith.constant 2 : i32
      %add3A_273 = arith.addi %add3A_271, %add3A_272 : i32
      %lt3A = arith.constant 29 : i32
      %lt3A_274 = arith.cmpi slt, %add3A_205, %lt3A : i32
      %convert_element_type3A_275 = arith.extui %lt3A_274 : i1 to i32
      %cond3A_276 = arith.constant 0 : i32
      %cond3A_277 = arith.cmpi ne, %convert_element_type3A_275, %cond3A_276 : i32
      scf.if %cond3A_277 {
        %dma_wait3A_315 = arith.constant 0 : i32
        %dma_wait3A_316 = arith.constant 0 : i32
        %dma_wait3A_317 = tpu.memref_slice %arg2[%dma_wait3A_315, %dma_wait3A_316] : memref<10000x128xf32, #tpu.memory_space<hbm>> -> memref<10000x128xf32, #tpu.memory_space<hbm>>
        tpu.wait_indirect_dma semaphore(%arg37 : memref<!tpu.dma_semaphore, #tpu.memory_space<semaphore_mem>>) src(%dma_wait3A_317 : memref<10000x128xf32, #tpu.memory_space<hbm>>) dst(%arg21 : memref<64x128xf32, #tpu.memory_space<vmem>>)
        %dma_start3A_318 = arith.constant 0 : i32
        %dma_start3A_319 = arith.constant 0 : i32
        %dma_start3A_320 = tpu.memref_slice %arg25[%dma_start3A_318, %dma_start3A_319] : memref<10000x128xf32, #tpu.memory_space<vmem_shared>> -> memref<10000x128xf32, #tpu.memory_space<vmem_shared>>
        tpu.enqueue_indirect_dma source(%arg21 : memref<64x128xf32, #tpu.memory_space<vmem>>) target(%dma_start3A_320 : memref<10000x128xf32, #tpu.memory_space<vmem_shared>>) offsets(%arg13 : memref<64xi32, #tpu.memory_space<vmem>>) semaphore(%arg37 : memref<!tpu.dma_semaphore, #tpu.memory_space<semaphore_mem>>) {add = true}
        %dma_wait3A_321 = arith.constant 0 : i32
        %dma_wait3A_322 = arith.constant 0 : i32
        %dma_wait3A_323 = tpu.memref_slice %arg25[%dma_wait3A_321, %dma_wait3A_322] : memref<10000x128xf32, #tpu.memory_space<vmem_shared>> -> memref<10000x128xf32, #tpu.memory_space<vmem_shared>>
        tpu.wait_indirect_dma semaphore(%arg31 : memref<!tpu.dma_semaphore, #tpu.memory_space<semaphore_mem>>) src(%arg19 : memref<64x128xf32, #tpu.memory_space<vmem>>) dst(%dma_wait3A_323 : memref<10000x128xf32, #tpu.memory_space<vmem_shared>>)
        %add3A_324 = arith.constant 3 : i32
        %add3A_325 = arith.addi %add3A_273, %add3A_324 : i32
        %mul3A_326 = arith.constant 64 : i32
        %mul3A_327 = arith.muli %add3A_325, %mul3A_326 : i32
        %add3A_328 = arith.addi %mul3A_3, %mul3A_327 : i32
        %dma_start3A_329 = tpu.memref_slice %arg3[%add3A_328] : memref<320000xi32, #tpu.memory_space<hbm>> -> memref<64xi32, #tpu.memory_space<hbm>>
        %dma_start3A_330 = tpu.memref_slice %arg3[%add3A_328] : memref<320000xi32, #tpu.memory_space<hbm>> -> memref<64xi32, #tpu.memory_space<hbm>>
        tpu.enqueue_dma source(%dma_start3A_330 : memref<64xi32, #tpu.memory_space<hbm>>) target(%arg8 : memref<64xi32, #tpu.memory_space<vmem>>) target_semaphore(%arg29 : memref<!tpu.dma_semaphore, #tpu.memory_space<semaphore_mem>>)
        %dma_start3A_331 = tpu.memref_slice %arg4[%add3A_328] : memref<320000xi32, #tpu.memory_space<hbm>> -> memref<64xi32, #tpu.memory_space<hbm>>
        %dma_start3A_332 = tpu.memref_slice %arg4[%add3A_328] : memref<320000xi32, #tpu.memory_space<hbm>> -> memref<64xi32, #tpu.memory_space<hbm>>
        tpu.enqueue_dma source(%dma_start3A_332 : memref<64xi32, #tpu.memory_space<hbm>>) target(%arg9 : memref<64xi32, #tpu.memory_space<vmem>>) target_semaphore(%arg30 : memref<!tpu.dma_semaphore, #tpu.memory_space<semaphore_mem>>)
        %dma_wait3A_333 = tpu.memref_slice %arg3[%mul3A_3] : memref<320000xi32, #tpu.memory_space<hbm>> -> memref<64xi32, #tpu.memory_space<hbm>>
        %dma_wait3A_334 = tpu.memref_slice %arg3[%mul3A_3] : memref<320000xi32, #tpu.memory_space<hbm>> -> memref<64xi32, #tpu.memory_space<hbm>>
        tpu.wait_dma2 semaphore(%arg29 : memref<!tpu.dma_semaphore, #tpu.memory_space<semaphore_mem>>) src(%dma_wait3A_334 : memref<64xi32, #tpu.memory_space<hbm>>) dst(%arg8 : memref<64xi32, #tpu.memory_space<vmem>>)
        %dma_wait3A_335 = tpu.memref_slice %arg4[%mul3A_3] : memref<320000xi32, #tpu.memory_space<hbm>> -> memref<64xi32, #tpu.memory_space<hbm>>
        %dma_wait3A_336 = tpu.memref_slice %arg4[%mul3A_3] : memref<320000xi32, #tpu.memory_space<hbm>> -> memref<64xi32, #tpu.memory_space<hbm>>
        tpu.wait_dma2 semaphore(%arg30 : memref<!tpu.dma_semaphore, #tpu.memory_space<semaphore_mem>>) src(%dma_wait3A_336 : memref<64xi32, #tpu.memory_space<hbm>>) dst(%arg9 : memref<64xi32, #tpu.memory_space<vmem>>)
        %dma_start3A_337 = arith.constant 0 : i32
        %dma_start3A_338 = arith.constant 0 : i32
        %dma_start3A_339 = tpu.memref_slice %arg2[%dma_start3A_337, %dma_start3A_338] : memref<10000x128xf32, #tpu.memory_space<hbm>> -> memref<10000x128xf32, #tpu.memory_space<hbm>>
        tpu.enqueue_indirect_dma source(%dma_start3A_339 : memref<10000x128xf32, #tpu.memory_space<hbm>>) target(%arg19 : memref<64x128xf32, #tpu.memory_space<vmem>>) offsets(%arg8 : memref<64xi32, #tpu.memory_space<vmem>>) semaphore(%arg31 : memref<!tpu.dma_semaphore, #tpu.memory_space<semaphore_mem>>)
      } else {
      }
      %eq3A_278 = arith.constant 29 : i32
      %eq3A_279 = arith.cmpi eq, %add3A_205, %eq3A_278 : i32
      %convert_element_type3A_280 = arith.extui %eq3A_279 : i1 to i32
      %cond3A_281 = arith.constant 0 : i32
      %cond3A_282 = arith.cmpi ne, %convert_element_type3A_280, %cond3A_281 : i32
      scf.if %cond3A_282 {
        %dma_wait3A_315 = arith.constant 0 : i32
        %dma_wait3A_316 = arith.constant 0 : i32
        %dma_wait3A_317 = tpu.memref_slice %arg2[%dma_wait3A_315, %dma_wait3A_316] : memref<10000x128xf32, #tpu.memory_space<hbm>> -> memref<10000x128xf32, #tpu.memory_space<hbm>>
        tpu.wait_indirect_dma semaphore(%arg37 : memref<!tpu.dma_semaphore, #tpu.memory_space<semaphore_mem>>) src(%dma_wait3A_317 : memref<10000x128xf32, #tpu.memory_space<hbm>>) dst(%arg21 : memref<64x128xf32, #tpu.memory_space<vmem>>)
        %dma_start3A_318 = arith.constant 0 : i32
        %dma_start3A_319 = arith.constant 0 : i32
        %dma_start3A_320 = tpu.memref_slice %arg25[%dma_start3A_318, %dma_start3A_319] : memref<10000x128xf32, #tpu.memory_space<vmem_shared>> -> memref<10000x128xf32, #tpu.memory_space<vmem_shared>>
        tpu.enqueue_indirect_dma source(%arg21 : memref<64x128xf32, #tpu.memory_space<vmem>>) target(%dma_start3A_320 : memref<10000x128xf32, #tpu.memory_space<vmem_shared>>) offsets(%arg13 : memref<64xi32, #tpu.memory_space<vmem>>) semaphore(%arg37 : memref<!tpu.dma_semaphore, #tpu.memory_space<semaphore_mem>>) {add = true}
        %dma_wait3A_321 = arith.constant 0 : i32
        %dma_wait3A_322 = arith.constant 0 : i32
        %dma_wait3A_323 = tpu.memref_slice %arg25[%dma_wait3A_321, %dma_wait3A_322] : memref<10000x128xf32, #tpu.memory_space<vmem_shared>> -> memref<10000x128xf32, #tpu.memory_space<vmem_shared>>
        tpu.wait_indirect_dma semaphore(%arg31 : memref<!tpu.dma_semaphore, #tpu.memory_space<semaphore_mem>>) src(%arg19 : memref<64x128xf32, #tpu.memory_space<vmem>>) dst(%dma_wait3A_323 : memref<10000x128xf32, #tpu.memory_space<vmem_shared>>)
      } else {
      }
      %mul3A_283 = arith.constant 5 : i32
      %mul3A_284 = arith.muli %mul3A_283, %add3A_205 : i32
      %add3A_285 = arith.constant 6 : i32
      %add3A_286 = arith.addi %mul3A_284, %add3A_285 : i32
      %add3A_287 = arith.constant 3 : i32
      %add3A_288 = arith.addi %add3A_286, %add3A_287 : i32
      %lt3A_289 = arith.constant 29 : i32
      %lt3A_290 = arith.cmpi slt, %add3A_205, %lt3A_289 : i32
      %convert_element_type3A_291 = arith.extui %lt3A_290 : i1 to i32
      %cond3A_292 = arith.constant 0 : i32
      %cond3A_293 = arith.cmpi ne, %convert_element_type3A_291, %cond3A_292 : i32
      scf.if %cond3A_293 {
        %dma_wait3A_315 = arith.constant 0 : i32
        %dma_wait3A_316 = arith.constant 0 : i32
        %dma_wait3A_317 = tpu.memref_slice %arg2[%dma_wait3A_315, %dma_wait3A_316] : memref<10000x128xf32, #tpu.memory_space<hbm>> -> memref<10000x128xf32, #tpu.memory_space<hbm>>
        tpu.wait_indirect_dma semaphore(%arg40 : memref<!tpu.dma_semaphore, #tpu.memory_space<semaphore_mem>>) src(%dma_wait3A_317 : memref<10000x128xf32, #tpu.memory_space<hbm>>) dst(%arg22 : memref<64x128xf32, #tpu.memory_space<vmem>>)
        %dma_start3A_318 = arith.constant 0 : i32
        %dma_start3A_319 = arith.constant 0 : i32
        %dma_start3A_320 = tpu.memref_slice %arg25[%dma_start3A_318, %dma_start3A_319] : memref<10000x128xf32, #tpu.memory_space<vmem_shared>> -> memref<10000x128xf32, #tpu.memory_space<vmem_shared>>
        tpu.enqueue_indirect_dma source(%arg22 : memref<64x128xf32, #tpu.memory_space<vmem>>) target(%dma_start3A_320 : memref<10000x128xf32, #tpu.memory_space<vmem_shared>>) offsets(%arg15 : memref<64xi32, #tpu.memory_space<vmem>>) semaphore(%arg40 : memref<!tpu.dma_semaphore, #tpu.memory_space<semaphore_mem>>) {add = true}
        %dma_wait3A_321 = arith.constant 0 : i32
        %dma_wait3A_322 = arith.constant 0 : i32
        %dma_wait3A_323 = tpu.memref_slice %arg25[%dma_wait3A_321, %dma_wait3A_322] : memref<10000x128xf32, #tpu.memory_space<vmem_shared>> -> memref<10000x128xf32, #tpu.memory_space<vmem_shared>>
        tpu.wait_indirect_dma semaphore(%arg34 : memref<!tpu.dma_semaphore, #tpu.memory_space<semaphore_mem>>) src(%arg20 : memref<64x128xf32, #tpu.memory_space<vmem>>) dst(%dma_wait3A_323 : memref<10000x128xf32, #tpu.memory_space<vmem_shared>>)
        %add3A_324 = arith.constant 3 : i32
        %add3A_325 = arith.addi %add3A_288, %add3A_324 : i32
        %mul3A_326 = arith.constant 64 : i32
        %mul3A_327 = arith.muli %add3A_325, %mul3A_326 : i32
        %add3A_328 = arith.addi %mul3A_3, %mul3A_327 : i32
        %dma_start3A_329 = tpu.memref_slice %arg3[%add3A_328] : memref<320000xi32, #tpu.memory_space<hbm>> -> memref<64xi32, #tpu.memory_space<hbm>>
        %dma_start3A_330 = tpu.memref_slice %arg3[%add3A_328] : memref<320000xi32, #tpu.memory_space<hbm>> -> memref<64xi32, #tpu.memory_space<hbm>>
        tpu.enqueue_dma source(%dma_start3A_330 : memref<64xi32, #tpu.memory_space<hbm>>) target(%arg10 : memref<64xi32, #tpu.memory_space<vmem>>) target_semaphore(%arg32 : memref<!tpu.dma_semaphore, #tpu.memory_space<semaphore_mem>>)
        %dma_start3A_331 = tpu.memref_slice %arg4[%add3A_328] : memref<320000xi32, #tpu.memory_space<hbm>> -> memref<64xi32, #tpu.memory_space<hbm>>
        %dma_start3A_332 = tpu.memref_slice %arg4[%add3A_328] : memref<320000xi32, #tpu.memory_space<hbm>> -> memref<64xi32, #tpu.memory_space<hbm>>
        tpu.enqueue_dma source(%dma_start3A_332 : memref<64xi32, #tpu.memory_space<hbm>>) target(%arg11 : memref<64xi32, #tpu.memory_space<vmem>>) target_semaphore(%arg33 : memref<!tpu.dma_semaphore, #tpu.memory_space<semaphore_mem>>)
        %dma_wait3A_333 = tpu.memref_slice %arg3[%mul3A_3] : memref<320000xi32, #tpu.memory_space<hbm>> -> memref<64xi32, #tpu.memory_space<hbm>>
        %dma_wait3A_334 = tpu.memref_slice %arg3[%mul3A_3] : memref<320000xi32, #tpu.memory_space<hbm>> -> memref<64xi32, #tpu.memory_space<hbm>>
        tpu.wait_dma2 semaphore(%arg32 : memref<!tpu.dma_semaphore, #tpu.memory_space<semaphore_mem>>) src(%dma_wait3A_334 : memref<64xi32, #tpu.memory_space<hbm>>) dst(%arg10 : memref<64xi32, #tpu.memory_space<vmem>>)
        %dma_wait3A_335 = tpu.memref_slice %arg4[%mul3A_3] : memref<320000xi32, #tpu.memory_space<hbm>> -> memref<64xi32, #tpu.memory_space<hbm>>
        %dma_wait3A_336 = tpu.memref_slice %arg4[%mul3A_3] : memref<320000xi32, #tpu.memory_space<hbm>> -> memref<64xi32, #tpu.memory_space<hbm>>
        tpu.wait_dma2 semaphore(%arg33 : memref<!tpu.dma_semaphore, #tpu.memory_space<semaphore_mem>>) src(%dma_wait3A_336 : memref<64xi32, #tpu.memory_space<hbm>>) dst(%arg11 : memref<64xi32, #tpu.memory_space<vmem>>)
        %dma_start3A_337 = arith.constant 0 : i32
        %dma_start3A_338 = arith.constant 0 : i32
        %dma_start3A_339 = tpu.memref_slice %arg2[%dma_start3A_337, %dma_start3A_338] : memref<10000x128xf32, #tpu.memory_space<hbm>> -> memref<10000x128xf32, #tpu.memory_space<hbm>>
        tpu.enqueue_indirect_dma source(%dma_start3A_339 : memref<10000x128xf32, #tpu.memory_space<hbm>>) target(%arg20 : memref<64x128xf32, #tpu.memory_space<vmem>>) offsets(%arg10 : memref<64xi32, #tpu.memory_space<vmem>>) semaphore(%arg34 : memref<!tpu.dma_semaphore, #tpu.memory_space<semaphore_mem>>)
      } else {
      }
      %eq3A_294 = arith.constant 29 : i32
      %eq3A_295 = arith.cmpi eq, %add3A_205, %eq3A_294 : i32
      %convert_element_type3A_296 = arith.extui %eq3A_295 : i1 to i32
      %cond3A_297 = arith.constant 0 : i32
      %cond3A_298 = arith.cmpi ne, %convert_element_type3A_296, %cond3A_297 : i32
      scf.if %cond3A_298 {
        %dma_wait3A_315 = arith.constant 0 : i32
        %dma_wait3A_316 = arith.constant 0 : i32
        %dma_wait3A_317 = tpu.memref_slice %arg2[%dma_wait3A_315, %dma_wait3A_316] : memref<10000x128xf32, #tpu.memory_space<hbm>> -> memref<10000x128xf32, #tpu.memory_space<hbm>>
        tpu.wait_indirect_dma semaphore(%arg40 : memref<!tpu.dma_semaphore, #tpu.memory_space<semaphore_mem>>) src(%dma_wait3A_317 : memref<10000x128xf32, #tpu.memory_space<hbm>>) dst(%arg22 : memref<64x128xf32, #tpu.memory_space<vmem>>)
        %dma_start3A_318 = arith.constant 0 : i32
        %dma_start3A_319 = arith.constant 0 : i32
        %dma_start3A_320 = tpu.memref_slice %arg25[%dma_start3A_318, %dma_start3A_319] : memref<10000x128xf32, #tpu.memory_space<vmem_shared>> -> memref<10000x128xf32, #tpu.memory_space<vmem_shared>>
        tpu.enqueue_indirect_dma source(%arg22 : memref<64x128xf32, #tpu.memory_space<vmem>>) target(%dma_start3A_320 : memref<10000x128xf32, #tpu.memory_space<vmem_shared>>) offsets(%arg15 : memref<64xi32, #tpu.memory_space<vmem>>) semaphore(%arg40 : memref<!tpu.dma_semaphore, #tpu.memory_space<semaphore_mem>>) {add = true}
        %dma_wait3A_321 = arith.constant 0 : i32
        %dma_wait3A_322 = arith.constant 0 : i32
        %dma_wait3A_323 = tpu.memref_slice %arg25[%dma_wait3A_321, %dma_wait3A_322] : memref<10000x128xf32, #tpu.memory_space<vmem_shared>> -> memref<10000x128xf32, #tpu.memory_space<vmem_shared>>
        tpu.wait_indirect_dma semaphore(%arg34 : memref<!tpu.dma_semaphore, #tpu.memory_space<semaphore_mem>>) src(%arg20 : memref<64x128xf32, #tpu.memory_space<vmem>>) dst(%dma_wait3A_323 : memref<10000x128xf32, #tpu.memory_space<vmem_shared>>)
      } else {
      }
      %mul3A_299 = arith.constant 5 : i32
      %mul3A_300 = arith.muli %mul3A_299, %add3A_205 : i32
      %add3A_301 = arith.constant 6 : i32
      %add3A_302 = arith.addi %mul3A_300, %add3A_301 : i32
      %add3A_303 = arith.constant 4 : i32
      %add3A_304 = arith.addi %add3A_302, %add3A_303 : i32
      %lt3A_305 = arith.constant 29 : i32
      %lt3A_306 = arith.cmpi slt, %add3A_205, %lt3A_305 : i32
      %convert_element_type3A_307 = arith.extui %lt3A_306 : i1 to i32
      %cond3A_308 = arith.constant 0 : i32
      %cond3A_309 = arith.cmpi ne, %convert_element_type3A_307, %cond3A_308 : i32
      scf.if %cond3A_309 {
        %dma_wait3A_315 = arith.constant 0 : i32
        %dma_wait3A_316 = arith.constant 0 : i32
        %dma_wait3A_317 = tpu.memref_slice %arg2[%dma_wait3A_315, %dma_wait3A_316] : memref<10000x128xf32, #tpu.memory_space<hbm>> -> memref<10000x128xf32, #tpu.memory_space<hbm>>
        tpu.wait_indirect_dma semaphore(%arg28 : memref<!tpu.dma_semaphore, #tpu.memory_space<semaphore_mem>>) src(%dma_wait3A_317 : memref<10000x128xf32, #tpu.memory_space<hbm>>) dst(%arg18 : memref<64x128xf32, #tpu.memory_space<vmem>>)
        %dma_start3A_318 = arith.constant 0 : i32
        %dma_start3A_319 = arith.constant 0 : i32
        %dma_start3A_320 = tpu.memref_slice %arg25[%dma_start3A_318, %dma_start3A_319] : memref<10000x128xf32, #tpu.memory_space<vmem_shared>> -> memref<10000x128xf32, #tpu.memory_space<vmem_shared>>
        tpu.enqueue_indirect_dma source(%arg18 : memref<64x128xf32, #tpu.memory_space<vmem>>) target(%dma_start3A_320 : memref<10000x128xf32, #tpu.memory_space<vmem_shared>>) offsets(%arg7 : memref<64xi32, #tpu.memory_space<vmem>>) semaphore(%arg28 : memref<!tpu.dma_semaphore, #tpu.memory_space<semaphore_mem>>) {add = true}
        %dma_wait3A_321 = arith.constant 0 : i32
        %dma_wait3A_322 = arith.constant 0 : i32
        %dma_wait3A_323 = tpu.memref_slice %arg25[%dma_wait3A_321, %dma_wait3A_322] : memref<10000x128xf32, #tpu.memory_space<vmem_shared>> -> memref<10000x128xf32, #tpu.memory_space<vmem_shared>>
        tpu.wait_indirect_dma semaphore(%arg37 : memref<!tpu.dma_semaphore, #tpu.memory_space<semaphore_mem>>) src(%arg21 : memref<64x128xf32, #tpu.memory_space<vmem>>) dst(%dma_wait3A_323 : memref<10000x128xf32, #tpu.memory_space<vmem_shared>>)
        %add3A_324 = arith.constant 3 : i32
        %add3A_325 = arith.addi %add3A_304, %add3A_324 : i32
        %mul3A_326 = arith.constant 64 : i32
        %mul3A_327 = arith.muli %add3A_325, %mul3A_326 : i32
        %add3A_328 = arith.addi %mul3A_3, %mul3A_327 : i32
        %dma_start3A_329 = tpu.memref_slice %arg3[%add3A_328] : memref<320000xi32, #tpu.memory_space<hbm>> -> memref<64xi32, #tpu.memory_space<hbm>>
        %dma_start3A_330 = tpu.memref_slice %arg3[%add3A_328] : memref<320000xi32, #tpu.memory_space<hbm>> -> memref<64xi32, #tpu.memory_space<hbm>>
        tpu.enqueue_dma source(%dma_start3A_330 : memref<64xi32, #tpu.memory_space<hbm>>) target(%arg12 : memref<64xi32, #tpu.memory_space<vmem>>) target_semaphore(%arg35 : memref<!tpu.dma_semaphore, #tpu.memory_space<semaphore_mem>>)
        %dma_start3A_331 = tpu.memref_slice %arg4[%add3A_328] : memref<320000xi32, #tpu.memory_space<hbm>> -> memref<64xi32, #tpu.memory_space<hbm>>
        %dma_start3A_332 = tpu.memref_slice %arg4[%add3A_328] : memref<320000xi32, #tpu.memory_space<hbm>> -> memref<64xi32, #tpu.memory_space<hbm>>
        tpu.enqueue_dma source(%dma_start3A_332 : memref<64xi32, #tpu.memory_space<hbm>>) target(%arg13 : memref<64xi32, #tpu.memory_space<vmem>>) target_semaphore(%arg36 : memref<!tpu.dma_semaphore, #tpu.memory_space<semaphore_mem>>)
        %dma_wait3A_333 = tpu.memref_slice %arg3[%mul3A_3] : memref<320000xi32, #tpu.memory_space<hbm>> -> memref<64xi32, #tpu.memory_space<hbm>>
        %dma_wait3A_334 = tpu.memref_slice %arg3[%mul3A_3] : memref<320000xi32, #tpu.memory_space<hbm>> -> memref<64xi32, #tpu.memory_space<hbm>>
        tpu.wait_dma2 semaphore(%arg35 : memref<!tpu.dma_semaphore, #tpu.memory_space<semaphore_mem>>) src(%dma_wait3A_334 : memref<64xi32, #tpu.memory_space<hbm>>) dst(%arg12 : memref<64xi32, #tpu.memory_space<vmem>>)
        %dma_wait3A_335 = tpu.memref_slice %arg4[%mul3A_3] : memref<320000xi32, #tpu.memory_space<hbm>> -> memref<64xi32, #tpu.memory_space<hbm>>
        %dma_wait3A_336 = tpu.memref_slice %arg4[%mul3A_3] : memref<320000xi32, #tpu.memory_space<hbm>> -> memref<64xi32, #tpu.memory_space<hbm>>
        tpu.wait_dma2 semaphore(%arg36 : memref<!tpu.dma_semaphore, #tpu.memory_space<semaphore_mem>>) src(%dma_wait3A_336 : memref<64xi32, #tpu.memory_space<hbm>>) dst(%arg13 : memref<64xi32, #tpu.memory_space<vmem>>)
        %dma_start3A_337 = arith.constant 0 : i32
        %dma_start3A_338 = arith.constant 0 : i32
        %dma_start3A_339 = tpu.memref_slice %arg2[%dma_start3A_337, %dma_start3A_338] : memref<10000x128xf32, #tpu.memory_space<hbm>> -> memref<10000x128xf32, #tpu.memory_space<hbm>>
        tpu.enqueue_indirect_dma source(%dma_start3A_339 : memref<10000x128xf32, #tpu.memory_space<hbm>>) target(%arg21 : memref<64x128xf32, #tpu.memory_space<vmem>>) offsets(%arg12 : memref<64xi32, #tpu.memory_space<vmem>>) semaphore(%arg37 : memref<!tpu.dma_semaphore, #tpu.memory_space<semaphore_mem>>)
      } else {
      }
      %eq3A_310 = arith.constant 29 : i32
      %eq3A_311 = arith.cmpi eq, %add3A_205, %eq3A_310 : i32
      %convert_element_type3A_312 = arith.extui %eq3A_311 : i1 to i32
      %cond3A_313 = arith.constant 0 : i32
      %cond3A_314 = arith.cmpi ne, %convert_element_type3A_312, %cond3A_313 : i32
      scf.if %cond3A_314 {
        %dma_wait3A_315 = arith.constant 0 : i32
        %dma_wait3A_316 = arith.constant 0 : i32
        %dma_wait3A_317 = tpu.memref_slice %arg2[%dma_wait3A_315, %dma_wait3A_316] : memref<10000x128xf32, #tpu.memory_space<hbm>> -> memref<10000x128xf32, #tpu.memory_space<hbm>>
        tpu.wait_indirect_dma semaphore(%arg28 : memref<!tpu.dma_semaphore, #tpu.memory_space<semaphore_mem>>) src(%dma_wait3A_317 : memref<10000x128xf32, #tpu.memory_space<hbm>>) dst(%arg18 : memref<64x128xf32, #tpu.memory_space<vmem>>)
        %dma_start3A_318 = arith.constant 0 : i32
        %dma_start3A_319 = arith.constant 0 : i32
        %dma_start3A_320 = tpu.memref_slice %arg25[%dma_start3A_318, %dma_start3A_319] : memref<10000x128xf32, #tpu.memory_space<vmem_shared>> -> memref<10000x128xf32, #tpu.memory_space<vmem_shared>>
        tpu.enqueue_indirect_dma source(%arg18 : memref<64x128xf32, #tpu.memory_space<vmem>>) target(%dma_start3A_320 : memref<10000x128xf32, #tpu.memory_space<vmem_shared>>) offsets(%arg7 : memref<64xi32, #tpu.memory_space<vmem>>) semaphore(%arg28 : memref<!tpu.dma_semaphore, #tpu.memory_space<semaphore_mem>>) {add = true}
        %dma_wait3A_321 = arith.constant 0 : i32
        %dma_wait3A_322 = arith.constant 0 : i32
        %dma_wait3A_323 = tpu.memref_slice %arg25[%dma_wait3A_321, %dma_wait3A_322] : memref<10000x128xf32, #tpu.memory_space<vmem_shared>> -> memref<10000x128xf32, #tpu.memory_space<vmem_shared>>
        tpu.wait_indirect_dma semaphore(%arg37 : memref<!tpu.dma_semaphore, #tpu.memory_space<semaphore_mem>>) src(%arg21 : memref<64x128xf32, #tpu.memory_space<vmem>>) dst(%dma_wait3A_323 : memref<10000x128xf32, #tpu.memory_space<vmem_shared>>)
      } else {
      }
    }
    %scan3A_182 = arith.constant 30 : i32
    %dma_wait3A_183 = arith.constant 0 : i32
    %dma_wait3A_184 = arith.constant 0 : i32
    %dma_wait3A_185 = tpu.memref_slice %arg25[%dma_wait3A_183, %dma_wait3A_184] : memref<10000x128xf32, #tpu.memory_space<vmem_shared>> -> memref<10000x128xf32, #tpu.memory_space<vmem_shared>>
    tpu.wait_indirect_dma semaphore(%arg40 : memref<!tpu.dma_semaphore, #tpu.memory_space<semaphore_mem>>) src(%arg22 : memref<64x128xf32, #tpu.memory_space<vmem>>) dst(%dma_wait3A_185 : memref<10000x128xf32, #tpu.memory_space<vmem_shared>>)
    %dma_wait3A_186 = arith.constant 0 : i32
    %dma_wait3A_187 = arith.constant 0 : i32
    %dma_wait3A_188 = tpu.memref_slice %arg25[%dma_wait3A_186, %dma_wait3A_187] : memref<10000x128xf32, #tpu.memory_space<vmem_shared>> -> memref<10000x128xf32, #tpu.memory_space<vmem_shared>>
    tpu.wait_indirect_dma semaphore(%arg28 : memref<!tpu.dma_semaphore, #tpu.memory_space<semaphore_mem>>) src(%arg18 : memref<64x128xf32, #tpu.memory_space<vmem>>) dst(%dma_wait3A_188 : memref<10000x128xf32, #tpu.memory_space<vmem_shared>>)
    %add3A_189 = arith.constant 9984 : i32
    %add3A_190 = arith.addi %mul3A_3, %add3A_189 : i32
    "tpu.region"() ({
      %run_scoped3A = tpu.sem_alloc : memref<!tpu.dma_semaphore, #tpu.memory_space<semaphore_mem>>
      %dma_start3A_201 = tpu.memref_slice %arg3[%add3A_190] : memref<320000xi32, #tpu.memory_space<hbm>> -> memref<16xi32, #tpu.memory_space<hbm>>
      %dma_start3A_202 = tpu.memref_slice %arg3[%add3A_190] : memref<320000xi32, #tpu.memory_space<hbm>> -> memref<16xi32, #tpu.memory_space<hbm>>
      tpu.enqueue_dma source(%dma_start3A_202 : memref<16xi32, #tpu.memory_space<hbm>>) target(%arg16 : memref<16xi32, #tpu.memory_space<vmem>>) target_semaphore(%run_scoped3A : memref<!tpu.dma_semaphore, #tpu.memory_space<semaphore_mem>>)
      %dma_wait3A_203 = tpu.memref_slice %arg3[%add3A_190] : memref<320000xi32, #tpu.memory_space<hbm>> -> memref<16xi32, #tpu.memory_space<hbm>>
      %dma_wait3A_204 = tpu.memref_slice %arg3[%add3A_190] : memref<320000xi32, #tpu.memory_space<hbm>> -> memref<16xi32, #tpu.memory_space<hbm>>
      tpu.wait_dma2 semaphore(%run_scoped3A : memref<!tpu.dma_semaphore, #tpu.memory_space<semaphore_mem>>) src(%dma_wait3A_204 : memref<16xi32, #tpu.memory_space<hbm>>) dst(%arg16 : memref<16xi32, #tpu.memory_space<vmem>>)
      tpu.yield
    }) : () -> ()
    "tpu.region"() ({
      %run_scoped3A = tpu.sem_alloc : memref<!tpu.dma_semaphore, #tpu.memory_space<semaphore_mem>>
      %dma_start3A_201 = tpu.memref_slice %arg4[%add3A_190] : memref<320000xi32, #tpu.memory_space<hbm>> -> memref<16xi32, #tpu.memory_space<hbm>>
      %dma_start3A_202 = tpu.memref_slice %arg4[%add3A_190] : memref<320000xi32, #tpu.memory_space<hbm>> -> memref<16xi32, #tpu.memory_space<hbm>>
      tpu.enqueue_dma source(%dma_start3A_202 : memref<16xi32, #tpu.memory_space<hbm>>) target(%arg17 : memref<16xi32, #tpu.memory_space<vmem>>) target_semaphore(%run_scoped3A : memref<!tpu.dma_semaphore, #tpu.memory_space<semaphore_mem>>)
      %dma_wait3A_203 = tpu.memref_slice %arg4[%add3A_190] : memref<320000xi32, #tpu.memory_space<hbm>> -> memref<16xi32, #tpu.memory_space<hbm>>
      %dma_wait3A_204 = tpu.memref_slice %arg4[%add3A_190] : memref<320000xi32, #tpu.memory_space<hbm>> -> memref<16xi32, #tpu.memory_space<hbm>>
      tpu.wait_dma2 semaphore(%run_scoped3A : memref<!tpu.dma_semaphore, #tpu.memory_space<semaphore_mem>>) src(%dma_wait3A_204 : memref<16xi32, #tpu.memory_space<hbm>>) dst(%arg17 : memref<16xi32, #tpu.memory_space<vmem>>)
      tpu.yield
    }) : () -> ()
    "tpu.region"() ({
      %run_scoped3A = tpu.sem_alloc : memref<!tpu.dma_semaphore, #tpu.memory_space<semaphore_mem>>
      %dma_start3A_201 = arith.constant 0 : i32
      %dma_start3A_202 = arith.constant 0 : i32
      %dma_start3A_203 = tpu.memref_slice %arg2[%dma_start3A_201, %dma_start3A_202] : memref<10000x128xf32, #tpu.memory_space<hbm>> -> memref<10000x128xf32, #tpu.memory_space<hbm>>
      tpu.enqueue_indirect_dma source(%dma_start3A_203 : memref<10000x128xf32, #tpu.memory_space<hbm>>) target(%arg23 : memref<16x128xf32, #tpu.memory_space<vmem>>) offsets(%arg16 : memref<16xi32, #tpu.memory_space<vmem>>) semaphore(%run_scoped3A : memref<!tpu.dma_semaphore, #tpu.memory_space<semaphore_mem>>)
      %dma_wait3A_204 = arith.constant 0 : i32
      %dma_wait3A_205 = arith.constant 0 : i32
      %dma_wait3A_206 = tpu.memref_slice %arg2[%dma_wait3A_204, %dma_wait3A_205] : memref<10000x128xf32, #tpu.memory_space<hbm>> -> memref<10000x128xf32, #tpu.memory_space<hbm>>
      tpu.wait_indirect_dma semaphore(%run_scoped3A : memref<!tpu.dma_semaphore, #tpu.memory_space<semaphore_mem>>) src(%dma_wait3A_206 : memref<10000x128xf32, #tpu.memory_space<hbm>>) dst(%arg23 : memref<16x128xf32, #tpu.memory_space<vmem>>)
      tpu.yield
    }) : () -> ()
    "tpu.region"() ({
      %run_scoped3A = tpu.sem_alloc : memref<!tpu.dma_semaphore, #tpu.memory_space<semaphore_mem>>
      %dma_start3A_201 = arith.constant 0 : i32
      %dma_start3A_202 = arith.constant 0 : i32
      %dma_start3A_203 = tpu.memref_slice %arg25[%dma_start3A_201, %dma_start3A_202] : memref<10000x128xf32, #tpu.memory_space<vmem_shared>> -> memref<10000x128xf32, #tpu.memory_space<vmem_shared>>
      tpu.enqueue_indirect_dma source(%arg23 : memref<16x128xf32, #tpu.memory_space<vmem>>) target(%dma_start3A_203 : memref<10000x128xf32, #tpu.memory_space<vmem_shared>>) offsets(%arg17 : memref<16xi32, #tpu.memory_space<vmem>>) semaphore(%run_scoped3A : memref<!tpu.dma_semaphore, #tpu.memory_space<semaphore_mem>>) {add = true}
      %dma_wait3A_204 = arith.constant 0 : i32
      %dma_wait3A_205 = arith.constant 0 : i32
      %dma_wait3A_206 = tpu.memref_slice %arg25[%dma_wait3A_204, %dma_wait3A_205] : memref<10000x128xf32, #tpu.memory_space<vmem_shared>> -> memref<10000x128xf32, #tpu.memory_space<vmem_shared>>
      tpu.wait_indirect_dma semaphore(%run_scoped3A : memref<!tpu.dma_semaphore, #tpu.memory_space<semaphore_mem>>) src(%arg23 : memref<16x128xf32, #tpu.memory_space<vmem>>) dst(%dma_wait3A_206 : memref<10000x128xf32, #tpu.memory_space<vmem_shared>>)
      tpu.yield
    }) : () -> ()
    %barrier3A_191 = arith.constant 0 : index
    tpu.barrier barrier_id(%barrier3A_191)
    %mul3A_192 = arith.constant 624 : i32
    %mul3A_193 = arith.muli %arg1, %mul3A_192 : i32
    %mul3A_194 = arith.constant 624 : i32
    %mul3A_195 = arith.muli %arg1, %mul3A_194 : i32
    "tpu.region"() ({
      %run_scoped3A = tpu.sem_alloc : memref<!tpu.dma_semaphore, #tpu.memory_space<semaphore_mem>>
      %dma_start3A_201 = arith.constant 0 : i32
      %dma_start3A_202 = arith.constant 0 : i32
      %dma_start3A_203 = tpu.memref_slice %arg5[%arg0, %dma_start3A_201, %dma_start3A_202] : memref<2x10000x128xf32, #tpu.memory_space<hbm>> -> memref<1x10000x128xf32, #tpu.memory_space<hbm>>
      %dma_start3A_204 = tpu.memref_squeeze %dma_start3A_203 : memref<1x10000x128xf32, #tpu.memory_space<hbm>> -> memref<10000x128xf32, #tpu.memory_space<hbm>>
      %dma_start3A_205 = arith.constant 0 : i32
      %dma_start3A_206 = tpu.memref_slice %dma_start3A_204[%mul3A_195, %dma_start3A_205] : memref<10000x128xf32, #tpu.memory_space<hbm>> -> memref<624x128xf32, #tpu.memory_space<hbm>>
      %dma_start3A_207 = arith.constant 0 : i32
      %dma_start3A_208 = tpu.memref_slice %arg25[%mul3A_193, %dma_start3A_207] : memref<10000x128xf32, #tpu.memory_space<vmem_shared>> -> memref<624x128xf32, #tpu.memory_space<vmem_shared>>
      tpu.enqueue_dma source(%dma_start3A_208 : memref<624x128xf32, #tpu.memory_space<vmem_shared>>) target(%dma_start3A_206 : memref<624x128xf32, #tpu.memory_space<hbm>>) target_semaphore(%run_scoped3A : memref<!tpu.dma_semaphore, #tpu.memory_space<semaphore_mem>>)
      %dma_wait3A_209 = arith.constant 0 : i32
      %dma_wait3A_210 = arith.constant 0 : i32
      %dma_wait3A_211 = tpu.memref_slice %arg5[%arg0, %dma_wait3A_209, %dma_wait3A_210] : memref<2x10000x128xf32, #tpu.memory_space<hbm>> -> memref<1x10000x128xf32, #tpu.memory_space<hbm>>
      %dma_wait3A_212 = tpu.memref_squeeze %dma_wait3A_211 : memref<1x10000x128xf32, #tpu.memory_space<hbm>> -> memref<10000x128xf32, #tpu.memory_space<hbm>>
      %dma_wait3A_213 = arith.constant 0 : i32
      %dma_wait3A_214 = tpu.memref_slice %dma_wait3A_212[%mul3A_195, %dma_wait3A_213] : memref<10000x128xf32, #tpu.memory_space<hbm>> -> memref<624x128xf32, #tpu.memory_space<hbm>>
      %dma_wait3A_215 = arith.constant 0 : i32
      %dma_wait3A_216 = tpu.memref_slice %arg25[%mul3A_193, %dma_wait3A_215] : memref<10000x128xf32, #tpu.memory_space<vmem_shared>> -> memref<624x128xf32, #tpu.memory_space<vmem_shared>>
      tpu.wait_dma2 semaphore(%run_scoped3A : memref<!tpu.dma_semaphore, #tpu.memory_space<semaphore_mem>>) src(%dma_wait3A_216 : memref<624x128xf32, #tpu.memory_space<vmem_shared>>) dst(%dma_wait3A_214 : memref<624x128xf32, #tpu.memory_space<hbm>>)
      tpu.yield
    }) : () -> ()
    %eq3A_196 = arith.constant 15 : i32
    %eq3A_197 = arith.cmpi eq, %arg1, %eq3A_196 : i32
    %convert_element_type3A_198 = arith.extui %eq3A_197 : i1 to i32
    %cond3A_199 = arith.constant 0 : i32
    %cond3A_200 = arith.cmpi ne, %convert_element_type3A_198, %cond3A_199 : i32
    scf.if %cond3A_200 {
      "tpu.region"() ({
        %run_scoped3A = tpu.sem_alloc : memref<!tpu.dma_semaphore, #tpu.memory_space<semaphore_mem>>
        %dma_start3A_201 = arith.constant 0 : i32
        %dma_start3A_202 = arith.constant 0 : i32
        %dma_start3A_203 = tpu.memref_slice %arg5[%arg0, %dma_start3A_201, %dma_start3A_202] : memref<2x10000x128xf32, #tpu.memory_space<hbm>> -> memref<1x10000x128xf32, #tpu.memory_space<hbm>>
        %dma_start3A_204 = tpu.memref_squeeze %dma_start3A_203 : memref<1x10000x128xf32, #tpu.memory_space<hbm>> -> memref<10000x128xf32, #tpu.memory_space<hbm>>
        %dma_start3A_205 = arith.constant 9984 : i32
        %dma_start3A_206 = arith.constant 0 : i32
        %dma_start3A_207 = tpu.memref_slice %dma_start3A_204[%dma_start3A_205, %dma_start3A_206] : memref<10000x128xf32, #tpu.memory_space<hbm>> -> memref<16x128xf32, #tpu.memory_space<hbm>>
        %dma_start3A_208 = arith.constant 9984 : i32
        %dma_start3A_209 = arith.constant 0 : i32
        %dma_start3A_210 = tpu.memref_slice %arg25[%dma_start3A_208, %dma_start3A_209] : memref<10000x128xf32, #tpu.memory_space<vmem_shared>> -> memref<16x128xf32, #tpu.memory_space<vmem_shared>>
        tpu.enqueue_dma source(%dma_start3A_210 : memref<16x128xf32, #tpu.memory_space<vmem_shared>>) target(%dma_start3A_207 : memref<16x128xf32, #tpu.memory_space<hbm>>) target_semaphore(%run_scoped3A : memref<!tpu.dma_semaphore, #tpu.memory_space<semaphore_mem>>)
        %dma_wait3A_211 = arith.constant 0 : i32
        %dma_wait3A_212 = arith.constant 0 : i32
        %dma_wait3A_213 = tpu.memref_slice %arg5[%arg0, %dma_wait3A_211, %dma_wait3A_212] : memref<2x10000x128xf32, #tpu.memory_space<hbm>> -> memref<1x10000x128xf32, #tpu.memory_space<hbm>>
        %dma_wait3A_214 = tpu.memref_squeeze %dma_wait3A_213 : memref<1x10000x128xf32, #tpu.memory_space<hbm>> -> memref<10000x128xf32, #tpu.memory_space<hbm>>
        %dma_wait3A_215 = arith.constant 9984 : i32
        %dma_wait3A_216 = arith.constant 0 : i32
        %dma_wait3A_217 = tpu.memref_slice %dma_wait3A_214[%dma_wait3A_215, %dma_wait3A_216] : memref<10000x128xf32, #tpu.memory_space<hbm>> -> memref<16x128xf32, #tpu.memory_space<hbm>>
        %dma_wait3A_218 = arith.constant 9984 : i32
        %dma_wait3A_219 = arith.constant 0 : i32
        %dma_wait3A_220 = tpu.memref_slice %arg25[%dma_wait3A_218, %dma_wait3A_219] : memref<10000x128xf32, #tpu.memory_space<vmem_shared>> -> memref<16x128xf32, #tpu.memory_space<vmem_shared>>
        tpu.wait_dma2 semaphore(%run_scoped3A : memref<!tpu.dma_semaphore, #tpu.memory_space<semaphore_mem>>) src(%dma_wait3A_220 : memref<16x128xf32, #tpu.memory_space<vmem_shared>>) dst(%dma_wait3A_217 : memref<16x128xf32, #tpu.memory_space<hbm>>)
        tpu.yield
      }) : () -> ()
    } else {
    }
    return
  }
}

module attributes {stable_mosaic.version = 14 : i64} {
  func.func @body(%arg0: i32, %arg1: memref<2x1000x128xf32, #tpu.memory_space<vmem>>, %arg2: memref<1000x128xf32, #tpu.memory_space<vmem>>, %arg3: memref<1000x128xf32, #tpu.memory_space<vmem>>, %arg4: memref<1000x1xf32, #tpu.memory_space<vmem>>) attributes {dimension_semantics = [#tpu.dimension_semantics<arbitrary>], iteration_bounds = array<i64: 10>, scalar_prefetch = 0 : i64, scratch_operands = 0 : i64, tpu.core_type = #tpu.core_type<tc>, window_params = [{transform_indices = @transform_0, window_bounds = array<i64: 2, 1000, 128>}, {transform_indices = @transform_1, window_bounds = array<i64: 1000, 128>}, {transform_indices = @transform_2, window_bounds = array<i64: 1000, 128>}, {transform_indices = @transform_3, window_bounds = array<i64: 1000, 1>}]} {
    %get3A = arith.constant 0 : index
    %get3A_0 = arith.constant 0 : index
    %get3A_1 = arith.constant 0 : index
    %get3A_2 = vector.load %arg1[%get3A, %get3A_0, %get3A_1] : memref<2x1000x128xf32, #tpu.memory_space<vmem>>, vector<1x1000x1xf32>
    %get3A_3 = vector.shape_cast %get3A_2 : vector<1x1000x1xf32> to vector<1000x1xf32>
    %get3A_4 = arith.constant 1 : index
    %get3A_5 = arith.constant 0 : index
    %get3A_6 = arith.constant 0 : index
    %get3A_7 = vector.load %arg1[%get3A_4, %get3A_5, %get3A_6] : memref<2x1000x128xf32, #tpu.memory_space<vmem>>, vector<1x1000x1xf32>
    %get3A_8 = vector.shape_cast %get3A_7 : vector<1x1000x1xf32> to vector<1000x1xf32>
    %add3A = arith.addf %get3A_3, %get3A_8 : vector<1000x1xf32>
    %add3A_9 = arith.constant 1.000000e+00 : f32
    %add3A_10 = vector.broadcast %add3A_9 : f32 to vector<1000x1xf32>
    %add3A_11 = arith.addf %add3A, %add3A_10 : vector<1000x1xf32>
    %rsqrt3A = math.rsqrt %add3A_11 : vector<1000x1xf32>
    %get3A_12 = arith.constant 0 : index
    %get3A_13 = arith.constant 0 : index
    %get3A_14 = vector.load %arg2[%get3A_12, %get3A_13] : memref<1000x128xf32, #tpu.memory_space<vmem>>, vector<1000x128xf32>
    %mul3A = vector.broadcast %rsqrt3A : vector<1000x1xf32> to vector<1000x128xf32>
    %mul3A_15 = arith.mulf %get3A_14, %mul3A : vector<1000x128xf32>
    %swap3A = arith.constant 0 : index
    %swap3A_16 = arith.constant 0 : index
    %swap3A_17 = vector.load %arg3[%swap3A, %swap3A_16] : memref<1000x128xf32, #tpu.memory_space<vmem>>, vector<1000x128xf32>
    tpu.vector_store %arg3[%swap3A, %swap3A_16], %mul3A_15 {strides = array<i32>} : memref<1000x128xf32, #tpu.memory_space<vmem>>, vector<1000x128xf32>,
    %swap3A_18 = arith.constant 0 : index
    %swap3A_19 = arith.constant 0 : index
    %swap3A_20 = vector.load %arg4[%swap3A_18, %swap3A_19] : memref<1000x1xf32, #tpu.memory_space<vmem>>, vector<1000x1xf32>
    tpu.vector_store %arg4[%swap3A_18, %swap3A_19], %rsqrt3A {strides = array<i32>} : memref<1000x1xf32, #tpu.memory_space<vmem>>, vector<1000x1xf32>,
    return
  }
  func.func @transform_0(%arg0: i32) -> (i32, i32, i32) {
    %c0_i32 = arith.constant 0 : i32
    %c0_i32_0 = arith.constant 0 : i32
    %c0_i32_1 = arith.constant 0 : i32
    return %c0_i32, %arg0, %c0_i32_0 : i32, i32, i32
  }
  func.func @transform_1(%arg0: i32) -> (i32, i32) {
    %c0_i32 = arith.constant 0 : i32
    %c0_i32_0 = arith.constant 0 : i32
    return %arg0, %c0_i32 : i32, i32
  }
  func.func @transform_2(%arg0: i32) -> (i32, i32) {
    %c0_i32 = arith.constant 0 : i32
    %c0_i32_0 = arith.constant 0 : i32
    return %arg0, %c0_i32 : i32, i32
  }
  func.func @transform_3(%arg0: i32) -> (i32, i32) {
    %c0_i32 = arith.constant 0 : i32
    %c0_i32_0 = arith.constant 0 : i32
    return %arg0, %c0_i32 : i32, i32
  }
}

module attributes {stable_mosaic.version = 14 : i64} {
  func.func @body(%arg0: i32, %arg1: memref<1000x128xf32, #tpu.memory_space<vmem>>, %arg2: memref<128x128xf32, #tpu.memory_space<vmem>>, %arg3: memref<1000x128xf32, #tpu.memory_space<vmem>>) attributes {dimension_semantics = [#tpu.dimension_semantics<arbitrary>], iteration_bounds = array<i64: 10>, scalar_prefetch = 0 : i64, scratch_operands = 0 : i64, tpu.core_type = #tpu.core_type<tc>, window_params = [{transform_indices = @transform_0, window_bounds = array<i64: 1000, 128>}, {pipeline_mode = #tpu.pipeline_mode<synchronous>, transform_indices = @transform_1, window_bounds = array<i64: 128, 128>}, {transform_indices = @transform_2, window_bounds = array<i64: 1000, 128>}]} {
    %get3A = arith.constant 0 : index
    %get3A_0 = arith.constant 0 : index
    %get3A_1 = vector.load %arg1[%get3A, %get3A_0] : memref<1000x128xf32, #tpu.memory_space<vmem>>, vector<1000x128xf32>
    %get3A_2 = arith.constant 0 : index
    %get3A_3 = arith.constant 0 : index
    %get3A_4 = vector.load %arg2[%get3A_2, %get3A_3] : memref<128x128xf32, #tpu.memory_space<vmem>>, vector<128x128xf32>
    %dot_general3A = arith.constant dense<0.000000e+00> : vector<1000x128xf32>
    %dot_general3A_5 = tpu.matmul %get3A_1, %get3A_4, %dot_general3A {dimension_numbers = #tpu.dot_dimension_numbers<[1], [0], [0], [1], [0, 0, 1, 1], [], []>, precision = #tpu.contract_precision<fp32>, transpose_lhs_hint = false} : vector<1000x128xf32>, vector<128x128xf32>, vector<1000x128xf32> -> vector<1000x128xf32>
    %swap3A = arith.constant 0 : index
    %swap3A_6 = arith.constant 0 : index
    %swap3A_7 = vector.load %arg3[%swap3A, %swap3A_6] : memref<1000x128xf32, #tpu.memory_space<vmem>>, vector<1000x128xf32>
    tpu.vector_store %arg3[%swap3A, %swap3A_6], %dot_general3A_5 {strides = array<i32>} : memref<1000x128xf32, #tpu.memory_space<vmem>>, vector<1000x128xf32>,
    return
  }
  func.func @transform_0(%arg0: i32) -> (i32, i32) {
    %c0_i32 = arith.constant 0 : i32
    %c0_i32_0 = arith.constant 0 : i32
    return %arg0, %c0_i32 : i32, i32
  }
  func.func @transform_1(%arg0: i32) -> (i32, i32) {
    %c0_i32 = arith.constant 0 : i32
    %c0_i32_0 = arith.constant 0 : i32
    %c0_i32_1 = arith.constant 0 : i32
    return %c0_i32, %c0_i32_0 : i32, i32
  }
  func.func @transform_2(%arg0: i32) -> (i32, i32) {
    %c0_i32 = arith.constant 0 : i32
    %c0_i32_0 = arith.constant 0 : i32
    return %arg0, %c0_i32 : i32, i32
  }
}

module attributes {stable_mosaic.version = 14 : i64} {
  func.func @body(%arg0: i32, %arg1: memref<2x1000x128xf32, #tpu.memory_space<vmem>>, %arg2: memref<1000x128xf32, #tpu.memory_space<vmem>>, %arg3: memref<1000x1xf32, #tpu.memory_space<vmem>>, %arg4: memref<1x128xf32, #tpu.memory_space<vmem>>, %arg5: memref<1000x128xf32, #tpu.memory_space<vmem>>, %arg6: memref<2x128xf32, #tpu.memory_space<vmem>>) attributes {dimension_semantics = [#tpu.dimension_semantics<arbitrary>], iteration_bounds = array<i64: 10>, scalar_prefetch = 0 : i64, scratch_operands = 0 : i64, tpu.core_type = #tpu.core_type<tc>, window_params = [{transform_indices = @transform_0, window_bounds = array<i64: 2, 1000, 128>}, {transform_indices = @transform_1, window_bounds = array<i64: 1000, 128>}, {transform_indices = @transform_2, window_bounds = array<i64: 1000, 1>}, {pipeline_mode = #tpu.pipeline_mode<synchronous>, transform_indices = @transform_3, window_bounds = array<i64: 1, 128>}, {transform_indices = @transform_4, window_bounds = array<i64: 1000, 128>}, {pipeline_mode = #tpu.pipeline_mode<synchronous>, transform_indices = @transform_5, window_bounds = array<i64: 2, 128>}]} {
    %get3A = arith.constant 0 : index
    %get3A_0 = arith.constant 0 : index
    %get3A_1 = vector.load %arg3[%get3A, %get3A_0] : memref<1000x1xf32, #tpu.memory_space<vmem>>, vector<1000x1xf32>
    %get3A_2 = arith.constant 0 : index
    %get3A_3 = arith.constant 0 : index
    %get3A_4 = arith.constant 0 : index
    %get3A_5 = vector.load %arg1[%get3A_2, %get3A_3, %get3A_4] : memref<2x1000x128xf32, #tpu.memory_space<vmem>>, vector<1x1000x128xf32>
    %get3A_6 = vector.shape_cast %get3A_5 : vector<1x1000x128xf32> to vector<1000x128xf32>
    %get3A_7 = arith.constant 1 : index
    %get3A_8 = arith.constant 0 : index
    %get3A_9 = arith.constant 0 : index
    %get3A_10 = vector.load %arg1[%get3A_7, %get3A_8, %get3A_9] : memref<2x1000x128xf32, #tpu.memory_space<vmem>>, vector<1x1000x128xf32>
    %get3A_11 = vector.shape_cast %get3A_10 : vector<1x1000x128xf32> to vector<1000x128xf32>
    %add3A = arith.addf %get3A_6, %get3A_11 : vector<1000x128xf32>
    %get3A_12 = arith.constant 0 : index
    %get3A_13 = arith.constant 0 : index
    %get3A_14 = vector.load %arg2[%get3A_12, %get3A_13] : memref<1000x128xf32, #tpu.memory_space<vmem>>, vector<1000x128xf32>
    %add3A_15 = arith.addf %add3A, %get3A_14 : vector<1000x128xf32>
    %mul3A = vector.broadcast %get3A_1 : vector<1000x1xf32> to vector<1000x128xf32>
    %mul3A_16 = arith.mulf %mul3A, %add3A_15 : vector<1000x128xf32>
    %get3A_17 = arith.constant 0 : index
    %get3A_18 = arith.constant 0 : index
    %get3A_19 = vector.load %arg4[%get3A_17, %get3A_18] : memref<1x128xf32, #tpu.memory_space<vmem>>, vector<1x128xf32>
    %add3A_20 = vector.broadcast %get3A_19 : vector<1x128xf32> to vector<1000x128xf32>
    %add3A_21 = arith.addf %mul3A_16, %add3A_20 : vector<1000x128xf32>
    %swap3A = arith.constant 0 : index
    %swap3A_22 = arith.constant 0 : index
    %swap3A_23 = vector.load %arg5[%swap3A, %swap3A_22] : memref<1000x128xf32, #tpu.memory_space<vmem>>, vector<1000x128xf32>
    tpu.vector_store %arg5[%swap3A, %swap3A_22], %add3A_21 {strides = array<i32>} : memref<1000x128xf32, #tpu.memory_space<vmem>>, vector<1000x128xf32>,
    %eq3A = arith.constant 0 : i32
    %eq3A_24 = arith.cmpi eq, %arg0, %eq3A : i32
    %convert_element_type3A = arith.extui %eq3A_24 : i1 to i32
    %cond3A = arith.constant 0 : i32
    %cond3A_25 = arith.cmpi ne, %convert_element_type3A, %cond3A : i32
    scf.if %cond3A_25 {
      %broadcast_in_dim3A_45 = arith.constant 0.000000e+00 : f32
      %broadcast_in_dim3A_46 = vector.broadcast %broadcast_in_dim3A_45 : f32 to vector<2x128xf32>
      %swap3A_47 = arith.constant 0 : index
      %swap3A_48 = arith.constant 0 : index
      %swap3A_49 = vector.load %arg6[%swap3A_47, %swap3A_48] : memref<2x128xf32, #tpu.memory_space<vmem>>, vector<2x128xf32>
      tpu.vector_store %arg6[%swap3A_47, %swap3A_48], %broadcast_in_dim3A_46 {strides = array<i32>} : memref<2x128xf32, #tpu.memory_space<vmem>>, vector<2x128xf32>,
    } else {
    }
    %get3A_26 = arith.constant 0 : index
    %get3A_27 = arith.constant 0 : index
    %get3A_28 = vector.load %arg6[%get3A_26, %get3A_27] : memref<2x128xf32, #tpu.memory_space<vmem>>, vector<1x128xf32>
    %reduce_sum3A = arith.constant dense<0.000000e+00> : vector<128xf32>
    %reduce_sum3A_29 = vector.multi_reduction <add>, %add3A_21, %reduce_sum3A [0] : vector<1000x128xf32> to vector<128xf32>
    %broadcast_in_dim3A = vector.shape_cast %reduce_sum3A_29 : vector<128xf32> to vector<1x128xf32>
    %add3A_30 = arith.addf %get3A_28, %broadcast_in_dim3A : vector<1x128xf32>
    %swap3A_31 = arith.constant 0 : index
    %swap3A_32 = arith.constant 0 : index
    %swap3A_33 = vector.load %arg6[%swap3A_31, %swap3A_32] : memref<2x128xf32, #tpu.memory_space<vmem>>, vector<1x128xf32>
    tpu.vector_store %arg6[%swap3A_31, %swap3A_32], %add3A_30 {strides = array<i32>} : memref<2x128xf32, #tpu.memory_space<vmem>>, vector<1x128xf32>,
    %get3A_34 = arith.constant 1 : index
    %get3A_35 = arith.constant 0 : index
    %get3A_36 = vector.load %arg6[%get3A_34, %get3A_35] : memref<2x128xf32, #tpu.memory_space<vmem>>, vector<1x128xf32>
    %mul3A_37 = arith.mulf %add3A_21, %add3A_21 : vector<1000x128xf32>
    %reduce_sum3A_38 = arith.constant dense<0.000000e+00> : vector<128xf32>
    %reduce_sum3A_39 = vector.multi_reduction <add>, %mul3A_37, %reduce_sum3A_38 [0] : vector<1000x128xf32> to vector<128xf32>
    %broadcast_in_dim3A_40 = vector.shape_cast %reduce_sum3A_39 : vector<128xf32> to vector<1x128xf32>
    %add3A_41 = arith.addf %get3A_36, %broadcast_in_dim3A_40 : vector<1x128xf32>
    %swap3A_42 = arith.constant 1 : index
    %swap3A_43 = arith.constant 0 : index
    %swap3A_44 = vector.load %arg6[%swap3A_42, %swap3A_43] : memref<2x128xf32, #tpu.memory_space<vmem>>, vector<1x128xf32>
    tpu.vector_store %arg6[%swap3A_42, %swap3A_43], %add3A_41 {strides = array<i32>} : memref<2x128xf32, #tpu.memory_space<vmem>>, vector<1x128xf32>,
    return
  }
  func.func @transform_0(%arg0: i32) -> (i32, i32, i32) {
    %c0_i32 = arith.constant 0 : i32
    %c0_i32_0 = arith.constant 0 : i32
    %c0_i32_1 = arith.constant 0 : i32
    return %c0_i32, %arg0, %c0_i32_0 : i32, i32, i32
  }
  func.func @transform_1(%arg0: i32) -> (i32, i32) {
    %c0_i32 = arith.constant 0 : i32
    %c0_i32_0 = arith.constant 0 : i32
    return %arg0, %c0_i32 : i32, i32
  }
  func.func @transform_2(%arg0: i32) -> (i32, i32) {
    %c0_i32 = arith.constant 0 : i32
    %c0_i32_0 = arith.constant 0 : i32
    return %arg0, %c0_i32 : i32, i32
  }
  func.func @transform_3(%arg0: i32) -> (i32, i32) {
    %c0_i32 = arith.constant 0 : i32
    %c0_i32_0 = arith.constant 0 : i32
    %c0_i32_1 = arith.constant 0 : i32
    return %c0_i32, %c0_i32_0 : i32, i32
  }
  func.func @transform_4(%arg0: i32) -> (i32, i32) {
    %c0_i32 = arith.constant 0 : i32
    %c0_i32_0 = arith.constant 0 : i32
    return %arg0, %c0_i32 : i32, i32
  }
  func.func @transform_5(%arg0: i32) -> (i32, i32) {
    %c0_i32 = arith.constant 0 : i32
    %c0_i32_0 = arith.constant 0 : i32
    %c0_i32_1 = arith.constant 0 : i32
    return %c0_i32, %c0_i32_0 : i32, i32
  }
}

module attributes {stable_mosaic.version = 14 : i64} {
  func.func @body(%arg0: i32, %arg1: memref<1000x128xf32, #tpu.memory_space<vmem>>, %arg2: memref<2x128xf32, #tpu.memory_space<vmem>>, %arg3: memref<1000x1xf32, #tpu.memory_space<vmem>>, %arg4: memref<1x128xf32, #tpu.memory_space<vmem>>, %arg5: memref<1x128xf32, #tpu.memory_space<vmem>>, %arg6: memref<128x128xf32, #tpu.memory_space<vmem>>, %arg7: memref<1000x128xf32, #tpu.memory_space<vmem>>) attributes {dimension_semantics = [#tpu.dimension_semantics<arbitrary>], iteration_bounds = array<i64: 10>, scalar_prefetch = 0 : i64, scratch_operands = 0 : i64, tpu.core_type = #tpu.core_type<tc>, window_params = [{transform_indices = @transform_0, window_bounds = array<i64: 1000, 128>}, {pipeline_mode = #tpu.pipeline_mode<synchronous>, transform_indices = @transform_1, window_bounds = array<i64: 2, 128>}, {transform_indices = @transform_2, window_bounds = array<i64: 1000, 1>}, {pipeline_mode = #tpu.pipeline_mode<synchronous>, transform_indices = @transform_3, window_bounds = array<i64: 1, 128>}, {pipeline_mode = #tpu.pipeline_mode<synchronous>, transform_indices = @transform_4, window_bounds = array<i64: 1, 128>}, {pipeline_mode = #tpu.pipeline_mode<synchronous>, transform_indices = @transform_5, window_bounds = array<i64: 128, 128>}, {transform_indices = @transform_6, window_bounds = array<i64: 1000, 128>}]} {
    %get3A = arith.constant 0 : index
    %get3A_0 = arith.constant 0 : index
    %get3A_1 = vector.load %arg2[%get3A, %get3A_0] : memref<2x128xf32, #tpu.memory_space<vmem>>, vector<1x128xf32>
    %mul3A = arith.constant 9.99999974E-5 : f32
    %mul3A_2 = vector.broadcast %mul3A : f32 to vector<1x128xf32>
    %mul3A_3 = arith.mulf %get3A_1, %mul3A_2 : vector<1x128xf32>
    %get3A_4 = arith.constant 1 : index
    %get3A_5 = arith.constant 0 : index
    %get3A_6 = vector.load %arg2[%get3A_4, %get3A_5] : memref<2x128xf32, #tpu.memory_space<vmem>>, vector<1x128xf32>
    %mul3A_7 = arith.constant 9.99999974E-5 : f32
    %mul3A_8 = vector.broadcast %mul3A_7 : f32 to vector<1x128xf32>
    %mul3A_9 = arith.mulf %get3A_6, %mul3A_8 : vector<1x128xf32>
    %mul3A_10 = arith.mulf %mul3A_3, %mul3A_3 : vector<1x128xf32>
    %sub3A = arith.subf %mul3A_9, %mul3A_10 : vector<1x128xf32>
    %add3A = arith.constant 9.99999974E-6 : f32
    %add3A_11 = vector.broadcast %add3A : f32 to vector<1x128xf32>
    %add3A_12 = arith.addf %sub3A, %add3A_11 : vector<1x128xf32>
    %rsqrt3A = math.rsqrt %add3A_12 : vector<1x128xf32>
    %get3A_13 = arith.constant 0 : index
    %get3A_14 = arith.constant 0 : index
    %get3A_15 = vector.load %arg1[%get3A_13, %get3A_14] : memref<1000x128xf32, #tpu.memory_space<vmem>>, vector<1000x128xf32>
    %sub3A_16 = vector.broadcast %mul3A_3 : vector<1x128xf32> to vector<1000x128xf32>
    %sub3A_17 = arith.subf %get3A_15, %sub3A_16 : vector<1000x128xf32>
    %get3A_18 = arith.constant 0 : index
    %get3A_19 = arith.constant 0 : index
    %get3A_20 = vector.load %arg4[%get3A_18, %get3A_19] : memref<1x128xf32, #tpu.memory_space<vmem>>, vector<1x128xf32>
    %mul3A_21 = arith.mulf %rsqrt3A, %get3A_20 : vector<1x128xf32>
    %mul3A_22 = vector.broadcast %mul3A_21 : vector<1x128xf32> to vector<1000x128xf32>
    %mul3A_23 = arith.mulf %sub3A_17, %mul3A_22 : vector<1000x128xf32>
    %get3A_24 = arith.constant 0 : index
    %get3A_25 = arith.constant 0 : index
    %get3A_26 = vector.load %arg5[%get3A_24, %get3A_25] : memref<1x128xf32, #tpu.memory_space<vmem>>, vector<1x128xf32>
    %add3A_27 = vector.broadcast %get3A_26 : vector<1x128xf32> to vector<1000x128xf32>
    %add3A_28 = arith.addf %mul3A_23, %add3A_27 : vector<1000x128xf32>
    %max3A = arith.constant 0.000000e+00 : f32
    %max3A_29 = vector.broadcast %max3A : f32 to vector<1000x128xf32>
    %max3A_30 = arith.maximumf %add3A_28, %max3A_29 : vector<1000x128xf32>
    %get3A_31 = arith.constant 0 : index
    %get3A_32 = arith.constant 0 : index
    %get3A_33 = vector.load %arg6[%get3A_31, %get3A_32] : memref<128x128xf32, #tpu.memory_space<vmem>>, vector<128x128xf32>
    %dot_general3A = arith.constant dense<0.000000e+00> : vector<1000x128xf32>
    %dot_general3A_34 = tpu.matmul %max3A_30, %get3A_33, %dot_general3A {dimension_numbers = #tpu.dot_dimension_numbers<[1], [0], [0], [1], [0, 0, 1, 1], [], []>, precision = #tpu.contract_precision<fp32>, transpose_lhs_hint = false} : vector<1000x128xf32>, vector<128x128xf32>, vector<1000x128xf32> -> vector<1000x128xf32>
    %get3A_35 = arith.constant 0 : index
    %get3A_36 = arith.constant 0 : index
    %get3A_37 = vector.load %arg3[%get3A_35, %get3A_36] : memref<1000x1xf32, #tpu.memory_space<vmem>>, vector<1000x1xf32>
    %mul3A_38 = vector.broadcast %get3A_37 : vector<1000x1xf32> to vector<1000x128xf32>
    %mul3A_39 = arith.mulf %dot_general3A_34, %mul3A_38 : vector<1000x128xf32>
    %swap3A = arith.constant 0 : index
    %swap3A_40 = arith.constant 0 : index
    %swap3A_41 = vector.load %arg7[%swap3A, %swap3A_40] : memref<1000x128xf32, #tpu.memory_space<vmem>>, vector<1000x128xf32>
    tpu.vector_store %arg7[%swap3A, %swap3A_40], %mul3A_39 {strides = array<i32>} : memref<1000x128xf32, #tpu.memory_space<vmem>>, vector<1000x128xf32>,
    return
  }
  func.func @transform_0(%arg0: i32) -> (i32, i32) {
    %c0_i32 = arith.constant 0 : i32
    %c0_i32_0 = arith.constant 0 : i32
    return %arg0, %c0_i32 : i32, i32
  }
  func.func @transform_1(%arg0: i32) -> (i32, i32) {
    %c0_i32 = arith.constant 0 : i32
    %c0_i32_0 = arith.constant 0 : i32
    %c0_i32_1 = arith.constant 0 : i32
    return %c0_i32, %c0_i32_0 : i32, i32
  }
  func.func @transform_2(%arg0: i32) -> (i32, i32) {
    %c0_i32 = arith.constant 0 : i32
    %c0_i32_0 = arith.constant 0 : i32
    return %arg0, %c0_i32 : i32, i32
  }
  func.func @transform_3(%arg0: i32) -> (i32, i32) {
    %c0_i32 = arith.constant 0 : i32
    %c0_i32_0 = arith.constant 0 : i32
    %c0_i32_1 = arith.constant 0 : i32
    return %c0_i32, %c0_i32_0 : i32, i32
  }
  func.func @transform_4(%arg0: i32) -> (i32, i32) {
    %c0_i32 = arith.constant 0 : i32
    %c0_i32_0 = arith.constant 0 : i32
    %c0_i32_1 = arith.constant 0 : i32
    return %c0_i32, %c0_i32_0 : i32, i32
  }
  func.func @transform_5(%arg0: i32) -> (i32, i32) {
    %c0_i32 = arith.constant 0 : i32
    %c0_i32_0 = arith.constant 0 : i32
    %c0_i32_1 = arith.constant 0 : i32
    return %c0_i32, %c0_i32_0 : i32, i32
  }
  func.func @transform_6(%arg0: i32) -> (i32, i32) {
    %c0_i32 = arith.constant 0 : i32
    %c0_i32_0 = arith.constant 0 : i32
    return %arg0, %c0_i32 : i32, i32
  }
}

module attributes {stable_mosaic.version = 14 : i64} {
  func.func @body(%arg0: i32, %arg1: memref<2x1000x128xf32, #tpu.memory_space<vmem>>, %arg2: memref<1000x128xf32, #tpu.memory_space<vmem>>, %arg3: memref<1000x1xf32, #tpu.memory_space<vmem>>, %arg4: memref<1x128xf32, #tpu.memory_space<vmem>>, %arg5: memref<1000x128xf32, #tpu.memory_space<vmem>>) attributes {dimension_semantics = [#tpu.dimension_semantics<arbitrary>], iteration_bounds = array<i64: 10>, scalar_prefetch = 0 : i64, scratch_operands = 0 : i64, tpu.core_type = #tpu.core_type<tc>, window_params = [{transform_indices = @transform_0, window_bounds = array<i64: 2, 1000, 128>}, {transform_indices = @transform_1, window_bounds = array<i64: 1000, 128>}, {transform_indices = @transform_2, window_bounds = array<i64: 1000, 1>}, {pipeline_mode = #tpu.pipeline_mode<synchronous>, transform_indices = @transform_3, window_bounds = array<i64: 1, 128>}, {transform_indices = @transform_4, window_bounds = array<i64: 1000, 128>}]} {
    %get3A = arith.constant 0 : index
    %get3A_0 = arith.constant 0 : index
    %get3A_1 = vector.load %arg3[%get3A, %get3A_0] : memref<1000x1xf32, #tpu.memory_space<vmem>>, vector<1000x1xf32>
    %get3A_2 = arith.constant 0 : index
    %get3A_3 = arith.constant 0 : index
    %get3A_4 = arith.constant 0 : index
    %get3A_5 = vector.load %arg1[%get3A_2, %get3A_3, %get3A_4] : memref<2x1000x128xf32, #tpu.memory_space<vmem>>, vector<1x1000x128xf32>
    %get3A_6 = vector.shape_cast %get3A_5 : vector<1x1000x128xf32> to vector<1000x128xf32>
    %get3A_7 = arith.constant 1 : index
    %get3A_8 = arith.constant 0 : index
    %get3A_9 = arith.constant 0 : index
    %get3A_10 = vector.load %arg1[%get3A_7, %get3A_8, %get3A_9] : memref<2x1000x128xf32, #tpu.memory_space<vmem>>, vector<1x1000x128xf32>
    %get3A_11 = vector.shape_cast %get3A_10 : vector<1x1000x128xf32> to vector<1000x128xf32>
    %add3A = arith.addf %get3A_6, %get3A_11 : vector<1000x128xf32>
    %get3A_12 = arith.constant 0 : index
    %get3A_13 = arith.constant 0 : index
    %get3A_14 = vector.load %arg2[%get3A_12, %get3A_13] : memref<1000x128xf32, #tpu.memory_space<vmem>>, vector<1000x128xf32>
    %add3A_15 = arith.addf %add3A, %get3A_14 : vector<1000x128xf32>
    %mul3A = vector.broadcast %get3A_1 : vector<1000x1xf32> to vector<1000x128xf32>
    %mul3A_16 = arith.mulf %mul3A, %add3A_15 : vector<1000x128xf32>
    %get3A_17 = arith.constant 0 : index
    %get3A_18 = arith.constant 0 : index
    %get3A_19 = vector.load %arg4[%get3A_17, %get3A_18] : memref<1x128xf32, #tpu.memory_space<vmem>>, vector<1x128xf32>
    %add3A_20 = vector.broadcast %get3A_19 : vector<1x128xf32> to vector<1000x128xf32>
    %add3A_21 = arith.addf %mul3A_16, %add3A_20 : vector<1000x128xf32>
    %swap3A = arith.constant 0 : index
    %swap3A_22 = arith.constant 0 : index
    %swap3A_23 = vector.load %arg5[%swap3A, %swap3A_22] : memref<1000x128xf32, #tpu.memory_space<vmem>>, vector<1000x128xf32>
    tpu.vector_store %arg5[%swap3A, %swap3A_22], %add3A_21 {strides = array<i32>} : memref<1000x128xf32, #tpu.memory_space<vmem>>, vector<1000x128xf32>,
    return
  }
  func.func @transform_0(%arg0: i32) -> (i32, i32, i32) {
    %c0_i32 = arith.constant 0 : i32
    %c0_i32_0 = arith.constant 0 : i32
    %c0_i32_1 = arith.constant 0 : i32
    return %c0_i32, %arg0, %c0_i32_0 : i32, i32, i32
  }
  func.func @transform_1(%arg0: i32) -> (i32, i32) {
    %c0_i32 = arith.constant 0 : i32
    %c0_i32_0 = arith.constant 0 : i32
    return %arg0, %c0_i32 : i32, i32
  }
  func.func @transform_2(%arg0: i32) -> (i32, i32) {
    %c0_i32 = arith.constant 0 : i32
    %c0_i32_0 = arith.constant 0 : i32
    return %arg0, %c0_i32 : i32, i32
  }
  func.func @transform_3(%arg0: i32) -> (i32, i32) {
    %c0_i32 = arith.constant 0 : i32
    %c0_i32_0 = arith.constant 0 : i32
    %c0_i32_1 = arith.constant 0 : i32
    return %c0_i32, %c0_i32_0 : i32, i32
  }
  func.func @transform_4(%arg0: i32) -> (i32, i32) {
    %c0_i32 = arith.constant 0 : i32
    %c0_i32_0 = arith.constant 0 : i32
    return %arg0, %c0_i32 : i32, i32
  }
}

</mosaic_0001>

<sc_bundles>
// kernel: kernel.10.cloned.1.call-start
scs
__scs_entry_jumppad:
0x0: {  	(pc) =	sbr.rel $0x88, $3  }
0x1: {  	(tag) =	ssettag $0x0;
	lr =	simm.s32 $0x1  }
0x2: {  	[smem:$0x3F99] =	sst lr;
	_ =	strace $0xD0000000  }
0x3: {  	_ = 	snop  }
0x4: {  	_ = 	snop  }
0x5: {  	_ = 	snop  }
0x6: {  	_ = 	snop  }
0x7: {  	_ = 	snop  }
__scs_overlays_trampoline_lowered:
0x8: {  	[smem:$0x3FA8] =	sst s0  }
0x9: {  	[smem:$0x3FA9] =	sst s1  }
0xa: {  	[smem:$0x3FAA] =	sst s2  }
0xb: {  	[smem:$0x3FAB] =	sst s3  }
0xc: {  	[smem:$0x3FAC] =	sst s4  }
0xd: {  	[smem:$0x3FAD] =	sst s5  }
0xe: {  	[smem:$0x3FAE] =	sst s6  }
0xf: {  	[smem:$0x3FAF] =	sst s7  }
0x10: {  	[smem:$0x3FB0] =	sst s8  }
0x11: {  	[smem:$0x3FB1] =	sst s9;
	s0 =	simm.s32 @!p0 $0x0  }
0x12: {  	s1 =	sld [smem:$0x3F97];
	s0 =	simm.s32 @p0 $0x1  }
0x13: {  	[smem:$0x3FB2] =	sst s0;
	s0 =	simm.s32 @!p1 $0x0  }
0x14: {  	s2 =	sld [smem:$0x3F96];
	s0 =	simm.s32 @p1 $0x1  }
0x15: {  	[smem:$0x3FB3] =	sst s0;
	s0 =	simm.s32 @!p2 $0x0  }
0x16: {  	s3 =	sld [smem:$0x3FDB];
	s0 =	simm.s32 @p2 $0x1  }
0x17: {  	s4 =	simm.s32 $0x1BF5;
	[smem:$0x3FB5] =	sst s0  }
0x18: {  	s0 =	sld [smem:$0x3F98];
	_ =	swait.ge [sflag:s4], $0x0  }
0x19: {  	s7 =	sld [smem:$0x3F99]  }
0x1a: {  	s8 =	sadd.s32 $0xFFFFE003, lr  }
0x1b: {  	s9 =	sadd.s32 $0xFFFFFEF7, lr;
	s5 =	simm.s32 $0xFFFFFFFF;
	p2 =	slt.u32 s8, $0xFFFFF086  }
0x1c: {  	p1 =	slt.u32 s9, $0xF7A;
	s5 =	simm.s32 @!p2 $0x0  }
0x1d: {  	s5 =	simm.s32 @p1 $0x1;
	p0 =	seq.s32 s7, s2  }
0x1e: {  	s7 =	smul.u32 @!p0 $0xF7A, s2;
	p2 =	seq.s32 @!p0 s5, $0x0  }
0x1f: {  	s9 =	smul.u32 $0xF7A, s1;
	s8 =	simm.s32 @!p0 $0x1BF5;
	p2 =	por !p2, p0  }
0x20: {  	[sflag:s8] =	ssyncset.s32 @!p0 $0xFFFFF086;
	s6 =	sadd.s32 @!p0 s3, s7;
	s7 =	simm.s32 @!p0 $0x108  }
0x21: {  	s3 =	sadd.s32 s3, s9;
	s6 =	sadd.s32 @!p0 $0x88, s6;
	s7 =	simm.s32 @p2 $0x1082  }
0x22: {  	[simem:s7], [sflag:s8] =	dma.local @!p0 [hbm:s6], $0xF7A  }
0x23: {  	s9 =	sor.u32 $0xD0000000, s2;
	s6 =	simm.s32 $0x108;
	_ =	swait.ge @!p0 [sflag:s8], $0x0  }
0x24: {  	s3 =	sadd.s32 $0x88, s3;
	s6 =	simm.s32 @!p1 $0x1082;
	[sflag:s4] =	ssyncset.s32 $0xFFFFF086  }
0x25: {  	[simem:s6], [sflag:s4] =	dma.local [hbm:s3], $0xF7A  }
0x26: {  	[smem:$0x3F99] =	sst s1;
	(tag) =	ssettag s2;
	_ =	strace s9  }
0x27: {  	s1 =	sld [smem:$0x3FA9]  }
0x28: {  	s2 =	sld [smem:$0x3FAA]  }
0x29: {  	s4 =	sld [smem:$0x3FAC]  }
0x2a: {  	p0 =	seq.s32 s5, $0x0;
	s5 =	sld [smem:$0x3FAD]  }
0x2b: {  	s6 =	sld [smem:$0x3FAE]  }
0x2c: {  	s7 =	sld [smem:$0x3FAF]  }
0x2d: {  	s3 =	simm.s32 $0x108;
	s8 =	sld [smem:$0x3FB0]  }
0x2e: {  	s3 =	simm.s32 @!p0 $0x1082;
	s9 =	sld [smem:$0x3FB1]  }
0x2f: {  	lr =	sadd.s32 s0, s3;
	s0 =	sld [smem:$0x3FA8]  }
0x30: {  	s3 =	sld [smem:$0x3FAB]  }
0x31: {  	[smem:$0x3FB4] =	sst s10  }
0x32: {  	s10 =	sld [smem:$0x3FB2];
	_ =	sdelay $0x3  }
0x33: {  	p0 =	seq.s32 s10, $0x1;
	s10 =	sld [smem:$0x3FB4];
	_ =	sdelay $0x3  }
0x34: {  	[smem:$0x3FB4] =	sst s10  }
0x35: {  	s10 =	sld [smem:$0x3FB3];
	_ =	sdelay $0x3  }
0x36: {  	p1 =	seq.s32 s10, $0x1;
	s10 =	sld [smem:$0x3FB4];
	_ =	sdelay $0x3  }
0x37: {  	[smem:$0x3FB4] =	sst s10  }
0x38: {  	s10 =	sld [smem:$0x3FB5]  }
0x39: {  	_ = 	snop;
	(pc) =	sbr.ind lr, $3  }
0x3a: {  	_ = 	snop  }
0x3b: {  	_ = 	snop  }
0x3c: {  	p2 =	seq.s32 s10, $0x1;
	s10 =	sld [smem:$0x3FB4]  }
0x3d: {  	_ =	shalt  }
0x3e: {  	_ =	shalt  }
0x3f: {  	_ =	shalt  }
0x40: {  	_ =	shalt  }
0x41: {  	_ =	shalt  }
0x42: {  	_ =	shalt  }
0x43: {  	_ =	shalt  }
0x44: {  	_ =	shalt  }
0x45: {  	_ =	shalt  }
0x46: {  	_ =	shalt  }
0x47: {  	_ =	shalt  }
0x48: {  	_ =	shalt  }
0x49: {  	_ =	shalt  }
0x4a: {  	_ =	shalt  }
0x4b: {  	_ =	shalt  }
0x4c: {  	_ =	shalt  }
0x4d: {  	_ =	shalt  }
0x4e: {  	_ =	shalt  }
0x4f: {  	_ =	shalt  }
0x50: {  	_ =	shalt  }
0x51: {  	_ =	shalt  }
0x52: {  	_ =	shalt  }
0x53: {  	_ =	shalt  }
0x54: {  	_ =	shalt  }
0x55: {  	_ =	shalt  }
0x56: {  	_ =	shalt  }
0x57: {  	_ =	shalt  }
0x58: {  	_ =	shalt  }
0x59: {  	_ =	shalt  }
0x5a: {  	_ =	shalt  }
0x5b: {  	_ =	shalt  }
0x5c: {  	_ =	shalt  }
0x5d: {  	_ =	shalt  }
0x5e: {  	_ =	shalt  }
0x5f: {  	_ =	shalt  }
0x60: {  	_ =	shalt  }
0x61: {  	_ =	shalt  }
0x62: {  	_ =	shalt  }
0x63: {  	_ =	shalt  }
0x64: {  	_ =	shalt  }
0x65: {  	_ =	shalt  }
0x66: {  	_ =	shalt  }
0x67: {  	_ =	shalt  }
0x68: {  	_ =	shalt  }
0x69: {  	_ =	shalt  }
0x6a: {  	_ =	shalt  }
0x6b: {  	_ =	shalt  }
0x6c: {  	_ =	shalt  }
0x6d: {  	_ =	shalt  }
0x6e: {  	_ =	shalt  }
0x6f: {  	_ =	shalt  }
0x70: {  	_ =	shalt  }
0x71: {  	_ =	shalt  }
0x72: {  	_ =	shalt  }
0x73: {  	_ =	shalt  }
0x74: {  	_ =	shalt  }
0x75: {  	_ =	shalt  }
0x76: {  	_ =	shalt  }
0x77: {  	_ =	shalt  }
0x78: {  	_ =	shalt  }
0x79: {  	_ =	shalt  }
0x7a: {  	_ =	shalt  }
0x7b: {  	_ =	shalt  }
0x7c: {  	_ =	shalt  }
0x7d: {  	_ =	shalt  }
0x7e: {  	_ =	shalt  }
0x7f: {  	_ =	shalt  }
0x80: {  	_ =	shalt  }
0x81: {  	_ =	shalt  }
0x82: {  	_ =	shalt  }
0x83: {  	_ =	shalt  }
0x84: {  	_ =	shalt  }
0x85: {  	_ =	shalt  }
0x86: {  	_ =	shalt  }
0x87: {  	_ =	shalt  }
.Lfunc_end0:
.L_simem_size_0:
called_computation_lowered:
.L_overlay_start_0:
0x88: {  	s2 =	sld [smem:$0x3FD9]  }
0x89: {  	s3 =	sld [smem:$0x3FFE];
	_ =	sdelay $0x1  }
0x8a: {  	s1 =	srdreg.scid  }
0x8b: {  	s0 =	sand.u32 $0x1, s1  }
0x8c: {  	s16 =	sshll.u32 s0, $0xA;
	s2 =	sadd.s32 s3, s2  }
0x8d: {  	s2 =	sadd.s32 s2, s16  }
0x8e: {  	[smem:$0x3FC0] =	sst s2  }
0x8f: {  	_ = 	snop  }
0x90: {  	(tm) =	ssettm $0x1  }
0x91: {  	s17 =	sld [smem:$0x3FFB];
	_ =	sdelay $0x3  }
0x92: {  	_ =	strace s17  }
0x93: {  	s2 =	sld [smem:$0x3FFC];
	_ =	sdelay $0x3  }
0x94: {  	_ =	strace s2  }
0x95: {  	s2 =	sld [smem:$0x3FFD];
	_ =	sdelay $0x3  }
0x96: {  	_ =	strace s2  }
0x97: {  	_ =	strace $0x8FFFFFFF  }
0x98: {  	s18 =	sld [smem:$0x3FDB];
	_ =	sdelay $0x1  }
0x99: {  	s19 =	simm.s32 $_scs_section_size  }
0x9a: {  	s4 =	simm.s32 $_size__tile_overlayer_lowered;
	s5 =	simm.s32 $_tile_overlayer_lowered  }
0x9b: {  	s22 =	simm.s32 $0x1BFF;
	s21 =	sshll.u32 s5, $0x1;
	s2 =	sadd.s32 s19, s18  }
0x9c: {  	s6 =	simm.s32 $0x0;
	s20 =	sshll.u32 s4, $0x1;
	s4 =	sadd.s32 s21, s2  }
0x9d: {  	[timem:s6], [sflag:s22] =	dma.local [hbm:s4], s20  }
0x9e: {  	_ =	swait.ge [sflag:s22], s20  }
0x9f: {  	s3 =	ssub.s32 $0x0, s20;
	[sflag:s22] =	ssyncset.done $0x0  }
0xa0: {  	[sflag:s22] =	ssyncadd.s32 s3;
	_ =	sdelay $0x1  }
0xa1: {  	s23 =	simm.s32 $0x1B8B  }
0xa2: {  	_ =	swait.ge [sflag:s23], $0x1  }
0xa3: {  	[sflag:s23] =	ssyncset.done $0x0  }
0xa4: {  	s25 =	simm.s32 $0x1B8E;
	s24 =	sld [smem:$0x3FFE];
	[sflag:s23] =	ssyncadd.s32 $0xFFFFFFFF  }
0xa5: {  	s26 =	simm.s32 $execute0_lowered;
	[smem:$0x3FD2] =	sst s25  }
0xa6: {  	s4 =	sshll.u32 s26, $0x1;
	_ =	strace $0x80000046;
	[dreg:$0x1] =	wrdreg $0xFFFFFFFF  }
0xa7: {  	s28 =	simm.s32 $_size_execute0_lowered;
	s2 =	sadd.s32 s2, s4;
	[dreg:$0x0] =	wrdreg $0x0  }
0xa8: {  	s4 =	sshll.u32 s28, $0x1;
	[dreg:$0x2] =	wrdreg s2  }
0xa9: {  	[dreg:$0x3] =	wrdreg s4  }
0xaa: {  	[dreg:$0x4] =	wrdreg $0xC0  }
0xab: {  	_ =	task [dreg:s6], $0x5FFFF  }
0xac: {  	[dreg:$0x1] =	wrdreg $0xFFFFFFFF  }
0xad: {  	[dreg:$0x0] =	wrdreg $0x60  }
0xae: {  	[dreg:$0x2] =	wrdreg s24  }
0xaf: {  	[dreg:$0x3] =	wrdreg $0x2A800  }
0xb0: {  	[dreg:$0x4] =	wrdreg $0x9  }
0xb1: {  	_ =	task.clear_ibuf [dreg:s6], $0x5FFFF;
	_ =	strace $0x90000046  }
0xb2: {  	s29 =	simm.s32 $0x9;
	_ =	strace $0x80000048  }
0xb3: {  	_ =	swait.ge [sflag:s29], $0x1  }
0xb4: {  	[sflag:s29] =	ssyncadd.s32 $0xFFFFFFFF  }
0xb5: {  	_ =	strace $0x90000048  }
0xb6: {  	_ =	sfence  }
0xb7: {  	s30 =	sld [smem:$0x0];
	_ =	sdelay $0x2  }
0xb8: {  	s31 =	sshll.u32 s1, $0xD;
	s1 =	sshrl.u32 s1, $0x2  }
0xb9: {  	s3 =	sand.u32 $0x4000, s31;
	s1 =	sadd.s32 s1, s30  }
0xba: {  	s0 =	sor.u32 s3, s0;
	s1 =	sshll.u32 s1, $0x11  }
0xbb: {  	s0 =	sor.u32 s1, s0  }
0xbc: {  	s0 =	sadd.s32 $0x8F2B, s0  }
0xbd: {  	[sflag:s0] =	ssyncadd.remote.s32 $0x1  }
0xbe: {  	_ =	sfence.sel $0xFFFF  }
0xbf: {  	[dreg:$0x0] =	wrdreg $0xFFFFFFFF;
	(pc) =	sbr.abs _section_cstart, $3  }
0xc0: {  	[dreg:$0x1] =	wrdreg $0xFFFFFFFF  }
0xc1: {  	_ =	task.clear_ibuf [dreg:s6], $0x2FFFF;
	_ =	strace $0x9FFFFFFF  }
0xc2: {  	(tm) =	ssettm $0x7FFFFFFF  }
0xc3: {  	_ =	shalt  }
tec
execute0_lowered:
.L_overlay_start_1:
0x0: {  	(tag) =	ssettag $0x1  }
0x1: {  	s0 =	rddreg [dreg:$0x0];
	s1 =	srdreg.scid  }
0x2: {  	s2 =	rddreg [dreg:$0x1];
	s10 =	stileid.u32  }
0x3: {  	s3 =	simm.s32 $0x0;
	s21 =	simm.s32 $0x80;
	s28 =	simm.s32 $0x280  }
0x4: {  	s29 =	simm.s32 $0x100;
	s30 =	simm.s32 $0x2;
	s6 =	smul.u32 $0x4E000, s10  }
0x5: {  	s31 =	simm.s32 $0x180;
	s1 =	sand.u32 $0x1, s1;
	s26 =	smul.u32 $0x2710, s10  }
0x6: {  	[smem:$0x7FF] =	sst s3;
	s16 =	smul.u32 $0x2700, s10;
	s4 =	sshll.u32 s1, $0x4  }
0x7: {  	s8 =	sadd.s32 $0xC400, s0;
	s5 =	smul.u32 $0x27100, s1;
	s4 =	sor.u32 s10, s4  }
0x8: {  	p0 =	sne.s32 s10, $0xF;
	s1 =	ssub.s32 $0x2, s1;
	s4 =	smul.u32 $0x2710, s4  }
0x9: {  	_ =	strace $0x80000047;
	s7 =	sshrl.u32 s1, $0x1;
	s6 =	sshrl.u32 s6, $0x2  }
0xa: {  	s10 =	simm.s32 $0x8;
	s1 =	ssub.s32 s1, s7;
	s4 =	sshrl.u32 s4, $0x3  }
0xb: {  	s0 =	sadd.s32 s5, s0;
	s1 =	smax.u32 s1, $0x1;
	s4 =	sadd.s32 s8, s4  }
0xc: {  	s6 =	sadd.s32 s6, s2;
	[dreg:$0x9] =	wrdreg s1;
	s25 =	sadd.s32 $0x8, s4  }
0xd: {  	s7 =	sadd.s32 $0x138000, s2;
	s9 =	sadd.s32 $0x10, s4;
	[dreg:$0x3] =	wrdreg s25  }
0xe: {  	s15 =	sadd.s32 s26, s5;
	s11 =	sadd.s32 $0x18, s4;
	[dreg:$0x4] =	wrdreg s9  }
0xf: {  	s5 =	simm.s32 $0x4;
	s12 =	sadd.s32 $0x20, s4;
	[dreg:$0x5] =	wrdreg s11  }
0x10: {  	s22 =	sadd.s32 $0x240, s15;
	s13 =	sadd.s32 $0x28, s4;
	[dreg:$0x6] =	wrdreg s12  }
0x11: {  	s26 =	sadd.s32 $0x1C0, s15;
	s14 =	sadd.s32 $0x4E0, s4;
	[dreg:$0x7] =	wrdreg s13  }
0x12: {  	s1 =	sshrl.u32 s22, $0x3;
	s23 =	sadd.s32 $0x4D0, s4;
	[dreg:$0x8] =	wrdreg s14  }
0x13: {  	s22 =	simm.s32 $0x2280;
	s24 =	sadd.s32 $0x4D8, s4;
	[dreg:$0xa] =	wrdreg s23  }
0x14: {  	s17 =	sadd.s32 s1, s8;
	s13 =	sadd.s32 $0x16200, s0;
	[dreg:$0xb] =	wrdreg s24  }
0x15: {  	s25 =	sadd.s32 $0x200, s15;
	s9 =	sshrl.u32 s26, $0x3;
	s0 =	sadd.s32 $0x180, s15  }
0x16: {  	s23 =	simm.s32 $0x9;
	s24 =	simm.s32 $0x1;
	s26 =	simm.s32 $0x40  }
0x17: {  	s11 =	simm.s32 $0x200;
	s12 =	simm.s32 $0x0;
	s1 =	sshrl.u32 s25, $0x3  }
0x18: {  	s19 =	sadd.s32 s9, s8;
	s0 =	sshrl.u32 s0, $0x3;
	s25 =	sadd.s32 s16, s13  }
0x19: {  	s9 =	simm.s32 $0x7;
	s18 =	sadd.s32 s1, s8;
	s20 =	sadd.s32 s0, s8  }
0x1a: {  	v0 =	vimm.f32 $1.000000000e+00;
	v1 =	vimm.f32 $0.0e+00;
	s0 =	simm.s32 $0x3;
	s1 =	simm.s32 $0x5;
	s8 =	simm.s32 $0x6  }
.LBB2_1:
0x1b: {  	[tilespmem:s3], [sflag:$0x1] =	stream.linear.gather [hbm4b:s4+s3], $0x40, $0x38;
	[tilespmem:$0x16300] =	vst v63  }
0x1c: {  	s14 =	rddreg [dreg:$0x3]  }
0x1d: {  	[tilespmem:s21], [sflag:$0x2] =	stream.linear.gather [hbm4b:s14+s3], $0x40, $0x38;
	[tilespmem:$0x16300] =	vst v63  }
0x1e: {  	s15 =	simm.s32 $0x200;
	s14 =	simm.s32 $0x0  }
.LBB2_2:
0x1f: {  	p1 =	sne.s32 s15, $0x7E00;
	[tilespmem:s14+$0x2F0] =	vst v0  }
0x20: {  	[tilespmem:s14+$0x280] =	vst v0  }
0x21: {  	[tilespmem:s14+$0x290] =	vst v0  }
.Ltmp0:
0x22: {  	[tilespmem:s14+$0x2A0] =	vst v0;
	(pc) =	sbr.rel @p1 .LBB2_2-.Ltmp0, $4  }
0x23: {  	[tilespmem:s14+$0x2B0] =	vst v0  }
0x24: {  	[tilespmem:s14+$0x2C0] =	vst v0  }
0x25: {  	[tilespmem:s14+$0x2D0] =	vst v0  }
0x26: {  	[tilespmem:s14+$0x2E0] =	vst v0;
	s14 =	sshra.s32 s15, $0x2;
	s15 =	sadd.s32 $0x200, s15  }
0x27: {  	[tilespmem:s14+$0x2F0] =	vst v0  }
0x28: {  	[tilespmem:s14+$0x280] =	vst v0  }
0x29: {  	[tilespmem:s14+$0x290] =	vst v0  }
0x2a: {  	[tilespmem:s14+$0x2A0] =	vst v0  }
0x2b: {  	[tilespmem:s14+$0x2B0] =	vst v0  }
0x2c: {  	[tilespmem:s14+$0x2C0] =	vst v0  }
0x2d: {  	[tilespmem:s14+$0x2D0] =	vst v0  }
0x2e: {  	[tilespmem:s14+$0x2E0] =	vst v0;
	s14 =	simm.s32 $0x0;
	s15 =	simm.s32 $0x200  }
.LBB2_4:
0x2f: {  	p1 =	sne.s32 s15, $0x1E00;
	[tilespmem:s14+$0x22F0] =	vst v1  }
0x30: {  	[tilespmem:s14+$0x2280] =	vst v1  }
0x31: {  	[tilespmem:s14+$0x2290] =	vst v1  }
.Ltmp1:
0x32: {  	[tilespmem:s14+$0x22A0] =	vst v1;
	(pc) =	sbr.rel @p1 .LBB2_4-.Ltmp1, $4  }
0x33: {  	[tilespmem:s14+$0x22B0] =	vst v1  }
0x34: {  	[tilespmem:s14+$0x22C0] =	vst v1  }
0x35: {  	[tilespmem:s14+$0x22D0] =	vst v1  }
0x36: {  	[tilespmem:s14+$0x22E0] =	vst v1;
	s14 =	sshra.s32 s15, $0x2;
	s15 =	sadd.s32 $0x200, s15  }
0x37: {  	[tilespmem:s14+$0x22F0] =	vst v1  }
0x38: {  	[tilespmem:s14+$0x2280] =	vst v1  }
0x39: {  	[tilespmem:s14+$0x2290] =	vst v1  }
0x3a: {  	[tilespmem:s14+$0x22A0] =	vst v1  }
0x3b: {  	[tilespmem:s14+$0x22B0] =	vst v1  }
0x3c: {  	[tilespmem:s14+$0x22C0] =	vst v1  }
0x3d: {  	[tilespmem:s14+$0x22D0] =	vst v1  }
0x3e: {  	[tilespmem:s14+$0x22E0] =	vst v1;
	s16 =	sadd.s32 $0x0, s6  }
0x3f: {  	[spmem:s16] =	stream.linear.scatter [tilespmem:s22], [sflag:$0x9], $0x800, $0x38;
	[tilespmem:$0x16300] =	vst v63  }
0x40: {  	s14 =	simm.s32 $0x2000;
	_ =	swait.ge [sflag:s23], $0x800  }
.LBB2_6:
0x41: {  	s15 =	sshra.s32 s14, $0x2;
	[sflag:s23] =	ssyncset.done $0x0;
	p1 =	sne.s32 s14, $0x4C000  }
.Ltmp2:
0x42: {  	s15 =	sadd.s32 s15, s6;
	[sflag:s23] =	ssyncadd.s32 $0xFFFFF800;
	(pc) =	sbr.rel @p1 .LBB2_6-.Ltmp2, $3  }
0x43: {  	[spmem:s15] =	stream.linear.scatter [tilespmem:s22], [sflag:$0x9], $0x800, $0x38;
	[tilespmem:$0x16300] =	vst v63  }
0x44: {  	s14 =	sadd.s32 $0x2000, s14;
	_ =	sdelay $0x1  }
0x45: {  	_ =	swait.ge [sflag:s23], $0x800  }
0x46: {  	[sflag:s23] =	ssyncset.done $0x0  }
0x47: {  	s14 =	simm.s32 @!p0 $0x2280;
	[sflag:s23] =	ssyncadd.s32 $0xFFFFF800  }
0x48: {  	[spmem:s7] =	stream.linear.scatter @!p0 [tilespmem:s14], [sflag:$0x9], $0x800, $0x38;
	[tilespmem:$0x16300] =	vst v63  }
0x49: {  	s14 =	simm.s32 @!p0 $0x9  }
0x4a: {  	_ =	swait.ge @!p0 [sflag:s14], $0x800  }
0x4b: {  	[sflag:s14] =	ssyncset.done @!p0 $0x0  }
0x4c: {  	[sflag:s14] =	ssyncadd.s32 @!p0 $0xFFFFF800  }
0x4d: {  	[bflag:$0x0] =	sbarrier.arrive $0xFFFF  }
0x4e: {  	_ =	swait.ge [sflag:s24], $0x40  }
0x4f: {  	[sflag:s24] =	ssyncset.done $0x0  }
0x50: {  	s14 =	simm.s32 $0x0;
	[sflag:s24] =	ssyncadd.s32 $0xFFFFFFC0  }
0x51: {  	[spmem:s2] =	stream.indirect.scatter.add.f32 [tilespmem:s28], [sflag:$0x5], $0x80, s14, s26, $0xb8;
	[tilespmem:$0x16300] =	vst v63  }
0x52: {  	s15 =	rddreg [dreg:$0x4]  }
0x53: {  	[tilespmem:s29], [sflag:$0x3] =	stream.linear.gather [hbm4b:s15+s14], $0x40, $0x38;
	[tilespmem:$0x16300] =	vst v63  }
0x54: {  	_ =	swait.ge [sflag:s30], $0x40  }
0x55: {  	[sflag:s30] =	ssyncset.done $0x0  }
0x56: {  	[sflag:s30] =	ssyncadd.s32 $0xFFFFFFC0  }
0x57: {  	[spmem:s2] =	stream.indirect.scatter.add.f32 [tilespmem:s28], [sflag:$0x6], $0x80, s21, s26, $0xb8;
	[tilespmem:$0x16300] =	vst v63  }
0x58: {  	s16 =	rddreg [dreg:$0x5]  }
0x59: {  	[tilespmem:s31], [sflag:$0x4] =	stream.linear.gather [hbm4b:s16+s14], $0x40, $0x38;
	[tilespmem:$0x16300] =	vst v63  }
0x5a: {  	_ =	swait.ge [sflag:s0], $0x40  }
0x5b: {  	[sflag:s0] =	ssyncset.done $0x0  }
0x5c: {  	[sflag:s0] =	ssyncadd.s32 $0xFFFFFFC0  }
0x5d: {  	[spmem:s2] =	stream.indirect.scatter.add.f32 [tilespmem:s28], [sflag:$0x7], $0x80, s29, s26, $0xb8;
	[tilespmem:$0x16300] =	vst v63  }
0x5e: {  	_ =	swait.ge [sflag:s1], $0x2000  }
0x5f: {  	[sflag:s1] =	ssyncset.done $0x0  }
0x60: {  	s16 =	rddreg [dreg:$0x6];
	[sflag:s1] =	ssyncadd.s32 $0xFFFFE000  }
0x61: {  	[tilespmem:s14], [sflag:$0x1] =	stream.linear.gather [hbm4b:s16+s14], $0x40, $0x38;
	[tilespmem:$0x16300] =	vst v63  }
0x62: {  	_ =	swait.ge [sflag:s5], $0x40  }
0x63: {  	[sflag:s5] =	ssyncset.done $0x0  }
0x64: {  	[sflag:s5] =	ssyncadd.s32 $0xFFFFFFC0  }
0x65: {  	[spmem:s2] =	stream.indirect.scatter.add.f32 [tilespmem:s28], [sflag:$0x8], $0x80, s31, s26, $0xb8;
	[tilespmem:$0x16300] =	vst v63  }
0x66: {  	_ =	swait.ge [sflag:s8], $0x2000  }
0x67: {  	[sflag:s8] =	ssyncset.done $0x0  }
0x68: {  	s16 =	rddreg [dreg:$0x7];
	[sflag:s8] =	ssyncadd.s32 $0xFFFFE000  }
0x69: {  	[tilespmem:s21], [sflag:$0x2] =	stream.linear.gather [hbm4b:s16+s14], $0x40, $0x38;
	[tilespmem:$0x16300] =	vst v63  }
0x6a: {  	_ =	swait.ge [sflag:s24], $0x40  }
0x6b: {  	[sflag:s24] =	ssyncset.done $0x0  }
0x6c: {  	[sflag:s24] =	ssyncadd.s32 $0xFFFFFFC0  }
0x6d: {  	[spmem:s2] =	stream.indirect.scatter.add.f32 [tilespmem:s28], [sflag:$0x5], $0x80, s3, s26, $0xb8;
	[tilespmem:$0x16300] =	vst v63  }
0x6e: {  	_ =	swait.ge [sflag:s9], $0x2000  }
0x6f: {  	[sflag:s9] =	ssyncset.done $0x0  }
0x70: {  	s16 =	sadd.s32 $0x0, s20;
	[sflag:s9] =	ssyncadd.s32 $0xFFFFE000  }
0x71: {  	[tilespmem:s29], [sflag:$0x3] =	stream.linear.gather [hbm4b:s16+s3], $0x40, $0x38;
	[tilespmem:$0x16300] =	vst v63  }
0x72: {  	_ =	swait.ge [sflag:s30], $0x40  }
0x73: {  	[sflag:s30] =	ssyncset.done $0x0  }
0x74: {  	[sflag:s30] =	ssyncadd.s32 $0xFFFFFFC0  }
0x75: {  	[spmem:s2] =	stream.indirect.scatter.add.f32 [tilespmem:s28], [sflag:$0x6], $0x80, s21, s26, $0xb8;
	[tilespmem:$0x16300] =	vst v63  }
0x76: {  	_ =	swait.ge [sflag:s10], $0x2000  }
0x77: {  	[sflag:s10] =	ssyncset.done $0x0  }
0x78: {  	s15 =	sadd.s32 $0x0, s19;
	[sflag:s10] =	ssyncadd.s32 $0xFFFFE000  }
0x79: {  	[tilespmem:s31], [sflag:$0x4] =	stream.linear.gather [hbm4b:s15+s3], $0x40, $0x38;
	[tilespmem:$0x16300] =	vst v63  }
0x7a: {  	_ =	swait.ge [sflag:s0], $0x40  }
0x7b: {  	[sflag:s0] =	ssyncset.done $0x0  }
0x7c: {  	[sflag:s0] =	ssyncadd.s32 $0xFFFFFFC0  }
0x7d: {  	[spmem:s2] =	stream.indirect.scatter.add.f32 [tilespmem:s28], [sflag:$0x7], $0x80, s29, s26, $0xb8;
	[tilespmem:$0x16300] =	vst v63  }
0x7e: {  	_ =	swait.ge [sflag:s1], $0x2000  }
0x7f: {  	[sflag:s1] =	ssyncset.done $0x0  }
0x80: {  	s16 =	sadd.s32 $0x0, s18;
	[sflag:s1] =	ssyncadd.s32 $0xFFFFE000  }
0x81: {  	[tilespmem:s3], [sflag:$0x1] =	stream.linear.gather [hbm4b:s16+s3], $0x40, $0x38;
	[tilespmem:$0x16300] =	vst v63  }
0x82: {  	_ =	swait.ge [sflag:s5], $0x40  }
0x83: {  	[sflag:s5] =	ssyncset.done $0x0  }
0x84: {  	[sflag:s5] =	ssyncadd.s32 $0xFFFFFFC0  }
0x85: {  	[spmem:s2] =	stream.indirect.scatter.add.f32 [tilespmem:s28], [sflag:$0x8], $0x80, s31, s26, $0xb8;
	[tilespmem:$0x16300] =	vst v63  }
0x86: {  	_ =	swait.ge [sflag:s8], $0x2000  }
0x87: {  	[sflag:s8] =	ssyncset.done $0x0  }
0x88: {  	s14 =	simm.s32 $0x20;
	s15 =	sadd.s32 $0x0, s17;
	[sflag:s8] =	ssyncadd.s32 $0xFFFFE000  }
.LBB2_8:
0x89: {  	[tilespmem:s21], [sflag:$0x2] =	stream.linear.gather [hbm4b:s15+s3], $0x40, $0x38;
	[tilespmem:$0x16300] =	vst v63  }
0x8a: {  	s15 =	smov.u32 s14  }
0x8b: {  	p1 =	sne.s32 s14, $0x480;
	s14 =	sadd.s32 $0x20, s14;
	_ =	swait.ge [sflag:s24], $0x40  }
0x8c: {  	[sflag:s24] =	ssyncset.done $0x0  }
0x8d: {  	[sflag:s24] =	ssyncadd.s32 $0xFFFFFFC0  }
0x8e: {  	[spmem:s2] =	stream.indirect.scatter.add.f32 [tilespmem:s28], [sflag:$0x5], $0x80, s3, s26, $0xb8;
	[tilespmem:$0x16300] =	vst v63  }
0x8f: {  	_ =	swait.ge [sflag:s9], $0x2000  }
0x90: {  	[sflag:s9] =	ssyncset.done $0x0  }
0x91: {  	s16 =	sadd.s32 s15, s20;
	[sflag:s9] =	ssyncadd.s32 $0xFFFFE000  }
0x92: {  	[tilespmem:s29], [sflag:$0x3] =	stream.linear.gather [hbm4b:s16+s3], $0x40, $0x38;
	[tilespmem:$0x16300] =	vst v63  }
0x93: {  	_ =	swait.ge [sflag:s30], $0x40  }
0x94: {  	[sflag:s30] =	ssyncset.done $0x0  }
0x95: {  	[sflag:s30] =	ssyncadd.s32 $0xFFFFFFC0  }
0x96: {  	[spmem:s2] =	stream.indirect.scatter.add.f32 [tilespmem:s28], [sflag:$0x6], $0x80, s21, s26, $0xb8;
	[tilespmem:$0x16300] =	vst v63  }
0x97: {  	_ =	swait.ge [sflag:s10], $0x2000  }
0x98: {  	[sflag:s10] =	ssyncset.done $0x0  }
0x99: {  	s16 =	sadd.s32 s15, s19;
	[sflag:s10] =	ssyncadd.s32 $0xFFFFE000  }
0x9a: {  	[tilespmem:s31], [sflag:$0x4] =	stream.linear.gather [hbm4b:s16+s3], $0x40, $0x38;
	[tilespmem:$0x16300] =	vst v63  }
0x9b: {  	_ =	swait.ge [sflag:s0], $0x40  }
0x9c: {  	[sflag:s0] =	ssyncset.done $0x0  }
0x9d: {  	[sflag:s0] =	ssyncadd.s32 $0xFFFFFFC0  }
0x9e: {  	[spmem:s2] =	stream.indirect.scatter.add.f32 [tilespmem:s28], [sflag:$0x7], $0x80, s29, s26, $0xb8;
	[tilespmem:$0x16300] =	vst v63  }
0x9f: {  	_ =	swait.ge [sflag:s1], $0x2000  }
0xa0: {  	[sflag:s1] =	ssyncset.done $0x0  }
0xa1: {  	s16 =	sadd.s32 s15, s18;
	[sflag:s1] =	ssyncadd.s32 $0xFFFFE000  }
0xa2: {  	[tilespmem:s3], [sflag:$0x1] =	stream.linear.gather [hbm4b:s16+s3], $0x40, $0x38;
	[tilespmem:$0x16300] =	vst v63  }
0xa3: {  	_ =	swait.ge [sflag:s5], $0x40  }
0xa4: {  	[sflag:s5] =	ssyncset.done $0x0  }
.Ltmp3:
0xa5: {  	[sflag:s5] =	ssyncadd.s32 $0xFFFFFFC0;
	(pc) =	sbr.rel @p1 .LBB2_8-.Ltmp3, $4  }
0xa6: {  	[spmem:s2] =	stream.indirect.scatter.add.f32 [tilespmem:s28], [sflag:$0x8], $0x80, s31, s26, $0xb8;
	[tilespmem:$0x16300] =	vst v63  }
0xa7: {  	_ =	swait.ge [sflag:s8], $0x2000  }
0xa8: {  	[sflag:s8] =	ssyncset.done $0x0  }
0xa9: {  	s15 =	sadd.s32 s15, s17;
	[sflag:s8] =	ssyncadd.s32 $0xFFFFE000  }
0xaa: {  	[tilespmem:s21], [sflag:$0x2] =	stream.linear.gather [hbm4b:s15+s3], $0x40, $0x38;
	[tilespmem:$0x16300] =	vst v63  }
0xab: {  	_ =	swait.ge [sflag:s24], $0x40  }
0xac: {  	[sflag:s24] =	ssyncset.done $0x0  }
0xad: {  	[sflag:s24] =	ssyncadd.s32 $0xFFFFFFC0  }
0xae: {  	[spmem:s2] =	stream.indirect.scatter.add.f32 [tilespmem:s28], [sflag:$0x5], $0x80, s3, s26, $0xb8;
	[tilespmem:$0x16300] =	vst v63  }
0xaf: {  	_ =	swait.ge [sflag:s9], $0x2000  }
0xb0: {  	[sflag:s9] =	ssyncset.done $0x0  }
0xb1: {  	s14 =	rddreg [dreg:$0xa];
	[sflag:s9] =	ssyncadd.s32 $0xFFFFE000  }
0xb2: {  	[tilespmem:s29], [sflag:$0x3] =	stream.linear.gather [hbm4b:s14+s3], $0x40, $0x38;
	[tilespmem:$0x16300] =	vst v63  }
0xb3: {  	_ =	swait.ge [sflag:s30], $0x40  }
0xb4: {  	[sflag:s30] =	ssyncset.done $0x0  }
0xb5: {  	[sflag:s30] =	ssyncadd.s32 $0xFFFFFFC0  }
0xb6: {  	[spmem:s2] =	stream.indirect.scatter.add.f32 [tilespmem:s28], [sflag:$0x6], $0x80, s21, s26, $0xb8;
	[tilespmem:$0x16300] =	vst v63  }
0xb7: {  	_ =	swait.ge [sflag:s10], $0x2000  }
0xb8: {  	[sflag:s10] =	ssyncset.done $0x0  }
0xb9: {  	s16 =	rddreg [dreg:$0xb];
	[sflag:s10] =	ssyncadd.s32 $0xFFFFE000  }
0xba: {  	[tilespmem:s31], [sflag:$0x4] =	stream.linear.gather [hbm4b:s16+s3], $0x40, $0x38;
	[tilespmem:$0x16300] =	vst v63  }
0xbb: {  	_ =	swait.ge [sflag:s0], $0x40  }
0xbc: {  	[sflag:s0] =	ssyncset.done $0x0  }
0xbd: {  	[sflag:s0] =	ssyncadd.s32 $0xFFFFFFC0  }
0xbe: {  	[spmem:s2] =	stream.indirect.scatter.add.f32 [tilespmem:s28], [sflag:$0x7], $0x80, s29, s26, $0xb8;
	[tilespmem:$0x16300] =	vst v63  }
0xbf: {  	_ =	swait.ge [sflag:s1], $0x2000  }
0xc0: {  	[sflag:s1] =	ssyncset.done $0x0  }
0xc1: {  	[sflag:s1] =	ssyncadd.s32 $0xFFFFE000  }
0xc2: {  	_ =	swait.ge [sflag:s5], $0x40  }
0xc3: {  	[sflag:s5] =	ssyncset.done $0x0  }
0xc4: {  	[sflag:s5] =	ssyncadd.s32 $0xFFFFFFC0  }
0xc5: {  	[spmem:s2] =	stream.indirect.scatter.add.f32 [tilespmem:s28], [sflag:$0x8], $0x80, s31, s26, $0xb8;
	[tilespmem:$0x16300] =	vst v63  }
0xc6: {  	_ =	swait.ge [sflag:s8], $0x2000  }
0xc7: {  	[sflag:s8] =	ssyncset.done $0x0  }
0xc8: {  	[sflag:s8] =	ssyncadd.s32 $0xFFFFE000  }
0xc9: {  	_ =	swait.ge [sflag:s9], $0x2000  }
0xca: {  	[sflag:s9] =	ssyncset.done $0x0  }
0xcb: {  	[sflag:s9] =	ssyncadd.s32 $0xFFFFE000  }
0xcc: {  	_ =	swait.ge [sflag:s10], $0x2000  }
0xcd: {  	[sflag:s10] =	ssyncset.done $0x0  }
0xce: {  	s15 =	rddreg [dreg:$0x8];
	[sflag:s10] =	ssyncadd.s32 $0xFFFFE000  }
0xcf: {  	[tilespmem:s11], [sflag:$0x9] =	stream.linear.gather [hbm4b:s15+s3], $0x10, $0x38;
	[tilespmem:$0x16300] =	vst v63  }
0xd0: {  	_ =	swait.ge [sflag:s23], $0x10  }
0xd1: {  	[sflag:s23] =	ssyncset.done $0x0  }
0xd2: {  	s16 =	simm.s32 $0x10;
	[sflag:s23] =	ssyncadd.s32 $0xFFFFFFF0  }
0xd3: {  	[spmem:s2] =	stream.indirect.scatter.add.f32 [tilespmem:s28], [sflag:$0x9], $0x80, s11, s16, $0xb8;
	[tilespmem:$0x16300] =	vst v63  }
0xd4: {  	_ =	swait.ge [sflag:s23], $0x800  }
0xd5: {  	s15 =	stileid.u32;
	[sflag:s23] =	ssyncset.done $0x0  }
0xd6: {  	s14 =	sshll.u32 s15, $0x6;
	[sflag:s23] =	ssyncadd.s32 $0xFFFFF800  }
0xd7: {  	s14 =	sor.u32 $0x1C09, s14;
	s16 =	sshrl.u32 s6, $0x3;
	[bflag:$0x0] =	sbarrier.arrive $0xFFFF  }
0xd8: {  	[hbm:s25], [sflag:s14] =	dma.local [spmem:s16], $0x2700  }
0xd9: {  	_ =	swait.ge [sflag:s23], $0x2700  }
0xda: {  	[sflag:s23] =	ssyncset.done $0x0  }
0xdb: {  	s15 =	sadd.s32 @!p0 $0x27000, s13;
	s16 =	sshrl.u32 @!p0 s7, $0x3;
	[sflag:s23] =	ssyncadd.s32 $0xFFFFD900  }
0xdc: {  	[hbm:s15], [sflag:s14] =	dma.local @!p0 [spmem:s16], $0x100  }
0xdd: {  	s14 =	simm.s32 @!p0 $0x9  }
0xde: {  	_ =	swait.ge @!p0 [sflag:s14], $0x100  }
0xdf: {  	s12 =	sadd.s32 $0x1, s12;
	s16 =	rddreg [dreg:$0x9]  }
0xe0: {  	p1 =	sne.s32 s12, s16  }
.Ltmp4:
0xe1: {  	_ = 	snop;
	(pc) =	sbr.rel @p1 .LBB2_1-.Ltmp4, $3  }
0xe2: {  	_ =	sdelay $0x1  }
0xe3: {  	[sflag:s14] =	ssyncset.done @!p0 $0x0  }
0xe4: {  	[sflag:s14] =	ssyncadd.s32 @!p0 $0xFFFFFF00  }
0xe5: {  	_ =	sfence.sel $0x180000  }
0xe6: {  	[bflag:$0x0] =	sbarrier.arrive $0xFFFF  }
0xe7: {  	_ =	strace $0x90000047  }
0xe8: {  	s0 =	stileid.u32;
	[bflag:$0x2] =	sbarrier.arrive $0xFFFF  }
0xe9: {  	p0 =	sne.s32 s0, $0x0;
	s0 =	rddreg [dreg:$0x2]  }
0xea: {  	s0 =	sadd.s32 @!p0 $0x100000, s0  }
0xeb: {  	[sflag:s0] =	ssyncadd.tile.s32 @!p0 $0x1;
	_ =	shalt  }
.Lfunc_end2:
_tile_overlayer_lowered:
.L_overlay_start_2:
0xec: {  	(tag) =	ssettag $0x2  }
0xed: {  	s0 =	rddreg [dreg:$0x0];
	s2 =	stileid.u32  }
0xee: {  	s1 =	rddreg [dreg:$0x1];
	p0 =	sne.s32 s2, $0x0  }
0xef: {  	s3 =	rddreg [dreg:$0x2];
	[bflag:$0x3] =	sbarrier.arrive $0xFFFF;
	s2 =	simm.s32 @!p0 $0x1C09  }
0xf0: {  	[timem:s3], [sflag:s2] =	dma.local @!p0 [hbm:s0], s1  }
0xf1: {  	s0 =	simm.s32 @!p0 $0x9  }
0xf2: {  	_ =	swait.ge @!p0 [sflag:s0], s1  }
0xf3: {  	s1 =	ssub.s32 @!p0 $0x0, s1;
	[sflag:s0] =	ssyncset.done @!p0 $0x0  }
0xf4: {  	[sflag:s0] =	ssyncadd.s32 @!p0 s1  }
0xf5: {  	[bflag:$0x3] =	sbarrier.arrive $0xFFFF  }
0xf6: {  	_ =	shalt  }

// kernel: kernel.13.cloned.1.call-start
scs
__scs_entry_jumppad:
0x0: {  	(pc) =	sbr.rel $0x88, $3  }
0x1: {  	(tag) =	ssettag $0x0;
	lr =	simm.s32 $0x1  }
0x2: {  	[smem:$0x3F99] =	sst lr;
	_ =	strace $0xD0000000  }
0x3: {  	_ = 	snop  }
0x4: {  	_ = 	snop  }
0x5: {  	_ = 	snop  }
0x6: {  	_ = 	snop  }
0x7: {  	_ = 	snop  }
__scs_overlays_trampoline_lowered:
0x8: {  	[smem:$0x3FA8] =	sst s0  }
0x9: {  	[smem:$0x3FA9] =	sst s1  }
0xa: {  	[smem:$0x3FAA] =	sst s2  }
0xb: {  	[smem:$0x3FAB] =	sst s3  }
0xc: {  	[smem:$0x3FAC] =	sst s4  }
0xd: {  	[smem:$0x3FAD] =	sst s5  }
0xe: {  	[smem:$0x3FAE] =	sst s6  }
0xf: {  	[smem:$0x3FAF] =	sst s7  }
0x10: {  	[smem:$0x3FB0] =	sst s8  }
0x11: {  	[smem:$0x3FB1] =	sst s9;
	s0 =	simm.s32 @!p0 $0x0  }
0x12: {  	s1 =	sld [smem:$0x3F97];
	s0 =	simm.s32 @p0 $0x1  }
0x13: {  	[smem:$0x3FB2] =	sst s0;
	s0 =	simm.s32 @!p1 $0x0  }
0x14: {  	s2 =	sld [smem:$0x3F96];
	s0 =	simm.s32 @p1 $0x1  }
0x15: {  	[smem:$0x3FB3] =	sst s0;
	s0 =	simm.s32 @!p2 $0x0  }
0x16: {  	s3 =	sld [smem:$0x3FDB];
	s0 =	simm.s32 @p2 $0x1  }
0x17: {  	s4 =	simm.s32 $0x1BF5;
	[smem:$0x3FB5] =	sst s0  }
0x18: {  	s0 =	sld [smem:$0x3F98];
	_ =	swait.ge [sflag:s4], $0x0  }
0x19: {  	s7 =	sld [smem:$0x3F99]  }
0x1a: {  	s8 =	sadd.s32 $0xFFFFE003, lr  }
0x1b: {  	s9 =	sadd.s32 $0xFFFFFEF7, lr;
	s5 =	simm.s32 $0xFFFFFFFF;
	p2 =	slt.u32 s8, $0xFFFFF086  }
0x1c: {  	p1 =	slt.u32 s9, $0xF7A;
	s5 =	simm.s32 @!p2 $0x0  }
0x1d: {  	s5 =	simm.s32 @p1 $0x1;
	p0 =	seq.s32 s7, s2  }
0x1e: {  	s7 =	smul.u32 @!p0 $0xF7A, s2;
	p2 =	seq.s32 @!p0 s5, $0x0  }
0x1f: {  	s9 =	smul.u32 $0xF7A, s1;
	s8 =	simm.s32 @!p0 $0x1BF5;
	p2 =	por !p2, p0  }
0x20: {  	[sflag:s8] =	ssyncset.s32 @!p0 $0xFFFFF086;
	s6 =	sadd.s32 @!p0 s3, s7;
	s7 =	simm.s32 @!p0 $0x108  }
0x21: {  	s3 =	sadd.s32 s3, s9;
	s6 =	sadd.s32 @!p0 $0x88, s6;
	s7 =	simm.s32 @p2 $0x1082  }
0x22: {  	[simem:s7], [sflag:s8] =	dma.local @!p0 [hbm:s6], $0xF7A  }
0x23: {  	s9 =	sor.u32 $0xD0000000, s2;
	s6 =	simm.s32 $0x108;
	_ =	swait.ge @!p0 [sflag:s8], $0x0  }
0x24: {  	s3 =	sadd.s32 $0x88, s3;
	s6 =	simm.s32 @!p1 $0x1082;
	[sflag:s4] =	ssyncset.s32 $0xFFFFF086  }
0x25: {  	[simem:s6], [sflag:s4] =	dma.local [hbm:s3], $0xF7A  }
0x26: {  	[smem:$0x3F99] =	sst s1;
	(tag) =	ssettag s2;
	_ =	strace s9  }
0x27: {  	s1 =	sld [smem:$0x3FA9]  }
0x28: {  	s2 =	sld [smem:$0x3FAA]  }
0x29: {  	s4 =	sld [smem:$0x3FAC]  }
0x2a: {  	p0 =	seq.s32 s5, $0x0;
	s5 =	sld [smem:$0x3FAD]  }
0x2b: {  	s6 =	sld [smem:$0x3FAE]  }
0x2c: {  	s7 =	sld [smem:$0x3FAF]  }
0x2d: {  	s3 =	simm.s32 $0x108;
	s8 =	sld [smem:$0x3FB0]  }
0x2e: {  	s3 =	simm.s32 @!p0 $0x1082;
	s9 =	sld [smem:$0x3FB1]  }
0x2f: {  	lr =	sadd.s32 s0, s3;
	s0 =	sld [smem:$0x3FA8]  }
0x30: {  	s3 =	sld [smem:$0x3FAB]  }
0x31: {  	[smem:$0x3FB4] =	sst s10  }
0x32: {  	s10 =	sld [smem:$0x3FB2];
	_ =	sdelay $0x3  }
0x33: {  	p0 =	seq.s32 s10, $0x1;
	s10 =	sld [smem:$0x3FB4];
	_ =	sdelay $0x3  }
0x34: {  	[smem:$0x3FB4] =	sst s10  }
0x35: {  	s10 =	sld [smem:$0x3FB3];
	_ =	sdelay $0x3  }
0x36: {  	p1 =	seq.s32 s10, $0x1;
	s10 =	sld [smem:$0x3FB4];
	_ =	sdelay $0x3  }
0x37: {  	[smem:$0x3FB4] =	sst s10  }
0x38: {  	s10 =	sld [smem:$0x3FB5]  }
0x39: {  	_ = 	snop;
	(pc) =	sbr.ind lr, $3  }
0x3a: {  	_ = 	snop  }
0x3b: {  	_ = 	snop  }
0x3c: {  	p2 =	seq.s32 s10, $0x1;
	s10 =	sld [smem:$0x3FB4]  }
0x3d: {  	_ =	shalt  }
0x3e: {  	_ =	shalt  }
0x3f: {  	_ =	shalt  }
0x40: {  	_ =	shalt  }
0x41: {  	_ =	shalt  }
0x42: {  	_ =	shalt  }
0x43: {  	_ =	shalt  }
0x44: {  	_ =	shalt  }
0x45: {  	_ =	shalt  }
0x46: {  	_ =	shalt  }
0x47: {  	_ =	shalt  }
0x48: {  	_ =	shalt  }
0x49: {  	_ =	shalt  }
0x4a: {  	_ =	shalt  }
0x4b: {  	_ =	shalt  }
0x4c: {  	_ =	shalt  }
0x4d: {  	_ =	shalt  }
0x4e: {  	_ =	shalt  }
0x4f: {  	_ =	shalt  }
0x50: {  	_ =	shalt  }
0x51: {  	_ =	shalt  }
0x52: {  	_ =	shalt  }
0x53: {  	_ =	shalt  }
0x54: {  	_ =	shalt  }
0x55: {  	_ =	shalt  }
0x56: {  	_ =	shalt  }
0x57: {  	_ =	shalt  }
0x58: {  	_ =	shalt  }
0x59: {  	_ =	shalt  }
0x5a: {  	_ =	shalt  }
0x5b: {  	_ =	shalt  }
0x5c: {  	_ =	shalt  }
0x5d: {  	_ =	shalt  }
0x5e: {  	_ =	shalt  }
0x5f: {  	_ =	shalt  }
0x60: {  	_ =	shalt  }
0x61: {  	_ =	shalt  }
0x62: {  	_ =	shalt  }
0x63: {  	_ =	shalt  }
0x64: {  	_ =	shalt  }
0x65: {  	_ =	shalt  }
0x66: {  	_ =	shalt  }
0x67: {  	_ =	shalt  }
0x68: {  	_ =	shalt  }
0x69: {  	_ =	shalt  }
0x6a: {  	_ =	shalt  }
0x6b: {  	_ =	shalt  }
0x6c: {  	_ =	shalt  }
0x6d: {  	_ =	shalt  }
0x6e: {  	_ =	shalt  }
0x6f: {  	_ =	shalt  }
0x70: {  	_ =	shalt  }
0x71: {  	_ =	shalt  }
0x72: {  	_ =	shalt  }
0x73: {  	_ =	shalt  }
0x74: {  	_ =	shalt  }
0x75: {  	_ =	shalt  }
0x76: {  	_ =	shalt  }
0x77: {  	_ =	shalt  }
0x78: {  	_ =	shalt  }
0x79: {  	_ =	shalt  }
0x7a: {  	_ =	shalt  }
0x7b: {  	_ =	shalt  }
0x7c: {  	_ =	shalt  }
0x7d: {  	_ =	shalt  }
0x7e: {  	_ =	shalt  }
0x7f: {  	_ =	shalt  }
0x80: {  	_ =	shalt  }
0x81: {  	_ =	shalt  }
0x82: {  	_ =	shalt  }
0x83: {  	_ =	shalt  }
0x84: {  	_ =	shalt  }
0x85: {  	_ =	shalt  }
0x86: {  	_ =	shalt  }
0x87: {  	_ =	shalt  }
.Lfunc_end0:
.L_simem_size_0:
called_computation.1_lowered:
.L_overlay_start_0:
0x88: {  	s2 =	sld [smem:$0x3FD9]  }
0x89: {  	s3 =	sld [smem:$0x3FFE];
	_ =	sdelay $0x1  }
0x8a: {  	s1 =	srdreg.scid  }
0x8b: {  	s0 =	sand.u32 $0x1, s1  }
0x8c: {  	s17 =	sshll.u32 s0, $0xA;
	s2 =	sadd.s32 s3, s2  }
0x8d: {  	s2 =	sadd.s32 s2, s17  }
0x8e: {  	[smem:$0x3FC0] =	sst s2  }
0x8f: {  	_ = 	snop  }
0x90: {  	s2 =	sld [smem:$0x3FD0];
	(tm) =	ssettm $0x1  }
0x91: {  	s18 =	sld [smem:$0x3FFB];
	_ =	sdelay $0x3  }
0x92: {  	_ =	strace s18  }
0x93: {  	s3 =	sld [smem:$0x3FFC];
	_ =	sdelay $0x3  }
0x94: {  	_ =	strace s3  }
0x95: {  	s3 =	sld [smem:$0x3FFD];
	_ =	sdelay $0x3  }
0x96: {  	_ =	strace s3  }
0x97: {  	_ =	strace $0x8FFFFFFF  }
0x98: {  	s19 =	sld [smem:$0x3FDB];
	_ =	sdelay $0x1  }
0x99: {  	s4 =	simm.s32 $_scs_section_size  }
0x9a: {  	s5 =	simm.s32 $_size__tile_overlayer_lowered;
	s6 =	simm.s32 $_tile_overlayer_lowered  }
0x9b: {  	s22 =	simm.s32 $0x1BFF;
	s21 =	sshll.u32 s6, $0x1;
	s3 =	sadd.s32 s4, s19  }
0x9c: {  	s7 =	simm.s32 $0x0;
	s20 =	sshll.u32 s5, $0x1;
	s5 =	sadd.s32 s21, s3  }
0x9d: {  	[timem:s7], [sflag:s22] =	dma.local [hbm:s5], s20  }
0x9e: {  	_ =	swait.ge [sflag:s22], s20  }
0x9f: {  	s4 =	ssub.s32 $0x0, s20;
	[sflag:s22] =	ssyncset.done $0x0  }
0xa0: {  	[sflag:s22] =	ssyncadd.s32 s4;
	_ =	sdelay $0x1  }
0xa1: {  	s23 =	simm.s32 $0x1B8B  }
0xa2: {  	_ =	swait.ge [sflag:s23], $0x1  }
0xa3: {  	[sflag:s23] =	ssyncset.done $0x0  }
0xa4: {  	s25 =	simm.s32 $0x1B8E;
	s24 =	sld [smem:$0x3FFE];
	[sflag:s23] =	ssyncadd.s32 $0xFFFFFFFF  }
0xa5: {  	s26 =	simm.s32 $execute0_lowered;
	[smem:$0x3FD2] =	sst s25  }
0xa6: {  	s5 =	sshll.u32 s26, $0x1;
	_ =	strace $0x80000049;
	[dreg:$0x1] =	wrdreg $0xFFFFFFFF  }
0xa7: {  	s28 =	simm.s32 $_size_execute0_lowered;
	s3 =	sadd.s32 s3, s5;
	[dreg:$0x0] =	wrdreg $0x0  }
0xa8: {  	s5 =	sshll.u32 s28, $0x1;
	[dreg:$0x2] =	wrdreg s3  }
0xa9: {  	[dreg:$0x3] =	wrdreg s5  }
0xaa: {  	[dreg:$0x4] =	wrdreg $0xC0  }
0xab: {  	_ =	task [dreg:s7], $0x5FFFF  }
0xac: {  	[dreg:$0x1] =	wrdreg $0xFFFFFFFF  }
0xad: {  	[dreg:$0x0] =	wrdreg $0x60  }
0xae: {  	[dreg:$0x2] =	wrdreg s2  }
0xaf: {  	[dreg:$0x3] =	wrdreg s24  }
0xb0: {  	[dreg:$0x4] =	wrdreg $0xB6000  }
0xb1: {  	[dreg:$0x5] =	wrdreg $0x9  }
0xb2: {  	_ =	task.clear_ibuf [dreg:s7], $0x6FFFF;
	_ =	strace $0x90000049  }
0xb3: {  	s29 =	simm.s32 $0x9;
	_ =	strace $0x8000004B  }
0xb4: {  	_ =	swait.ge [sflag:s29], $0x1  }
0xb5: {  	[sflag:s29] =	ssyncadd.s32 $0xFFFFFFFF  }
0xb6: {  	_ =	strace $0x9000004B  }
0xb7: {  	_ =	sfence  }
0xb8: {  	s30 =	sld [smem:$0x0];
	_ =	sdelay $0x2  }
0xb9: {  	s31 =	sshll.u32 s1, $0xD;
	s1 =	sshrl.u32 s1, $0x2  }
0xba: {  	s3 =	sand.u32 $0x4000, s31;
	s1 =	sadd.s32 s1, s30  }
0xbb: {  	s0 =	sor.u32 s3, s0;
	s1 =	sshll.u32 s1, $0x11  }
0xbc: {  	s0 =	sor.u32 s1, s0  }
0xbd: {  	s0 =	sadd.s32 $0x8F2B, s0  }
0xbe: {  	[sflag:s0] =	ssyncadd.remote.s32 $0x1  }
0xbf: {  	_ =	sfence.sel $0xFFFF  }
0xc0: {  	[dreg:$0x0] =	wrdreg $0xFFFFFFFF;
	(pc) =	sbr.abs _section_cstart, $3  }
0xc1: {  	[dreg:$0x1] =	wrdreg $0xFFFFFFFF  }
0xc2: {  	_ =	task.clear_ibuf [dreg:s7], $0x2FFFF;
	_ =	strace $0x9FFFFFFF  }
0xc3: {  	(tm) =	ssettm $0x7FFFFFFF  }
tec
execute0_lowered:
.L_overlay_start_1:
0x0: {  	(tag) =	ssettag $0x1  }
0x1: {  	s0 =	srdreg.scid  }
0x2: {  	s0 =	sand.u32 $0x1, s0  }
0x3: {  	s9 =	stileid.u32;
	s2 =	sshll.u32 s0, $0x4  }
0x4: {  	s3 =	rddreg [dreg:$0x1];
	s1 =	simm.s32 $0x0;
	s2 =	sor.u32 s9, s2  }
0x5: {  	s31 =	rddreg [dreg:$0x0];
	s28 =	simm.s32 $0x2600;
	s2 =	smul.u32 $0x2710, s2  }
0x6: {  	s30 =	simm.s32 $0x280;
	[smem:$0x7FF] =	sst s1;
	s4 =	sadd.s32 $0x2600, s3  }
0x7: {  	s5 =	smul.u32 $0x27100, s0;
	s0 =	ssub.s32 $0x2, s0;
	s2 =	sshrl.u32 s2, $0x3  }
0x8: {  	s6 =	sadd.s32 $0xC400, s3;
	s7 =	sshrl.u32 s0, $0x1;
	s20 =	sadd.s32 s4, s2  }
0x9: {  	s21 =	sadd.s32 s6, s2;
	s22 =	sadd.s32 $0x8, s2;
	[dreg:$0x4] =	wrdreg s20  }
0xa: {  	s7 =	ssub.s32 s0, s7;
	[dreg:$0x5] =	wrdreg s21;
	s10 =	sadd.s32 s4, s22  }
0xb: {  	s8 =	sadd.s32 $0x10, s2;
	s0 =	sadd.s32 s6, s22;
	[dreg:$0x6] =	wrdreg s10  }
0xc: {  	s29 =	simm.s32 $0x6;
	s23 =	sadd.s32 s4, s8;
	[dreg:$0x7] =	wrdreg s0  }
0xd: {  	s25 =	sadd.s32 $0x18, s2;
	s24 =	sadd.s32 s6, s8;
	[dreg:$0x8] =	wrdreg s23  }
0xe: {  	s26 =	sadd.s32 $0x20, s2;
	s11 =	sadd.s32 s4, s25;
	[dreg:$0x9] =	wrdreg s24  }
0xf: {  	p0 =	sne.s32 s9, $0xF;
	s12 =	sadd.s32 s4, s26;
	[dreg:$0xa] =	wrdreg s11  }
0x10: {  	s14 =	sadd.s32 $0x28, s2;
	s13 =	sadd.s32 s6, s26;
	[dreg:$0xc] =	wrdreg s12  }
0x11: {  	s15 =	sadd.s32 $0x30, s2;
	s16 =	sadd.s32 s4, s14;
	[dreg:$0xd] =	wrdreg s13  }
0x12: {  	s3 =	sadd.s32 s5, s3;
	s17 =	sadd.s32 s4, s15;
	[dreg:$0xe] =	wrdreg s16  }
0x13: {  	s19 =	sadd.s32 $0x38, s2;
	s18 =	sadd.s32 s6, s15;
	[dreg:$0x10] =	wrdreg s17  }
0x14: {  	s20 =	smul.u32 $0x2710, s9;
	s21 =	sadd.s32 s4, s19;
	[dreg:$0x11] =	wrdreg s18  }
0x15: {  	s22 =	sadd.s32 $0x40, s2;
	s0 =	sadd.s32 s6, s25;
	[dreg:$0x12] =	wrdreg s21  }
0x16: {  	s2 =	sadd.s32 $0x4E0, s2;
	s23 =	sadd.s32 s4, s22;
	[dreg:$0xb] =	wrdreg s0  }
0x17: {  	s8 =	simm.s32 $0x10;
	s24 =	sadd.s32 s4, s2;
	[dreg:$0x14] =	wrdreg s23  }
0x18: {  	s2 =	sadd.s32 s6, s2;
	s21 =	smul.u32 $0x4E000, s9;
	[dreg:$0x16] =	wrdreg s24  }
0x19: {  	s0 =	sadd.s32 s6, s14;
	s5 =	sadd.s32 s20, s5;
	[dreg:$0x17] =	wrdreg s2  }
0x1a: {  	s23 =	smul.u32 $0x2700, s9;
	s24 =	sadd.s32 $0x16200, s3;
	s3 =	simm.s32 $0xD  }
0x1b: {  	[dreg:$0xf] =	wrdreg s0;
	s0 =	sadd.s32 s6, s19;
	s25 =	sadd.s32 $0x340, s5  }
0x1c: {  	s26 =	sadd.s32 $0x300, s5;
	s12 =	sadd.s32 $0x2C0, s5;
	s13 =	sadd.s32 $0x280, s5  }
0x1d: {  	s19 =	sadd.s32 $0x240, s5;
	s5 =	simm.s32 $0xAE00;
	[dreg:$0x13] =	wrdreg s0  }
0x1e: {  	s0 =	sadd.s32 s6, s22;
	s11 =	sshrl.u32 s26, $0x3;
	s14 =	sshrl.u32 s12, $0x3  }
0x1f: {  	s15 =	sshrl.u32 s13, $0x3;
	s20 =	sshrl.u32 s19, $0x3;
	s22 =	sshrl.u32 s21, $0x2  }
0x20: {  	s21 =	simm.s32 $0x80;
	[dreg:$0x15] =	wrdreg s0;
	s2 =	sadd.s32 s11, s6  }
0x21: {  	s12 =	simm.s32 $0x40;
	s16 =	sadd.s32 s14, s6;
	[dreg:$0x1a] =	wrdreg s2  }
0x22: {  	s13 =	simm.s32 $0x600;
	s17 =	sadd.s32 s15, s6;
	[dreg:$0x1c] =	wrdreg s16  }
0x23: {  	s0 =	sshrl.u32 s25, $0x3;
	s18 =	sadd.s32 s15, s4;
	[dreg:$0x1e] =	wrdreg s17  }
0x24: {  	s19 =	simm.s32 $0xC;
	s10 =	sadd.s32 s0, s6;
	[dreg:$0x1f] =	wrdreg s18  }
0x25: {  	s25 =	smax.u32 s7, $0x1;
	s0 =	sadd.s32 s0, s4;
	[dreg:$0x18] =	wrdreg s10  }
0x26: {  	s15 =	simm.s32 $0x380;
	s6 =	sadd.s32 s20, s6;
	[dreg:$0x19] =	wrdreg s0  }
0x27: {  	s2 =	sadd.s32 s20, s4;
	s16 =	simm.s32 $0x6600;
	[smem:$0x7F8] =	sst s6  }
0x28: {  	s17 =	simm.s32 $0x480;
	s0 =	sadd.s32 s11, s4;
	[smem:$0x7F9] =	sst s2  }
0x29: {  	s18 =	simm.s32 $0x9;
	[dreg:$0x1b] =	wrdreg s0;
	s0 =	sadd.s32 s14, s4  }
0x2a: {  	s20 =	simm.s32 $0xF;
	s2 =	sadd.s32 s23, s24;
	[dreg:$0x1d] =	wrdreg s0  }
0x2b: {  	s11 =	simm.s32 $0x2;
	s6 =	simm.s32 $0x8;
	s0 =	rddreg [dreg:$0x2]  }
.Ltmp0:
0x2c: {  	_ =	strace $0x8000004A;
	[smem:$0x7FA] =	sst s25;
	(pc) =	sbr.rel .LBB2_1-.Ltmp0, $4  }
0x2d: {  	s10 =	simm.s32 $0x0;
	s14 =	simm.s32 $0xE;
	[smem:$0x7FB] =	sst s24  }
0x2e: {  	s4 =	sadd.s32 s22, s0;
	[smem:$0x7FC] =	sst s2;
	s26 =	sadd.s32 $0x138000, s0  }
0x2f: {  	s24 =	simm.s32 $0x180;
	s2 =	simm.s32 $0x4600;
	s22 =	simm.s32 $0x3  }
0x30: {  	v0 =	vimm.f32 $0.0e+00;
	s25 =	simm.s32 $0xA;
	[smem:$0x7FD] =	sst s26;
	s26 =	simm.s32 $0xB  }
.LBB2_8:
0x31: {  	_ =	swait.ge [sflag:s20], $0x2000  }
0x32: {  	[sflag:s20] =	ssyncset.done $0x0  }
0x33: {  	[sflag:s20] =	ssyncadd.s32 $0xFFFFE000  }
0x34: {  	[spmem:s0] =	stream.indirect.scatter.add.f32 [tilespmem:s10], [sflag:$0xF], $0x80, s21, s12, $0xb8;
	[tilespmem:$0x1EE80] =	vst v63  }
0x35: {  	_ =	swait.ge [sflag:s18], $0x2000  }
0x36: {  	[sflag:s18] =	ssyncset.done $0x0  }
0x37: {  	[sflag:s18] =	ssyncadd.s32 $0xFFFFE000  }
0x38: {  	_ =	swait.ge [sflag:s22], $0x2000  }
0x39: {  	[sflag:s22] =	ssyncset.done $0x0  }
0x3a: {  	[sflag:s22] =	ssyncadd.s32 $0xFFFFE000  }
0x3b: {  	[spmem:s0] =	stream.indirect.scatter.add.f32 [tilespmem:s13], [sflag:$0x3], $0x80, s7, s12, $0xb8;
	[tilespmem:$0x1EE80] =	vst v63  }
0x3c: {  	_ =	swait.ge [sflag:s19], $0x2000  }
0x3d: {  	[sflag:s19] =	ssyncset.done $0x0  }
0x3e: {  	[sflag:s19] =	ssyncadd.s32 $0xFFFFE000  }
0x3f: {  	_ =	swait.ge [sflag:s20], $0x2000  }
0x40: {  	[sflag:s20] =	ssyncset.done $0x0  }
0x41: {  	[sflag:s20] =	ssyncadd.s32 $0xFFFFE000  }
0x42: {  	_ =	swait.ge [sflag:s22], $0x2000  }
0x43: {  	[sflag:s22] =	ssyncset.done $0x0  }
0x44: {  	s9 =	simm.s32 $0x500;
	s13 =	rddreg [dreg:$0x16];
	[sflag:s22] =	ssyncadd.s32 $0xFFFFE000  }
0x45: {  	[tilespmem:s9], [sflag:$0x10] =	stream.linear.gather [hbm4b:s13+s1], $0x10, $0x38;
	[tilespmem:$0x1EE80] =	vst v63  }
0x46: {  	_ =	swait.ge [sflag:s8], $0x10  }
0x47: {  	[sflag:s8] =	ssyncset.done $0x0  }
0x48: {  	s23 =	simm.s32 $0x580;
	s17 =	rddreg [dreg:$0x17];
	[sflag:s8] =	ssyncadd.s32 $0xFFFFFFF0  }
0x49: {  	[tilespmem:s23], [sflag:$0x10] =	stream.linear.gather [hbm4b:s17+s1], $0x10, $0x38;
	[tilespmem:$0x1EE80] =	vst v63  }
0x4a: {  	_ =	swait.ge [sflag:s8], $0x10  }
0x4b: {  	[sflag:s8] =	ssyncset.done $0x0  }
0x4c: {  	s13 =	simm.s32 $0xA600;
	[sflag:s8] =	ssyncadd.s32 $0xFFFFFFF0  }
0x4d: {  	[tilespmem:s13], [sflag:$0x10] =	stream.indirect.gather [hbm4b:s31+s8], $0x80, s9, s8, $0xb8;
	[tilespmem:$0x1EE80] =	vst v63  }
0x4e: {  	_ =	swait.ge [sflag:s8], $0x800  }
0x4f: {  	[sflag:s8] =	ssyncset.done $0x0  }
0x50: {  	[sflag:s8] =	ssyncadd.s32 $0xFFFFF800  }
0x51: {  	[spmem:s0] =	stream.indirect.scatter.add.f32 [tilespmem:s13], [sflag:$0x10], $0x80, s23, s8, $0xb8;
	[tilespmem:$0x1EE80] =	vst v63  }
0x52: {  	_ =	swait.ge [sflag:s8], $0x800  }
0x53: {  	[sflag:s8] =	ssyncset.done $0x0  }
0x54: {  	[sflag:s8] =	ssyncadd.s32 $0xFFFFF800  }
0x55: {  	[bflag:$0x0] =	sbarrier.arrive $0xFFFF  }
0x56: {  	s17 =	stileid.u32;
	s10 =	sld [smem:$0x7FC]  }
0x57: {  	s7 =	sshll.u32 s17, $0x6  }
0x58: {  	s7 =	sor.u32 $0x1C10, s7;
	s23 =	sshrl.u32 s4, $0x3  }
0x59: {  	[hbm:s10], [sflag:s7] =	dma.local [spmem:s23], $0x2700  }
0x5a: {  	s13 =	sld [smem:$0x7FD];
	_ =	swait.ge [sflag:s8], $0x2700  }
0x5b: {  	s9 =	sld [smem:$0x7FB];
	_ =	sdelay $0x1  }
0x5c: {  	[sflag:s8] =	ssyncset.done $0x0  }
0x5d: {  	[sflag:s8] =	ssyncadd.s32 $0xFFFFD900;
	s10 =	sadd.s32 @!p0 $0x27000, s9;
	s9 =	sshrl.u32 @!p0 s13, $0x3  }
0x5e: {  	[hbm:s10], [sflag:s7] =	dma.local @!p0 [spmem:s9], $0x100  }
0x5f: {  	s7 =	simm.s32 @!p0 $0x10  }
0x60: {  	_ =	swait.ge @!p0 [sflag:s7], $0x100  }
0x61: {  	s17 =	sld [smem:$0x7F7]  }
0x62: {  	s23 =	sld [smem:$0x7FA];
	_ =	sdelay $0x1  }
0x63: {  	s10 =	sadd.s32 $0x1, s17  }
0x64: {  	p1 =	sne.s32 s10, s23  }
.Ltmp1:
0x65: {  	_ = 	snop;
	(pc) =	sbr.rel @!p1 .LBB2_9-.Ltmp1, $3  }
0x66: {  	_ =	sdelay $0x1  }
0x67: {  	s21 =	simm.s32 $0x80;
	[sflag:s7] =	ssyncset.done @!p0 $0x0  }
0x68: {  	s13 =	simm.s32 $0x600;
	[sflag:s7] =	ssyncadd.s32 @!p0 $0xFFFFFF00;
	s17 =	simm.s32 $0x480  }
.LBB2_1:
0x69: {  	s7 =	rddreg [dreg:$0x4]  }
0x6a: {  	[tilespmem:s1], [sflag:$0x1] =	stream.linear.gather [hbm4b:s7+s1], $0x40, $0x38;
	[tilespmem:$0x1EE80] =	vst v63  }
0x6b: {  	s9 =	rddreg [dreg:$0x5]  }
0x6c: {  	[tilespmem:s21], [sflag:$0x2] =	stream.linear.gather [hbm4b:s9+s1], $0x40, $0x38;
	[tilespmem:$0x1EE80] =	vst v63  }
0x6d: {  	s21 =	simm.s32 $0x1  }
0x6e: {  	_ =	swait.ge [sflag:s21], $0x40  }
0x6f: {  	[sflag:s21] =	ssyncset.done $0x0  }
0x70: {  	[sflag:s21] =	ssyncadd.s32 $0xFFFFFFC0  }
0x71: {  	_ =	swait.ge [sflag:s11], $0x40  }
0x72: {  	[sflag:s11] =	ssyncset.done $0x0  }
0x73: {  	[sflag:s11] =	ssyncadd.s32 $0xFFFFFFC0  }
0x74: {  	[tilespmem:s13], [sflag:$0x3] =	stream.indirect.gather [hbm4b:s31+s12], $0x80, s1, s12, $0xb8;
	[tilespmem:$0x1EE80] =	vst v63  }
0x75: {  	s9 =	simm.s32 $0x100;
	s23 =	rddreg [dreg:$0x6]  }
0x76: {  	[tilespmem:s9], [sflag:$0x4] =	stream.linear.gather [hbm4b:s23+s1], $0x40, $0x38;
	[tilespmem:$0x1EE80] =	vst v63  }
0x77: {  	s21 =	simm.s32 $0x4;
	s13 =	rddreg [dreg:$0x7]  }
0x78: {  	[tilespmem:s24], [sflag:$0x5] =	stream.linear.gather [hbm4b:s13+s1], $0x40, $0x38;
	[tilespmem:$0x1EE80] =	vst v63  }
0x79: {  	_ =	swait.ge [sflag:s21], $0x40  }
0x7a: {  	[sflag:s21] =	ssyncset.done $0x0  }
0x7b: {  	s23 =	simm.s32 $0x5;
	[sflag:s21] =	ssyncadd.s32 $0xFFFFFFC0  }
0x7c: {  	_ =	swait.ge [sflag:s23], $0x40  }
0x7d: {  	[sflag:s23] =	ssyncset.done $0x0  }
0x7e: {  	[sflag:s23] =	ssyncadd.s32 $0xFFFFFFC0  }
0x7f: {  	[tilespmem:s28], [sflag:$0x6] =	stream.indirect.gather [hbm4b:s31+s12], $0x80, s9, s12, $0xb8;
	[tilespmem:$0x1EE80] =	vst v63  }
0x80: {  	s13 =	simm.s32 $0x200;
	s9 =	rddreg [dreg:$0x8]  }
0x81: {  	[tilespmem:s13], [sflag:$0x7] =	stream.linear.gather [hbm4b:s9+s1], $0x40, $0x38;
	[tilespmem:$0x1EE80] =	vst v63  }
0x82: {  	s21 =	rddreg [dreg:$0x9];
	s23 =	simm.s32 $0x7  }
0x83: {  	[tilespmem:s30], [sflag:$0x8] =	stream.linear.gather [hbm4b:s21+s1], $0x40, $0x38;
	[tilespmem:$0x1EE80] =	vst v63  }
0x84: {  	_ =	swait.ge [sflag:s23], $0x40  }
0x85: {  	[sflag:s23] =	ssyncset.done $0x0  }
0x86: {  	[sflag:s23] =	ssyncadd.s32 $0xFFFFFFC0  }
0x87: {  	_ =	swait.ge [sflag:s6], $0x40  }
0x88: {  	[sflag:s6] =	ssyncset.done $0x0  }
0x89: {  	s7 =	simm.s32 $0x200;
	s9 =	simm.s32 $0x0;
	[sflag:s6] =	ssyncadd.s32 $0xFFFFFFC0  }
0x8a: {  	[tilespmem:s2], [sflag:$0x9] =	stream.indirect.gather [hbm4b:s31+s12], $0x80, s13, s12, $0xb8;
	[tilespmem:$0x1EE80] =	vst v63  }
.LBB2_2:
0x8b: {  	p1 =	seq.s32 s7, $0x1E00;
	[tilespmem:s9+$0xAE70] =	vst v0  }
0x8c: {  	[tilespmem:s9+$0xAE00] =	vst v0  }
0x8d: {  	[tilespmem:s9+$0xAE10] =	vst v0  }
.Ltmp2:
0x8e: {  	[tilespmem:s9+$0xAE20] =	vst v0;
	(pc) =	sbr.rel @!p1 .LBB2_2-.Ltmp2, $4  }
0x8f: {  	[tilespmem:s9+$0xAE30] =	vst v0  }
0x90: {  	[tilespmem:s9+$0xAE40] =	vst v0  }
0x91: {  	[tilespmem:s9+$0xAE50] =	vst v0  }
0x92: {  	[tilespmem:s9+$0xAE60] =	vst v0;
	s9 =	sshra.s32 s7, $0x2;
	s7 =	sadd.s32 $0x200, s7  }
0x93: {  	[tilespmem:s9+$0xAE70] =	vst v0  }
0x94: {  	[tilespmem:s9+$0xAE00] =	vst v0  }
0x95: {  	[tilespmem:s9+$0xAE10] =	vst v0  }
0x96: {  	[tilespmem:s9+$0xAE20] =	vst v0  }
0x97: {  	[tilespmem:s9+$0xAE30] =	vst v0  }
0x98: {  	[tilespmem:s9+$0xAE40] =	vst v0  }
0x99: {  	[tilespmem:s9+$0xAE50] =	vst v0  }
0x9a: {  	[tilespmem:s9+$0xAE60] =	vst v0;
	[smem:$0x7F7] =	sst s10;
	s7 =	sadd.s32 $0x0, s4  }
0x9b: {  	[spmem:s7] =	stream.linear.scatter [tilespmem:s5], [sflag:$0x10], $0x800, $0x38;
	[tilespmem:$0x1EE80] =	vst v63  }
0x9c: {  	s7 =	simm.s32 $0x2000;
	_ =	swait.ge [sflag:s8], $0x800  }
.LBB2_4:
0x9d: {  	s9 =	sshra.s32 s7, $0x2;
	[sflag:s8] =	ssyncset.done $0x0;
	p1 =	sne.s32 s7, $0x4C000  }
.Ltmp3:
0x9e: {  	s9 =	sadd.s32 s9, s4;
	[sflag:s8] =	ssyncadd.s32 $0xFFFFF800;
	(pc) =	sbr.rel @p1 .LBB2_4-.Ltmp3, $3  }
0x9f: {  	[spmem:s9] =	stream.linear.scatter [tilespmem:s5], [sflag:$0x10], $0x800, $0x38;
	[tilespmem:$0x1EE80] =	vst v63  }
0xa0: {  	s7 =	sadd.s32 $0x2000, s7;
	_ =	sdelay $0x1  }
0xa1: {  	_ =	swait.ge [sflag:s8], $0x800  }
0xa2: {  	s9 =	sld [smem:$0x7FD]  }
0xa3: {  	[sflag:s8] =	ssyncset.done $0x0  }
0xa4: {  	s7 =	simm.s32 @!p0 $0xAE00;
	[sflag:s8] =	ssyncadd.s32 $0xFFFFF800  }
0xa5: {  	[spmem:s9] =	stream.linear.scatter @!p0 [tilespmem:s7], [sflag:$0x10], $0x800, $0x38;
	[tilespmem:$0x1EE80] =	vst v63  }
0xa6: {  	s7 =	simm.s32 @!p0 $0x10  }
0xa7: {  	_ =	swait.ge @!p0 [sflag:s7], $0x800  }
0xa8: {  	[sflag:s7] =	ssyncset.done @!p0 $0x0  }
0xa9: {  	[sflag:s7] =	ssyncadd.s32 @!p0 $0xFFFFF800  }
0xaa: {  	[bflag:$0x0] =	sbarrier.arrive $0xFFFF  }
0xab: {  	_ =	swait.ge [sflag:s22], $0x2000  }
0xac: {  	[sflag:s22] =	ssyncset.done $0x0  }
0xad: {  	s13 =	simm.s32 $0x80;
	s23 =	simm.s32 $0x600;
	[sflag:s22] =	ssyncadd.s32 $0xFFFFE000  }
0xae: {  	[spmem:s0] =	stream.indirect.scatter.add.f32 [tilespmem:s23], [sflag:$0x3], $0x80, s13, s12, $0xb8;
	[tilespmem:$0x1EE80] =	vst v63  }
0xaf: {  	s10 =	simm.s32 $0x300;
	s9 =	simm.s32 $0x0;
	s21 =	rddreg [dreg:$0xa]  }
0xb0: {  	[tilespmem:s10], [sflag:$0xA] =	stream.linear.gather [hbm4b:s21+s9], $0x40, $0x38;
	[tilespmem:$0x1EE80] =	vst v63  }
0xb1: {  	s21 =	rddreg [dreg:$0xb]  }
0xb2: {  	[tilespmem:s15], [sflag:$0xB] =	stream.linear.gather [hbm4b:s21+s9], $0x40, $0x38;
	[tilespmem:$0x1EE80] =	vst v63  }
0xb3: {  	_ =	swait.ge [sflag:s25], $0x40  }
0xb4: {  	[sflag:s25] =	ssyncset.done $0x0  }
0xb5: {  	[sflag:s25] =	ssyncadd.s32 $0xFFFFFFC0  }
0xb6: {  	_ =	swait.ge [sflag:s26], $0x40  }
0xb7: {  	[sflag:s26] =	ssyncset.done $0x0  }
0xb8: {  	[sflag:s26] =	ssyncadd.s32 $0xFFFFFFC0  }
0xb9: {  	[tilespmem:s16], [sflag:$0xC] =	stream.indirect.gather [hbm4b:s31+s12], $0x80, s10, s12, $0xb8;
	[tilespmem:$0x1EE80] =	vst v63  }
0xba: {  	_ =	swait.ge [sflag:s29], $0x2000  }
0xbb: {  	[sflag:s29] =	ssyncset.done $0x0  }
0xbc: {  	[sflag:s29] =	ssyncadd.s32 $0xFFFFE000  }
0xbd: {  	[spmem:s0] =	stream.indirect.scatter.add.f32 [tilespmem:s28], [sflag:$0x6], $0x80, s24, s12, $0xb8;
	[tilespmem:$0x1EE80] =	vst v63  }
0xbe: {  	s21 =	simm.s32 $0x400;
	s10 =	rddreg [dreg:$0xc]  }
0xbf: {  	[tilespmem:s21], [sflag:$0xD] =	stream.linear.gather [hbm4b:s10+s9], $0x40, $0x38;
	[tilespmem:$0x1EE80] =	vst v63  }
0xc0: {  	s10 =	rddreg [dreg:$0xd]  }
0xc1: {  	[tilespmem:s17], [sflag:$0xE] =	stream.linear.gather [hbm4b:s10+s9], $0x40, $0x38;
	[tilespmem:$0x1EE80] =	vst v63  }
0xc2: {  	_ =	swait.ge [sflag:s3], $0x40  }
0xc3: {  	[sflag:s3] =	ssyncset.done $0x0  }
0xc4: {  	[sflag:s3] =	ssyncadd.s32 $0xFFFFFFC0  }
0xc5: {  	_ =	swait.ge [sflag:s14], $0x40  }
0xc6: {  	[sflag:s14] =	ssyncset.done $0x0  }
0xc7: {  	s10 =	simm.s32 $0x8600;
	[sflag:s14] =	ssyncadd.s32 $0xFFFFFFC0  }
0xc8: {  	[tilespmem:s10], [sflag:$0xF] =	stream.indirect.gather [hbm4b:s31+s12], $0x80, s21, s12, $0xb8;
	[tilespmem:$0x1EE80] =	vst v63  }
0xc9: {  	_ =	swait.ge [sflag:s18], $0x2000  }
0xca: {  	[sflag:s18] =	ssyncset.done $0x0  }
0xcb: {  	[sflag:s18] =	ssyncadd.s32 $0xFFFFE000  }
0xcc: {  	[spmem:s0] =	stream.indirect.scatter.add.f32 [tilespmem:s2], [sflag:$0x9], $0x80, s30, s12, $0xb8;
	[tilespmem:$0x1EE80] =	vst v63  }
0xcd: {  	_ =	swait.ge [sflag:s22], $0x2000  }
0xce: {  	[sflag:s22] =	ssyncset.done $0x0  }
0xcf: {  	s21 =	rddreg [dreg:$0xe];
	[sflag:s22] =	ssyncadd.s32 $0xFFFFE000  }
0xd0: {  	[tilespmem:s9], [sflag:$0x1] =	stream.linear.gather [hbm4b:s21+s9], $0x40, $0x38;
	[tilespmem:$0x1EE80] =	vst v63  }
0xd1: {  	s21 =	rddreg [dreg:$0xf]  }
0xd2: {  	[tilespmem:s13], [sflag:$0x2] =	stream.linear.gather [hbm4b:s21+s9], $0x40, $0x38;
	[tilespmem:$0x1EE80] =	vst v63  }
0xd3: {  	s21 =	simm.s32 $0x1  }
0xd4: {  	_ =	swait.ge [sflag:s21], $0x40  }
0xd5: {  	[sflag:s21] =	ssyncset.done $0x0  }
0xd6: {  	[sflag:s21] =	ssyncadd.s32 $0xFFFFFFC0  }
0xd7: {  	_ =	swait.ge [sflag:s11], $0x40  }
0xd8: {  	[sflag:s11] =	ssyncset.done $0x0  }
0xd9: {  	[sflag:s11] =	ssyncadd.s32 $0xFFFFFFC0  }
0xda: {  	[tilespmem:s23], [sflag:$0x3] =	stream.indirect.gather [hbm4b:s31+s12], $0x80, s9, s12, $0xb8;
	[tilespmem:$0x1EE80] =	vst v63  }
0xdb: {  	_ =	swait.ge [sflag:s19], $0x2000  }
0xdc: {  	[sflag:s19] =	ssyncset.done $0x0  }
0xdd: {  	[sflag:s19] =	ssyncadd.s32 $0xFFFFE000  }
0xde: {  	[spmem:s0] =	stream.indirect.scatter.add.f32 [tilespmem:s16], [sflag:$0xC], $0x80, s15, s12, $0xb8;
	[tilespmem:$0x1EE80] =	vst v63  }
0xdf: {  	_ =	swait.ge [sflag:s29], $0x2000  }
0xe0: {  	[sflag:s29] =	ssyncset.done $0x0  }
0xe1: {  	s21 =	simm.s32 $0x100;
	s7 =	rddreg [dreg:$0x10];
	[sflag:s29] =	ssyncadd.s32 $0xFFFFE000  }
0xe2: {  	[tilespmem:s21], [sflag:$0x4] =	stream.linear.gather [hbm4b:s7+s9], $0x40, $0x38;
	[tilespmem:$0x1EE80] =	vst v63  }
0xe3: {  	s7 =	rddreg [dreg:$0x11]  }
0xe4: {  	[tilespmem:s24], [sflag:$0x5] =	stream.linear.gather [hbm4b:s7+s9], $0x40, $0x38;
	[tilespmem:$0x1EE80] =	vst v63  }
0xe5: {  	s7 =	simm.s32 $0x4  }
0xe6: {  	_ =	swait.ge [sflag:s7], $0x40  }
0xe7: {  	[sflag:s7] =	ssyncset.done $0x0  }
0xe8: {  	[sflag:s7] =	ssyncadd.s32 $0xFFFFFFC0;
	s7 =	simm.s32 $0x5  }
0xe9: {  	_ =	swait.ge [sflag:s7], $0x40  }
0xea: {  	[sflag:s7] =	ssyncset.done $0x0  }
0xeb: {  	s21 =	simm.s32 $0x100;
	[sflag:s7] =	ssyncadd.s32 $0xFFFFFFC0  }
0xec: {  	[tilespmem:s28], [sflag:$0x6] =	stream.indirect.gather [hbm4b:s31+s12], $0x80, s21, s12, $0xb8;
	[tilespmem:$0x1EE80] =	vst v63  }
0xed: {  	_ =	swait.ge [sflag:s20], $0x2000  }
0xee: {  	[sflag:s20] =	ssyncset.done $0x0  }
0xef: {  	[sflag:s20] =	ssyncadd.s32 $0xFFFFE000  }
0xf0: {  	[spmem:s0] =	stream.indirect.scatter.add.f32 [tilespmem:s10], [sflag:$0xF], $0x80, s17, s12, $0xb8;
	[tilespmem:$0x1EE80] =	vst v63  }
0xf1: {  	_ =	swait.ge [sflag:s18], $0x2000  }
0xf2: {  	[sflag:s18] =	ssyncset.done $0x0  }
0xf3: {  	s17 =	simm.s32 $0x200;
	s21 =	rddreg [dreg:$0x12];
	[sflag:s18] =	ssyncadd.s32 $0xFFFFE000  }
0xf4: {  	[tilespmem:s17], [sflag:$0x7] =	stream.linear.gather [hbm4b:s21+s9], $0x40, $0x38;
	[tilespmem:$0x1EE80] =	vst v63  }
0xf5: {  	s21 =	rddreg [dreg:$0x13]  }
0xf6: {  	[tilespmem:s30], [sflag:$0x8] =	stream.linear.gather [hbm4b:s21+s9], $0x40, $0x38;
	[tilespmem:$0x1EE80] =	vst v63  }
0xf7: {  	s21 =	simm.s32 $0x7  }
0xf8: {  	_ =	swait.ge [sflag:s21], $0x40  }
0xf9: {  	[sflag:s21] =	ssyncset.done $0x0  }
0xfa: {  	[sflag:s21] =	ssyncadd.s32 $0xFFFFFFC0  }
0xfb: {  	_ =	swait.ge [sflag:s6], $0x40  }
0xfc: {  	[sflag:s6] =	ssyncset.done $0x0  }
0xfd: {  	[sflag:s6] =	ssyncadd.s32 $0xFFFFFFC0  }
0xfe: {  	[tilespmem:s2], [sflag:$0x9] =	stream.indirect.gather [hbm4b:s31+s12], $0x80, s17, s12, $0xb8;
	[tilespmem:$0x1EE80] =	vst v63  }
0xff: {  	_ =	swait.ge [sflag:s22], $0x2000  }
0x100: {  	[sflag:s22] =	ssyncset.done $0x0  }
0x101: {  	[sflag:s22] =	ssyncadd.s32 $0xFFFFE000  }
0x102: {  	[spmem:s0] =	stream.indirect.scatter.add.f32 [tilespmem:s23], [sflag:$0x3], $0x80, s13, s12, $0xb8;
	[tilespmem:$0x1EE80] =	vst v63  }
0x103: {  	_ =	swait.ge [sflag:s19], $0x2000  }
0x104: {  	[sflag:s19] =	ssyncset.done $0x0  }
0x105: {  	s17 =	simm.s32 $0x300;
	s21 =	rddreg [dreg:$0x14];
	[sflag:s19] =	ssyncadd.s32 $0xFFFFE000  }
0x106: {  	[tilespmem:s17], [sflag:$0xA] =	stream.linear.gather [hbm4b:s21+s9], $0x40, $0x38;
	[tilespmem:$0x1EE80] =	vst v63  }
0x107: {  	s21 =	rddreg [dreg:$0x15]  }
0x108: {  	[tilespmem:s15], [sflag:$0xB] =	stream.linear.gather [hbm4b:s21+s9], $0x40, $0x38;
	[tilespmem:$0x1EE80] =	vst v63  }
0x109: {  	_ =	swait.ge [sflag:s25], $0x40  }
0x10a: {  	[sflag:s25] =	ssyncset.done $0x0  }
0x10b: {  	[sflag:s25] =	ssyncadd.s32 $0xFFFFFFC0  }
0x10c: {  	_ =	swait.ge [sflag:s26], $0x40  }
0x10d: {  	[sflag:s26] =	ssyncset.done $0x0  }
0x10e: {  	s21 =	simm.s32 $0x480;
	[sflag:s26] =	ssyncadd.s32 $0xFFFFFFC0  }
0x10f: {  	[tilespmem:s16], [sflag:$0xC] =	stream.indirect.gather [hbm4b:s31+s12], $0x80, s17, s12, $0xb8;
	[tilespmem:$0x1EE80] =	vst v63  }
.LBB2_6:
0x110: {  	_ =	swait.ge [sflag:s29], $0x2000  }
0x111: {  	[sflag:s29] =	ssyncset.done $0x0  }
0x112: {  	[sflag:s29] =	ssyncadd.s32 $0xFFFFE000  }
0x113: {  	[spmem:s0] =	stream.indirect.scatter.add.f32 [tilespmem:s28], [sflag:$0x6], $0x80, s24, s12, $0xb8;
	[tilespmem:$0x1EE80] =	vst v63  }
0x114: {  	_ =	swait.ge [sflag:s20], $0x2000  }
0x115: {  	s7 =	sld [smem:$0x7F9];
	_ =	sdelay $0x1  }
0x116: {  	[sflag:s20] =	ssyncset.done $0x0  }
0x117: {  	s17 =	simm.s32 $0x400;
	[sflag:s20] =	ssyncadd.s32 $0xFFFFE000;
	s7 =	sadd.s32 s9, s7  }
0x118: {  	[tilespmem:s17], [sflag:$0xD] =	stream.linear.gather [hbm4b:s7+s1], $0x40, $0x38;
	[tilespmem:$0x1EE80] =	vst v63  }
0x119: {  	s7 =	sld [smem:$0x7F8];
	_ =	sdelay $0x2  }
0x11a: {  	s7 =	sadd.s32 s9, s7  }
0x11b: {  	[tilespmem:s21], [sflag:$0xE] =	stream.linear.gather [hbm4b:s7+s1], $0x40, $0x38;
	[tilespmem:$0x1EE80] =	vst v63  }
0x11c: {  	_ =	swait.ge [sflag:s3], $0x40  }
0x11d: {  	[sflag:s3] =	ssyncset.done $0x0  }
0x11e: {  	[sflag:s3] =	ssyncadd.s32 $0xFFFFFFC0  }
0x11f: {  	_ =	swait.ge [sflag:s14], $0x40  }
0x120: {  	[sflag:s14] =	ssyncset.done $0x0  }
0x121: {  	[sflag:s14] =	ssyncadd.s32 $0xFFFFFFC0  }
0x122: {  	[tilespmem:s10], [sflag:$0xF] =	stream.indirect.gather [hbm4b:s31+s12], $0x80, s17, s12, $0xb8;
	[tilespmem:$0x1EE80] =	vst v63  }
0x123: {  	_ =	swait.ge [sflag:s18], $0x2000  }
0x124: {  	[sflag:s18] =	ssyncset.done $0x0  }
0x125: {  	[sflag:s18] =	ssyncadd.s32 $0xFFFFE000  }
0x126: {  	[spmem:s0] =	stream.indirect.scatter.add.f32 [tilespmem:s2], [sflag:$0x9], $0x80, s30, s12, $0xb8;
	[tilespmem:$0x1EE80] =	vst v63  }
0x127: {  	_ =	swait.ge [sflag:s22], $0x2000  }
0x128: {  	[sflag:s22] =	ssyncset.done $0x0;
	s17 =	rddreg [dreg:$0x1f]  }
0x129: {  	s10 =	rddreg [dreg:$0x1e];
	[sflag:s22] =	ssyncadd.s32 $0xFFFFE000;
	s7 =	sadd.s32 s9, s17  }
0x12a: {  	[tilespmem:s1], [sflag:$0x1] =	stream.linear.gather [hbm4b:s7+s1], $0x40, $0x38;
	[tilespmem:$0x1EE80] =	vst v63  }
0x12b: {  	s17 =	simm.s32 $0x1;
	s7 =	sadd.s32 s9, s10  }
0x12c: {  	[tilespmem:s13], [sflag:$0x2] =	stream.linear.gather [hbm4b:s7+s1], $0x40, $0x38;
	[tilespmem:$0x1EE80] =	vst v63  }
0x12d: {  	_ =	swait.ge [sflag:s17], $0x40  }
0x12e: {  	[sflag:s17] =	ssyncset.done $0x0  }
0x12f: {  	[sflag:s17] =	ssyncadd.s32 $0xFFFFFFC0  }
0x130: {  	_ =	swait.ge [sflag:s11], $0x40  }
0x131: {  	[sflag:s11] =	ssyncset.done $0x0  }
0x132: {  	[sflag:s11] =	ssyncadd.s32 $0xFFFFFFC0  }
0x133: {  	[tilespmem:s23], [sflag:$0x3] =	stream.indirect.gather [hbm4b:s31+s12], $0x80, s1, s12, $0xb8;
	[tilespmem:$0x1EE80] =	vst v63  }
0x134: {  	_ =	swait.ge [sflag:s19], $0x2000  }
0x135: {  	p1 =	seq.s32 s9, $0x488;
	[sflag:s19] =	ssyncset.done $0x0  }
.Ltmp4:
0x136: {  	[sflag:s19] =	ssyncadd.s32 $0xFFFFE000;
	(pc) =	sbr.rel @p1 .LBB2_8-.Ltmp4, $4  }
0x137: {  	[spmem:s0] =	stream.indirect.scatter.add.f32 [tilespmem:s16], [sflag:$0xC], $0x80, s15, s12, $0xb8;
	[tilespmem:$0x1EE80] =	vst v63  }
0x138: {  	_ =	swait.ge [sflag:s29], $0x2000  }
0x139: {  	s10 =	simm.s32 $0x8600;
	[sflag:s29] =	ssyncset.done $0x0  }
0x13a: {  	s7 =	simm.s32 $0x80;
	s13 =	simm.s32 $0x600;
	[sflag:s29] =	ssyncadd.s32 $0xFFFFE000  }
0x13b: {  	s7 =	rddreg [dreg:$0x1d]  }
0x13c: {  	s24 =	simm.s32 $0x100;
	s2 =	rddreg [dreg:$0x1c];
	s7 =	sadd.s32 s9, s7  }
0x13d: {  	[tilespmem:s24], [sflag:$0x4] =	stream.linear.gather [hbm4b:s7+s1], $0x40, $0x38;
	[tilespmem:$0x1EE80] =	vst v63  }
0x13e: {  	s28 =	simm.s32 $0x180;
	s7 =	sadd.s32 s9, s2;
	s2 =	simm.s32 $0x4  }
0x13f: {  	[tilespmem:s28], [sflag:$0x5] =	stream.linear.gather [hbm4b:s7+s1], $0x40, $0x38;
	[tilespmem:$0x1EE80] =	vst v63  }
0x140: {  	_ =	swait.ge [sflag:s2], $0x40  }
0x141: {  	[sflag:s2] =	ssyncset.done $0x0  }
0x142: {  	s15 =	simm.s32 $0x5;
	[sflag:s2] =	ssyncadd.s32 $0xFFFFFFC0  }
0x143: {  	_ =	swait.ge [sflag:s15], $0x40  }
0x144: {  	[sflag:s15] =	ssyncset.done $0x0  }
0x145: {  	s28 =	simm.s32 $0x2600;
	[sflag:s15] =	ssyncadd.s32 $0xFFFFFFC0  }
0x146: {  	[tilespmem:s28], [sflag:$0x6] =	stream.indirect.gather [hbm4b:s31+s12], $0x80, s24, s12, $0xb8;
	[tilespmem:$0x1EE80] =	vst v63  }
0x147: {  	_ =	swait.ge [sflag:s20], $0x2000  }
0x148: {  	[sflag:s20] =	ssyncset.done $0x0  }
0x149: {  	[sflag:s20] =	ssyncadd.s32 $0xFFFFE000  }
0x14a: {  	[spmem:s0] =	stream.indirect.scatter.add.f32 [tilespmem:s10], [sflag:$0xF], $0x80, s21, s12, $0xb8;
	[tilespmem:$0x1EE80] =	vst v63  }
0x14b: {  	_ =	swait.ge [sflag:s18], $0x2000  }
0x14c: {  	s30 =	simm.s32 $0x200;
	[sflag:s18] =	ssyncset.done $0x0;
	s16 =	rddreg [dreg:$0x1b]  }
0x14d: {  	s10 =	rddreg [dreg:$0x1a];
	[sflag:s18] =	ssyncadd.s32 $0xFFFFE000;
	s7 =	sadd.s32 s9, s16  }
0x14e: {  	[tilespmem:s30], [sflag:$0x7] =	stream.linear.gather [hbm4b:s7+s1], $0x40, $0x38;
	[tilespmem:$0x1EE80] =	vst v63  }
0x14f: {  	s17 =	simm.s32 $0x280;
	s15 =	simm.s32 $0x7;
	s7 =	sadd.s32 s9, s10  }
0x150: {  	[tilespmem:s17], [sflag:$0x8] =	stream.linear.gather [hbm4b:s7+s1], $0x40, $0x38;
	[tilespmem:$0x1EE80] =	vst v63  }
0x151: {  	_ =	swait.ge [sflag:s15], $0x40  }
0x152: {  	[sflag:s15] =	ssyncset.done $0x0  }
0x153: {  	[sflag:s15] =	ssyncadd.s32 $0xFFFFFFC0  }
0x154: {  	_ =	swait.ge [sflag:s6], $0x40  }
0x155: {  	[sflag:s6] =	ssyncset.done $0x0  }
0x156: {  	s2 =	simm.s32 $0x4600;
	[sflag:s6] =	ssyncadd.s32 $0xFFFFFFC0  }
0x157: {  	[tilespmem:s2], [sflag:$0x9] =	stream.indirect.gather [hbm4b:s31+s12], $0x80, s30, s12, $0xb8;
	[tilespmem:$0x1EE80] =	vst v63  }
0x158: {  	_ =	swait.ge [sflag:s22], $0x2000  }
0x159: {  	[sflag:s22] =	ssyncset.done $0x0  }
0x15a: {  	s23 =	simm.s32 $0x600;
	s13 =	simm.s32 $0x80;
	[sflag:s22] =	ssyncadd.s32 $0xFFFFE000  }
0x15b: {  	[spmem:s0] =	stream.indirect.scatter.add.f32 [tilespmem:s23], [sflag:$0x3], $0x80, s13, s12, $0xb8;
	[tilespmem:$0x1EE80] =	vst v63  }
0x15c: {  	_ =	swait.ge [sflag:s19], $0x2000  }
0x15d: {  	s15 =	simm.s32 $0x300;
	[sflag:s19] =	ssyncset.done $0x0;
	s16 =	rddreg [dreg:$0x19]  }
0x15e: {  	s17 =	rddreg [dreg:$0x18];
	[sflag:s19] =	ssyncadd.s32 $0xFFFFE000;
	s7 =	sadd.s32 s9, s16  }
0x15f: {  	[tilespmem:s15], [sflag:$0xA] =	stream.linear.gather [hbm4b:s7+s1], $0x40, $0x38;
	[tilespmem:$0x1EE80] =	vst v63  }
0x160: {  	s16 =	simm.s32 $0x380;
	s7 =	sadd.s32 s9, s17  }
0x161: {  	[tilespmem:s16], [sflag:$0xB] =	stream.linear.gather [hbm4b:s7+s1], $0x40, $0x38;
	[tilespmem:$0x1EE80] =	vst v63  }
0x162: {  	_ =	swait.ge [sflag:s25], $0x40  }
0x163: {  	[sflag:s25] =	ssyncset.done $0x0  }
0x164: {  	[sflag:s25] =	ssyncadd.s32 $0xFFFFFFC0  }
.Ltmp5:
0x165: {  	_ =	swait.ge [sflag:s26], $0x40;
	(pc) =	sbr.rel .LBB2_6-.Ltmp5, $4  }
0x166: {  	s24 =	simm.s32 $0x180;
	[sflag:s26] =	ssyncset.done $0x0  }
0x167: {  	s10 =	simm.s32 $0x8600;
	s16 =	simm.s32 $0x6600;
	[sflag:s26] =	ssyncadd.s32 $0xFFFFFFC0  }
0x168: {  	[tilespmem:s16], [sflag:$0xC] =	stream.indirect.gather [hbm4b:s31+s12], $0x80, s15, s12, $0xb8;
	[tilespmem:$0x1EE80] =	vst v63  }
0x169: {  	s30 =	simm.s32 $0x280;
	s9 =	sadd.s32 $0x28, s9;
	s15 =	simm.s32 $0x380  }
.LBB2_9:
0x16a: {  	_ =	sfence.sel $0x180000  }
0x16b: {  	[bflag:$0x0] =	sbarrier.arrive $0xFFFF  }
0x16c: {  	_ =	strace $0x9000004A  }
0x16d: {  	s0 =	stileid.u32;
	[bflag:$0x2] =	sbarrier.arrive $0xFFFF  }
0x16e: {  	p0 =	sne.s32 s0, $0x0;
	s0 =	rddreg [dreg:$0x3]  }
0x16f: {  	s0 =	sadd.s32 @!p0 $0x100000, s0  }
0x170: {  	[sflag:s0] =	ssyncadd.tile.s32 @!p0 $0x1;
	_ =	shalt  }
.Lfunc_end2:
_tile_overlayer_lowered:
.L_overlay_start_2:
0x171: {  	(tag) =	ssettag $0x2  }
0x172: {  	s0 =	rddreg [dreg:$0x0];
	s2 =	stileid.u32  }
0x173: {  	s1 =	rddreg [dreg:$0x1];
	p0 =	sne.s32 s2, $0x0  }
0x174: {  	s3 =	rddreg [dreg:$0x2];
	[bflag:$0x3] =	sbarrier.arrive $0xFFFF;
	s2 =	simm.s32 @!p0 $0x1C10  }
0x175: {  	[timem:s3], [sflag:s2] =	dma.local @!p0 [hbm:s0], s1  }
0x176: {  	s0 =	simm.s32 @!p0 $0x10  }
0x177: {  	_ =	swait.ge @!p0 [sflag:s0], s1  }
0x178: {  	s1 =	ssub.s32 @!p0 $0x0, s1;
	[sflag:s0] =	ssyncset.done @!p0 $0x0  }
0x179: {  	[sflag:s0] =	ssyncadd.s32 @!p0 s1  }
0x17a: {  	[bflag:$0x3] =	sbarrier.arrive $0xFFFF  }
0x17b: {  	_ =	shalt  }

// kernel: kernel.16.cloned.1.call-start
scs
__scs_entry_jumppad:
0x0: {  	(pc) =	sbr.rel $0x88, $3  }
0x1: {  	(tag) =	ssettag $0x0;
	lr =	simm.s32 $0x1  }
0x2: {  	[smem:$0x3F99] =	sst lr;
	_ =	strace $0xD0000000  }
0x3: {  	_ = 	snop  }
0x4: {  	_ = 	snop  }
0x5: {  	_ = 	snop  }
0x6: {  	_ = 	snop  }
0x7: {  	_ = 	snop  }
__scs_overlays_trampoline_lowered:
0x8: {  	[smem:$0x3FA8] =	sst s0  }
0x9: {  	[smem:$0x3FA9] =	sst s1  }
0xa: {  	[smem:$0x3FAA] =	sst s2  }
0xb: {  	[smem:$0x3FAB] =	sst s3  }
0xc: {  	[smem:$0x3FAC] =	sst s4  }
0xd: {  	[smem:$0x3FAD] =	sst s5  }
0xe: {  	[smem:$0x3FAE] =	sst s6  }
0xf: {  	[smem:$0x3FAF] =	sst s7  }
0x10: {  	[smem:$0x3FB0] =	sst s8  }
0x11: {  	[smem:$0x3FB1] =	sst s9;
	s0 =	simm.s32 @!p0 $0x0  }
0x12: {  	s1 =	sld [smem:$0x3F97];
	s0 =	simm.s32 @p0 $0x1  }
0x13: {  	[smem:$0x3FB2] =	sst s0;
	s0 =	simm.s32 @!p1 $0x0  }
0x14: {  	s2 =	sld [smem:$0x3F96];
	s0 =	simm.s32 @p1 $0x1  }
0x15: {  	[smem:$0x3FB3] =	sst s0;
	s0 =	simm.s32 @!p2 $0x0  }
0x16: {  	s3 =	sld [smem:$0x3FDB];
	s0 =	simm.s32 @p2 $0x1  }
0x17: {  	s4 =	simm.s32 $0x1BF5;
	[smem:$0x3FB5] =	sst s0  }
0x18: {  	s0 =	sld [smem:$0x3F98];
	_ =	swait.ge [sflag:s4], $0x0  }
0x19: {  	s7 =	sld [smem:$0x3F99]  }
0x1a: {  	s8 =	sadd.s32 $0xFFFFE003, lr  }
0x1b: {  	s9 =	sadd.s32 $0xFFFFFEF7, lr;
	s5 =	simm.s32 $0xFFFFFFFF;
	p2 =	slt.u32 s8, $0xFFFFF086  }
0x1c: {  	p1 =	slt.u32 s9, $0xF7A;
	s5 =	simm.s32 @!p2 $0x0  }
0x1d: {  	s5 =	simm.s32 @p1 $0x1;
	p0 =	seq.s32 s7, s2  }
0x1e: {  	s7 =	smul.u32 @!p0 $0xF7A, s2;
	p2 =	seq.s32 @!p0 s5, $0x0  }
0x1f: {  	s9 =	smul.u32 $0xF7A, s1;
	s8 =	simm.s32 @!p0 $0x1BF5;
	p2 =	por !p2, p0  }
0x20: {  	[sflag:s8] =	ssyncset.s32 @!p0 $0xFFFFF086;
	s6 =	sadd.s32 @!p0 s3, s7;
	s7 =	simm.s32 @!p0 $0x108  }
0x21: {  	s3 =	sadd.s32 s3, s9;
	s6 =	sadd.s32 @!p0 $0x88, s6;
	s7 =	simm.s32 @p2 $0x1082  }
0x22: {  	[simem:s7], [sflag:s8] =	dma.local @!p0 [hbm:s6], $0xF7A  }
0x23: {  	s9 =	sor.u32 $0xD0000000, s2;
	s6 =	simm.s32 $0x108;
	_ =	swait.ge @!p0 [sflag:s8], $0x0  }
0x24: {  	s3 =	sadd.s32 $0x88, s3;
	s6 =	simm.s32 @!p1 $0x1082;
	[sflag:s4] =	ssyncset.s32 $0xFFFFF086  }
0x25: {  	[simem:s6], [sflag:s4] =	dma.local [hbm:s3], $0xF7A  }
0x26: {  	[smem:$0x3F99] =	sst s1;
	(tag) =	ssettag s2;
	_ =	strace s9  }
0x27: {  	s1 =	sld [smem:$0x3FA9]  }
0x28: {  	s2 =	sld [smem:$0x3FAA]  }
0x29: {  	s4 =	sld [smem:$0x3FAC]  }
0x2a: {  	p0 =	seq.s32 s5, $0x0;
	s5 =	sld [smem:$0x3FAD]  }
0x2b: {  	s6 =	sld [smem:$0x3FAE]  }
0x2c: {  	s7 =	sld [smem:$0x3FAF]  }
0x2d: {  	s3 =	simm.s32 $0x108;
	s8 =	sld [smem:$0x3FB0]  }
0x2e: {  	s3 =	simm.s32 @!p0 $0x1082;
	s9 =	sld [smem:$0x3FB1]  }
0x2f: {  	lr =	sadd.s32 s0, s3;
	s0 =	sld [smem:$0x3FA8]  }
0x30: {  	s3 =	sld [smem:$0x3FAB]  }
0x31: {  	[smem:$0x3FB4] =	sst s10  }
0x32: {  	s10 =	sld [smem:$0x3FB2];
	_ =	sdelay $0x3  }
0x33: {  	p0 =	seq.s32 s10, $0x1;
	s10 =	sld [smem:$0x3FB4];
	_ =	sdelay $0x3  }
0x34: {  	[smem:$0x3FB4] =	sst s10  }
0x35: {  	s10 =	sld [smem:$0x3FB3];
	_ =	sdelay $0x3  }
0x36: {  	p1 =	seq.s32 s10, $0x1;
	s10 =	sld [smem:$0x3FB4];
	_ =	sdelay $0x3  }
0x37: {  	[smem:$0x3FB4] =	sst s10  }
0x38: {  	s10 =	sld [smem:$0x3FB5]  }
0x39: {  	_ = 	snop;
	(pc) =	sbr.ind lr, $3  }
0x3a: {  	_ = 	snop  }
0x3b: {  	_ = 	snop  }
0x3c: {  	p2 =	seq.s32 s10, $0x1;
	s10 =	sld [smem:$0x3FB4]  }
0x3d: {  	_ =	shalt  }
0x3e: {  	_ =	shalt  }
0x3f: {  	_ =	shalt  }
0x40: {  	_ =	shalt  }
0x41: {  	_ =	shalt  }
0x42: {  	_ =	shalt  }
0x43: {  	_ =	shalt  }
0x44: {  	_ =	shalt  }
0x45: {  	_ =	shalt  }
0x46: {  	_ =	shalt  }
0x47: {  	_ =	shalt  }
0x48: {  	_ =	shalt  }
0x49: {  	_ =	shalt  }
0x4a: {  	_ =	shalt  }
0x4b: {  	_ =	shalt  }
0x4c: {  	_ =	shalt  }
0x4d: {  	_ =	shalt  }
0x4e: {  	_ =	shalt  }
0x4f: {  	_ =	shalt  }
0x50: {  	_ =	shalt  }
0x51: {  	_ =	shalt  }
0x52: {  	_ =	shalt  }
0x53: {  	_ =	shalt  }
0x54: {  	_ =	shalt  }
0x55: {  	_ =	shalt  }
0x56: {  	_ =	shalt  }
0x57: {  	_ =	shalt  }
0x58: {  	_ =	shalt  }
0x59: {  	_ =	shalt  }
0x5a: {  	_ =	shalt  }
0x5b: {  	_ =	shalt  }
0x5c: {  	_ =	shalt  }
0x5d: {  	_ =	shalt  }
0x5e: {  	_ =	shalt  }
0x5f: {  	_ =	shalt  }
0x60: {  	_ =	shalt  }
0x61: {  	_ =	shalt  }
0x62: {  	_ =	shalt  }
0x63: {  	_ =	shalt  }
0x64: {  	_ =	shalt  }
0x65: {  	_ =	shalt  }
0x66: {  	_ =	shalt  }
0x67: {  	_ =	shalt  }
0x68: {  	_ =	shalt  }
0x69: {  	_ =	shalt  }
0x6a: {  	_ =	shalt  }
0x6b: {  	_ =	shalt  }
0x6c: {  	_ =	shalt  }
0x6d: {  	_ =	shalt  }
0x6e: {  	_ =	shalt  }
0x6f: {  	_ =	shalt  }
0x70: {  	_ =	shalt  }
0x71: {  	_ =	shalt  }
0x72: {  	_ =	shalt  }
0x73: {  	_ =	shalt  }
0x74: {  	_ =	shalt  }
0x75: {  	_ =	shalt  }
0x76: {  	_ =	shalt  }
0x77: {  	_ =	shalt  }
0x78: {  	_ =	shalt  }
0x79: {  	_ =	shalt  }
0x7a: {  	_ =	shalt  }
0x7b: {  	_ =	shalt  }
0x7c: {  	_ =	shalt  }
0x7d: {  	_ =	shalt  }
0x7e: {  	_ =	shalt  }
0x7f: {  	_ =	shalt  }
0x80: {  	_ =	shalt  }
0x81: {  	_ =	shalt  }
0x82: {  	_ =	shalt  }
0x83: {  	_ =	shalt  }
0x84: {  	_ =	shalt  }
0x85: {  	_ =	shalt  }
0x86: {  	_ =	shalt  }
0x87: {  	_ =	shalt  }
.Lfunc_end0:
.L_simem_size_0:
called_computation.2_lowered:
.L_overlay_start_0:
0x88: {  	s2 =	sld [smem:$0x3FD9]  }
0x89: {  	s3 =	sld [smem:$0x3FFE];
	_ =	sdelay $0x1  }
0x8a: {  	s1 =	srdreg.scid  }
0x8b: {  	s0 =	sand.u32 $0x1, s1  }
0x8c: {  	s17 =	sshll.u32 s0, $0xA;
	s2 =	sadd.s32 s3, s2  }
0x8d: {  	s2 =	sadd.s32 s2, s17  }
0x8e: {  	[smem:$0x3FC0] =	sst s2  }
0x8f: {  	_ = 	snop  }
0x90: {  	s2 =	sld [smem:$0x3FD0];
	(tm) =	ssettm $0x1  }
0x91: {  	s18 =	sld [smem:$0x3FFB];
	_ =	sdelay $0x3  }
0x92: {  	_ =	strace s18  }
0x93: {  	s3 =	sld [smem:$0x3FFC];
	_ =	sdelay $0x3  }
0x94: {  	_ =	strace s3  }
0x95: {  	s3 =	sld [smem:$0x3FFD];
	_ =	sdelay $0x3  }
0x96: {  	_ =	strace s3  }
0x97: {  	_ =	strace $0x8FFFFFFF  }
0x98: {  	s19 =	sld [smem:$0x3FDB];
	_ =	sdelay $0x1  }
0x99: {  	s4 =	simm.s32 $_scs_section_size  }
0x9a: {  	s5 =	simm.s32 $_size__tile_overlayer_lowered;
	s6 =	simm.s32 $_tile_overlayer_lowered  }
0x9b: {  	s22 =	simm.s32 $0x1BFF;
	s21 =	sshll.u32 s6, $0x1;
	s3 =	sadd.s32 s4, s19  }
0x9c: {  	s7 =	simm.s32 $0x0;
	s20 =	sshll.u32 s5, $0x1;
	s5 =	sadd.s32 s21, s3  }
0x9d: {  	[timem:s7], [sflag:s22] =	dma.local [hbm:s5], s20  }
0x9e: {  	_ =	swait.ge [sflag:s22], s20  }
0x9f: {  	s4 =	ssub.s32 $0x0, s20;
	[sflag:s22] =	ssyncset.done $0x0  }
0xa0: {  	[sflag:s22] =	ssyncadd.s32 s4;
	_ =	sdelay $0x1  }
0xa1: {  	s23 =	simm.s32 $0x1B8B  }
0xa2: {  	_ =	swait.ge [sflag:s23], $0x1  }
0xa3: {  	[sflag:s23] =	ssyncset.done $0x0  }
0xa4: {  	s25 =	simm.s32 $0x1B8E;
	s24 =	sld [smem:$0x3FFE];
	[sflag:s23] =	ssyncadd.s32 $0xFFFFFFFF  }
0xa5: {  	s26 =	simm.s32 $execute0_lowered;
	[smem:$0x3FD2] =	sst s25  }
0xa6: {  	s5 =	sshll.u32 s26, $0x1;
	_ =	strace $0x8000004C;
	[dreg:$0x1] =	wrdreg $0xFFFFFFFF  }
0xa7: {  	s28 =	simm.s32 $_size_execute0_lowered;
	s3 =	sadd.s32 s3, s5;
	[dreg:$0x0] =	wrdreg $0x0  }
0xa8: {  	s5 =	sshll.u32 s28, $0x1;
	[dreg:$0x2] =	wrdreg s3  }
0xa9: {  	[dreg:$0x3] =	wrdreg s5  }
0xaa: {  	[dreg:$0x4] =	wrdreg $0xC0  }
0xab: {  	_ =	task [dreg:s7], $0x5FFFF  }
0xac: {  	[dreg:$0x1] =	wrdreg $0xFFFFFFFF  }
0xad: {  	[dreg:$0x0] =	wrdreg $0x60  }
0xae: {  	[dreg:$0x2] =	wrdreg s2  }
0xaf: {  	[dreg:$0x3] =	wrdreg s24  }
0xb0: {  	[dreg:$0x4] =	wrdreg $0xB6000  }
0xb1: {  	[dreg:$0x5] =	wrdreg $0x9  }
0xb2: {  	_ =	task.clear_ibuf [dreg:s7], $0x6FFFF;
	_ =	strace $0x9000004C  }
0xb3: {  	s29 =	simm.s32 $0x9;
	_ =	strace $0x8000004E  }
0xb4: {  	_ =	swait.ge [sflag:s29], $0x1  }
0xb5: {  	[sflag:s29] =	ssyncadd.s32 $0xFFFFFFFF  }
0xb6: {  	_ =	strace $0x9000004E  }
0xb7: {  	_ =	sfence  }
0xb8: {  	s30 =	sld [smem:$0x0];
	_ =	sdelay $0x2  }
0xb9: {  	s31 =	sshll.u32 s1, $0xD;
	s1 =	sshrl.u32 s1, $0x2  }
0xba: {  	s3 =	sand.u32 $0x4000, s31;
	s1 =	sadd.s32 s1, s30  }
0xbb: {  	s0 =	sor.u32 s3, s0;
	s1 =	sshll.u32 s1, $0x11  }
0xbc: {  	s0 =	sor.u32 s1, s0  }
0xbd: {  	s0 =	sadd.s32 $0x8F2B, s0  }
0xbe: {  	[sflag:s0] =	ssyncadd.remote.s32 $0x1  }
0xbf: {  	_ =	sfence.sel $0xFFFF  }
0xc0: {  	[dreg:$0x0] =	wrdreg $0xFFFFFFFF;
	(pc) =	sbr.abs _section_cstart, $3  }
0xc1: {  	[dreg:$0x1] =	wrdreg $0xFFFFFFFF  }
0xc2: {  	_ =	task.clear_ibuf [dreg:s7], $0x2FFFF;
	_ =	strace $0x9FFFFFFF  }
0xc3: {  	(tm) =	ssettm $0x7FFFFFFF  }
tec
execute0_lowered:
.L_overlay_start_1:
0x0: {  	(tag) =	ssettag $0x1  }
0x1: {  	s0 =	srdreg.scid  }
0x2: {  	s0 =	sand.u32 $0x1, s0  }
0x3: {  	s9 =	stileid.u32;
	s2 =	sshll.u32 s0, $0x4  }
0x4: {  	s3 =	rddreg [dreg:$0x1];
	s1 =	simm.s32 $0x0;
	s2 =	sor.u32 s9, s2  }
0x5: {  	s31 =	rddreg [dreg:$0x0];
	s28 =	simm.s32 $0x2600;
	s2 =	smul.u32 $0x2710, s2  }
0x6: {  	s30 =	simm.s32 $0x280;
	[smem:$0x7FF] =	sst s1;
	s4 =	sadd.s32 $0x2600, s3  }
0x7: {  	s5 =	smul.u32 $0x27100, s0;
	s0 =	ssub.s32 $0x2, s0;
	s2 =	sshrl.u32 s2, $0x3  }
0x8: {  	s6 =	sadd.s32 $0xC400, s3;
	s7 =	sshrl.u32 s0, $0x1;
	s20 =	sadd.s32 s4, s2  }
0x9: {  	s21 =	sadd.s32 s6, s2;
	s22 =	sadd.s32 $0x8, s2;
	[dreg:$0x4] =	wrdreg s20  }
0xa: {  	s7 =	ssub.s32 s0, s7;
	[dreg:$0x5] =	wrdreg s21;
	s10 =	sadd.s32 s4, s22  }
0xb: {  	s8 =	sadd.s32 $0x10, s2;
	s0 =	sadd.s32 s6, s22;
	[dreg:$0x6] =	wrdreg s10  }
0xc: {  	s29 =	simm.s32 $0x6;
	s23 =	sadd.s32 s4, s8;
	[dreg:$0x7] =	wrdreg s0  }
0xd: {  	s25 =	sadd.s32 $0x18, s2;
	s24 =	sadd.s32 s6, s8;
	[dreg:$0x8] =	wrdreg s23  }
0xe: {  	s26 =	sadd.s32 $0x20, s2;
	s11 =	sadd.s32 s4, s25;
	[dreg:$0x9] =	wrdreg s24  }
0xf: {  	p0 =	sne.s32 s9, $0xF;
	s12 =	sadd.s32 s4, s26;
	[dreg:$0xa] =	wrdreg s11  }
0x10: {  	s14 =	sadd.s32 $0x28, s2;
	s13 =	sadd.s32 s6, s26;
	[dreg:$0xc] =	wrdreg s12  }
0x11: {  	s15 =	sadd.s32 $0x30, s2;
	s16 =	sadd.s32 s4, s14;
	[dreg:$0xd] =	wrdreg s13  }
0x12: {  	s3 =	sadd.s32 s5, s3;
	s17 =	sadd.s32 s4, s15;
	[dreg:$0xe] =	wrdreg s16  }
0x13: {  	s19 =	sadd.s32 $0x38, s2;
	s18 =	sadd.s32 s6, s15;
	[dreg:$0x10] =	wrdreg s17  }
0x14: {  	s20 =	smul.u32 $0x2710, s9;
	s21 =	sadd.s32 s4, s19;
	[dreg:$0x11] =	wrdreg s18  }
0x15: {  	s22 =	sadd.s32 $0x40, s2;
	s0 =	sadd.s32 s6, s25;
	[dreg:$0x12] =	wrdreg s21  }
0x16: {  	s2 =	sadd.s32 $0x4E0, s2;
	s23 =	sadd.s32 s4, s22;
	[dreg:$0xb] =	wrdreg s0  }
0x17: {  	s8 =	simm.s32 $0x10;
	s24 =	sadd.s32 s4, s2;
	[dreg:$0x14] =	wrdreg s23  }
0x18: {  	s2 =	sadd.s32 s6, s2;
	s21 =	smul.u32 $0x4E000, s9;
	[dreg:$0x16] =	wrdreg s24  }
0x19: {  	s0 =	sadd.s32 s6, s14;
	s5 =	sadd.s32 s20, s5;
	[dreg:$0x17] =	wrdreg s2  }
0x1a: {  	s23 =	smul.u32 $0x2700, s9;
	s24 =	sadd.s32 $0x16200, s3;
	s3 =	simm.s32 $0xD  }
0x1b: {  	[dreg:$0xf] =	wrdreg s0;
	s0 =	sadd.s32 s6, s19;
	s25 =	sadd.s32 $0x340, s5  }
0x1c: {  	s26 =	sadd.s32 $0x300, s5;
	s12 =	sadd.s32 $0x2C0, s5;
	s13 =	sadd.s32 $0x280, s5  }
0x1d: {  	s19 =	sadd.s32 $0x240, s5;
	s5 =	simm.s32 $0xAE00;
	[dreg:$0x13] =	wrdreg s0  }
0x1e: {  	s0 =	sadd.s32 s6, s22;
	s11 =	sshrl.u32 s26, $0x3;
	s14 =	sshrl.u32 s12, $0x3  }
0x1f: {  	s15 =	sshrl.u32 s13, $0x3;
	s20 =	sshrl.u32 s19, $0x3;
	s22 =	sshrl.u32 s21, $0x2  }
0x20: {  	s21 =	simm.s32 $0x80;
	[dreg:$0x15] =	wrdreg s0;
	s2 =	sadd.s32 s11, s6  }
0x21: {  	s12 =	simm.s32 $0x40;
	s16 =	sadd.s32 s14, s6;
	[dreg:$0x1a] =	wrdreg s2  }
0x22: {  	s13 =	simm.s32 $0x600;
	s17 =	sadd.s32 s15, s6;
	[dreg:$0x1c] =	wrdreg s16  }
0x23: {  	s0 =	sshrl.u32 s25, $0x3;
	s18 =	sadd.s32 s15, s4;
	[dreg:$0x1e] =	wrdreg s17  }
0x24: {  	s19 =	simm.s32 $0xC;
	s10 =	sadd.s32 s0, s6;
	[dreg:$0x1f] =	wrdreg s18  }
0x25: {  	s25 =	smax.u32 s7, $0x1;
	s0 =	sadd.s32 s0, s4;
	[dreg:$0x18] =	wrdreg s10  }
0x26: {  	s15 =	simm.s32 $0x380;
	s6 =	sadd.s32 s20, s6;
	[dreg:$0x19] =	wrdreg s0  }
0x27: {  	s2 =	sadd.s32 s20, s4;
	s16 =	simm.s32 $0x6600;
	[smem:$0x7F8] =	sst s6  }
0x28: {  	s17 =	simm.s32 $0x480;
	s0 =	sadd.s32 s11, s4;
	[smem:$0x7F9] =	sst s2  }
0x29: {  	s18 =	simm.s32 $0x9;
	[dreg:$0x1b] =	wrdreg s0;
	s0 =	sadd.s32 s14, s4  }
0x2a: {  	s20 =	simm.s32 $0xF;
	s2 =	sadd.s32 s23, s24;
	[dreg:$0x1d] =	wrdreg s0  }
0x2b: {  	s11 =	simm.s32 $0x2;
	s6 =	simm.s32 $0x8;
	s0 =	rddreg [dreg:$0x2]  }
.Ltmp0:
0x2c: {  	_ =	strace $0x8000004D;
	[smem:$0x7FA] =	sst s25;
	(pc) =	sbr.rel .LBB2_1-.Ltmp0, $4  }
0x2d: {  	s10 =	simm.s32 $0x0;
	s14 =	simm.s32 $0xE;
	[smem:$0x7FB] =	sst s24  }
0x2e: {  	s4 =	sadd.s32 s22, s0;
	[smem:$0x7FC] =	sst s2;
	s26 =	sadd.s32 $0x138000, s0  }
0x2f: {  	s24 =	simm.s32 $0x180;
	s2 =	simm.s32 $0x4600;
	s22 =	simm.s32 $0x3  }
0x30: {  	v0 =	vimm.f32 $0.0e+00;
	s25 =	simm.s32 $0xA;
	[smem:$0x7FD] =	sst s26;
	s26 =	simm.s32 $0xB  }
.LBB2_8:
0x31: {  	_ =	swait.ge [sflag:s20], $0x2000  }
0x32: {  	[sflag:s20] =	ssyncset.done $0x0  }
0x33: {  	[sflag:s20] =	ssyncadd.s32 $0xFFFFE000  }
0x34: {  	[spmem:s0] =	stream.indirect.scatter.add.f32 [tilespmem:s10], [sflag:$0xF], $0x80, s21, s12, $0xb8;
	[tilespmem:$0x1EE80] =	vst v63  }
0x35: {  	_ =	swait.ge [sflag:s18], $0x2000  }
0x36: {  	[sflag:s18] =	ssyncset.done $0x0  }
0x37: {  	[sflag:s18] =	ssyncadd.s32 $0xFFFFE000  }
0x38: {  	_ =	swait.ge [sflag:s22], $0x2000  }
0x39: {  	[sflag:s22] =	ssyncset.done $0x0  }
0x3a: {  	[sflag:s22] =	ssyncadd.s32 $0xFFFFE000  }
0x3b: {  	[spmem:s0] =	stream.indirect.scatter.add.f32 [tilespmem:s13], [sflag:$0x3], $0x80, s7, s12, $0xb8;
	[tilespmem:$0x1EE80] =	vst v63  }
0x3c: {  	_ =	swait.ge [sflag:s19], $0x2000  }
0x3d: {  	[sflag:s19] =	ssyncset.done $0x0  }
0x3e: {  	[sflag:s19] =	ssyncadd.s32 $0xFFFFE000  }
0x3f: {  	_ =	swait.ge [sflag:s20], $0x2000  }
0x40: {  	[sflag:s20] =	ssyncset.done $0x0  }
0x41: {  	[sflag:s20] =	ssyncadd.s32 $0xFFFFE000  }
0x42: {  	_ =	swait.ge [sflag:s22], $0x2000  }
0x43: {  	[sflag:s22] =	ssyncset.done $0x0  }
0x44: {  	s9 =	simm.s32 $0x500;
	s13 =	rddreg [dreg:$0x16];
	[sflag:s22] =	ssyncadd.s32 $0xFFFFE000  }
0x45: {  	[tilespmem:s9], [sflag:$0x10] =	stream.linear.gather [hbm4b:s13+s1], $0x10, $0x38;
	[tilespmem:$0x1EE80] =	vst v63  }
0x46: {  	_ =	swait.ge [sflag:s8], $0x10  }
0x47: {  	[sflag:s8] =	ssyncset.done $0x0  }
0x48: {  	s23 =	simm.s32 $0x580;
	s17 =	rddreg [dreg:$0x17];
	[sflag:s8] =	ssyncadd.s32 $0xFFFFFFF0  }
0x49: {  	[tilespmem:s23], [sflag:$0x10] =	stream.linear.gather [hbm4b:s17+s1], $0x10, $0x38;
	[tilespmem:$0x1EE80] =	vst v63  }
0x4a: {  	_ =	swait.ge [sflag:s8], $0x10  }
0x4b: {  	[sflag:s8] =	ssyncset.done $0x0  }
0x4c: {  	s13 =	simm.s32 $0xA600;
	[sflag:s8] =	ssyncadd.s32 $0xFFFFFFF0  }
0x4d: {  	[tilespmem:s13], [sflag:$0x10] =	stream.indirect.gather [hbm4b:s31+s8], $0x80, s9, s8, $0xb8;
	[tilespmem:$0x1EE80] =	vst v63  }
0x4e: {  	_ =	swait.ge [sflag:s8], $0x800  }
0x4f: {  	[sflag:s8] =	ssyncset.done $0x0  }
0x50: {  	[sflag:s8] =	ssyncadd.s32 $0xFFFFF800  }
0x51: {  	[spmem:s0] =	stream.indirect.scatter.add.f32 [tilespmem:s13], [sflag:$0x10], $0x80, s23, s8, $0xb8;
	[tilespmem:$0x1EE80] =	vst v63  }
0x52: {  	_ =	swait.ge [sflag:s8], $0x800  }
0x53: {  	[sflag:s8] =	ssyncset.done $0x0  }
0x54: {  	[sflag:s8] =	ssyncadd.s32 $0xFFFFF800  }
0x55: {  	[bflag:$0x0] =	sbarrier.arrive $0xFFFF  }
0x56: {  	s17 =	stileid.u32;
	s10 =	sld [smem:$0x7FC]  }
0x57: {  	s7 =	sshll.u32 s17, $0x6  }
0x58: {  	s7 =	sor.u32 $0x1C10, s7;
	s23 =	sshrl.u32 s4, $0x3  }
0x59: {  	[hbm:s10], [sflag:s7] =	dma.local [spmem:s23], $0x2700  }
0x5a: {  	s13 =	sld [smem:$0x7FD];
	_ =	swait.ge [sflag:s8], $0x2700  }
0x5b: {  	s9 =	sld [smem:$0x7FB];
	_ =	sdelay $0x1  }
0x5c: {  	[sflag:s8] =	ssyncset.done $0x0  }
0x5d: {  	[sflag:s8] =	ssyncadd.s32 $0xFFFFD900;
	s10 =	sadd.s32 @!p0 $0x27000, s9;
	s9 =	sshrl.u32 @!p0 s13, $0x3  }
0x5e: {  	[hbm:s10], [sflag:s7] =	dma.local @!p0 [spmem:s9], $0x100  }
0x5f: {  	s7 =	simm.s32 @!p0 $0x10  }
0x60: {  	_ =	swait.ge @!p0 [sflag:s7], $0x100  }
0x61: {  	s17 =	sld [smem:$0x7F7]  }
0x62: {  	s23 =	sld [smem:$0x7FA];
	_ =	sdelay $0x1  }
0x63: {  	s10 =	sadd.s32 $0x1, s17  }
0x64: {  	p1 =	sne.s32 s10, s23  }
.Ltmp1:
0x65: {  	_ = 	snop;
	(pc) =	sbr.rel @!p1 .LBB2_9-.Ltmp1, $3  }
0x66: {  	_ =	sdelay $0x1  }
0x67: {  	s21 =	simm.s32 $0x80;
	[sflag:s7] =	ssyncset.done @!p0 $0x0  }
0x68: {  	s13 =	simm.s32 $0x600;
	[sflag:s7] =	ssyncadd.s32 @!p0 $0xFFFFFF00;
	s17 =	simm.s32 $0x480  }
.LBB2_1:
0x69: {  	s7 =	rddreg [dreg:$0x4]  }
0x6a: {  	[tilespmem:s1], [sflag:$0x1] =	stream.linear.gather [hbm4b:s7+s1], $0x40, $0x38;
	[tilespmem:$0x1EE80] =	vst v63  }
0x6b: {  	s9 =	rddreg [dreg:$0x5]  }
0x6c: {  	[tilespmem:s21], [sflag:$0x2] =	stream.linear.gather [hbm4b:s9+s1], $0x40, $0x38;
	[tilespmem:$0x1EE80] =	vst v63  }
0x6d: {  	s21 =	simm.s32 $0x1  }
0x6e: {  	_ =	swait.ge [sflag:s21], $0x40  }
0x6f: {  	[sflag:s21] =	ssyncset.done $0x0  }
0x70: {  	[sflag:s21] =	ssyncadd.s32 $0xFFFFFFC0  }
0x71: {  	_ =	swait.ge [sflag:s11], $0x40  }
0x72: {  	[sflag:s11] =	ssyncset.done $0x0  }
0x73: {  	[sflag:s11] =	ssyncadd.s32 $0xFFFFFFC0  }
0x74: {  	[tilespmem:s13], [sflag:$0x3] =	stream.indirect.gather [hbm4b:s31+s12], $0x80, s1, s12, $0xb8;
	[tilespmem:$0x1EE80] =	vst v63  }
0x75: {  	s9 =	simm.s32 $0x100;
	s23 =	rddreg [dreg:$0x6]  }
0x76: {  	[tilespmem:s9], [sflag:$0x4] =	stream.linear.gather [hbm4b:s23+s1], $0x40, $0x38;
	[tilespmem:$0x1EE80] =	vst v63  }
0x77: {  	s21 =	simm.s32 $0x4;
	s13 =	rddreg [dreg:$0x7]  }
0x78: {  	[tilespmem:s24], [sflag:$0x5] =	stream.linear.gather [hbm4b:s13+s1], $0x40, $0x38;
	[tilespmem:$0x1EE80] =	vst v63  }
0x79: {  	_ =	swait.ge [sflag:s21], $0x40  }
0x7a: {  	[sflag:s21] =	ssyncset.done $0x0  }
0x7b: {  	s23 =	simm.s32 $0x5;
	[sflag:s21] =	ssyncadd.s32 $0xFFFFFFC0  }
0x7c: {  	_ =	swait.ge [sflag:s23], $0x40  }
0x7d: {  	[sflag:s23] =	ssyncset.done $0x0  }
0x7e: {  	[sflag:s23] =	ssyncadd.s32 $0xFFFFFFC0  }
0x7f: {  	[tilespmem:s28], [sflag:$0x6] =	stream.indirect.gather [hbm4b:s31+s12], $0x80, s9, s12, $0xb8;
	[tilespmem:$0x1EE80] =	vst v63  }
0x80: {  	s13 =	simm.s32 $0x200;
	s9 =	rddreg [dreg:$0x8]  }
0x81: {  	[tilespmem:s13], [sflag:$0x7] =	stream.linear.gather [hbm4b:s9+s1], $0x40, $0x38;
	[tilespmem:$0x1EE80] =	vst v63  }
0x82: {  	s21 =	rddreg [dreg:$0x9];
	s23 =	simm.s32 $0x7  }
0x83: {  	[tilespmem:s30], [sflag:$0x8] =	stream.linear.gather [hbm4b:s21+s1], $0x40, $0x38;
	[tilespmem:$0x1EE80] =	vst v63  }
0x84: {  	_ =	swait.ge [sflag:s23], $0x40  }
0x85: {  	[sflag:s23] =	ssyncset.done $0x0  }
0x86: {  	[sflag:s23] =	ssyncadd.s32 $0xFFFFFFC0  }
0x87: {  	_ =	swait.ge [sflag:s6], $0x40  }
0x88: {  	[sflag:s6] =	ssyncset.done $0x0  }
0x89: {  	s7 =	simm.s32 $0x200;
	s9 =	simm.s32 $0x0;
	[sflag:s6] =	ssyncadd.s32 $0xFFFFFFC0  }
0x8a: {  	[tilespmem:s2], [sflag:$0x9] =	stream.indirect.gather [hbm4b:s31+s12], $0x80, s13, s12, $0xb8;
	[tilespmem:$0x1EE80] =	vst v63  }
.LBB2_2:
0x8b: {  	p1 =	seq.s32 s7, $0x1E00;
	[tilespmem:s9+$0xAE70] =	vst v0  }
0x8c: {  	[tilespmem:s9+$0xAE00] =	vst v0  }
0x8d: {  	[tilespmem:s9+$0xAE10] =	vst v0  }
.Ltmp2:
0x8e: {  	[tilespmem:s9+$0xAE20] =	vst v0;
	(pc) =	sbr.rel @!p1 .LBB2_2-.Ltmp2, $4  }
0x8f: {  	[tilespmem:s9+$0xAE30] =	vst v0  }
0x90: {  	[tilespmem:s9+$0xAE40] =	vst v0  }
0x91: {  	[tilespmem:s9+$0xAE50] =	vst v0  }
0x92: {  	[tilespmem:s9+$0xAE60] =	vst v0;
	s9 =	sshra.s32 s7, $0x2;
	s7 =	sadd.s32 $0x200, s7  }
0x93: {  	[tilespmem:s9+$0xAE70] =	vst v0  }
0x94: {  	[tilespmem:s9+$0xAE00] =	vst v0  }
0x95: {  	[tilespmem:s9+$0xAE10] =	vst v0  }
0x96: {  	[tilespmem:s9+$0xAE20] =	vst v0  }
0x97: {  	[tilespmem:s9+$0xAE30] =	vst v0  }
0x98: {  	[tilespmem:s9+$0xAE40] =	vst v0  }
0x99: {  	[tilespmem:s9+$0xAE50] =	vst v0  }
0x9a: {  	[tilespmem:s9+$0xAE60] =	vst v0;
	[smem:$0x7F7] =	sst s10;
	s7 =	sadd.s32 $0x0, s4  }
0x9b: {  	[spmem:s7] =	stream.linear.scatter [tilespmem:s5], [sflag:$0x10], $0x800, $0x38;
	[tilespmem:$0x1EE80] =	vst v63  }
0x9c: {  	s7 =	simm.s32 $0x2000;
	_ =	swait.ge [sflag:s8], $0x800  }
.LBB2_4:
0x9d: {  	s9 =	sshra.s32 s7, $0x2;
	[sflag:s8] =	ssyncset.done $0x0;
	p1 =	sne.s32 s7, $0x4C000  }
.Ltmp3:
0x9e: {  	s9 =	sadd.s32 s9, s4;
	[sflag:s8] =	ssyncadd.s32 $0xFFFFF800;
	(pc) =	sbr.rel @p1 .LBB2_4-.Ltmp3, $3  }
0x9f: {  	[spmem:s9] =	stream.linear.scatter [tilespmem:s5], [sflag:$0x10], $0x800, $0x38;
	[tilespmem:$0x1EE80] =	vst v63  }
0xa0: {  	s7 =	sadd.s32 $0x2000, s7;
	_ =	sdelay $0x1  }
0xa1: {  	_ =	swait.ge [sflag:s8], $0x800  }
0xa2: {  	s9 =	sld [smem:$0x7FD]  }
0xa3: {  	[sflag:s8] =	ssyncset.done $0x0  }
0xa4: {  	s7 =	simm.s32 @!p0 $0xAE00;
	[sflag:s8] =	ssyncadd.s32 $0xFFFFF800  }
0xa5: {  	[spmem:s9] =	stream.linear.scatter @!p0 [tilespmem:s7], [sflag:$0x10], $0x800, $0x38;
	[tilespmem:$0x1EE80] =	vst v63  }
0xa6: {  	s7 =	simm.s32 @!p0 $0x10  }
0xa7: {  	_ =	swait.ge @!p0 [sflag:s7], $0x800  }
0xa8: {  	[sflag:s7] =	ssyncset.done @!p0 $0x0  }
0xa9: {  	[sflag:s7] =	ssyncadd.s32 @!p0 $0xFFFFF800  }
0xaa: {  	[bflag:$0x0] =	sbarrier.arrive $0xFFFF  }
0xab: {  	_ =	swait.ge [sflag:s22], $0x2000  }
0xac: {  	[sflag:s22] =	ssyncset.done $0x0  }
0xad: {  	s13 =	simm.s32 $0x80;
	s23 =	simm.s32 $0x600;
	[sflag:s22] =	ssyncadd.s32 $0xFFFFE000  }
0xae: {  	[spmem:s0] =	stream.indirect.scatter.add.f32 [tilespmem:s23], [sflag:$0x3], $0x80, s13, s12, $0xb8;
	[tilespmem:$0x1EE80] =	vst v63  }
0xaf: {  	s10 =	simm.s32 $0x300;
	s9 =	simm.s32 $0x0;
	s21 =	rddreg [dreg:$0xa]  }
0xb0: {  	[tilespmem:s10], [sflag:$0xA] =	stream.linear.gather [hbm4b:s21+s9], $0x40, $0x38;
	[tilespmem:$0x1EE80] =	vst v63  }
0xb1: {  	s21 =	rddreg [dreg:$0xb]  }
0xb2: {  	[tilespmem:s15], [sflag:$0xB] =	stream.linear.gather [hbm4b:s21+s9], $0x40, $0x38;
	[tilespmem:$0x1EE80] =	vst v63  }
0xb3: {  	_ =	swait.ge [sflag:s25], $0x40  }
0xb4: {  	[sflag:s25] =	ssyncset.done $0x0  }
0xb5: {  	[sflag:s25] =	ssyncadd.s32 $0xFFFFFFC0  }
0xb6: {  	_ =	swait.ge [sflag:s26], $0x40  }
0xb7: {  	[sflag:s26] =	ssyncset.done $0x0  }
0xb8: {  	[sflag:s26] =	ssyncadd.s32 $0xFFFFFFC0  }
0xb9: {  	[tilespmem:s16], [sflag:$0xC] =	stream.indirect.gather [hbm4b:s31+s12], $0x80, s10, s12, $0xb8;
	[tilespmem:$0x1EE80] =	vst v63  }
0xba: {  	_ =	swait.ge [sflag:s29], $0x2000  }
0xbb: {  	[sflag:s29] =	ssyncset.done $0x0  }
0xbc: {  	[sflag:s29] =	ssyncadd.s32 $0xFFFFE000  }
0xbd: {  	[spmem:s0] =	stream.indirect.scatter.add.f32 [tilespmem:s28], [sflag:$0x6], $0x80, s24, s12, $0xb8;
	[tilespmem:$0x1EE80] =	vst v63  }
0xbe: {  	s21 =	simm.s32 $0x400;
	s10 =	rddreg [dreg:$0xc]  }
0xbf: {  	[tilespmem:s21], [sflag:$0xD] =	stream.linear.gather [hbm4b:s10+s9], $0x40, $0x38;
	[tilespmem:$0x1EE80] =	vst v63  }
0xc0: {  	s10 =	rddreg [dreg:$0xd]  }
0xc1: {  	[tilespmem:s17], [sflag:$0xE] =	stream.linear.gather [hbm4b:s10+s9], $0x40, $0x38;
	[tilespmem:$0x1EE80] =	vst v63  }
0xc2: {  	_ =	swait.ge [sflag:s3], $0x40  }
0xc3: {  	[sflag:s3] =	ssyncset.done $0x0  }
0xc4: {  	[sflag:s3] =	ssyncadd.s32 $0xFFFFFFC0  }
0xc5: {  	_ =	swait.ge [sflag:s14], $0x40  }
0xc6: {  	[sflag:s14] =	ssyncset.done $0x0  }
0xc7: {  	s10 =	simm.s32 $0x8600;
	[sflag:s14] =	ssyncadd.s32 $0xFFFFFFC0  }
0xc8: {  	[tilespmem:s10], [sflag:$0xF] =	stream.indirect.gather [hbm4b:s31+s12], $0x80, s21, s12, $0xb8;
	[tilespmem:$0x1EE80] =	vst v63  }
0xc9: {  	_ =	swait.ge [sflag:s18], $0x2000  }
0xca: {  	[sflag:s18] =	ssyncset.done $0x0  }
0xcb: {  	[sflag:s18] =	ssyncadd.s32 $0xFFFFE000  }
0xcc: {  	[spmem:s0] =	stream.indirect.scatter.add.f32 [tilespmem:s2], [sflag:$0x9], $0x80, s30, s12, $0xb8;
	[tilespmem:$0x1EE80] =	vst v63  }
0xcd: {  	_ =	swait.ge [sflag:s22], $0x2000  }
0xce: {  	[sflag:s22] =	ssyncset.done $0x0  }
0xcf: {  	s21 =	rddreg [dreg:$0xe];
	[sflag:s22] =	ssyncadd.s32 $0xFFFFE000  }
0xd0: {  	[tilespmem:s9], [sflag:$0x1] =	stream.linear.gather [hbm4b:s21+s9], $0x40, $0x38;
	[tilespmem:$0x1EE80] =	vst v63  }
0xd1: {  	s21 =	rddreg [dreg:$0xf]  }
0xd2: {  	[tilespmem:s13], [sflag:$0x2] =	stream.linear.gather [hbm4b:s21+s9], $0x40, $0x38;
	[tilespmem:$0x1EE80] =	vst v63  }
0xd3: {  	s21 =	simm.s32 $0x1  }
0xd4: {  	_ =	swait.ge [sflag:s21], $0x40  }
0xd5: {  	[sflag:s21] =	ssyncset.done $0x0  }
0xd6: {  	[sflag:s21] =	ssyncadd.s32 $0xFFFFFFC0  }
0xd7: {  	_ =	swait.ge [sflag:s11], $0x40  }
0xd8: {  	[sflag:s11] =	ssyncset.done $0x0  }
0xd9: {  	[sflag:s11] =	ssyncadd.s32 $0xFFFFFFC0  }
0xda: {  	[tilespmem:s23], [sflag:$0x3] =	stream.indirect.gather [hbm4b:s31+s12], $0x80, s9, s12, $0xb8;
	[tilespmem:$0x1EE80] =	vst v63  }
0xdb: {  	_ =	swait.ge [sflag:s19], $0x2000  }
0xdc: {  	[sflag:s19] =	ssyncset.done $0x0  }
0xdd: {  	[sflag:s19] =	ssyncadd.s32 $0xFFFFE000  }
0xde: {  	[spmem:s0] =	stream.indirect.scatter.add.f32 [tilespmem:s16], [sflag:$0xC], $0x80, s15, s12, $0xb8;
	[tilespmem:$0x1EE80] =	vst v63  }
0xdf: {  	_ =	swait.ge [sflag:s29], $0x2000  }
0xe0: {  	[sflag:s29] =	ssyncset.done $0x0  }
0xe1: {  	s21 =	simm.s32 $0x100;
	s7 =	rddreg [dreg:$0x10];
	[sflag:s29] =	ssyncadd.s32 $0xFFFFE000  }
0xe2: {  	[tilespmem:s21], [sflag:$0x4] =	stream.linear.gather [hbm4b:s7+s9], $0x40, $0x38;
	[tilespmem:$0x1EE80] =	vst v63  }
0xe3: {  	s7 =	rddreg [dreg:$0x11]  }
0xe4: {  	[tilespmem:s24], [sflag:$0x5] =	stream.linear.gather [hbm4b:s7+s9], $0x40, $0x38;
	[tilespmem:$0x1EE80] =	vst v63  }
0xe5: {  	s7 =	simm.s32 $0x4  }
0xe6: {  	_ =	swait.ge [sflag:s7], $0x40  }
0xe7: {  	[sflag:s7] =	ssyncset.done $0x0  }
0xe8: {  	[sflag:s7] =	ssyncadd.s32 $0xFFFFFFC0;
	s7 =	simm.s32 $0x5  }
0xe9: {  	_ =	swait.ge [sflag:s7], $0x40  }
0xea: {  	[sflag:s7] =	ssyncset.done $0x0  }
0xeb: {  	s21 =	simm.s32 $0x100;
	[sflag:s7] =	ssyncadd.s32 $0xFFFFFFC0  }
0xec: {  	[tilespmem:s28], [sflag:$0x6] =	stream.indirect.gather [hbm4b:s31+s12], $0x80, s21, s12, $0xb8;
	[tilespmem:$0x1EE80] =	vst v63  }
0xed: {  	_ =	swait.ge [sflag:s20], $0x2000  }
0xee: {  	[sflag:s20] =	ssyncset.done $0x0  }
0xef: {  	[sflag:s20] =	ssyncadd.s32 $0xFFFFE000  }
0xf0: {  	[spmem:s0] =	stream.indirect.scatter.add.f32 [tilespmem:s10], [sflag:$0xF], $0x80, s17, s12, $0xb8;
	[tilespmem:$0x1EE80] =	vst v63  }
0xf1: {  	_ =	swait.ge [sflag:s18], $0x2000  }
0xf2: {  	[sflag:s18] =	ssyncset.done $0x0  }
0xf3: {  	s17 =	simm.s32 $0x200;
	s21 =	rddreg [dreg:$0x12];
	[sflag:s18] =	ssyncadd.s32 $0xFFFFE000  }
0xf4: {  	[tilespmem:s17], [sflag:$0x7] =	stream.linear.gather [hbm4b:s21+s9], $0x40, $0x38;
	[tilespmem:$0x1EE80] =	vst v63  }
0xf5: {  	s21 =	rddreg [dreg:$0x13]  }
0xf6: {  	[tilespmem:s30], [sflag:$0x8] =	stream.linear.gather [hbm4b:s21+s9], $0x40, $0x38;
	[tilespmem:$0x1EE80] =	vst v63  }
0xf7: {  	s21 =	simm.s32 $0x7  }
0xf8: {  	_ =	swait.ge [sflag:s21], $0x40  }
0xf9: {  	[sflag:s21] =	ssyncset.done $0x0  }
0xfa: {  	[sflag:s21] =	ssyncadd.s32 $0xFFFFFFC0  }
0xfb: {  	_ =	swait.ge [sflag:s6], $0x40  }
0xfc: {  	[sflag:s6] =	ssyncset.done $0x0  }
0xfd: {  	[sflag:s6] =	ssyncadd.s32 $0xFFFFFFC0  }
0xfe: {  	[tilespmem:s2], [sflag:$0x9] =	stream.indirect.gather [hbm4b:s31+s12], $0x80, s17, s12, $0xb8;
	[tilespmem:$0x1EE80] =	vst v63  }
0xff: {  	_ =	swait.ge [sflag:s22], $0x2000  }
0x100: {  	[sflag:s22] =	ssyncset.done $0x0  }
0x101: {  	[sflag:s22] =	ssyncadd.s32 $0xFFFFE000  }
0x102: {  	[spmem:s0] =	stream.indirect.scatter.add.f32 [tilespmem:s23], [sflag:$0x3], $0x80, s13, s12, $0xb8;
	[tilespmem:$0x1EE80] =	vst v63  }
0x103: {  	_ =	swait.ge [sflag:s19], $0x2000  }
0x104: {  	[sflag:s19] =	ssyncset.done $0x0  }
0x105: {  	s17 =	simm.s32 $0x300;
	s21 =	rddreg [dreg:$0x14];
	[sflag:s19] =	ssyncadd.s32 $0xFFFFE000  }
0x106: {  	[tilespmem:s17], [sflag:$0xA] =	stream.linear.gather [hbm4b:s21+s9], $0x40, $0x38;
	[tilespmem:$0x1EE80] =	vst v63  }
0x107: {  	s21 =	rddreg [dreg:$0x15]  }
0x108: {  	[tilespmem:s15], [sflag:$0xB] =	stream.linear.gather [hbm4b:s21+s9], $0x40, $0x38;
	[tilespmem:$0x1EE80] =	vst v63  }
0x109: {  	_ =	swait.ge [sflag:s25], $0x40  }
0x10a: {  	[sflag:s25] =	ssyncset.done $0x0  }
0x10b: {  	[sflag:s25] =	ssyncadd.s32 $0xFFFFFFC0  }
0x10c: {  	_ =	swait.ge [sflag:s26], $0x40  }
0x10d: {  	[sflag:s26] =	ssyncset.done $0x0  }
0x10e: {  	s21 =	simm.s32 $0x480;
	[sflag:s26] =	ssyncadd.s32 $0xFFFFFFC0  }
0x10f: {  	[tilespmem:s16], [sflag:$0xC] =	stream.indirect.gather [hbm4b:s31+s12], $0x80, s17, s12, $0xb8;
	[tilespmem:$0x1EE80] =	vst v63  }
.LBB2_6:
0x110: {  	_ =	swait.ge [sflag:s29], $0x2000  }
0x111: {  	[sflag:s29] =	ssyncset.done $0x0  }
0x112: {  	[sflag:s29] =	ssyncadd.s32 $0xFFFFE000  }
0x113: {  	[spmem:s0] =	stream.indirect.scatter.add.f32 [tilespmem:s28], [sflag:$0x6], $0x80, s24, s12, $0xb8;
	[tilespmem:$0x1EE80] =	vst v63  }
0x114: {  	_ =	swait.ge [sflag:s20], $0x2000  }
0x115: {  	s7 =	sld [smem:$0x7F9];
	_ =	sdelay $0x1  }
0x116: {  	[sflag:s20] =	ssyncset.done $0x0  }
0x117: {  	s17 =	simm.s32 $0x400;
	[sflag:s20] =	ssyncadd.s32 $0xFFFFE000;
	s7 =	sadd.s32 s9, s7  }
0x118: {  	[tilespmem:s17], [sflag:$0xD] =	stream.linear.gather [hbm4b:s7+s1], $0x40, $0x38;
	[tilespmem:$0x1EE80] =	vst v63  }
0x119: {  	s7 =	sld [smem:$0x7F8];
	_ =	sdelay $0x2  }
0x11a: {  	s7 =	sadd.s32 s9, s7  }
0x11b: {  	[tilespmem:s21], [sflag:$0xE] =	stream.linear.gather [hbm4b:s7+s1], $0x40, $0x38;
	[tilespmem:$0x1EE80] =	vst v63  }
0x11c: {  	_ =	swait.ge [sflag:s3], $0x40  }
0x11d: {  	[sflag:s3] =	ssyncset.done $0x0  }
0x11e: {  	[sflag:s3] =	ssyncadd.s32 $0xFFFFFFC0  }
0x11f: {  	_ =	swait.ge [sflag:s14], $0x40  }
0x120: {  	[sflag:s14] =	ssyncset.done $0x0  }
0x121: {  	[sflag:s14] =	ssyncadd.s32 $0xFFFFFFC0  }
0x122: {  	[tilespmem:s10], [sflag:$0xF] =	stream.indirect.gather [hbm4b:s31+s12], $0x80, s17, s12, $0xb8;
	[tilespmem:$0x1EE80] =	vst v63  }
0x123: {  	_ =	swait.ge [sflag:s18], $0x2000  }
0x124: {  	[sflag:s18] =	ssyncset.done $0x0  }
0x125: {  	[sflag:s18] =	ssyncadd.s32 $0xFFFFE000  }
0x126: {  	[spmem:s0] =	stream.indirect.scatter.add.f32 [tilespmem:s2], [sflag:$0x9], $0x80, s30, s12, $0xb8;
	[tilespmem:$0x1EE80] =	vst v63  }
0x127: {  	_ =	swait.ge [sflag:s22], $0x2000  }
0x128: {  	[sflag:s22] =	ssyncset.done $0x0;
	s17 =	rddreg [dreg:$0x1f]  }
0x129: {  	s10 =	rddreg [dreg:$0x1e];
	[sflag:s22] =	ssyncadd.s32 $0xFFFFE000;
	s7 =	sadd.s32 s9, s17  }
0x12a: {  	[tilespmem:s1], [sflag:$0x1] =	stream.linear.gather [hbm4b:s7+s1], $0x40, $0x38;
	[tilespmem:$0x1EE80] =	vst v63  }
0x12b: {  	s17 =	simm.s32 $0x1;
	s7 =	sadd.s32 s9, s10  }
0x12c: {  	[tilespmem:s13], [sflag:$0x2] =	stream.linear.gather [hbm4b:s7+s1], $0x40, $0x38;
	[tilespmem:$0x1EE80] =	vst v63  }
0x12d: {  	_ =	swait.ge [sflag:s17], $0x40  }
0x12e: {  	[sflag:s17] =	ssyncset.done $0x0  }
0x12f: {  	[sflag:s17] =	ssyncadd.s32 $0xFFFFFFC0  }
0x130: {  	_ =	swait.ge [sflag:s11], $0x40  }
0x131: {  	[sflag:s11] =	ssyncset.done $0x0  }
0x132: {  	[sflag:s11] =	ssyncadd.s32 $0xFFFFFFC0  }
0x133: {  	[tilespmem:s23], [sflag:$0x3] =	stream.indirect.gather [hbm4b:s31+s12], $0x80, s1, s12, $0xb8;
	[tilespmem:$0x1EE80] =	vst v63  }
0x134: {  	_ =	swait.ge [sflag:s19], $0x2000  }
0x135: {  	p1 =	seq.s32 s9, $0x488;
	[sflag:s19] =	ssyncset.done $0x0  }
.Ltmp4:
0x136: {  	[sflag:s19] =	ssyncadd.s32 $0xFFFFE000;
	(pc) =	sbr.rel @p1 .LBB2_8-.Ltmp4, $4  }
0x137: {  	[spmem:s0] =	stream.indirect.scatter.add.f32 [tilespmem:s16], [sflag:$0xC], $0x80, s15, s12, $0xb8;
	[tilespmem:$0x1EE80] =	vst v63  }
0x138: {  	_ =	swait.ge [sflag:s29], $0x2000  }
0x139: {  	s10 =	simm.s32 $0x8600;
	[sflag:s29] =	ssyncset.done $0x0  }
0x13a: {  	s7 =	simm.s32 $0x80;
	s13 =	simm.s32 $0x600;
	[sflag:s29] =	ssyncadd.s32 $0xFFFFE000  }
0x13b: {  	s7 =	rddreg [dreg:$0x1d]  }
0x13c: {  	s24 =	simm.s32 $0x100;
	s2 =	rddreg [dreg:$0x1c];
	s7 =	sadd.s32 s9, s7  }
0x13d: {  	[tilespmem:s24], [sflag:$0x4] =	stream.linear.gather [hbm4b:s7+s1], $0x40, $0x38;
	[tilespmem:$0x1EE80] =	vst v63  }
0x13e: {  	s28 =	simm.s32 $0x180;
	s7 =	sadd.s32 s9, s2;
	s2 =	simm.s32 $0x4  }
0x13f: {  	[tilespmem:s28], [sflag:$0x5] =	stream.linear.gather [hbm4b:s7+s1], $0x40, $0x38;
	[tilespmem:$0x1EE80] =	vst v63  }
0x140: {  	_ =	swait.ge [sflag:s2], $0x40  }
0x141: {  	[sflag:s2] =	ssyncset.done $0x0  }
0x142: {  	s15 =	simm.s32 $0x5;
	[sflag:s2] =	ssyncadd.s32 $0xFFFFFFC0  }
0x143: {  	_ =	swait.ge [sflag:s15], $0x40  }
0x144: {  	[sflag:s15] =	ssyncset.done $0x0  }
0x145: {  	s28 =	simm.s32 $0x2600;
	[sflag:s15] =	ssyncadd.s32 $0xFFFFFFC0  }
0x146: {  	[tilespmem:s28], [sflag:$0x6] =	stream.indirect.gather [hbm4b:s31+s12], $0x80, s24, s12, $0xb8;
	[tilespmem:$0x1EE80] =	vst v63  }
0x147: {  	_ =	swait.ge [sflag:s20], $0x2000  }
0x148: {  	[sflag:s20] =	ssyncset.done $0x0  }
0x149: {  	[sflag:s20] =	ssyncadd.s32 $0xFFFFE000  }
0x14a: {  	[spmem:s0] =	stream.indirect.scatter.add.f32 [tilespmem:s10], [sflag:$0xF], $0x80, s21, s12, $0xb8;
	[tilespmem:$0x1EE80] =	vst v63  }
0x14b: {  	_ =	swait.ge [sflag:s18], $0x2000  }
0x14c: {  	s30 =	simm.s32 $0x200;
	[sflag:s18] =	ssyncset.done $0x0;
	s16 =	rddreg [dreg:$0x1b]  }
0x14d: {  	s10 =	rddreg [dreg:$0x1a];
	[sflag:s18] =	ssyncadd.s32 $0xFFFFE000;
	s7 =	sadd.s32 s9, s16  }
0x14e: {  	[tilespmem:s30], [sflag:$0x7] =	stream.linear.gather [hbm4b:s7+s1], $0x40, $0x38;
	[tilespmem:$0x1EE80] =	vst v63  }
0x14f: {  	s17 =	simm.s32 $0x280;
	s15 =	simm.s32 $0x7;
	s7 =	sadd.s32 s9, s10  }
0x150: {  	[tilespmem:s17], [sflag:$0x8] =	stream.linear.gather [hbm4b:s7+s1], $0x40, $0x38;
	[tilespmem:$0x1EE80] =	vst v63  }
0x151: {  	_ =	swait.ge [sflag:s15], $0x40  }
0x152: {  	[sflag:s15] =	ssyncset.done $0x0  }
0x153: {  	[sflag:s15] =	ssyncadd.s32 $0xFFFFFFC0  }
0x154: {  	_ =	swait.ge [sflag:s6], $0x40  }
0x155: {  	[sflag:s6] =	ssyncset.done $0x0  }
0x156: {  	s2 =	simm.s32 $0x4600;
	[sflag:s6] =	ssyncadd.s32 $0xFFFFFFC0  }
0x157: {  	[tilespmem:s2], [sflag:$0x9] =	stream.indirect.gather [hbm4b:s31+s12], $0x80, s30, s12, $0xb8;
	[tilespmem:$0x1EE80] =	vst v63  }
0x158: {  	_ =	swait.ge [sflag:s22], $0x2000  }
0x159: {  	[sflag:s22] =	ssyncset.done $0x0  }
0x15a: {  	s23 =	simm.s32 $0x600;
	s13 =	simm.s32 $0x80;
	[sflag:s22] =	ssyncadd.s32 $0xFFFFE000  }
0x15b: {  	[spmem:s0] =	stream.indirect.scatter.add.f32 [tilespmem:s23], [sflag:$0x3], $0x80, s13, s12, $0xb8;
	[tilespmem:$0x1EE80] =	vst v63  }
0x15c: {  	_ =	swait.ge [sflag:s19], $0x2000  }
0x15d: {  	s15 =	simm.s32 $0x300;
	[sflag:s19] =	ssyncset.done $0x0;
	s16 =	rddreg [dreg:$0x19]  }
0x15e: {  	s17 =	rddreg [dreg:$0x18];
	[sflag:s19] =	ssyncadd.s32 $0xFFFFE000;
	s7 =	sadd.s32 s9, s16  }
0x15f: {  	[tilespmem:s15], [sflag:$0xA] =	stream.linear.gather [hbm4b:s7+s1], $0x40, $0x38;
	[tilespmem:$0x1EE80] =	vst v63  }
0x160: {  	s16 =	simm.s32 $0x380;
	s7 =	sadd.s32 s9, s17  }
0x161: {  	[tilespmem:s16], [sflag:$0xB] =	stream.linear.gather [hbm4b:s7+s1], $0x40, $0x38;
	[tilespmem:$0x1EE80] =	vst v63  }
0x162: {  	_ =	swait.ge [sflag:s25], $0x40  }
0x163: {  	[sflag:s25] =	ssyncset.done $0x0  }
0x164: {  	[sflag:s25] =	ssyncadd.s32 $0xFFFFFFC0  }
.Ltmp5:
0x165: {  	_ =	swait.ge [sflag:s26], $0x40;
	(pc) =	sbr.rel .LBB2_6-.Ltmp5, $4  }
0x166: {  	s24 =	simm.s32 $0x180;
	[sflag:s26] =	ssyncset.done $0x0  }
0x167: {  	s10 =	simm.s32 $0x8600;
	s16 =	simm.s32 $0x6600;
	[sflag:s26] =	ssyncadd.s32 $0xFFFFFFC0  }
0x168: {  	[tilespmem:s16], [sflag:$0xC] =	stream.indirect.gather [hbm4b:s31+s12], $0x80, s15, s12, $0xb8;
	[tilespmem:$0x1EE80] =	vst v63  }
0x169: {  	s30 =	simm.s32 $0x280;
	s9 =	sadd.s32 $0x28, s9;
	s15 =	simm.s32 $0x380  }
.LBB2_9:
0x16a: {  	_ =	sfence.sel $0x180000  }
0x16b: {  	[bflag:$0x0] =	sbarrier.arrive $0xFFFF  }
0x16c: {  	_ =	strace $0x9000004D  }
0x16d: {  	s0 =	stileid.u32;
	[bflag:$0x2] =	sbarrier.arrive $0xFFFF  }
0x16e: {  	p0 =	sne.s32 s0, $0x0;
	s0 =	rddreg [dreg:$0x3]  }
0x16f: {  	s0 =	sadd.s32 @!p0 $0x100000, s0  }
0x170: {  	[sflag:s0] =	ssyncadd.tile.s32 @!p0 $0x1;
	_ =	shalt  }
.Lfunc_end2:
_tile_overlayer_lowered:
.L_overlay_start_2:
0x171: {  	(tag) =	ssettag $0x2  }
0x172: {  	s0 =	rddreg [dreg:$0x0];
	s2 =	stileid.u32  }
0x173: {  	s1 =	rddreg [dreg:$0x1];
	p0 =	sne.s32 s2, $0x0  }
0x174: {  	s3 =	rddreg [dreg:$0x2];
	[bflag:$0x3] =	sbarrier.arrive $0xFFFF;
	s2 =	simm.s32 @!p0 $0x1C10  }
0x175: {  	[timem:s3], [sflag:s2] =	dma.local @!p0 [hbm:s0], s1  }
0x176: {  	s0 =	simm.s32 @!p0 $0x10  }
0x177: {  	_ =	swait.ge @!p0 [sflag:s0], s1  }
0x178: {  	s1 =	ssub.s32 @!p0 $0x0, s1;
	[sflag:s0] =	ssyncset.done @!p0 $0x0  }
0x179: {  	[sflag:s0] =	ssyncadd.s32 @!p0 s1  }
0x17a: {  	[bflag:$0x3] =	sbarrier.arrive $0xFFFF  }
0x17b: {  	_ =	shalt  }

</sc_bundles>
